<compile_context>
chip_gen: v7x
topology: tpu7x:2x2x1
jax: 0.10.2.dev20260603
libtpu: 0.0.44.dev20260713+nightly
codegen_flags: <defaults>
</compile_context>

<pallas_src>
import jax
import jax.numpy as jnp
from jax import lax
from jax.experimental import pallas as pl
from jax.experimental.pallas import tpu as pltpu
from jax.experimental.pallas import tpu_sc as plsc

VOCAB = 1000000
EMB = 32
HID = 128
NCLS = 3
B = 16384
L = 200

NC = 2
NS = 16
NW = NC * NS
BPW = B // NW
IDX_COLS = 100
ROWS_PER_BR = L // IDX_COLS
BR_PER_CHUNK = 8
CHUNK_IDX_ROWS = BR_PER_CHUNK * ROWS_PER_BR
CHUNK_FLAT = BR_PER_CHUNK * L
IDX_ROWS_PER_W = BPW * ROWS_PER_BR
NCHUNKS = BPW // BR_PER_CHUNK
UNROLL = 8
NACC = 4


def _pool_body(x_hbm, emb_hbm, out_hbm, idx0, idx1, rows0, rows1, acc_v,
               sem0, sem1):
    cid = lax.axis_index("c")
    sid = lax.axis_index("s")
    wid = sid * NC + cid
    row0 = wid * BPW

    zero16 = jnp.zeros((16,), jnp.float32)

    def chunk_copies(idxbuf, rowsbuf, sem):
        for j in range(CHUNK_IDX_ROWS):
            br, half = j // 2, j % 2
            off, sz = (0, 104) if half == 0 else (104, 96)
            yield (emb_hbm.at[idxbuf.at[br, pl.ds(off, sz)]],
                   rowsbuf.at[pl.ds(br * L + off, sz)], sem)

    def fire(c, idxbuf, rowsbuf, sem):
        pltpu.sync_copy(
            x_hbm.at[pl.ds(row0 + c * BR_PER_CHUNK, BR_PER_CHUNK)],
            idxbuf)
        for src, dst, s in chunk_copies(idxbuf, rowsbuf, sem):
            pltpu.async_copy(src, dst, s)

    def drain(idxbuf, rowsbuf, sem):
        for src, dst, s in chunk_copies(idxbuf, rowsbuf, sem):
            pltpu.make_async_copy(src, dst, s).wait()

    def accumulate(c, rowsbuf):
        for b in range(BR_PER_CHUNK):
            lbase = (c * BR_PER_CHUNK + b) * EMB

            def inner(j, accs, _b=b):
                accs = list(accs)
                rr0 = _b * L + j * UNROLL
                for k in range(UNROLL):
                    a = k % NACC
                    accs[2 * a] = accs[2 * a] + rowsbuf[rr0 + k, pl.ds(0, 16)]
                    accs[2 * a + 1] = (accs[2 * a + 1]
                                       + rowsbuf[rr0 + k, pl.ds(16, 16)])
                return tuple(accs)

            accs = lax.fori_loop(0, L // UNROLL, inner,
                                 (zero16,) * (2 * NACC))
            a0 = accs[0]
            a1 = accs[1]
            for a in range(1, NACC):
                a0 = a0 + accs[2 * a]
                a1 = a1 + accs[2 * a + 1]
            acc_v[pl.ds(lbase, 16)] = a0
            acc_v[pl.ds(lbase + 16, 16)] = a1

    fire(0, idx0, rows0, sem0)

    def outer(c2, carry):
        c = c2 * 2
        fire(c + 1, idx1, rows1, sem1)
        drain(idx0, rows0, sem0)
        accumulate(c, rows0)

        @pl.when(c2 < NCHUNKS // 2 - 1)
        def _():
            fire(c + 2, idx0, rows0, sem0)

        drain(idx1, rows1, sem1)
        accumulate(c + 1, rows1)
        return carry

    lax.fori_loop(0, NCHUNKS // 2, outer, 0)
    pltpu.sync_copy(acc_v, out_hbm.at[pl.ds(wid * BPW * EMB, BPW * EMB)])


@jax.jit
def _sc_pool(x2d, emb):
    mesh = plsc.VectorSubcoreMesh(core_axis_name="c", subcore_axis_name="s")
    return pl.kernel(
        _pool_body,
        out_type=jax.ShapeDtypeStruct((B * EMB,), jnp.float32),
        mesh=mesh,
        scratch_types=[
            pltpu.VMEM((BR_PER_CHUNK, L), jnp.int32),
            pltpu.VMEM((BR_PER_CHUNK, L), jnp.int32),
            pltpu.VMEM((CHUNK_FLAT, EMB), jnp.float32),
            pltpu.VMEM((CHUNK_FLAT, EMB), jnp.float32),
            pltpu.VMEM((BPW * EMB,), jnp.float32),
            pltpu.SemaphoreType.DMA,
            pltpu.SemaphoreType.DMA,
        ],
        compiler_params=pltpu.CompilerParams(use_tc_tiling_on_sc=False),
    )(x2d, emb)


VB = 32768
NVB = (VOCAB + VB - 1) // VB
VOCAB_P = NVB * VB
QSH = (VB // 4).bit_length() - 1


def _prep_body(et_ref, o_ref):
    q = VB // 4
    row = lax.broadcasted_iota(jnp.int32, (EMB, 128), 0)
    col = lax.broadcasted_iota(jnp.int32, (EMB, 128), 1)
    acc = jnp.zeros((q, 128), jnp.float32)
    for a in range(4):
        ea = jnp.where(col == 32 * a + row, 1.0, 0.0).astype(jnp.float32)
        acc = acc + lax.dot_general(
            et_ref[:, pl.ds(a * q, q)], ea, (((0,), (0,)), ((), ())),
            preferred_element_type=jnp.float32)
    o_ref[...] = acc


def _prep(embT):
    return pl.pallas_call(
        _prep_body,
        grid=(NVB,),
        in_specs=[pl.BlockSpec((EMB, VB), lambda i: (0, i))],
        out_specs=pl.BlockSpec((VB // 4, 128), lambda i: (i, 0)),
        out_shape=jax.ShapeDtypeStruct((VOCAB_P * EMB // 128, 128),
                                       jnp.float32),
    )(embT)


def _mlp_body(h_ref, w1_ref, b1_ref, w2_ref, b2_ref, o_ref):
    h = h_ref[...] * jnp.float32(1.0 / L)
    z = jnp.dot(h, w1_ref[...], preferred_element_type=jnp.float32)
    z = jnp.maximum(z + b1_ref[...], 0.0)
    o_ref[...] = jnp.dot(z, w2_ref[...],
                         preferred_element_type=jnp.float32) + b2_ref[...]


def _mlp(pooled, w1t, b1r, w2p, b2p):
    BM = 1024
    grid = (B // BM,)
    return pl.pallas_call(
        _mlp_body,
        grid=grid,
        in_specs=[
            pl.BlockSpec((BM, EMB), lambda i: (i, 0)),
            pl.BlockSpec((EMB, HID), lambda i: (0, 0)),
            pl.BlockSpec((1, HID), lambda i: (0, 0)),
            pl.BlockSpec((HID, NCLS), lambda i: (0, 0)),
            pl.BlockSpec((1, NCLS), lambda i: (0, 0)),
        ],
        out_specs=pl.BlockSpec((BM, NCLS), lambda i: (i, 0)),
        out_shape=jax.ShapeDtypeStruct((B, NCLS), jnp.float32),
    )(pooled, w1t, b1r, w2p, b2p)


def kernel(x, emb, W1, b1, W2, b2):
    xi = x.astype(jnp.int32)
    x2d = (xi & -VB) + ((xi & (VB // 4 - 1)) << 2) + ((xi >> QSH) & 3)
    emb_in = _prep(emb.T).reshape(VOCAB_P, EMB)
    pooled = _sc_pool(x2d, emb_in).reshape(B, EMB)
    w1t = W1.T
    return _mlp(pooled, w1t, b1.reshape(1, HID), W2.T, b2.reshape(1, NCLS))

# --- scband reference (transcript-rebuilt; emitter-appended) ---
"""Pipeline reference for scband-neural-network-63728724738774 (READ-ONLY COPY).

The authoritative reference and input builder live on the scoring server;
editing this copy changes nothing except your own understanding.
"""

import jax, jax.numpy as jnp
import numpy as np

VOCAB = 1000000
EMB = 32
HID = 128
NCLS = 3
B = 16384
L = 200

def setup_inputs(seed: int = 0) -> dict:
    key = jax.random.key(seed)
    k1, k2, k3, k4, k5, k6 = jax.random.split(key, 6)
    x = jax.random.randint(k1, (B, L), 0, VOCAB, dtype=jnp.int64) if jax.config.jax_enable_x64 else jax.random.randint(k1, (B, L), 0, VOCAB, dtype=jnp.int32)
    emb = jax.random.normal(k2, (VOCAB, EMB), dtype=jnp.float32)
    W1 = jax.random.normal(k3, (HID, EMB), dtype=jnp.float32) * (1.0 / np.sqrt(EMB))
    b1 = jax.random.normal(k4, (HID,), dtype=jnp.float32) * 0.01
    W2 = jax.random.normal(k5, (NCLS, HID), dtype=jnp.float32) * (1.0 / np.sqrt(HID))
    b2 = jax.random.normal(k6, (NCLS,), dtype=jnp.float32) * 0.01
    return {"x": x, "emb": emb, "W1": W1, "b1": b1, "W2": W2, "b2": b2}

def reference(x, emb, W1, b1, W2, b2):
    # nn.Embedding lookup: gather rows
    e = jnp.take(emb, x, axis=0)           # [B, L, EMB]
    # mean over sequence dim
    h = jnp.mean(e, axis=1)                # [B, EMB]
    # hidden linear + relu
    h = jax.nn.relu(h @ W1.T + b1)         # [B, HID]
    # output linear
    out = h @ W2.T + b2                    # [B, NCLS]
    return out

if __name__ == "__main__":
    import jax
    _d = setup_inputs()
    print(jax.jit(kernel)(*tuple(_d.values())))

</pallas_src>

<mosaic_0001>
#map = affine_map<(d0, d1) -> (0, 0)>
#map1 = affine_map<(d0, d1) -> (0)>
module attributes {stable_mosaic.version = 14 : i64} {
  func.func @_pool_body(%arg0: i32, %arg1: i32, %arg2: memref<16384x200xi32, #tpu.memory_space<hbm>>, %arg3: memref<1015808x32xf32, #tpu.memory_space<hbm>>, %arg4: memref<524288xf32, #tpu.memory_space<hbm>>, %arg5: memref<8x200xi32, #tpu.memory_space<vmem>>, %arg6: memref<8x200xi32, #tpu.memory_space<vmem>>, %arg7: memref<1600x32xf32, #tpu.memory_space<vmem>>, %arg8: memref<1600x32xf32, #tpu.memory_space<vmem>>, %arg9: memref<16384xf32, #tpu.memory_space<vmem>>, %arg10: memref<!tpu.dma_semaphore, #tpu.memory_space<semaphore_mem>>, %arg11: memref<!tpu.dma_semaphore, #tpu.memory_space<semaphore_mem>>) attributes {dimension_semantics = [#tpu.dimension_semantics<core_parallel>, #tpu.dimension_semantics<subcore_parallel>], iteration_bounds = array<i64: 2, 16>, scalar_prefetch = 0 : i64, scratch_operands = 7 : i64, tpu.core_type = #tpu.core_type<sc_vector_subcore>, window_params = [{transform_indices = #map}, {transform_indices = #map}, {transform_indices = #map1}]} {
    %mul3A = arith.constant 2 : i32
    %mul3A_0 = arith.muli %arg1, %mul3A : i32
    %add3A = arith.addi %mul3A_0, %arg0 : i32
    %mul3A_1 = arith.constant 512 : i32
    %mul3A_2 = arith.muli %add3A, %mul3A_1 : i32
    %broadcast_in_dim3A = arith.constant 0.000000e+00 : f32
    %broadcast_in_dim3A_3 = vector.broadcast %broadcast_in_dim3A : f32 to vector<16xf32>
    %add3A_4 = arith.constant 0 : i32
    %add3A_5 = arith.addi %mul3A_2, %add3A_4 : i32
    "tpu.region"() ({
      %run_scoped3A = tpu.sem_alloc : memref<!tpu.dma_semaphore, #tpu.memory_space<semaphore_mem>>
      %dma_start3A_174 = arith.constant 0 : i32
      %dma_start3A_175 = tpu.memref_slice %arg2[%add3A_5, %dma_start3A_174] : memref<16384x200xi32, #tpu.memory_space<hbm>> -> memref<8x200xi32, #tpu.memory_space<hbm>>
      %dma_start3A_176 = arith.constant 0 : i32
      %dma_start3A_177 = tpu.memref_slice %arg2[%add3A_5, %dma_start3A_176] : memref<16384x200xi32, #tpu.memory_space<hbm>> -> memref<8x200xi32, #tpu.memory_space<hbm>>
      tpu.enqueue_dma source(%dma_start3A_177 : memref<8x200xi32, #tpu.memory_space<hbm>>) target(%arg5 : memref<8x200xi32, #tpu.memory_space<vmem>>) target_semaphore(%run_scoped3A : memref<!tpu.dma_semaphore, #tpu.memory_space<semaphore_mem>>)
      %dma_wait3A = arith.constant 0 : i32
      %dma_wait3A_178 = tpu.memref_slice %arg2[%add3A_5, %dma_wait3A] : memref<16384x200xi32, #tpu.memory_space<hbm>> -> memref<8x200xi32, #tpu.memory_space<hbm>>
      %dma_wait3A_179 = arith.constant 0 : i32
      %dma_wait3A_180 = tpu.memref_slice %arg2[%add3A_5, %dma_wait3A_179] : memref<16384x200xi32, #tpu.memory_space<hbm>> -> memref<8x200xi32, #tpu.memory_space<hbm>>
      tpu.wait_dma2 semaphore(%run_scoped3A : memref<!tpu.dma_semaphore, #tpu.memory_space<semaphore_mem>>) src(%dma_wait3A_180 : memref<8x200xi32, #tpu.memory_space<hbm>>) dst(%arg5 : memref<8x200xi32, #tpu.memory_space<vmem>>)
      tpu.yield
    }) : () -> ()
    %dma_start3A = arith.constant 0 : i32
    %dma_start3A_6 = arith.constant 0 : i32
    %dma_start3A_7 = arith.constant 0 : i32
    %dma_start3A_8 = tpu.memref_slice %arg7[%dma_start3A_6, %dma_start3A_7] : memref<1600x32xf32, #tpu.memory_space<vmem>> -> memref<104x32xf32, #tpu.memory_space<vmem>>
    %dma_start3A_9 = arith.constant 0 : i32
    %dma_start3A_10 = tpu.memref_slice %arg5[%dma_start3A, %dma_start3A_9] : memref<8x200xi32, #tpu.memory_space<vmem>> -> memref<1x104xi32, #tpu.memory_space<vmem>>
    %dma_start3A_11 = tpu.memref_squeeze %dma_start3A_10 : memref<1x104xi32, #tpu.memory_space<vmem>> -> memref<104xi32, #tpu.memory_space<vmem>>
    %dma_start3A_12 = arith.constant 0 : i32
    %dma_start3A_13 = arith.constant 0 : i32
    %dma_start3A_14 = tpu.memref_slice %arg3[%dma_start3A_12, %dma_start3A_13] : memref<1015808x32xf32, #tpu.memory_space<hbm>> -> memref<1015808x32xf32, #tpu.memory_space<hbm>>
    tpu.enqueue_indirect_dma source(%dma_start3A_14 : memref<1015808x32xf32, #tpu.memory_space<hbm>>) target(%dma_start3A_8 : memref<104x32xf32, #tpu.memory_space<vmem>>) offsets(%dma_start3A_11 : memref<104xi32, #tpu.memory_space<vmem>>) semaphore(%arg10 : memref<!tpu.dma_semaphore, #tpu.memory_space<semaphore_mem>>)
    %dma_start3A_15 = arith.constant 0 : i32
    %dma_start3A_16 = arith.constant 104 : i32
    %dma_start3A_17 = arith.constant 0 : i32
    %dma_start3A_18 = tpu.memref_slice %arg7[%dma_start3A_16, %dma_start3A_17] : memref<1600x32xf32, #tpu.memory_space<vmem>> -> memref<96x32xf32, #tpu.memory_space<vmem>>
    %dma_start3A_19 = arith.constant 104 : i32
    %dma_start3A_20 = tpu.memref_slice %arg5[%dma_start3A_15, %dma_start3A_19] : memref<8x200xi32, #tpu.memory_space<vmem>> -> memref<1x96xi32, #tpu.memory_space<vmem>>
    %dma_start3A_21 = tpu.memref_squeeze %dma_start3A_20 : memref<1x96xi32, #tpu.memory_space<vmem>> -> memref<96xi32, #tpu.memory_space<vmem>>
    %dma_start3A_22 = arith.constant 0 : i32
    %dma_start3A_23 = arith.constant 0 : i32
    %dma_start3A_24 = tpu.memref_slice %arg3[%dma_start3A_22, %dma_start3A_23] : memref<1015808x32xf32, #tpu.memory_space<hbm>> -> memref<1015808x32xf32, #tpu.memory_space<hbm>>
    tpu.enqueue_indirect_dma source(%dma_start3A_24 : memref<1015808x32xf32, #tpu.memory_space<hbm>>) target(%dma_start3A_18 : memref<96x32xf32, #tpu.memory_space<vmem>>) offsets(%dma_start3A_21 : memref<96xi32, #tpu.memory_space<vmem>>) semaphore(%arg10 : memref<!tpu.dma_semaphore, #tpu.memory_space<semaphore_mem>>)
    %dma_start3A_25 = arith.constant 1 : i32
    %dma_start3A_26 = arith.constant 200 : i32
    %dma_start3A_27 = arith.constant 0 : i32
    %dma_start3A_28 = tpu.memref_slice %arg7[%dma_start3A_26, %dma_start3A_27] : memref<1600x32xf32, #tpu.memory_space<vmem>> -> memref<104x32xf32, #tpu.memory_space<vmem>>
    %dma_start3A_29 = arith.constant 0 : i32
    %dma_start3A_30 = tpu.memref_slice %arg5[%dma_start3A_25, %dma_start3A_29] : memref<8x200xi32, #tpu.memory_space<vmem>> -> memref<1x104xi32, #tpu.memory_space<vmem>>
    %dma_start3A_31 = tpu.memref_squeeze %dma_start3A_30 : memref<1x104xi32, #tpu.memory_space<vmem>> -> memref<104xi32, #tpu.memory_space<vmem>>
    %dma_start3A_32 = arith.constant 0 : i32
    %dma_start3A_33 = arith.constant 0 : i32
    %dma_start3A_34 = tpu.memref_slice %arg3[%dma_start3A_32, %dma_start3A_33] : memref<1015808x32xf32, #tpu.memory_space<hbm>> -> memref<1015808x32xf32, #tpu.memory_space<hbm>>
    tpu.enqueue_indirect_dma source(%dma_start3A_34 : memref<1015808x32xf32, #tpu.memory_space<hbm>>) target(%dma_start3A_28 : memref<104x32xf32, #tpu.memory_space<vmem>>) offsets(%dma_start3A_31 : memref<104xi32, #tpu.memory_space<vmem>>) semaphore(%arg10 : memref<!tpu.dma_semaphore, #tpu.memory_space<semaphore_mem>>)
    %dma_start3A_35 = arith.constant 1 : i32
    %dma_start3A_36 = arith.constant 304 : i32
    %dma_start3A_37 = arith.constant 0 : i32
    %dma_start3A_38 = tpu.memref_slice %arg7[%dma_start3A_36, %dma_start3A_37] : memref<1600x32xf32, #tpu.memory_space<vmem>> -> memref<96x32xf32, #tpu.memory_space<vmem>>
    %dma_start3A_39 = arith.constant 104 : i32
    %dma_start3A_40 = tpu.memref_slice %arg5[%dma_start3A_35, %dma_start3A_39] : memref<8x200xi32, #tpu.memory_space<vmem>> -> memref<1x96xi32, #tpu.memory_space<vmem>>
    %dma_start3A_41 = tpu.memref_squeeze %dma_start3A_40 : memref<1x96xi32, #tpu.memory_space<vmem>> -> memref<96xi32, #tpu.memory_space<vmem>>
    %dma_start3A_42 = arith.constant 0 : i32
    %dma_start3A_43 = arith.constant 0 : i32
    %dma_start3A_44 = tpu.memref_slice %arg3[%dma_start3A_42, %dma_start3A_43] : memref<1015808x32xf32, #tpu.memory_space<hbm>> -> memref<1015808x32xf32, #tpu.memory_space<hbm>>
    tpu.enqueue_indirect_dma source(%dma_start3A_44 : memref<1015808x32xf32, #tpu.memory_space<hbm>>) target(%dma_start3A_38 : memref<96x32xf32, #tpu.memory_space<vmem>>) offsets(%dma_start3A_41 : memref<96xi32, #tpu.memory_space<vmem>>) semaphore(%arg10 : memref<!tpu.dma_semaphore, #tpu.memory_space<semaphore_mem>>)
    %dma_start3A_45 = arith.constant 2 : i32
    %dma_start3A_46 = arith.constant 400 : i32
    %dma_start3A_47 = arith.constant 0 : i32
    %dma_start3A_48 = tpu.memref_slice %arg7[%dma_start3A_46, %dma_start3A_47] : memref<1600x32xf32, #tpu.memory_space<vmem>> -> memref<104x32xf32, #tpu.memory_space<vmem>>
    %dma_start3A_49 = arith.constant 0 : i32
    %dma_start3A_50 = tpu.memref_slice %arg5[%dma_start3A_45, %dma_start3A_49] : memref<8x200xi32, #tpu.memory_space<vmem>> -> memref<1x104xi32, #tpu.memory_space<vmem>>
    %dma_start3A_51 = tpu.memref_squeeze %dma_start3A_50 : memref<1x104xi32, #tpu.memory_space<vmem>> -> memref<104xi32, #tpu.memory_space<vmem>>
    %dma_start3A_52 = arith.constant 0 : i32
    %dma_start3A_53 = arith.constant 0 : i32
    %dma_start3A_54 = tpu.memref_slice %arg3[%dma_start3A_52, %dma_start3A_53] : memref<1015808x32xf32, #tpu.memory_space<hbm>> -> memref<1015808x32xf32, #tpu.memory_space<hbm>>
    tpu.enqueue_indirect_dma source(%dma_start3A_54 : memref<1015808x32xf32, #tpu.memory_space<hbm>>) target(%dma_start3A_48 : memref<104x32xf32, #tpu.memory_space<vmem>>) offsets(%dma_start3A_51 : memref<104xi32, #tpu.memory_space<vmem>>) semaphore(%arg10 : memref<!tpu.dma_semaphore, #tpu.memory_space<semaphore_mem>>)
    %dma_start3A_55 = arith.constant 2 : i32
    %dma_start3A_56 = arith.constant 504 : i32
    %dma_start3A_57 = arith.constant 0 : i32
    %dma_start3A_58 = tpu.memref_slice %arg7[%dma_start3A_56, %dma_start3A_57] : memref<1600x32xf32, #tpu.memory_space<vmem>> -> memref<96x32xf32, #tpu.memory_space<vmem>>
    %dma_start3A_59 = arith.constant 104 : i32
    %dma_start3A_60 = tpu.memref_slice %arg5[%dma_start3A_55, %dma_start3A_59] : memref<8x200xi32, #tpu.memory_space<vmem>> -> memref<1x96xi32, #tpu.memory_space<vmem>>
    %dma_start3A_61 = tpu.memref_squeeze %dma_start3A_60 : memref<1x96xi32, #tpu.memory_space<vmem>> -> memref<96xi32, #tpu.memory_space<vmem>>
    %dma_start3A_62 = arith.constant 0 : i32
    %dma_start3A_63 = arith.constant 0 : i32
    %dma_start3A_64 = tpu.memref_slice %arg3[%dma_start3A_62, %dma_start3A_63] : memref<1015808x32xf32, #tpu.memory_space<hbm>> -> memref<1015808x32xf32, #tpu.memory_space<hbm>>
    tpu.enqueue_indirect_dma source(%dma_start3A_64 : memref<1015808x32xf32, #tpu.memory_space<hbm>>) target(%dma_start3A_58 : memref<96x32xf32, #tpu.memory_space<vmem>>) offsets(%dma_start3A_61 : memref<96xi32, #tpu.memory_space<vmem>>) semaphore(%arg10 : memref<!tpu.dma_semaphore, #tpu.memory_space<semaphore_mem>>)
    %dma_start3A_65 = arith.constant 3 : i32
    %dma_start3A_66 = arith.constant 600 : i32
    %dma_start3A_67 = arith.constant 0 : i32
    %dma_start3A_68 = tpu.memref_slice %arg7[%dma_start3A_66, %dma_start3A_67] : memref<1600x32xf32, #tpu.memory_space<vmem>> -> memref<104x32xf32, #tpu.memory_space<vmem>>
    %dma_start3A_69 = arith.constant 0 : i32
    %dma_start3A_70 = tpu.memref_slice %arg5[%dma_start3A_65, %dma_start3A_69] : memref<8x200xi32, #tpu.memory_space<vmem>> -> memref<1x104xi32, #tpu.memory_space<vmem>>
    %dma_start3A_71 = tpu.memref_squeeze %dma_start3A_70 : memref<1x104xi32, #tpu.memory_space<vmem>> -> memref<104xi32, #tpu.memory_space<vmem>>
    %dma_start3A_72 = arith.constant 0 : i32
    %dma_start3A_73 = arith.constant 0 : i32
    %dma_start3A_74 = tpu.memref_slice %arg3[%dma_start3A_72, %dma_start3A_73] : memref<1015808x32xf32, #tpu.memory_space<hbm>> -> memref<1015808x32xf32, #tpu.memory_space<hbm>>
    tpu.enqueue_indirect_dma source(%dma_start3A_74 : memref<1015808x32xf32, #tpu.memory_space<hbm>>) target(%dma_start3A_68 : memref<104x32xf32, #tpu.memory_space<vmem>>) offsets(%dma_start3A_71 : memref<104xi32, #tpu.memory_space<vmem>>) semaphore(%arg10 : memref<!tpu.dma_semaphore, #tpu.memory_space<semaphore_mem>>)
    %dma_start3A_75 = arith.constant 3 : i32
    %dma_start3A_76 = arith.constant 704 : i32
    %dma_start3A_77 = arith.constant 0 : i32
    %dma_start3A_78 = tpu.memref_slice %arg7[%dma_start3A_76, %dma_start3A_77] : memref<1600x32xf32, #tpu.memory_space<vmem>> -> memref<96x32xf32, #tpu.memory_space<vmem>>
    %dma_start3A_79 = arith.constant 104 : i32
    %dma_start3A_80 = tpu.memref_slice %arg5[%dma_start3A_75, %dma_start3A_79] : memref<8x200xi32, #tpu.memory_space<vmem>> -> memref<1x96xi32, #tpu.memory_space<vmem>>
    %dma_start3A_81 = tpu.memref_squeeze %dma_start3A_80 : memref<1x96xi32, #tpu.memory_space<vmem>> -> memref<96xi32, #tpu.memory_space<vmem>>
    %dma_start3A_82 = arith.constant 0 : i32
    %dma_start3A_83 = arith.constant 0 : i32
    %dma_start3A_84 = tpu.memref_slice %arg3[%dma_start3A_82, %dma_start3A_83] : memref<1015808x32xf32, #tpu.memory_space<hbm>> -> memref<1015808x32xf32, #tpu.memory_space<hbm>>
    tpu.enqueue_indirect_dma source(%dma_start3A_84 : memref<1015808x32xf32, #tpu.memory_space<hbm>>) target(%dma_start3A_78 : memref<96x32xf32, #tpu.memory_space<vmem>>) offsets(%dma_start3A_81 : memref<96xi32, #tpu.memory_space<vmem>>) semaphore(%arg10 : memref<!tpu.dma_semaphore, #tpu.memory_space<semaphore_mem>>)
    %dma_start3A_85 = arith.constant 4 : i32
    %dma_start3A_86 = arith.constant 800 : i32
    %dma_start3A_87 = arith.constant 0 : i32
    %dma_start3A_88 = tpu.memref_slice %arg7[%dma_start3A_86, %dma_start3A_87] : memref<1600x32xf32, #tpu.memory_space<vmem>> -> memref<104x32xf32, #tpu.memory_space<vmem>>
    %dma_start3A_89 = arith.constant 0 : i32
    %dma_start3A_90 = tpu.memref_slice %arg5[%dma_start3A_85, %dma_start3A_89] : memref<8x200xi32, #tpu.memory_space<vmem>> -> memref<1x104xi32, #tpu.memory_space<vmem>>
    %dma_start3A_91 = tpu.memref_squeeze %dma_start3A_90 : memref<1x104xi32, #tpu.memory_space<vmem>> -> memref<104xi32, #tpu.memory_space<vmem>>
    %dma_start3A_92 = arith.constant 0 : i32
    %dma_start3A_93 = arith.constant 0 : i32
    %dma_start3A_94 = tpu.memref_slice %arg3[%dma_start3A_92, %dma_start3A_93] : memref<1015808x32xf32, #tpu.memory_space<hbm>> -> memref<1015808x32xf32, #tpu.memory_space<hbm>>
    tpu.enqueue_indirect_dma source(%dma_start3A_94 : memref<1015808x32xf32, #tpu.memory_space<hbm>>) target(%dma_start3A_88 : memref<104x32xf32, #tpu.memory_space<vmem>>) offsets(%dma_start3A_91 : memref<104xi32, #tpu.memory_space<vmem>>) semaphore(%arg10 : memref<!tpu.dma_semaphore, #tpu.memory_space<semaphore_mem>>)
    %dma_start3A_95 = arith.constant 4 : i32
    %dma_start3A_96 = arith.constant 904 : i32
    %dma_start3A_97 = arith.constant 0 : i32
    %dma_start3A_98 = tpu.memref_slice %arg7[%dma_start3A_96, %dma_start3A_97] : memref<1600x32xf32, #tpu.memory_space<vmem>> -> memref<96x32xf32, #tpu.memory_space<vmem>>
    %dma_start3A_99 = arith.constant 104 : i32
    %dma_start3A_100 = tpu.memref_slice %arg5[%dma_start3A_95, %dma_start3A_99] : memref<8x200xi32, #tpu.memory_space<vmem>> -> memref<1x96xi32, #tpu.memory_space<vmem>>
    %dma_start3A_101 = tpu.memref_squeeze %dma_start3A_100 : memref<1x96xi32, #tpu.memory_space<vmem>> -> memref<96xi32, #tpu.memory_space<vmem>>
    %dma_start3A_102 = arith.constant 0 : i32
    %dma_start3A_103 = arith.constant 0 : i32
    %dma_start3A_104 = tpu.memref_slice %arg3[%dma_start3A_102, %dma_start3A_103] : memref<1015808x32xf32, #tpu.memory_space<hbm>> -> memref<1015808x32xf32, #tpu.memory_space<hbm>>
    tpu.enqueue_indirect_dma source(%dma_start3A_104 : memref<1015808x32xf32, #tpu.memory_space<hbm>>) target(%dma_start3A_98 : memref<96x32xf32, #tpu.memory_space<vmem>>) offsets(%dma_start3A_101 : memref<96xi32, #tpu.memory_space<vmem>>) semaphore(%arg10 : memref<!tpu.dma_semaphore, #tpu.memory_space<semaphore_mem>>)
    %dma_start3A_105 = arith.constant 5 : i32
    %dma_start3A_106 = arith.constant 1000 : i32
    %dma_start3A_107 = arith.constant 0 : i32
    %dma_start3A_108 = tpu.memref_slice %arg7[%dma_start3A_106, %dma_start3A_107] : memref<1600x32xf32, #tpu.memory_space<vmem>> -> memref<104x32xf32, #tpu.memory_space<vmem>>
    %dma_start3A_109 = arith.constant 0 : i32
    %dma_start3A_110 = tpu.memref_slice %arg5[%dma_start3A_105, %dma_start3A_109] : memref<8x200xi32, #tpu.memory_space<vmem>> -> memref<1x104xi32, #tpu.memory_space<vmem>>
    %dma_start3A_111 = tpu.memref_squeeze %dma_start3A_110 : memref<1x104xi32, #tpu.memory_space<vmem>> -> memref<104xi32, #tpu.memory_space<vmem>>
    %dma_start3A_112 = arith.constant 0 : i32
    %dma_start3A_113 = arith.constant 0 : i32
    %dma_start3A_114 = tpu.memref_slice %arg3[%dma_start3A_112, %dma_start3A_113] : memref<1015808x32xf32, #tpu.memory_space<hbm>> -> memref<1015808x32xf32, #tpu.memory_space<hbm>>
    tpu.enqueue_indirect_dma source(%dma_start3A_114 : memref<1015808x32xf32, #tpu.memory_space<hbm>>) target(%dma_start3A_108 : memref<104x32xf32, #tpu.memory_space<vmem>>) offsets(%dma_start3A_111 : memref<104xi32, #tpu.memory_space<vmem>>) semaphore(%arg10 : memref<!tpu.dma_semaphore, #tpu.memory_space<semaphore_mem>>)
    %dma_start3A_115 = arith.constant 5 : i32
    %dma_start3A_116 = arith.constant 1104 : i32
    %dma_start3A_117 = arith.constant 0 : i32
    %dma_start3A_118 = tpu.memref_slice %arg7[%dma_start3A_116, %dma_start3A_117] : memref<1600x32xf32, #tpu.memory_space<vmem>> -> memref<96x32xf32, #tpu.memory_space<vmem>>
    %dma_start3A_119 = arith.constant 104 : i32
    %dma_start3A_120 = tpu.memref_slice %arg5[%dma_start3A_115, %dma_start3A_119] : memref<8x200xi32, #tpu.memory_space<vmem>> -> memref<1x96xi32, #tpu.memory_space<vmem>>
    %dma_start3A_121 = tpu.memref_squeeze %dma_start3A_120 : memref<1x96xi32, #tpu.memory_space<vmem>> -> memref<96xi32, #tpu.memory_space<vmem>>
    %dma_start3A_122 = arith.constant 0 : i32
    %dma_start3A_123 = arith.constant 0 : i32
    %dma_start3A_124 = tpu.memref_slice %arg3[%dma_start3A_122, %dma_start3A_123] : memref<1015808x32xf32, #tpu.memory_space<hbm>> -> memref<1015808x32xf32, #tpu.memory_space<hbm>>
    tpu.enqueue_indirect_dma source(%dma_start3A_124 : memref<1015808x32xf32, #tpu.memory_space<hbm>>) target(%dma_start3A_118 : memref<96x32xf32, #tpu.memory_space<vmem>>) offsets(%dma_start3A_121 : memref<96xi32, #tpu.memory_space<vmem>>) semaphore(%arg10 : memref<!tpu.dma_semaphore, #tpu.memory_space<semaphore_mem>>)
    %dma_start3A_125 = arith.constant 6 : i32
    %dma_start3A_126 = arith.constant 1200 : i32
    %dma_start3A_127 = arith.constant 0 : i32
    %dma_start3A_128 = tpu.memref_slice %arg7[%dma_start3A_126, %dma_start3A_127] : memref<1600x32xf32, #tpu.memory_space<vmem>> -> memref<104x32xf32, #tpu.memory_space<vmem>>
    %dma_start3A_129 = arith.constant 0 : i32
    %dma_start3A_130 = tpu.memref_slice %arg5[%dma_start3A_125, %dma_start3A_129] : memref<8x200xi32, #tpu.memory_space<vmem>> -> memref<1x104xi32, #tpu.memory_space<vmem>>
    %dma_start3A_131 = tpu.memref_squeeze %dma_start3A_130 : memref<1x104xi32, #tpu.memory_space<vmem>> -> memref<104xi32, #tpu.memory_space<vmem>>
    %dma_start3A_132 = arith.constant 0 : i32
    %dma_start3A_133 = arith.constant 0 : i32
    %dma_start3A_134 = tpu.memref_slice %arg3[%dma_start3A_132, %dma_start3A_133] : memref<1015808x32xf32, #tpu.memory_space<hbm>> -> memref<1015808x32xf32, #tpu.memory_space<hbm>>
    tpu.enqueue_indirect_dma source(%dma_start3A_134 : memref<1015808x32xf32, #tpu.memory_space<hbm>>) target(%dma_start3A_128 : memref<104x32xf32, #tpu.memory_space<vmem>>) offsets(%dma_start3A_131 : memref<104xi32, #tpu.memory_space<vmem>>) semaphore(%arg10 : memref<!tpu.dma_semaphore, #tpu.memory_space<semaphore_mem>>)
    %dma_start3A_135 = arith.constant 6 : i32
    %dma_start3A_136 = arith.constant 1304 : i32
    %dma_start3A_137 = arith.constant 0 : i32
    %dma_start3A_138 = tpu.memref_slice %arg7[%dma_start3A_136, %dma_start3A_137] : memref<1600x32xf32, #tpu.memory_space<vmem>> -> memref<96x32xf32, #tpu.memory_space<vmem>>
    %dma_start3A_139 = arith.constant 104 : i32
    %dma_start3A_140 = tpu.memref_slice %arg5[%dma_start3A_135, %dma_start3A_139] : memref<8x200xi32, #tpu.memory_space<vmem>> -> memref<1x96xi32, #tpu.memory_space<vmem>>
    %dma_start3A_141 = tpu.memref_squeeze %dma_start3A_140 : memref<1x96xi32, #tpu.memory_space<vmem>> -> memref<96xi32, #tpu.memory_space<vmem>>
    %dma_start3A_142 = arith.constant 0 : i32
    %dma_start3A_143 = arith.constant 0 : i32
    %dma_start3A_144 = tpu.memref_slice %arg3[%dma_start3A_142, %dma_start3A_143] : memref<1015808x32xf32, #tpu.memory_space<hbm>> -> memref<1015808x32xf32, #tpu.memory_space<hbm>>
    tpu.enqueue_indirect_dma source(%dma_start3A_144 : memref<1015808x32xf32, #tpu.memory_space<hbm>>) target(%dma_start3A_138 : memref<96x32xf32, #tpu.memory_space<vmem>>) offsets(%dma_start3A_141 : memref<96xi32, #tpu.memory_space<vmem>>) semaphore(%arg10 : memref<!tpu.dma_semaphore, #tpu.memory_space<semaphore_mem>>)
    %dma_start3A_145 = arith.constant 7 : i32
    %dma_start3A_146 = arith.constant 1400 : i32
    %dma_start3A_147 = arith.constant 0 : i32
    %dma_start3A_148 = tpu.memref_slice %arg7[%dma_start3A_146, %dma_start3A_147] : memref<1600x32xf32, #tpu.memory_space<vmem>> -> memref<104x32xf32, #tpu.memory_space<vmem>>
    %dma_start3A_149 = arith.constant 0 : i32
    %dma_start3A_150 = tpu.memref_slice %arg5[%dma_start3A_145, %dma_start3A_149] : memref<8x200xi32, #tpu.memory_space<vmem>> -> memref<1x104xi32, #tpu.memory_space<vmem>>
    %dma_start3A_151 = tpu.memref_squeeze %dma_start3A_150 : memref<1x104xi32, #tpu.memory_space<vmem>> -> memref<104xi32, #tpu.memory_space<vmem>>
    %dma_start3A_152 = arith.constant 0 : i32
    %dma_start3A_153 = arith.constant 0 : i32
    %dma_start3A_154 = tpu.memref_slice %arg3[%dma_start3A_152, %dma_start3A_153] : memref<1015808x32xf32, #tpu.memory_space<hbm>> -> memref<1015808x32xf32, #tpu.memory_space<hbm>>
    tpu.enqueue_indirect_dma source(%dma_start3A_154 : memref<1015808x32xf32, #tpu.memory_space<hbm>>) target(%dma_start3A_148 : memref<104x32xf32, #tpu.memory_space<vmem>>) offsets(%dma_start3A_151 : memref<104xi32, #tpu.memory_space<vmem>>) semaphore(%arg10 : memref<!tpu.dma_semaphore, #tpu.memory_space<semaphore_mem>>)
    %dma_start3A_155 = arith.constant 7 : i32
    %dma_start3A_156 = arith.constant 1504 : i32
    %dma_start3A_157 = arith.constant 0 : i32
    %dma_start3A_158 = tpu.memref_slice %arg7[%dma_start3A_156, %dma_start3A_157] : memref<1600x32xf32, #tpu.memory_space<vmem>> -> memref<96x32xf32, #tpu.memory_space<vmem>>
    %dma_start3A_159 = arith.constant 104 : i32
    %dma_start3A_160 = tpu.memref_slice %arg5[%dma_start3A_155, %dma_start3A_159] : memref<8x200xi32, #tpu.memory_space<vmem>> -> memref<1x96xi32, #tpu.memory_space<vmem>>
    %dma_start3A_161 = tpu.memref_squeeze %dma_start3A_160 : memref<1x96xi32, #tpu.memory_space<vmem>> -> memref<96xi32, #tpu.memory_space<vmem>>
    %dma_start3A_162 = arith.constant 0 : i32
    %dma_start3A_163 = arith.constant 0 : i32
    %dma_start3A_164 = tpu.memref_slice %arg3[%dma_start3A_162, %dma_start3A_163] : memref<1015808x32xf32, #tpu.memory_space<hbm>> -> memref<1015808x32xf32, #tpu.memory_space<hbm>>
    tpu.enqueue_indirect_dma source(%dma_start3A_164 : memref<1015808x32xf32, #tpu.memory_space<hbm>>) target(%dma_start3A_158 : memref<96x32xf32, #tpu.memory_space<vmem>>) offsets(%dma_start3A_161 : memref<96xi32, #tpu.memory_space<vmem>>) semaphore(%arg10 : memref<!tpu.dma_semaphore, #tpu.memory_space<semaphore_mem>>)
    %scan3A = arith.constant 0 : i32
    %scan3A_165 = arith.constant 0 : i32
    %scan3A_166 = arith.constant 32 : i32
    %scan3A_167 = arith.addi %scan3A_165, %scan3A_166 : i32
    %scan3A_168 = arith.constant 1 : i32
    scf.for %scan3A_174 = %scan3A_165 to %scan3A_167 step %scan3A_168  : i32 {
      %mul3A_175 = arith.constant 2 : i32
      %mul3A_176 = arith.muli %scan3A_174, %mul3A_175 : i32
      %add3A_177 = arith.constant 1 : i32
      %add3A_178 = arith.addi %mul3A_176, %add3A_177 : i32
      %mul3A_179 = arith.constant 8 : i32
      %mul3A_180 = arith.muli %add3A_178, %mul3A_179 : i32
      %add3A_181 = arith.addi %mul3A_2, %mul3A_180 : i32
      "tpu.region"() ({
        %run_scoped3A = tpu.sem_alloc : memref<!tpu.dma_semaphore, #tpu.memory_space<semaphore_mem>>
        %dma_start3A_1112 = arith.constant 0 : i32
        %dma_start3A_1113 = tpu.memref_slice %arg2[%add3A_181, %dma_start3A_1112] : memref<16384x200xi32, #tpu.memory_space<hbm>> -> memref<8x200xi32, #tpu.memory_space<hbm>>
        %dma_start3A_1114 = arith.constant 0 : i32
        %dma_start3A_1115 = tpu.memref_slice %arg2[%add3A_181, %dma_start3A_1114] : memref<16384x200xi32, #tpu.memory_space<hbm>> -> memref<8x200xi32, #tpu.memory_space<hbm>>
        tpu.enqueue_dma source(%dma_start3A_1115 : memref<8x200xi32, #tpu.memory_space<hbm>>) target(%arg6 : memref<8x200xi32, #tpu.memory_space<vmem>>) target_semaphore(%run_scoped3A : memref<!tpu.dma_semaphore, #tpu.memory_space<semaphore_mem>>)
        %dma_wait3A_1116 = arith.constant 0 : i32
        %dma_wait3A_1117 = tpu.memref_slice %arg2[%add3A_181, %dma_wait3A_1116] : memref<16384x200xi32, #tpu.memory_space<hbm>> -> memref<8x200xi32, #tpu.memory_space<hbm>>
        %dma_wait3A_1118 = arith.constant 0 : i32
        %dma_wait3A_1119 = tpu.memref_slice %arg2[%add3A_181, %dma_wait3A_1118] : memref<16384x200xi32, #tpu.memory_space<hbm>> -> memref<8x200xi32, #tpu.memory_space<hbm>>
        tpu.wait_dma2 semaphore(%run_scoped3A : memref<!tpu.dma_semaphore, #tpu.memory_space<semaphore_mem>>) src(%dma_wait3A_1119 : memref<8x200xi32, #tpu.memory_space<hbm>>) dst(%arg6 : memref<8x200xi32, #tpu.memory_space<vmem>>)
        tpu.yield
      }) : () -> ()
      %dma_start3A_182 = arith.constant 0 : i32
      %dma_start3A_183 = arith.constant 0 : i32
      %dma_start3A_184 = arith.constant 0 : i32
      %dma_start3A_185 = tpu.memref_slice %arg8[%dma_start3A_183, %dma_start3A_184] : memref<1600x32xf32, #tpu.memory_space<vmem>> -> memref<104x32xf32, #tpu.memory_space<vmem>>
      %dma_start3A_186 = arith.constant 0 : i32
      %dma_start3A_187 = tpu.memref_slice %arg6[%dma_start3A_182, %dma_start3A_186] : memref<8x200xi32, #tpu.memory_space<vmem>> -> memref<1x104xi32, #tpu.memory_space<vmem>>
      %dma_start3A_188 = tpu.memref_squeeze %dma_start3A_187 : memref<1x104xi32, #tpu.memory_space<vmem>> -> memref<104xi32, #tpu.memory_space<vmem>>
      %dma_start3A_189 = arith.constant 0 : i32
      %dma_start3A_190 = arith.constant 0 : i32
      %dma_start3A_191 = tpu.memref_slice %arg3[%dma_start3A_189, %dma_start3A_190] : memref<1015808x32xf32, #tpu.memory_space<hbm>> -> memref<1015808x32xf32, #tpu.memory_space<hbm>>
      tpu.enqueue_indirect_dma source(%dma_start3A_191 : memref<1015808x32xf32, #tpu.memory_space<hbm>>) target(%dma_start3A_185 : memref<104x32xf32, #tpu.memory_space<vmem>>) offsets(%dma_start3A_188 : memref<104xi32, #tpu.memory_space<vmem>>) semaphore(%arg11 : memref<!tpu.dma_semaphore, #tpu.memory_space<semaphore_mem>>)
      %dma_start3A_192 = arith.constant 0 : i32
      %dma_start3A_193 = arith.constant 104 : i32
      %dma_start3A_194 = arith.constant 0 : i32
      %dma_start3A_195 = tpu.memref_slice %arg8[%dma_start3A_193, %dma_start3A_194] : memref<1600x32xf32, #tpu.memory_space<vmem>> -> memref<96x32xf32, #tpu.memory_space<vmem>>
      %dma_start3A_196 = arith.constant 104 : i32
      %dma_start3A_197 = tpu.memref_slice %arg6[%dma_start3A_192, %dma_start3A_196] : memref<8x200xi32, #tpu.memory_space<vmem>> -> memref<1x96xi32, #tpu.memory_space<vmem>>
      %dma_start3A_198 = tpu.memref_squeeze %dma_start3A_197 : memref<1x96xi32, #tpu.memory_space<vmem>> -> memref<96xi32, #tpu.memory_space<vmem>>
      %dma_start3A_199 = arith.constant 0 : i32
      %dma_start3A_200 = arith.constant 0 : i32
      %dma_start3A_201 = tpu.memref_slice %arg3[%dma_start3A_199, %dma_start3A_200] : memref<1015808x32xf32, #tpu.memory_space<hbm>> -> memref<1015808x32xf32, #tpu.memory_space<hbm>>
      tpu.enqueue_indirect_dma source(%dma_start3A_201 : memref<1015808x32xf32, #tpu.memory_space<hbm>>) target(%dma_start3A_195 : memref<96x32xf32, #tpu.memory_space<vmem>>) offsets(%dma_start3A_198 : memref<96xi32, #tpu.memory_space<vmem>>) semaphore(%arg11 : memref<!tpu.dma_semaphore, #tpu.memory_space<semaphore_mem>>)
      %dma_start3A_202 = arith.constant 1 : i32
      %dma_start3A_203 = arith.constant 200 : i32
      %dma_start3A_204 = arith.constant 0 : i32
      %dma_start3A_205 = tpu.memref_slice %arg8[%dma_start3A_203, %dma_start3A_204] : memref<1600x32xf32, #tpu.memory_space<vmem>> -> memref<104x32xf32, #tpu.memory_space<vmem>>
      %dma_start3A_206 = arith.constant 0 : i32
      %dma_start3A_207 = tpu.memref_slice %arg6[%dma_start3A_202, %dma_start3A_206] : memref<8x200xi32, #tpu.memory_space<vmem>> -> memref<1x104xi32, #tpu.memory_space<vmem>>
      %dma_start3A_208 = tpu.memref_squeeze %dma_start3A_207 : memref<1x104xi32, #tpu.memory_space<vmem>> -> memref<104xi32, #tpu.memory_space<vmem>>
      %dma_start3A_209 = arith.constant 0 : i32
      %dma_start3A_210 = arith.constant 0 : i32
      %dma_start3A_211 = tpu.memref_slice %arg3[%dma_start3A_209, %dma_start3A_210] : memref<1015808x32xf32, #tpu.memory_space<hbm>> -> memref<1015808x32xf32, #tpu.memory_space<hbm>>
      tpu.enqueue_indirect_dma source(%dma_start3A_211 : memref<1015808x32xf32, #tpu.memory_space<hbm>>) target(%dma_start3A_205 : memref<104x32xf32, #tpu.memory_space<vmem>>) offsets(%dma_start3A_208 : memref<104xi32, #tpu.memory_space<vmem>>) semaphore(%arg11 : memref<!tpu.dma_semaphore, #tpu.memory_space<semaphore_mem>>)
      %dma_start3A_212 = arith.constant 1 : i32
      %dma_start3A_213 = arith.constant 304 : i32
      %dma_start3A_214 = arith.constant 0 : i32
      %dma_start3A_215 = tpu.memref_slice %arg8[%dma_start3A_213, %dma_start3A_214] : memref<1600x32xf32, #tpu.memory_space<vmem>> -> memref<96x32xf32, #tpu.memory_space<vmem>>
      %dma_start3A_216 = arith.constant 104 : i32
      %dma_start3A_217 = tpu.memref_slice %arg6[%dma_start3A_212, %dma_start3A_216] : memref<8x200xi32, #tpu.memory_space<vmem>> -> memref<1x96xi32, #tpu.memory_space<vmem>>
      %dma_start3A_218 = tpu.memref_squeeze %dma_start3A_217 : memref<1x96xi32, #tpu.memory_space<vmem>> -> memref<96xi32, #tpu.memory_space<vmem>>
      %dma_start3A_219 = arith.constant 0 : i32
      %dma_start3A_220 = arith.constant 0 : i32
      %dma_start3A_221 = tpu.memref_slice %arg3[%dma_start3A_219, %dma_start3A_220] : memref<1015808x32xf32, #tpu.memory_space<hbm>> -> memref<1015808x32xf32, #tpu.memory_space<hbm>>
      tpu.enqueue_indirect_dma source(%dma_start3A_221 : memref<1015808x32xf32, #tpu.memory_space<hbm>>) target(%dma_start3A_215 : memref<96x32xf32, #tpu.memory_space<vmem>>) offsets(%dma_start3A_218 : memref<96xi32, #tpu.memory_space<vmem>>) semaphore(%arg11 : memref<!tpu.dma_semaphore, #tpu.memory_space<semaphore_mem>>)
      %dma_start3A_222 = arith.constant 2 : i32
      %dma_start3A_223 = arith.constant 400 : i32
      %dma_start3A_224 = arith.constant 0 : i32
      %dma_start3A_225 = tpu.memref_slice %arg8[%dma_start3A_223, %dma_start3A_224] : memref<1600x32xf32, #tpu.memory_space<vmem>> -> memref<104x32xf32, #tpu.memory_space<vmem>>
      %dma_start3A_226 = arith.constant 0 : i32
      %dma_start3A_227 = tpu.memref_slice %arg6[%dma_start3A_222, %dma_start3A_226] : memref<8x200xi32, #tpu.memory_space<vmem>> -> memref<1x104xi32, #tpu.memory_space<vmem>>
      %dma_start3A_228 = tpu.memref_squeeze %dma_start3A_227 : memref<1x104xi32, #tpu.memory_space<vmem>> -> memref<104xi32, #tpu.memory_space<vmem>>
      %dma_start3A_229 = arith.constant 0 : i32
      %dma_start3A_230 = arith.constant 0 : i32
      %dma_start3A_231 = tpu.memref_slice %arg3[%dma_start3A_229, %dma_start3A_230] : memref<1015808x32xf32, #tpu.memory_space<hbm>> -> memref<1015808x32xf32, #tpu.memory_space<hbm>>
      tpu.enqueue_indirect_dma source(%dma_start3A_231 : memref<1015808x32xf32, #tpu.memory_space<hbm>>) target(%dma_start3A_225 : memref<104x32xf32, #tpu.memory_space<vmem>>) offsets(%dma_start3A_228 : memref<104xi32, #tpu.memory_space<vmem>>) semaphore(%arg11 : memref<!tpu.dma_semaphore, #tpu.memory_space<semaphore_mem>>)
      %dma_start3A_232 = arith.constant 2 : i32
      %dma_start3A_233 = arith.constant 504 : i32
      %dma_start3A_234 = arith.constant 0 : i32
      %dma_start3A_235 = tpu.memref_slice %arg8[%dma_start3A_233, %dma_start3A_234] : memref<1600x32xf32, #tpu.memory_space<vmem>> -> memref<96x32xf32, #tpu.memory_space<vmem>>
      %dma_start3A_236 = arith.constant 104 : i32
      %dma_start3A_237 = tpu.memref_slice %arg6[%dma_start3A_232, %dma_start3A_236] : memref<8x200xi32, #tpu.memory_space<vmem>> -> memref<1x96xi32, #tpu.memory_space<vmem>>
      %dma_start3A_238 = tpu.memref_squeeze %dma_start3A_237 : memref<1x96xi32, #tpu.memory_space<vmem>> -> memref<96xi32, #tpu.memory_space<vmem>>
      %dma_start3A_239 = arith.constant 0 : i32
      %dma_start3A_240 = arith.constant 0 : i32
      %dma_start3A_241 = tpu.memref_slice %arg3[%dma_start3A_239, %dma_start3A_240] : memref<1015808x32xf32, #tpu.memory_space<hbm>> -> memref<1015808x32xf32, #tpu.memory_space<hbm>>
      tpu.enqueue_indirect_dma source(%dma_start3A_241 : memref<1015808x32xf32, #tpu.memory_space<hbm>>) target(%dma_start3A_235 : memref<96x32xf32, #tpu.memory_space<vmem>>) offsets(%dma_start3A_238 : memref<96xi32, #tpu.memory_space<vmem>>) semaphore(%arg11 : memref<!tpu.dma_semaphore, #tpu.memory_space<semaphore_mem>>)
      %dma_start3A_242 = arith.constant 3 : i32
      %dma_start3A_243 = arith.constant 600 : i32
      %dma_start3A_244 = arith.constant 0 : i32
      %dma_start3A_245 = tpu.memref_slice %arg8[%dma_start3A_243, %dma_start3A_244] : memref<1600x32xf32, #tpu.memory_space<vmem>> -> memref<104x32xf32, #tpu.memory_space<vmem>>
      %dma_start3A_246 = arith.constant 0 : i32
      %dma_start3A_247 = tpu.memref_slice %arg6[%dma_start3A_242, %dma_start3A_246] : memref<8x200xi32, #tpu.memory_space<vmem>> -> memref<1x104xi32, #tpu.memory_space<vmem>>
      %dma_start3A_248 = tpu.memref_squeeze %dma_start3A_247 : memref<1x104xi32, #tpu.memory_space<vmem>> -> memref<104xi32, #tpu.memory_space<vmem>>
      %dma_start3A_249 = arith.constant 0 : i32
      %dma_start3A_250 = arith.constant 0 : i32
      %dma_start3A_251 = tpu.memref_slice %arg3[%dma_start3A_249, %dma_start3A_250] : memref<1015808x32xf32, #tpu.memory_space<hbm>> -> memref<1015808x32xf32, #tpu.memory_space<hbm>>
      tpu.enqueue_indirect_dma source(%dma_start3A_251 : memref<1015808x32xf32, #tpu.memory_space<hbm>>) target(%dma_start3A_245 : memref<104x32xf32, #tpu.memory_space<vmem>>) offsets(%dma_start3A_248 : memref<104xi32, #tpu.memory_space<vmem>>) semaphore(%arg11 : memref<!tpu.dma_semaphore, #tpu.memory_space<semaphore_mem>>)
      %dma_start3A_252 = arith.constant 3 : i32
      %dma_start3A_253 = arith.constant 704 : i32
      %dma_start3A_254 = arith.constant 0 : i32
      %dma_start3A_255 = tpu.memref_slice %arg8[%dma_start3A_253, %dma_start3A_254] : memref<1600x32xf32, #tpu.memory_space<vmem>> -> memref<96x32xf32, #tpu.memory_space<vmem>>
      %dma_start3A_256 = arith.constant 104 : i32
      %dma_start3A_257 = tpu.memref_slice %arg6[%dma_start3A_252, %dma_start3A_256] : memref<8x200xi32, #tpu.memory_space<vmem>> -> memref<1x96xi32, #tpu.memory_space<vmem>>
      %dma_start3A_258 = tpu.memref_squeeze %dma_start3A_257 : memref<1x96xi32, #tpu.memory_space<vmem>> -> memref<96xi32, #tpu.memory_space<vmem>>
      %dma_start3A_259 = arith.constant 0 : i32
      %dma_start3A_260 = arith.constant 0 : i32
      %dma_start3A_261 = tpu.memref_slice %arg3[%dma_start3A_259, %dma_start3A_260] : memref<1015808x32xf32, #tpu.memory_space<hbm>> -> memref<1015808x32xf32, #tpu.memory_space<hbm>>
      tpu.enqueue_indirect_dma source(%dma_start3A_261 : memref<1015808x32xf32, #tpu.memory_space<hbm>>) target(%dma_start3A_255 : memref<96x32xf32, #tpu.memory_space<vmem>>) offsets(%dma_start3A_258 : memref<96xi32, #tpu.memory_space<vmem>>) semaphore(%arg11 : memref<!tpu.dma_semaphore, #tpu.memory_space<semaphore_mem>>)
      %dma_start3A_262 = arith.constant 4 : i32
      %dma_start3A_263 = arith.constant 800 : i32
      %dma_start3A_264 = arith.constant 0 : i32
      %dma_start3A_265 = tpu.memref_slice %arg8[%dma_start3A_263, %dma_start3A_264] : memref<1600x32xf32, #tpu.memory_space<vmem>> -> memref<104x32xf32, #tpu.memory_space<vmem>>
      %dma_start3A_266 = arith.constant 0 : i32
      %dma_start3A_267 = tpu.memref_slice %arg6[%dma_start3A_262, %dma_start3A_266] : memref<8x200xi32, #tpu.memory_space<vmem>> -> memref<1x104xi32, #tpu.memory_space<vmem>>
      %dma_start3A_268 = tpu.memref_squeeze %dma_start3A_267 : memref<1x104xi32, #tpu.memory_space<vmem>> -> memref<104xi32, #tpu.memory_space<vmem>>
      %dma_start3A_269 = arith.constant 0 : i32
      %dma_start3A_270 = arith.constant 0 : i32
      %dma_start3A_271 = tpu.memref_slice %arg3[%dma_start3A_269, %dma_start3A_270] : memref<1015808x32xf32, #tpu.memory_space<hbm>> -> memref<1015808x32xf32, #tpu.memory_space<hbm>>
      tpu.enqueue_indirect_dma source(%dma_start3A_271 : memref<1015808x32xf32, #tpu.memory_space<hbm>>) target(%dma_start3A_265 : memref<104x32xf32, #tpu.memory_space<vmem>>) offsets(%dma_start3A_268 : memref<104xi32, #tpu.memory_space<vmem>>) semaphore(%arg11 : memref<!tpu.dma_semaphore, #tpu.memory_space<semaphore_mem>>)
      %dma_start3A_272 = arith.constant 4 : i32
      %dma_start3A_273 = arith.constant 904 : i32
      %dma_start3A_274 = arith.constant 0 : i32
      %dma_start3A_275 = tpu.memref_slice %arg8[%dma_start3A_273, %dma_start3A_274] : memref<1600x32xf32, #tpu.memory_space<vmem>> -> memref<96x32xf32, #tpu.memory_space<vmem>>
      %dma_start3A_276 = arith.constant 104 : i32
      %dma_start3A_277 = tpu.memref_slice %arg6[%dma_start3A_272, %dma_start3A_276] : memref<8x200xi32, #tpu.memory_space<vmem>> -> memref<1x96xi32, #tpu.memory_space<vmem>>
      %dma_start3A_278 = tpu.memref_squeeze %dma_start3A_277 : memref<1x96xi32, #tpu.memory_space<vmem>> -> memref<96xi32, #tpu.memory_space<vmem>>
      %dma_start3A_279 = arith.constant 0 : i32
      %dma_start3A_280 = arith.constant 0 : i32
      %dma_start3A_281 = tpu.memref_slice %arg3[%dma_start3A_279, %dma_start3A_280] : memref<1015808x32xf32, #tpu.memory_space<hbm>> -> memref<1015808x32xf32, #tpu.memory_space<hbm>>
      tpu.enqueue_indirect_dma source(%dma_start3A_281 : memref<1015808x32xf32, #tpu.memory_space<hbm>>) target(%dma_start3A_275 : memref<96x32xf32, #tpu.memory_space<vmem>>) offsets(%dma_start3A_278 : memref<96xi32, #tpu.memory_space<vmem>>) semaphore(%arg11 : memref<!tpu.dma_semaphore, #tpu.memory_space<semaphore_mem>>)
      %dma_start3A_282 = arith.constant 5 : i32
      %dma_start3A_283 = arith.constant 1000 : i32
      %dma_start3A_284 = arith.constant 0 : i32
      %dma_start3A_285 = tpu.memref_slice %arg8[%dma_start3A_283, %dma_start3A_284] : memref<1600x32xf32, #tpu.memory_space<vmem>> -> memref<104x32xf32, #tpu.memory_space<vmem>>
      %dma_start3A_286 = arith.constant 0 : i32
      %dma_start3A_287 = tpu.memref_slice %arg6[%dma_start3A_282, %dma_start3A_286] : memref<8x200xi32, #tpu.memory_space<vmem>> -> memref<1x104xi32, #tpu.memory_space<vmem>>
      %dma_start3A_288 = tpu.memref_squeeze %dma_start3A_287 : memref<1x104xi32, #tpu.memory_space<vmem>> -> memref<104xi32, #tpu.memory_space<vmem>>
      %dma_start3A_289 = arith.constant 0 : i32
      %dma_start3A_290 = arith.constant 0 : i32
      %dma_start3A_291 = tpu.memref_slice %arg3[%dma_start3A_289, %dma_start3A_290] : memref<1015808x32xf32, #tpu.memory_space<hbm>> -> memref<1015808x32xf32, #tpu.memory_space<hbm>>
      tpu.enqueue_indirect_dma source(%dma_start3A_291 : memref<1015808x32xf32, #tpu.memory_space<hbm>>) target(%dma_start3A_285 : memref<104x32xf32, #tpu.memory_space<vmem>>) offsets(%dma_start3A_288 : memref<104xi32, #tpu.memory_space<vmem>>) semaphore(%arg11 : memref<!tpu.dma_semaphore, #tpu.memory_space<semaphore_mem>>)
      %dma_start3A_292 = arith.constant 5 : i32
      %dma_start3A_293 = arith.constant 1104 : i32
      %dma_start3A_294 = arith.constant 0 : i32
      %dma_start3A_295 = tpu.memref_slice %arg8[%dma_start3A_293, %dma_start3A_294] : memref<1600x32xf32, #tpu.memory_space<vmem>> -> memref<96x32xf32, #tpu.memory_space<vmem>>
      %dma_start3A_296 = arith.constant 104 : i32
      %dma_start3A_297 = tpu.memref_slice %arg6[%dma_start3A_292, %dma_start3A_296] : memref<8x200xi32, #tpu.memory_space<vmem>> -> memref<1x96xi32, #tpu.memory_space<vmem>>
      %dma_start3A_298 = tpu.memref_squeeze %dma_start3A_297 : memref<1x96xi32, #tpu.memory_space<vmem>> -> memref<96xi32, #tpu.memory_space<vmem>>
      %dma_start3A_299 = arith.constant 0 : i32
      %dma_start3A_300 = arith.constant 0 : i32
      %dma_start3A_301 = tpu.memref_slice %arg3[%dma_start3A_299, %dma_start3A_300] : memref<1015808x32xf32, #tpu.memory_space<hbm>> -> memref<1015808x32xf32, #tpu.memory_space<hbm>>
      tpu.enqueue_indirect_dma source(%dma_start3A_301 : memref<1015808x32xf32, #tpu.memory_space<hbm>>) target(%dma_start3A_295 : memref<96x32xf32, #tpu.memory_space<vmem>>) offsets(%dma_start3A_298 : memref<96xi32, #tpu.memory_space<vmem>>) semaphore(%arg11 : memref<!tpu.dma_semaphore, #tpu.memory_space<semaphore_mem>>)
      %dma_start3A_302 = arith.constant 6 : i32
      %dma_start3A_303 = arith.constant 1200 : i32
      %dma_start3A_304 = arith.constant 0 : i32
      %dma_start3A_305 = tpu.memref_slice %arg8[%dma_start3A_303, %dma_start3A_304] : memref<1600x32xf32, #tpu.memory_space<vmem>> -> memref<104x32xf32, #tpu.memory_space<vmem>>
      %dma_start3A_306 = arith.constant 0 : i32
      %dma_start3A_307 = tpu.memref_slice %arg6[%dma_start3A_302, %dma_start3A_306] : memref<8x200xi32, #tpu.memory_space<vmem>> -> memref<1x104xi32, #tpu.memory_space<vmem>>
      %dma_start3A_308 = tpu.memref_squeeze %dma_start3A_307 : memref<1x104xi32, #tpu.memory_space<vmem>> -> memref<104xi32, #tpu.memory_space<vmem>>
      %dma_start3A_309 = arith.constant 0 : i32
      %dma_start3A_310 = arith.constant 0 : i32
      %dma_start3A_311 = tpu.memref_slice %arg3[%dma_start3A_309, %dma_start3A_310] : memref<1015808x32xf32, #tpu.memory_space<hbm>> -> memref<1015808x32xf32, #tpu.memory_space<hbm>>
      tpu.enqueue_indirect_dma source(%dma_start3A_311 : memref<1015808x32xf32, #tpu.memory_space<hbm>>) target(%dma_start3A_305 : memref<104x32xf32, #tpu.memory_space<vmem>>) offsets(%dma_start3A_308 : memref<104xi32, #tpu.memory_space<vmem>>) semaphore(%arg11 : memref<!tpu.dma_semaphore, #tpu.memory_space<semaphore_mem>>)
      %dma_start3A_312 = arith.constant 6 : i32
      %dma_start3A_313 = arith.constant 1304 : i32
      %dma_start3A_314 = arith.constant 0 : i32
      %dma_start3A_315 = tpu.memref_slice %arg8[%dma_start3A_313, %dma_start3A_314] : memref<1600x32xf32, #tpu.memory_space<vmem>> -> memref<96x32xf32, #tpu.memory_space<vmem>>
      %dma_start3A_316 = arith.constant 104 : i32
      %dma_start3A_317 = tpu.memref_slice %arg6[%dma_start3A_312, %dma_start3A_316] : memref<8x200xi32, #tpu.memory_space<vmem>> -> memref<1x96xi32, #tpu.memory_space<vmem>>
      %dma_start3A_318 = tpu.memref_squeeze %dma_start3A_317 : memref<1x96xi32, #tpu.memory_space<vmem>> -> memref<96xi32, #tpu.memory_space<vmem>>
      %dma_start3A_319 = arith.constant 0 : i32
      %dma_start3A_320 = arith.constant 0 : i32
      %dma_start3A_321 = tpu.memref_slice %arg3[%dma_start3A_319, %dma_start3A_320] : memref<1015808x32xf32, #tpu.memory_space<hbm>> -> memref<1015808x32xf32, #tpu.memory_space<hbm>>
      tpu.enqueue_indirect_dma source(%dma_start3A_321 : memref<1015808x32xf32, #tpu.memory_space<hbm>>) target(%dma_start3A_315 : memref<96x32xf32, #tpu.memory_space<vmem>>) offsets(%dma_start3A_318 : memref<96xi32, #tpu.memory_space<vmem>>) semaphore(%arg11 : memref<!tpu.dma_semaphore, #tpu.memory_space<semaphore_mem>>)
      %dma_start3A_322 = arith.constant 7 : i32
      %dma_start3A_323 = arith.constant 1400 : i32
      %dma_start3A_324 = arith.constant 0 : i32
      %dma_start3A_325 = tpu.memref_slice %arg8[%dma_start3A_323, %dma_start3A_324] : memref<1600x32xf32, #tpu.memory_space<vmem>> -> memref<104x32xf32, #tpu.memory_space<vmem>>
      %dma_start3A_326 = arith.constant 0 : i32
      %dma_start3A_327 = tpu.memref_slice %arg6[%dma_start3A_322, %dma_start3A_326] : memref<8x200xi32, #tpu.memory_space<vmem>> -> memref<1x104xi32, #tpu.memory_space<vmem>>
      %dma_start3A_328 = tpu.memref_squeeze %dma_start3A_327 : memref<1x104xi32, #tpu.memory_space<vmem>> -> memref<104xi32, #tpu.memory_space<vmem>>
      %dma_start3A_329 = arith.constant 0 : i32
      %dma_start3A_330 = arith.constant 0 : i32
      %dma_start3A_331 = tpu.memref_slice %arg3[%dma_start3A_329, %dma_start3A_330] : memref<1015808x32xf32, #tpu.memory_space<hbm>> -> memref<1015808x32xf32, #tpu.memory_space<hbm>>
      tpu.enqueue_indirect_dma source(%dma_start3A_331 : memref<1015808x32xf32, #tpu.memory_space<hbm>>) target(%dma_start3A_325 : memref<104x32xf32, #tpu.memory_space<vmem>>) offsets(%dma_start3A_328 : memref<104xi32, #tpu.memory_space<vmem>>) semaphore(%arg11 : memref<!tpu.dma_semaphore, #tpu.memory_space<semaphore_mem>>)
      %dma_start3A_332 = arith.constant 7 : i32
      %dma_start3A_333 = arith.constant 1504 : i32
      %dma_start3A_334 = arith.constant 0 : i32
      %dma_start3A_335 = tpu.memref_slice %arg8[%dma_start3A_333, %dma_start3A_334] : memref<1600x32xf32, #tpu.memory_space<vmem>> -> memref<96x32xf32, #tpu.memory_space<vmem>>
      %dma_start3A_336 = arith.constant 104 : i32
      %dma_start3A_337 = tpu.memref_slice %arg6[%dma_start3A_332, %dma_start3A_336] : memref<8x200xi32, #tpu.memory_space<vmem>> -> memref<1x96xi32, #tpu.memory_space<vmem>>
      %dma_start3A_338 = tpu.memref_squeeze %dma_start3A_337 : memref<1x96xi32, #tpu.memory_space<vmem>> -> memref<96xi32, #tpu.memory_space<vmem>>
      %dma_start3A_339 = arith.constant 0 : i32
      %dma_start3A_340 = arith.constant 0 : i32
      %dma_start3A_341 = tpu.memref_slice %arg3[%dma_start3A_339, %dma_start3A_340] : memref<1015808x32xf32, #tpu.memory_space<hbm>> -> memref<1015808x32xf32, #tpu.memory_space<hbm>>
      tpu.enqueue_indirect_dma source(%dma_start3A_341 : memref<1015808x32xf32, #tpu.memory_space<hbm>>) target(%dma_start3A_335 : memref<96x32xf32, #tpu.memory_space<vmem>>) offsets(%dma_start3A_338 : memref<96xi32, #tpu.memory_space<vmem>>) semaphore(%arg11 : memref<!tpu.dma_semaphore, #tpu.memory_space<semaphore_mem>>)
      %dma_wait3A = arith.constant 0 : i32
      %dma_wait3A_342 = arith.constant 0 : i32
      %dma_wait3A_343 = arith.constant 0 : i32
      %dma_wait3A_344 = tpu.memref_slice %arg7[%dma_wait3A_342, %dma_wait3A_343] : memref<1600x32xf32, #tpu.memory_space<vmem>> -> memref<104x32xf32, #tpu.memory_space<vmem>>
      %dma_wait3A_345 = arith.constant 0 : i32
      %dma_wait3A_346 = tpu.memref_slice %arg5[%dma_wait3A, %dma_wait3A_345] : memref<8x200xi32, #tpu.memory_space<vmem>> -> memref<1x104xi32, #tpu.memory_space<vmem>>
      %dma_wait3A_347 = tpu.memref_squeeze %dma_wait3A_346 : memref<1x104xi32, #tpu.memory_space<vmem>> -> memref<104xi32, #tpu.memory_space<vmem>>
      %dma_wait3A_348 = arith.constant 0 : i32
      %dma_wait3A_349 = arith.constant 0 : i32
      %dma_wait3A_350 = tpu.memref_slice %arg3[%dma_wait3A_348, %dma_wait3A_349] : memref<1015808x32xf32, #tpu.memory_space<hbm>> -> memref<1015808x32xf32, #tpu.memory_space<hbm>>
      tpu.wait_indirect_dma semaphore(%arg10 : memref<!tpu.dma_semaphore, #tpu.memory_space<semaphore_mem>>) src(%dma_wait3A_350 : memref<1015808x32xf32, #tpu.memory_space<hbm>>) dst(%dma_wait3A_344 : memref<104x32xf32, #tpu.memory_space<vmem>>)
      %dma_wait3A_351 = arith.constant 0 : i32
      %dma_wait3A_352 = arith.constant 104 : i32
      %dma_wait3A_353 = arith.constant 0 : i32
      %dma_wait3A_354 = tpu.memref_slice %arg7[%dma_wait3A_352, %dma_wait3A_353] : memref<1600x32xf32, #tpu.memory_space<vmem>> -> memref<96x32xf32, #tpu.memory_space<vmem>>
      %dma_wait3A_355 = arith.constant 104 : i32
      %dma_wait3A_356 = tpu.memref_slice %arg5[%dma_wait3A_351, %dma_wait3A_355] : memref<8x200xi32, #tpu.memory_space<vmem>> -> memref<1x96xi32, #tpu.memory_space<vmem>>
      %dma_wait3A_357 = tpu.memref_squeeze %dma_wait3A_356 : memref<1x96xi32, #tpu.memory_space<vmem>> -> memref<96xi32, #tpu.memory_space<vmem>>
      %dma_wait3A_358 = arith.constant 0 : i32
      %dma_wait3A_359 = arith.constant 0 : i32
      %dma_wait3A_360 = tpu.memref_slice %arg3[%dma_wait3A_358, %dma_wait3A_359] : memref<1015808x32xf32, #tpu.memory_space<hbm>> -> memref<1015808x32xf32, #tpu.memory_space<hbm>>
      tpu.wait_indirect_dma semaphore(%arg10 : memref<!tpu.dma_semaphore, #tpu.memory_space<semaphore_mem>>) src(%dma_wait3A_360 : memref<1015808x32xf32, #tpu.memory_space<hbm>>) dst(%dma_wait3A_354 : memref<96x32xf32, #tpu.memory_space<vmem>>)
      %dma_wait3A_361 = arith.constant 1 : i32
      %dma_wait3A_362 = arith.constant 200 : i32
      %dma_wait3A_363 = arith.constant 0 : i32
      %dma_wait3A_364 = tpu.memref_slice %arg7[%dma_wait3A_362, %dma_wait3A_363] : memref<1600x32xf32, #tpu.memory_space<vmem>> -> memref<104x32xf32, #tpu.memory_space<vmem>>
      %dma_wait3A_365 = arith.constant 0 : i32
      %dma_wait3A_366 = tpu.memref_slice %arg5[%dma_wait3A_361, %dma_wait3A_365] : memref<8x200xi32, #tpu.memory_space<vmem>> -> memref<1x104xi32, #tpu.memory_space<vmem>>
      %dma_wait3A_367 = tpu.memref_squeeze %dma_wait3A_366 : memref<1x104xi32, #tpu.memory_space<vmem>> -> memref<104xi32, #tpu.memory_space<vmem>>
      %dma_wait3A_368 = arith.constant 0 : i32
      %dma_wait3A_369 = arith.constant 0 : i32
      %dma_wait3A_370 = tpu.memref_slice %arg3[%dma_wait3A_368, %dma_wait3A_369] : memref<1015808x32xf32, #tpu.memory_space<hbm>> -> memref<1015808x32xf32, #tpu.memory_space<hbm>>
      tpu.wait_indirect_dma semaphore(%arg10 : memref<!tpu.dma_semaphore, #tpu.memory_space<semaphore_mem>>) src(%dma_wait3A_370 : memref<1015808x32xf32, #tpu.memory_space<hbm>>) dst(%dma_wait3A_364 : memref<104x32xf32, #tpu.memory_space<vmem>>)
      %dma_wait3A_371 = arith.constant 1 : i32
      %dma_wait3A_372 = arith.constant 304 : i32
      %dma_wait3A_373 = arith.constant 0 : i32
      %dma_wait3A_374 = tpu.memref_slice %arg7[%dma_wait3A_372, %dma_wait3A_373] : memref<1600x32xf32, #tpu.memory_space<vmem>> -> memref<96x32xf32, #tpu.memory_space<vmem>>
      %dma_wait3A_375 = arith.constant 104 : i32
      %dma_wait3A_376 = tpu.memref_slice %arg5[%dma_wait3A_371, %dma_wait3A_375] : memref<8x200xi32, #tpu.memory_space<vmem>> -> memref<1x96xi32, #tpu.memory_space<vmem>>
      %dma_wait3A_377 = tpu.memref_squeeze %dma_wait3A_376 : memref<1x96xi32, #tpu.memory_space<vmem>> -> memref<96xi32, #tpu.memory_space<vmem>>
      %dma_wait3A_378 = arith.constant 0 : i32
      %dma_wait3A_379 = arith.constant 0 : i32
      %dma_wait3A_380 = tpu.memref_slice %arg3[%dma_wait3A_378, %dma_wait3A_379] : memref<1015808x32xf32, #tpu.memory_space<hbm>> -> memref<1015808x32xf32, #tpu.memory_space<hbm>>
      tpu.wait_indirect_dma semaphore(%arg10 : memref<!tpu.dma_semaphore, #tpu.memory_space<semaphore_mem>>) src(%dma_wait3A_380 : memref<1015808x32xf32, #tpu.memory_space<hbm>>) dst(%dma_wait3A_374 : memref<96x32xf32, #tpu.memory_space<vmem>>)
      %dma_wait3A_381 = arith.constant 2 : i32
      %dma_wait3A_382 = arith.constant 400 : i32
      %dma_wait3A_383 = arith.constant 0 : i32
      %dma_wait3A_384 = tpu.memref_slice %arg7[%dma_wait3A_382, %dma_wait3A_383] : memref<1600x32xf32, #tpu.memory_space<vmem>> -> memref<104x32xf32, #tpu.memory_space<vmem>>
      %dma_wait3A_385 = arith.constant 0 : i32
      %dma_wait3A_386 = tpu.memref_slice %arg5[%dma_wait3A_381, %dma_wait3A_385] : memref<8x200xi32, #tpu.memory_space<vmem>> -> memref<1x104xi32, #tpu.memory_space<vmem>>
      %dma_wait3A_387 = tpu.memref_squeeze %dma_wait3A_386 : memref<1x104xi32, #tpu.memory_space<vmem>> -> memref<104xi32, #tpu.memory_space<vmem>>
      %dma_wait3A_388 = arith.constant 0 : i32
      %dma_wait3A_389 = arith.constant 0 : i32
      %dma_wait3A_390 = tpu.memref_slice %arg3[%dma_wait3A_388, %dma_wait3A_389] : memref<1015808x32xf32, #tpu.memory_space<hbm>> -> memref<1015808x32xf32, #tpu.memory_space<hbm>>
      tpu.wait_indirect_dma semaphore(%arg10 : memref<!tpu.dma_semaphore, #tpu.memory_space<semaphore_mem>>) src(%dma_wait3A_390 : memref<1015808x32xf32, #tpu.memory_space<hbm>>) dst(%dma_wait3A_384 : memref<104x32xf32, #tpu.memory_space<vmem>>)
      %dma_wait3A_391 = arith.constant 2 : i32
      %dma_wait3A_392 = arith.constant 504 : i32
      %dma_wait3A_393 = arith.constant 0 : i32
      %dma_wait3A_394 = tpu.memref_slice %arg7[%dma_wait3A_392, %dma_wait3A_393] : memref<1600x32xf32, #tpu.memory_space<vmem>> -> memref<96x32xf32, #tpu.memory_space<vmem>>
      %dma_wait3A_395 = arith.constant 104 : i32
      %dma_wait3A_396 = tpu.memref_slice %arg5[%dma_wait3A_391, %dma_wait3A_395] : memref<8x200xi32, #tpu.memory_space<vmem>> -> memref<1x96xi32, #tpu.memory_space<vmem>>
      %dma_wait3A_397 = tpu.memref_squeeze %dma_wait3A_396 : memref<1x96xi32, #tpu.memory_space<vmem>> -> memref<96xi32, #tpu.memory_space<vmem>>
      %dma_wait3A_398 = arith.constant 0 : i32
      %dma_wait3A_399 = arith.constant 0 : i32
      %dma_wait3A_400 = tpu.memref_slice %arg3[%dma_wait3A_398, %dma_wait3A_399] : memref<1015808x32xf32, #tpu.memory_space<hbm>> -> memref<1015808x32xf32, #tpu.memory_space<hbm>>
      tpu.wait_indirect_dma semaphore(%arg10 : memref<!tpu.dma_semaphore, #tpu.memory_space<semaphore_mem>>) src(%dma_wait3A_400 : memref<1015808x32xf32, #tpu.memory_space<hbm>>) dst(%dma_wait3A_394 : memref<96x32xf32, #tpu.memory_space<vmem>>)
      %dma_wait3A_401 = arith.constant 3 : i32
      %dma_wait3A_402 = arith.constant 600 : i32
      %dma_wait3A_403 = arith.constant 0 : i32
      %dma_wait3A_404 = tpu.memref_slice %arg7[%dma_wait3A_402, %dma_wait3A_403] : memref<1600x32xf32, #tpu.memory_space<vmem>> -> memref<104x32xf32, #tpu.memory_space<vmem>>
      %dma_wait3A_405 = arith.constant 0 : i32
      %dma_wait3A_406 = tpu.memref_slice %arg5[%dma_wait3A_401, %dma_wait3A_405] : memref<8x200xi32, #tpu.memory_space<vmem>> -> memref<1x104xi32, #tpu.memory_space<vmem>>
      %dma_wait3A_407 = tpu.memref_squeeze %dma_wait3A_406 : memref<1x104xi32, #tpu.memory_space<vmem>> -> memref<104xi32, #tpu.memory_space<vmem>>
      %dma_wait3A_408 = arith.constant 0 : i32
      %dma_wait3A_409 = arith.constant 0 : i32
      %dma_wait3A_410 = tpu.memref_slice %arg3[%dma_wait3A_408, %dma_wait3A_409] : memref<1015808x32xf32, #tpu.memory_space<hbm>> -> memref<1015808x32xf32, #tpu.memory_space<hbm>>
      tpu.wait_indirect_dma semaphore(%arg10 : memref<!tpu.dma_semaphore, #tpu.memory_space<semaphore_mem>>) src(%dma_wait3A_410 : memref<1015808x32xf32, #tpu.memory_space<hbm>>) dst(%dma_wait3A_404 : memref<104x32xf32, #tpu.memory_space<vmem>>)
      %dma_wait3A_411 = arith.constant 3 : i32
      %dma_wait3A_412 = arith.constant 704 : i32
      %dma_wait3A_413 = arith.constant 0 : i32
      %dma_wait3A_414 = tpu.memref_slice %arg7[%dma_wait3A_412, %dma_wait3A_413] : memref<1600x32xf32, #tpu.memory_space<vmem>> -> memref<96x32xf32, #tpu.memory_space<vmem>>
      %dma_wait3A_415 = arith.constant 104 : i32
      %dma_wait3A_416 = tpu.memref_slice %arg5[%dma_wait3A_411, %dma_wait3A_415] : memref<8x200xi32, #tpu.memory_space<vmem>> -> memref<1x96xi32, #tpu.memory_space<vmem>>
      %dma_wait3A_417 = tpu.memref_squeeze %dma_wait3A_416 : memref<1x96xi32, #tpu.memory_space<vmem>> -> memref<96xi32, #tpu.memory_space<vmem>>
      %dma_wait3A_418 = arith.constant 0 : i32
      %dma_wait3A_419 = arith.constant 0 : i32
      %dma_wait3A_420 = tpu.memref_slice %arg3[%dma_wait3A_418, %dma_wait3A_419] : memref<1015808x32xf32, #tpu.memory_space<hbm>> -> memref<1015808x32xf32, #tpu.memory_space<hbm>>
      tpu.wait_indirect_dma semaphore(%arg10 : memref<!tpu.dma_semaphore, #tpu.memory_space<semaphore_mem>>) src(%dma_wait3A_420 : memref<1015808x32xf32, #tpu.memory_space<hbm>>) dst(%dma_wait3A_414 : memref<96x32xf32, #tpu.memory_space<vmem>>)
      %dma_wait3A_421 = arith.constant 4 : i32
      %dma_wait3A_422 = arith.constant 800 : i32
      %dma_wait3A_423 = arith.constant 0 : i32
      %dma_wait3A_424 = tpu.memref_slice %arg7[%dma_wait3A_422, %dma_wait3A_423] : memref<1600x32xf32, #tpu.memory_space<vmem>> -> memref<104x32xf32, #tpu.memory_space<vmem>>
      %dma_wait3A_425 = arith.constant 0 : i32
      %dma_wait3A_426 = tpu.memref_slice %arg5[%dma_wait3A_421, %dma_wait3A_425] : memref<8x200xi32, #tpu.memory_space<vmem>> -> memref<1x104xi32, #tpu.memory_space<vmem>>
      %dma_wait3A_427 = tpu.memref_squeeze %dma_wait3A_426 : memref<1x104xi32, #tpu.memory_space<vmem>> -> memref<104xi32, #tpu.memory_space<vmem>>
      %dma_wait3A_428 = arith.constant 0 : i32
      %dma_wait3A_429 = arith.constant 0 : i32
      %dma_wait3A_430 = tpu.memref_slice %arg3[%dma_wait3A_428, %dma_wait3A_429] : memref<1015808x32xf32, #tpu.memory_space<hbm>> -> memref<1015808x32xf32, #tpu.memory_space<hbm>>
      tpu.wait_indirect_dma semaphore(%arg10 : memref<!tpu.dma_semaphore, #tpu.memory_space<semaphore_mem>>) src(%dma_wait3A_430 : memref<1015808x32xf32, #tpu.memory_space<hbm>>) dst(%dma_wait3A_424 : memref<104x32xf32, #tpu.memory_space<vmem>>)
      %dma_wait3A_431 = arith.constant 4 : i32
      %dma_wait3A_432 = arith.constant 904 : i32
      %dma_wait3A_433 = arith.constant 0 : i32
      %dma_wait3A_434 = tpu.memref_slice %arg7[%dma_wait3A_432, %dma_wait3A_433] : memref<1600x32xf32, #tpu.memory_space<vmem>> -> memref<96x32xf32, #tpu.memory_space<vmem>>
      %dma_wait3A_435 = arith.constant 104 : i32
      %dma_wait3A_436 = tpu.memref_slice %arg5[%dma_wait3A_431, %dma_wait3A_435] : memref<8x200xi32, #tpu.memory_space<vmem>> -> memref<1x96xi32, #tpu.memory_space<vmem>>
      %dma_wait3A_437 = tpu.memref_squeeze %dma_wait3A_436 : memref<1x96xi32, #tpu.memory_space<vmem>> -> memref<96xi32, #tpu.memory_space<vmem>>
      %dma_wait3A_438 = arith.constant 0 : i32
      %dma_wait3A_439 = arith.constant 0 : i32
      %dma_wait3A_440 = tpu.memref_slice %arg3[%dma_wait3A_438, %dma_wait3A_439] : memref<1015808x32xf32, #tpu.memory_space<hbm>> -> memref<1015808x32xf32, #tpu.memory_space<hbm>>
      tpu.wait_indirect_dma semaphore(%arg10 : memref<!tpu.dma_semaphore, #tpu.memory_space<semaphore_mem>>) src(%dma_wait3A_440 : memref<1015808x32xf32, #tpu.memory_space<hbm>>) dst(%dma_wait3A_434 : memref<96x32xf32, #tpu.memory_space<vmem>>)
      %dma_wait3A_441 = arith.constant 5 : i32
      %dma_wait3A_442 = arith.constant 1000 : i32
      %dma_wait3A_443 = arith.constant 0 : i32
      %dma_wait3A_444 = tpu.memref_slice %arg7[%dma_wait3A_442, %dma_wait3A_443] : memref<1600x32xf32, #tpu.memory_space<vmem>> -> memref<104x32xf32, #tpu.memory_space<vmem>>
      %dma_wait3A_445 = arith.constant 0 : i32
      %dma_wait3A_446 = tpu.memref_slice %arg5[%dma_wait3A_441, %dma_wait3A_445] : memref<8x200xi32, #tpu.memory_space<vmem>> -> memref<1x104xi32, #tpu.memory_space<vmem>>
      %dma_wait3A_447 = tpu.memref_squeeze %dma_wait3A_446 : memref<1x104xi32, #tpu.memory_space<vmem>> -> memref<104xi32, #tpu.memory_space<vmem>>
      %dma_wait3A_448 = arith.constant 0 : i32
      %dma_wait3A_449 = arith.constant 0 : i32
      %dma_wait3A_450 = tpu.memref_slice %arg3[%dma_wait3A_448, %dma_wait3A_449] : memref<1015808x32xf32, #tpu.memory_space<hbm>> -> memref<1015808x32xf32, #tpu.memory_space<hbm>>
      tpu.wait_indirect_dma semaphore(%arg10 : memref<!tpu.dma_semaphore, #tpu.memory_space<semaphore_mem>>) src(%dma_wait3A_450 : memref<1015808x32xf32, #tpu.memory_space<hbm>>) dst(%dma_wait3A_444 : memref<104x32xf32, #tpu.memory_space<vmem>>)
      %dma_wait3A_451 = arith.constant 5 : i32
      %dma_wait3A_452 = arith.constant 1104 : i32
      %dma_wait3A_453 = arith.constant 0 : i32
      %dma_wait3A_454 = tpu.memref_slice %arg7[%dma_wait3A_452, %dma_wait3A_453] : memref<1600x32xf32, #tpu.memory_space<vmem>> -> memref<96x32xf32, #tpu.memory_space<vmem>>
      %dma_wait3A_455 = arith.constant 104 : i32
      %dma_wait3A_456 = tpu.memref_slice %arg5[%dma_wait3A_451, %dma_wait3A_455] : memref<8x200xi32, #tpu.memory_space<vmem>> -> memref<1x96xi32, #tpu.memory_space<vmem>>
      %dma_wait3A_457 = tpu.memref_squeeze %dma_wait3A_456 : memref<1x96xi32, #tpu.memory_space<vmem>> -> memref<96xi32, #tpu.memory_space<vmem>>
      %dma_wait3A_458 = arith.constant 0 : i32
      %dma_wait3A_459 = arith.constant 0 : i32
      %dma_wait3A_460 = tpu.memref_slice %arg3[%dma_wait3A_458, %dma_wait3A_459] : memref<1015808x32xf32, #tpu.memory_space<hbm>> -> memref<1015808x32xf32, #tpu.memory_space<hbm>>
      tpu.wait_indirect_dma semaphore(%arg10 : memref<!tpu.dma_semaphore, #tpu.memory_space<semaphore_mem>>) src(%dma_wait3A_460 : memref<1015808x32xf32, #tpu.memory_space<hbm>>) dst(%dma_wait3A_454 : memref<96x32xf32, #tpu.memory_space<vmem>>)
      %dma_wait3A_461 = arith.constant 6 : i32
      %dma_wait3A_462 = arith.constant 1200 : i32
      %dma_wait3A_463 = arith.constant 0 : i32
      %dma_wait3A_464 = tpu.memref_slice %arg7[%dma_wait3A_462, %dma_wait3A_463] : memref<1600x32xf32, #tpu.memory_space<vmem>> -> memref<104x32xf32, #tpu.memory_space<vmem>>
      %dma_wait3A_465 = arith.constant 0 : i32
      %dma_wait3A_466 = tpu.memref_slice %arg5[%dma_wait3A_461, %dma_wait3A_465] : memref<8x200xi32, #tpu.memory_space<vmem>> -> memref<1x104xi32, #tpu.memory_space<vmem>>
      %dma_wait3A_467 = tpu.memref_squeeze %dma_wait3A_466 : memref<1x104xi32, #tpu.memory_space<vmem>> -> memref<104xi32, #tpu.memory_space<vmem>>
      %dma_wait3A_468 = arith.constant 0 : i32
      %dma_wait3A_469 = arith.constant 0 : i32
      %dma_wait3A_470 = tpu.memref_slice %arg3[%dma_wait3A_468, %dma_wait3A_469] : memref<1015808x32xf32, #tpu.memory_space<hbm>> -> memref<1015808x32xf32, #tpu.memory_space<hbm>>
      tpu.wait_indirect_dma semaphore(%arg10 : memref<!tpu.dma_semaphore, #tpu.memory_space<semaphore_mem>>) src(%dma_wait3A_470 : memref<1015808x32xf32, #tpu.memory_space<hbm>>) dst(%dma_wait3A_464 : memref<104x32xf32, #tpu.memory_space<vmem>>)
      %dma_wait3A_471 = arith.constant 6 : i32
      %dma_wait3A_472 = arith.constant 1304 : i32
      %dma_wait3A_473 = arith.constant 0 : i32
      %dma_wait3A_474 = tpu.memref_slice %arg7[%dma_wait3A_472, %dma_wait3A_473] : memref<1600x32xf32, #tpu.memory_space<vmem>> -> memref<96x32xf32, #tpu.memory_space<vmem>>
      %dma_wait3A_475 = arith.constant 104 : i32
      %dma_wait3A_476 = tpu.memref_slice %arg5[%dma_wait3A_471, %dma_wait3A_475] : memref<8x200xi32, #tpu.memory_space<vmem>> -> memref<1x96xi32, #tpu.memory_space<vmem>>
      %dma_wait3A_477 = tpu.memref_squeeze %dma_wait3A_476 : memref<1x96xi32, #tpu.memory_space<vmem>> -> memref<96xi32, #tpu.memory_space<vmem>>
      %dma_wait3A_478 = arith.constant 0 : i32
      %dma_wait3A_479 = arith.constant 0 : i32
      %dma_wait3A_480 = tpu.memref_slice %arg3[%dma_wait3A_478, %dma_wait3A_479] : memref<1015808x32xf32, #tpu.memory_space<hbm>> -> memref<1015808x32xf32, #tpu.memory_space<hbm>>
      tpu.wait_indirect_dma semaphore(%arg10 : memref<!tpu.dma_semaphore, #tpu.memory_space<semaphore_mem>>) src(%dma_wait3A_480 : memref<1015808x32xf32, #tpu.memory_space<hbm>>) dst(%dma_wait3A_474 : memref<96x32xf32, #tpu.memory_space<vmem>>)
      %dma_wait3A_481 = arith.constant 7 : i32
      %dma_wait3A_482 = arith.constant 1400 : i32
      %dma_wait3A_483 = arith.constant 0 : i32
      %dma_wait3A_484 = tpu.memref_slice %arg7[%dma_wait3A_482, %dma_wait3A_483] : memref<1600x32xf32, #tpu.memory_space<vmem>> -> memref<104x32xf32, #tpu.memory_space<vmem>>
      %dma_wait3A_485 = arith.constant 0 : i32
      %dma_wait3A_486 = tpu.memref_slice %arg5[%dma_wait3A_481, %dma_wait3A_485] : memref<8x200xi32, #tpu.memory_space<vmem>> -> memref<1x104xi32, #tpu.memory_space<vmem>>
      %dma_wait3A_487 = tpu.memref_squeeze %dma_wait3A_486 : memref<1x104xi32, #tpu.memory_space<vmem>> -> memref<104xi32, #tpu.memory_space<vmem>>
      %dma_wait3A_488 = arith.constant 0 : i32
      %dma_wait3A_489 = arith.constant 0 : i32
      %dma_wait3A_490 = tpu.memref_slice %arg3[%dma_wait3A_488, %dma_wait3A_489] : memref<1015808x32xf32, #tpu.memory_space<hbm>> -> memref<1015808x32xf32, #tpu.memory_space<hbm>>
      tpu.wait_indirect_dma semaphore(%arg10 : memref<!tpu.dma_semaphore, #tpu.memory_space<semaphore_mem>>) src(%dma_wait3A_490 : memref<1015808x32xf32, #tpu.memory_space<hbm>>) dst(%dma_wait3A_484 : memref<104x32xf32, #tpu.memory_space<vmem>>)
      %dma_wait3A_491 = arith.constant 7 : i32
      %dma_wait3A_492 = arith.constant 1504 : i32
      %dma_wait3A_493 = arith.constant 0 : i32
      %dma_wait3A_494 = tpu.memref_slice %arg7[%dma_wait3A_492, %dma_wait3A_493] : memref<1600x32xf32, #tpu.memory_space<vmem>> -> memref<96x32xf32, #tpu.memory_space<vmem>>
      %dma_wait3A_495 = arith.constant 104 : i32
      %dma_wait3A_496 = tpu.memref_slice %arg5[%dma_wait3A_491, %dma_wait3A_495] : memref<8x200xi32, #tpu.memory_space<vmem>> -> memref<1x96xi32, #tpu.memory_space<vmem>>
      %dma_wait3A_497 = tpu.memref_squeeze %dma_wait3A_496 : memref<1x96xi32, #tpu.memory_space<vmem>> -> memref<96xi32, #tpu.memory_space<vmem>>
      %dma_wait3A_498 = arith.constant 0 : i32
      %dma_wait3A_499 = arith.constant 0 : i32
      %dma_wait3A_500 = tpu.memref_slice %arg3[%dma_wait3A_498, %dma_wait3A_499] : memref<1015808x32xf32, #tpu.memory_space<hbm>> -> memref<1015808x32xf32, #tpu.memory_space<hbm>>
      tpu.wait_indirect_dma semaphore(%arg10 : memref<!tpu.dma_semaphore, #tpu.memory_space<semaphore_mem>>) src(%dma_wait3A_500 : memref<1015808x32xf32, #tpu.memory_space<hbm>>) dst(%dma_wait3A_494 : memref<96x32xf32, #tpu.memory_space<vmem>>)
      %mul3A_501 = arith.constant 8 : i32
      %mul3A_502 = arith.muli %mul3A_176, %mul3A_501 : i32
      %add3A_503 = arith.constant 0 : i32
      %add3A_504 = arith.addi %mul3A_502, %add3A_503 : i32
      %mul3A_505 = arith.constant 32 : i32
      %mul3A_506 = arith.muli %add3A_504, %mul3A_505 : i32
      %scan3A_507 = arith.constant 0 : i32
      %scan3A_508 = arith.constant 25 : i32
      %scan3A_509 = arith.addi %scan3A_507, %scan3A_508 : i32
      %scan3A_510 = arith.constant 1 : i32
      %scan3A_511:8 = scf.for %scan3A_1112 = %scan3A_507 to %scan3A_509 step %scan3A_510 iter_args(%scan3A_1113 = %broadcast_in_dim3A_3, %scan3A_1114 = %broadcast_in_dim3A_3, %scan3A_1115 = %broadcast_in_dim3A_3, %scan3A_1116 = %broadcast_in_dim3A_3, %scan3A_1117 = %broadcast_in_dim3A_3, %scan3A_1118 = %broadcast_in_dim3A_3, %scan3A_1119 = %broadcast_in_dim3A_3, %scan3A_1120 = %broadcast_in_dim3A_3) -> (vector<16xf32>, vector<16xf32>, vector<16xf32>, vector<16xf32>, vector<16xf32>, vector<16xf32>, vector<16xf32>, vector<16xf32>)  : i32 {
        %mul3A_1121 = arith.constant 8 : i32
        %mul3A_1122 = arith.muli %scan3A_1112, %mul3A_1121 : i32
        %add3A_1123 = arith.constant 0 : i32
        %add3A_1124 = arith.addi %add3A_1123, %mul3A_1122 : i32
        %add3A_1125 = arith.constant 0 : i32
        %add3A_1126 = arith.addi %add3A_1124, %add3A_1125 : i32
        %get3A = arith.index_cast %add3A_1126 : i32 to index
        %get3A_1127 = arith.constant 0 : index
        %get3A_1128 = tpu.vector_load %arg7[%get3A, %get3A_1127] {strides = array<i32>} : memref<1600x32xf32, #tpu.memory_space<vmem>>, vector<1x16xf32>,
        %get3A_1129 = vector.shape_cast %get3A_1128 : vector<1x16xf32> to vector<16xf32>
        %add3A_1130 = arith.addf %scan3A_1113, %get3A_1129 : vector<16xf32>
        %add3A_1131 = arith.constant 0 : i32
        %add3A_1132 = arith.addi %add3A_1124, %add3A_1131 : i32
        %get3A_1133 = arith.index_cast %add3A_1132 : i32 to index
        %get3A_1134 = arith.constant 16 : index
        %get3A_1135 = tpu.vector_load %arg7[%get3A_1133, %get3A_1134] {strides = array<i32>} : memref<1600x32xf32, #tpu.memory_space<vmem>>, vector<1x16xf32>,
        %get3A_1136 = vector.shape_cast %get3A_1135 : vector<1x16xf32> to vector<16xf32>
        %add3A_1137 = arith.addf %scan3A_1114, %get3A_1136 : vector<16xf32>
        %add3A_1138 = arith.constant 1 : i32
        %add3A_1139 = arith.addi %add3A_1124, %add3A_1138 : i32
        %get3A_1140 = arith.index_cast %add3A_1139 : i32 to index
        %get3A_1141 = arith.constant 0 : index
        %get3A_1142 = tpu.vector_load %arg7[%get3A_1140, %get3A_1141] {strides = array<i32>} : memref<1600x32xf32, #tpu.memory_space<vmem>>, vector<1x16xf32>,
        %get3A_1143 = vector.shape_cast %get3A_1142 : vector<1x16xf32> to vector<16xf32>
        %add3A_1144 = arith.addf %scan3A_1115, %get3A_1143 : vector<16xf32>
        %add3A_1145 = arith.constant 1 : i32
        %add3A_1146 = arith.addi %add3A_1124, %add3A_1145 : i32
        %get3A_1147 = arith.index_cast %add3A_1146 : i32 to index
        %get3A_1148 = arith.constant 16 : index
        %get3A_1149 = tpu.vector_load %arg7[%get3A_1147, %get3A_1148] {strides = array<i32>} : memref<1600x32xf32, #tpu.memory_space<vmem>>, vector<1x16xf32>,
        %get3A_1150 = vector.shape_cast %get3A_1149 : vector<1x16xf32> to vector<16xf32>
        %add3A_1151 = arith.addf %scan3A_1116, %get3A_1150 : vector<16xf32>
        %add3A_1152 = arith.constant 2 : i32
        %add3A_1153 = arith.addi %add3A_1124, %add3A_1152 : i32
        %get3A_1154 = arith.index_cast %add3A_1153 : i32 to index
        %get3A_1155 = arith.constant 0 : index
        %get3A_1156 = tpu.vector_load %arg7[%get3A_1154, %get3A_1155] {strides = array<i32>} : memref<1600x32xf32, #tpu.memory_space<vmem>>, vector<1x16xf32>,
        %get3A_1157 = vector.shape_cast %get3A_1156 : vector<1x16xf32> to vector<16xf32>
        %add3A_1158 = arith.addf %scan3A_1117, %get3A_1157 : vector<16xf32>
        %add3A_1159 = arith.constant 2 : i32
        %add3A_1160 = arith.addi %add3A_1124, %add3A_1159 : i32
        %get3A_1161 = arith.index_cast %add3A_1160 : i32 to index
        %get3A_1162 = arith.constant 16 : index
        %get3A_1163 = tpu.vector_load %arg7[%get3A_1161, %get3A_1162] {strides = array<i32>} : memref<1600x32xf32, #tpu.memory_space<vmem>>, vector<1x16xf32>,
        %get3A_1164 = vector.shape_cast %get3A_1163 : vector<1x16xf32> to vector<16xf32>
        %add3A_1165 = arith.addf %scan3A_1118, %get3A_1164 : vector<16xf32>
        %add3A_1166 = arith.constant 3 : i32
        %add3A_1167 = arith.addi %add3A_1124, %add3A_1166 : i32
        %get3A_1168 = arith.index_cast %add3A_1167 : i32 to index
        %get3A_1169 = arith.constant 0 : index
        %get3A_1170 = tpu.vector_load %arg7[%get3A_1168, %get3A_1169] {strides = array<i32>} : memref<1600x32xf32, #tpu.memory_space<vmem>>, vector<1x16xf32>,
        %get3A_1171 = vector.shape_cast %get3A_1170 : vector<1x16xf32> to vector<16xf32>
        %add3A_1172 = arith.addf %scan3A_1119, %get3A_1171 : vector<16xf32>
        %add3A_1173 = arith.constant 3 : i32
        %add3A_1174 = arith.addi %add3A_1124, %add3A_1173 : i32
        %get3A_1175 = arith.index_cast %add3A_1174 : i32 to index
        %get3A_1176 = arith.constant 16 : index
        %get3A_1177 = tpu.vector_load %arg7[%get3A_1175, %get3A_1176] {strides = array<i32>} : memref<1600x32xf32, #tpu.memory_space<vmem>>, vector<1x16xf32>,
        %get3A_1178 = vector.shape_cast %get3A_1177 : vector<1x16xf32> to vector<16xf32>
        %add3A_1179 = arith.addf %scan3A_1120, %get3A_1178 : vector<16xf32>
        %add3A_1180 = arith.constant 4 : i32
        %add3A_1181 = arith.addi %add3A_1124, %add3A_1180 : i32
        %get3A_1182 = arith.index_cast %add3A_1181 : i32 to index
        %get3A_1183 = arith.constant 0 : index
        %get3A_1184 = tpu.vector_load %arg7[%get3A_1182, %get3A_1183] {strides = array<i32>} : memref<1600x32xf32, #tpu.memory_space<vmem>>, vector<1x16xf32>,
        %get3A_1185 = vector.shape_cast %get3A_1184 : vector<1x16xf32> to vector<16xf32>
        %add3A_1186 = arith.addf %add3A_1130, %get3A_1185 : vector<16xf32>
        %add3A_1187 = arith.constant 4 : i32
        %add3A_1188 = arith.addi %add3A_1124, %add3A_1187 : i32
        %get3A_1189 = arith.index_cast %add3A_1188 : i32 to index
        %get3A_1190 = arith.constant 16 : index
        %get3A_1191 = tpu.vector_load %arg7[%get3A_1189, %get3A_1190] {strides = array<i32>} : memref<1600x32xf32, #tpu.memory_space<vmem>>, vector<1x16xf32>,
        %get3A_1192 = vector.shape_cast %get3A_1191 : vector<1x16xf32> to vector<16xf32>
        %add3A_1193 = arith.addf %add3A_1137, %get3A_1192 : vector<16xf32>
        %add3A_1194 = arith.constant 5 : i32
        %add3A_1195 = arith.addi %add3A_1124, %add3A_1194 : i32
        %get3A_1196 = arith.index_cast %add3A_1195 : i32 to index
        %get3A_1197 = arith.constant 0 : index
        %get3A_1198 = tpu.vector_load %arg7[%get3A_1196, %get3A_1197] {strides = array<i32>} : memref<1600x32xf32, #tpu.memory_space<vmem>>, vector<1x16xf32>,
        %get3A_1199 = vector.shape_cast %get3A_1198 : vector<1x16xf32> to vector<16xf32>
        %add3A_1200 = arith.addf %add3A_1144, %get3A_1199 : vector<16xf32>
        %add3A_1201 = arith.constant 5 : i32
        %add3A_1202 = arith.addi %add3A_1124, %add3A_1201 : i32
        %get3A_1203 = arith.index_cast %add3A_1202 : i32 to index
        %get3A_1204 = arith.constant 16 : index
        %get3A_1205 = tpu.vector_load %arg7[%get3A_1203, %get3A_1204] {strides = array<i32>} : memref<1600x32xf32, #tpu.memory_space<vmem>>, vector<1x16xf32>,
        %get3A_1206 = vector.shape_cast %get3A_1205 : vector<1x16xf32> to vector<16xf32>
        %add3A_1207 = arith.addf %add3A_1151, %get3A_1206 : vector<16xf32>
        %add3A_1208 = arith.constant 6 : i32
        %add3A_1209 = arith.addi %add3A_1124, %add3A_1208 : i32
        %get3A_1210 = arith.index_cast %add3A_1209 : i32 to index
        %get3A_1211 = arith.constant 0 : index
        %get3A_1212 = tpu.vector_load %arg7[%get3A_1210, %get3A_1211] {strides = array<i32>} : memref<1600x32xf32, #tpu.memory_space<vmem>>, vector<1x16xf32>,
        %get3A_1213 = vector.shape_cast %get3A_1212 : vector<1x16xf32> to vector<16xf32>
        %add3A_1214 = arith.addf %add3A_1158, %get3A_1213 : vector<16xf32>
        %add3A_1215 = arith.constant 6 : i32
        %add3A_1216 = arith.addi %add3A_1124, %add3A_1215 : i32
        %get3A_1217 = arith.index_cast %add3A_1216 : i32 to index
        %get3A_1218 = arith.constant 16 : index
        %get3A_1219 = tpu.vector_load %arg7[%get3A_1217, %get3A_1218] {strides = array<i32>} : memref<1600x32xf32, #tpu.memory_space<vmem>>, vector<1x16xf32>,
        %get3A_1220 = vector.shape_cast %get3A_1219 : vector<1x16xf32> to vector<16xf32>
        %add3A_1221 = arith.addf %add3A_1165, %get3A_1220 : vector<16xf32>
        %add3A_1222 = arith.constant 7 : i32
        %add3A_1223 = arith.addi %add3A_1124, %add3A_1222 : i32
        %get3A_1224 = arith.index_cast %add3A_1223 : i32 to index
        %get3A_1225 = arith.constant 0 : index
        %get3A_1226 = tpu.vector_load %arg7[%get3A_1224, %get3A_1225] {strides = array<i32>} : memref<1600x32xf32, #tpu.memory_space<vmem>>, vector<1x16xf32>,
        %get3A_1227 = vector.shape_cast %get3A_1226 : vector<1x16xf32> to vector<16xf32>
        %add3A_1228 = arith.addf %add3A_1172, %get3A_1227 : vector<16xf32>
        %add3A_1229 = arith.constant 7 : i32
        %add3A_1230 = arith.addi %add3A_1124, %add3A_1229 : i32
        %get3A_1231 = arith.index_cast %add3A_1230 : i32 to index
        %get3A_1232 = arith.constant 16 : index
        %get3A_1233 = tpu.vector_load %arg7[%get3A_1231, %get3A_1232] {strides = array<i32>} : memref<1600x32xf32, #tpu.memory_space<vmem>>, vector<1x16xf32>,
        %get3A_1234 = vector.shape_cast %get3A_1233 : vector<1x16xf32> to vector<16xf32>
        %add3A_1235 = arith.addf %add3A_1179, %get3A_1234 : vector<16xf32>
        scf.yield %add3A_1186, %add3A_1193, %add3A_1200, %add3A_1207, %add3A_1214, %add3A_1221, %add3A_1228, %add3A_1235 : vector<16xf32>, vector<16xf32>, vector<16xf32>, vector<16xf32>, vector<16xf32>, vector<16xf32>, vector<16xf32>, vector<16xf32>
      }
      %scan3A_512 = arith.constant 25 : i32
      %add3A_513 = arith.addf %scan3A_511#0, %scan3A_511#2 : vector<16xf32>
      %add3A_514 = arith.addf %scan3A_511#1, %scan3A_511#3 : vector<16xf32>
      %add3A_515 = arith.addf %add3A_513, %scan3A_511#4 : vector<16xf32>
      %add3A_516 = arith.addf %add3A_514, %scan3A_511#5 : vector<16xf32>
      %add3A_517 = arith.addf %add3A_515, %scan3A_511#6 : vector<16xf32>
      %add3A_518 = arith.addf %add3A_516, %scan3A_511#7 : vector<16xf32>
      %swap3A = arith.index_cast %mul3A_506 : i32 to index
      %swap3A_519 = tpu.vector_load %arg9[%swap3A] {strides = array<i32>} : memref<16384xf32, #tpu.memory_space<vmem>>, vector<16xf32>,
      %swap3A_520 = vector.shape_cast %swap3A_519 : vector<16xf32> to vector<16xf32>
      %swap3A_521 = vector.shape_cast %add3A_517 : vector<16xf32> to vector<16xf32>
      tpu.vector_store %arg9[%swap3A], %swap3A_521 {strides = array<i32>} : memref<16384xf32, #tpu.memory_space<vmem>>, vector<16xf32>,
      %add3A_522 = arith.constant 16 : i32
      %add3A_523 = arith.addi %mul3A_506, %add3A_522 : i32
      %swap3A_524 = arith.index_cast %add3A_523 : i32 to index
      %swap3A_525 = tpu.vector_load %arg9[%swap3A_524] {strides = array<i32>} : memref<16384xf32, #tpu.memory_space<vmem>>, vector<16xf32>,
      %swap3A_526 = vector.shape_cast %swap3A_525 : vector<16xf32> to vector<16xf32>
      %swap3A_527 = vector.shape_cast %add3A_518 : vector<16xf32> to vector<16xf32>
      tpu.vector_store %arg9[%swap3A_524], %swap3A_527 {strides = array<i32>} : memref<16384xf32, #tpu.memory_space<vmem>>, vector<16xf32>,
      %mul3A_528 = arith.constant 8 : i32
      %mul3A_529 = arith.muli %mul3A_176, %mul3A_528 : i32
      %add3A_530 = arith.constant 1 : i32
      %add3A_531 = arith.addi %mul3A_529, %add3A_530 : i32
      %mul3A_532 = arith.constant 32 : i32
      %mul3A_533 = arith.muli %add3A_531, %mul3A_532 : i32
      %scan3A_534 = arith.constant 0 : i32
      %scan3A_535 = arith.constant 25 : i32
      %scan3A_536 = arith.addi %scan3A_534, %scan3A_535 : i32
      %scan3A_537 = arith.constant 1 : i32
      %scan3A_538:8 = scf.for %scan3A_1112 = %scan3A_534 to %scan3A_536 step %scan3A_537 iter_args(%scan3A_1113 = %broadcast_in_dim3A_3, %scan3A_1114 = %broadcast_in_dim3A_3, %scan3A_1115 = %broadcast_in_dim3A_3, %scan3A_1116 = %broadcast_in_dim3A_3, %scan3A_1117 = %broadcast_in_dim3A_3, %scan3A_1118 = %broadcast_in_dim3A_3, %scan3A_1119 = %broadcast_in_dim3A_3, %scan3A_1120 = %broadcast_in_dim3A_3) -> (vector<16xf32>, vector<16xf32>, vector<16xf32>, vector<16xf32>, vector<16xf32>, vector<16xf32>, vector<16xf32>, vector<16xf32>)  : i32 {
        %mul3A_1121 = arith.constant 8 : i32
        %mul3A_1122 = arith.muli %scan3A_1112, %mul3A_1121 : i32
        %add3A_1123 = arith.constant 200 : i32
        %add3A_1124 = arith.addi %add3A_1123, %mul3A_1122 : i32
        %add3A_1125 = arith.constant 0 : i32
        %add3A_1126 = arith.addi %add3A_1124, %add3A_1125 : i32
        %get3A = arith.index_cast %add3A_1126 : i32 to index
        %get3A_1127 = arith.constant 0 : index
        %get3A_1128 = tpu.vector_load %arg7[%get3A, %get3A_1127] {strides = array<i32>} : memref<1600x32xf32, #tpu.memory_space<vmem>>, vector<1x16xf32>,
        %get3A_1129 = vector.shape_cast %get3A_1128 : vector<1x16xf32> to vector<16xf32>
        %add3A_1130 = arith.addf %scan3A_1113, %get3A_1129 : vector<16xf32>
        %add3A_1131 = arith.constant 0 : i32
        %add3A_1132 = arith.addi %add3A_1124, %add3A_1131 : i32
        %get3A_1133 = arith.index_cast %add3A_1132 : i32 to index
        %get3A_1134 = arith.constant 16 : index
        %get3A_1135 = tpu.vector_load %arg7[%get3A_1133, %get3A_1134] {strides = array<i32>} : memref<1600x32xf32, #tpu.memory_space<vmem>>, vector<1x16xf32>,
        %get3A_1136 = vector.shape_cast %get3A_1135 : vector<1x16xf32> to vector<16xf32>
        %add3A_1137 = arith.addf %scan3A_1114, %get3A_1136 : vector<16xf32>
        %add3A_1138 = arith.constant 1 : i32
        %add3A_1139 = arith.addi %add3A_1124, %add3A_1138 : i32
        %get3A_1140 = arith.index_cast %add3A_1139 : i32 to index
        %get3A_1141 = arith.constant 0 : index
        %get3A_1142 = tpu.vector_load %arg7[%get3A_1140, %get3A_1141] {strides = array<i32>} : memref<1600x32xf32, #tpu.memory_space<vmem>>, vector<1x16xf32>,
        %get3A_1143 = vector.shape_cast %get3A_1142 : vector<1x16xf32> to vector<16xf32>
        %add3A_1144 = arith.addf %scan3A_1115, %get3A_1143 : vector<16xf32>
        %add3A_1145 = arith.constant 1 : i32
        %add3A_1146 = arith.addi %add3A_1124, %add3A_1145 : i32
        %get3A_1147 = arith.index_cast %add3A_1146 : i32 to index
        %get3A_1148 = arith.constant 16 : index
        %get3A_1149 = tpu.vector_load %arg7[%get3A_1147, %get3A_1148] {strides = array<i32>} : memref<1600x32xf32, #tpu.memory_space<vmem>>, vector<1x16xf32>,
        %get3A_1150 = vector.shape_cast %get3A_1149 : vector<1x16xf32> to vector<16xf32>
        %add3A_1151 = arith.addf %scan3A_1116, %get3A_1150 : vector<16xf32>
        %add3A_1152 = arith.constant 2 : i32
        %add3A_1153 = arith.addi %add3A_1124, %add3A_1152 : i32
        %get3A_1154 = arith.index_cast %add3A_1153 : i32 to index
        %get3A_1155 = arith.constant 0 : index
        %get3A_1156 = tpu.vector_load %arg7[%get3A_1154, %get3A_1155] {strides = array<i32>} : memref<1600x32xf32, #tpu.memory_space<vmem>>, vector<1x16xf32>,
        %get3A_1157 = vector.shape_cast %get3A_1156 : vector<1x16xf32> to vector<16xf32>
        %add3A_1158 = arith.addf %scan3A_1117, %get3A_1157 : vector<16xf32>
        %add3A_1159 = arith.constant 2 : i32
        %add3A_1160 = arith.addi %add3A_1124, %add3A_1159 : i32
        %get3A_1161 = arith.index_cast %add3A_1160 : i32 to index
        %get3A_1162 = arith.constant 16 : index
        %get3A_1163 = tpu.vector_load %arg7[%get3A_1161, %get3A_1162] {strides = array<i32>} : memref<1600x32xf32, #tpu.memory_space<vmem>>, vector<1x16xf32>,
        %get3A_1164 = vector.shape_cast %get3A_1163 : vector<1x16xf32> to vector<16xf32>
        %add3A_1165 = arith.addf %scan3A_1118, %get3A_1164 : vector<16xf32>
        %add3A_1166 = arith.constant 3 : i32
        %add3A_1167 = arith.addi %add3A_1124, %add3A_1166 : i32
        %get3A_1168 = arith.index_cast %add3A_1167 : i32 to index
        %get3A_1169 = arith.constant 0 : index
        %get3A_1170 = tpu.vector_load %arg7[%get3A_1168, %get3A_1169] {strides = array<i32>} : memref<1600x32xf32, #tpu.memory_space<vmem>>, vector<1x16xf32>,
        %get3A_1171 = vector.shape_cast %get3A_1170 : vector<1x16xf32> to vector<16xf32>
        %add3A_1172 = arith.addf %scan3A_1119, %get3A_1171 : vector<16xf32>
        %add3A_1173 = arith.constant 3 : i32
        %add3A_1174 = arith.addi %add3A_1124, %add3A_1173 : i32
        %get3A_1175 = arith.index_cast %add3A_1174 : i32 to index
        %get3A_1176 = arith.constant 16 : index
        %get3A_1177 = tpu.vector_load %arg7[%get3A_1175, %get3A_1176] {strides = array<i32>} : memref<1600x32xf32, #tpu.memory_space<vmem>>, vector<1x16xf32>,
        %get3A_1178 = vector.shape_cast %get3A_1177 : vector<1x16xf32> to vector<16xf32>
        %add3A_1179 = arith.addf %scan3A_1120, %get3A_1178 : vector<16xf32>
        %add3A_1180 = arith.constant 4 : i32
        %add3A_1181 = arith.addi %add3A_1124, %add3A_1180 : i32
        %get3A_1182 = arith.index_cast %add3A_1181 : i32 to index
        %get3A_1183 = arith.constant 0 : index
        %get3A_1184 = tpu.vector_load %arg7[%get3A_1182, %get3A_1183] {strides = array<i32>} : memref<1600x32xf32, #tpu.memory_space<vmem>>, vector<1x16xf32>,
        %get3A_1185 = vector.shape_cast %get3A_1184 : vector<1x16xf32> to vector<16xf32>
        %add3A_1186 = arith.addf %add3A_1130, %get3A_1185 : vector<16xf32>
        %add3A_1187 = arith.constant 4 : i32
        %add3A_1188 = arith.addi %add3A_1124, %add3A_1187 : i32
        %get3A_1189 = arith.index_cast %add3A_1188 : i32 to index
        %get3A_1190 = arith.constant 16 : index
        %get3A_1191 = tpu.vector_load %arg7[%get3A_1189, %get3A_1190] {strides = array<i32>} : memref<1600x32xf32, #tpu.memory_space<vmem>>, vector<1x16xf32>,
        %get3A_1192 = vector.shape_cast %get3A_1191 : vector<1x16xf32> to vector<16xf32>
        %add3A_1193 = arith.addf %add3A_1137, %get3A_1192 : vector<16xf32>
        %add3A_1194 = arith.constant 5 : i32
        %add3A_1195 = arith.addi %add3A_1124, %add3A_1194 : i32
        %get3A_1196 = arith.index_cast %add3A_1195 : i32 to index
        %get3A_1197 = arith.constant 0 : index
        %get3A_1198 = tpu.vector_load %arg7[%get3A_1196, %get3A_1197] {strides = array<i32>} : memref<1600x32xf32, #tpu.memory_space<vmem>>, vector<1x16xf32>,
        %get3A_1199 = vector.shape_cast %get3A_1198 : vector<1x16xf32> to vector<16xf32>
        %add3A_1200 = arith.addf %add3A_1144, %get3A_1199 : vector<16xf32>
        %add3A_1201 = arith.constant 5 : i32
        %add3A_1202 = arith.addi %add3A_1124, %add3A_1201 : i32
        %get3A_1203 = arith.index_cast %add3A_1202 : i32 to index
        %get3A_1204 = arith.constant 16 : index
        %get3A_1205 = tpu.vector_load %arg7[%get3A_1203, %get3A_1204] {strides = array<i32>} : memref<1600x32xf32, #tpu.memory_space<vmem>>, vector<1x16xf32>,
        %get3A_1206 = vector.shape_cast %get3A_1205 : vector<1x16xf32> to vector<16xf32>
        %add3A_1207 = arith.addf %add3A_1151, %get3A_1206 : vector<16xf32>
        %add3A_1208 = arith.constant 6 : i32
        %add3A_1209 = arith.addi %add3A_1124, %add3A_1208 : i32
        %get3A_1210 = arith.index_cast %add3A_1209 : i32 to index
        %get3A_1211 = arith.constant 0 : index
        %get3A_1212 = tpu.vector_load %arg7[%get3A_1210, %get3A_1211] {strides = array<i32>} : memref<1600x32xf32, #tpu.memory_space<vmem>>, vector<1x16xf32>,
        %get3A_1213 = vector.shape_cast %get3A_1212 : vector<1x16xf32> to vector<16xf32>
        %add3A_1214 = arith.addf %add3A_1158, %get3A_1213 : vector<16xf32>
        %add3A_1215 = arith.constant 6 : i32
        %add3A_1216 = arith.addi %add3A_1124, %add3A_1215 : i32
        %get3A_1217 = arith.index_cast %add3A_1216 : i32 to index
        %get3A_1218 = arith.constant 16 : index
        %get3A_1219 = tpu.vector_load %arg7[%get3A_1217, %get3A_1218] {strides = array<i32>} : memref<1600x32xf32, #tpu.memory_space<vmem>>, vector<1x16xf32>,
        %get3A_1220 = vector.shape_cast %get3A_1219 : vector<1x16xf32> to vector<16xf32>
        %add3A_1221 = arith.addf %add3A_1165, %get3A_1220 : vector<16xf32>
        %add3A_1222 = arith.constant 7 : i32
        %add3A_1223 = arith.addi %add3A_1124, %add3A_1222 : i32
        %get3A_1224 = arith.index_cast %add3A_1223 : i32 to index
        %get3A_1225 = arith.constant 0 : index
        %get3A_1226 = tpu.vector_load %arg7[%get3A_1224, %get3A_1225] {strides = array<i32>} : memref<1600x32xf32, #tpu.memory_space<vmem>>, vector<1x16xf32>,
        %get3A_1227 = vector.shape_cast %get3A_1226 : vector<1x16xf32> to vector<16xf32>
        %add3A_1228 = arith.addf %add3A_1172, %get3A_1227 : vector<16xf32>
        %add3A_1229 = arith.constant 7 : i32
        %add3A_1230 = arith.addi %add3A_1124, %add3A_1229 : i32
        %get3A_1231 = arith.index_cast %add3A_1230 : i32 to index
        %get3A_1232 = arith.constant 16 : index
        %get3A_1233 = tpu.vector_load %arg7[%get3A_1231, %get3A_1232] {strides = array<i32>} : memref<1600x32xf32, #tpu.memory_space<vmem>>, vector<1x16xf32>,
        %get3A_1234 = vector.shape_cast %get3A_1233 : vector<1x16xf32> to vector<16xf32>
        %add3A_1235 = arith.addf %add3A_1179, %get3A_1234 : vector<16xf32>
        scf.yield %add3A_1186, %add3A_1193, %add3A_1200, %add3A_1207, %add3A_1214, %add3A_1221, %add3A_1228, %add3A_1235 : vector<16xf32>, vector<16xf32>, vector<16xf32>, vector<16xf32>, vector<16xf32>, vector<16xf32>, vector<16xf32>, vector<16xf32>
      }
      %scan3A_539 = arith.constant 25 : i32
      %add3A_540 = arith.addf %scan3A_538#0, %scan3A_538#2 : vector<16xf32>
      %add3A_541 = arith.addf %scan3A_538#1, %scan3A_538#3 : vector<16xf32>
      %add3A_542 = arith.addf %add3A_540, %scan3A_538#4 : vector<16xf32>
      %add3A_543 = arith.addf %add3A_541, %scan3A_538#5 : vector<16xf32>
      %add3A_544 = arith.addf %add3A_542, %scan3A_538#6 : vector<16xf32>
      %add3A_545 = arith.addf %add3A_543, %scan3A_538#7 : vector<16xf32>
      %swap3A_546 = arith.index_cast %mul3A_533 : i32 to index
      %swap3A_547 = tpu.vector_load %arg9[%swap3A_546] {strides = array<i32>} : memref<16384xf32, #tpu.memory_space<vmem>>, vector<16xf32>,
      %swap3A_548 = vector.shape_cast %swap3A_547 : vector<16xf32> to vector<16xf32>
      %swap3A_549 = vector.shape_cast %add3A_544 : vector<16xf32> to vector<16xf32>
      tpu.vector_store %arg9[%swap3A_546], %swap3A_549 {strides = array<i32>} : memref<16384xf32, #tpu.memory_space<vmem>>, vector<16xf32>,
      %add3A_550 = arith.constant 16 : i32
      %add3A_551 = arith.addi %mul3A_533, %add3A_550 : i32
      %swap3A_552 = arith.index_cast %add3A_551 : i32 to index
      %swap3A_553 = tpu.vector_load %arg9[%swap3A_552] {strides = array<i32>} : memref<16384xf32, #tpu.memory_space<vmem>>, vector<16xf32>,
      %swap3A_554 = vector.shape_cast %swap3A_553 : vector<16xf32> to vector<16xf32>
      %swap3A_555 = vector.shape_cast %add3A_545 : vector<16xf32> to vector<16xf32>
      tpu.vector_store %arg9[%swap3A_552], %swap3A_555 {strides = array<i32>} : memref<16384xf32, #tpu.memory_space<vmem>>, vector<16xf32>,
      %mul3A_556 = arith.constant 8 : i32
      %mul3A_557 = arith.muli %mul3A_176, %mul3A_556 : i32
      %add3A_558 = arith.constant 2 : i32
      %add3A_559 = arith.addi %mul3A_557, %add3A_558 : i32
      %mul3A_560 = arith.constant 32 : i32
      %mul3A_561 = arith.muli %add3A_559, %mul3A_560 : i32
      %scan3A_562 = arith.constant 0 : i32
      %scan3A_563 = arith.constant 25 : i32
      %scan3A_564 = arith.addi %scan3A_562, %scan3A_563 : i32
      %scan3A_565 = arith.constant 1 : i32
      %scan3A_566:8 = scf.for %scan3A_1112 = %scan3A_562 to %scan3A_564 step %scan3A_565 iter_args(%scan3A_1113 = %broadcast_in_dim3A_3, %scan3A_1114 = %broadcast_in_dim3A_3, %scan3A_1115 = %broadcast_in_dim3A_3, %scan3A_1116 = %broadcast_in_dim3A_3, %scan3A_1117 = %broadcast_in_dim3A_3, %scan3A_1118 = %broadcast_in_dim3A_3, %scan3A_1119 = %broadcast_in_dim3A_3, %scan3A_1120 = %broadcast_in_dim3A_3) -> (vector<16xf32>, vector<16xf32>, vector<16xf32>, vector<16xf32>, vector<16xf32>, vector<16xf32>, vector<16xf32>, vector<16xf32>)  : i32 {
        %mul3A_1121 = arith.constant 8 : i32
        %mul3A_1122 = arith.muli %scan3A_1112, %mul3A_1121 : i32
        %add3A_1123 = arith.constant 400 : i32
        %add3A_1124 = arith.addi %add3A_1123, %mul3A_1122 : i32
        %add3A_1125 = arith.constant 0 : i32
        %add3A_1126 = arith.addi %add3A_1124, %add3A_1125 : i32
        %get3A = arith.index_cast %add3A_1126 : i32 to index
        %get3A_1127 = arith.constant 0 : index
        %get3A_1128 = tpu.vector_load %arg7[%get3A, %get3A_1127] {strides = array<i32>} : memref<1600x32xf32, #tpu.memory_space<vmem>>, vector<1x16xf32>,
        %get3A_1129 = vector.shape_cast %get3A_1128 : vector<1x16xf32> to vector<16xf32>
        %add3A_1130 = arith.addf %scan3A_1113, %get3A_1129 : vector<16xf32>
        %add3A_1131 = arith.constant 0 : i32
        %add3A_1132 = arith.addi %add3A_1124, %add3A_1131 : i32
        %get3A_1133 = arith.index_cast %add3A_1132 : i32 to index
        %get3A_1134 = arith.constant 16 : index
        %get3A_1135 = tpu.vector_load %arg7[%get3A_1133, %get3A_1134] {strides = array<i32>} : memref<1600x32xf32, #tpu.memory_space<vmem>>, vector<1x16xf32>,
        %get3A_1136 = vector.shape_cast %get3A_1135 : vector<1x16xf32> to vector<16xf32>
        %add3A_1137 = arith.addf %scan3A_1114, %get3A_1136 : vector<16xf32>
        %add3A_1138 = arith.constant 1 : i32
        %add3A_1139 = arith.addi %add3A_1124, %add3A_1138 : i32
        %get3A_1140 = arith.index_cast %add3A_1139 : i32 to index
        %get3A_1141 = arith.constant 0 : index
        %get3A_1142 = tpu.vector_load %arg7[%get3A_1140, %get3A_1141] {strides = array<i32>} : memref<1600x32xf32, #tpu.memory_space<vmem>>, vector<1x16xf32>,
        %get3A_1143 = vector.shape_cast %get3A_1142 : vector<1x16xf32> to vector<16xf32>
        %add3A_1144 = arith.addf %scan3A_1115, %get3A_1143 : vector<16xf32>
        %add3A_1145 = arith.constant 1 : i32
        %add3A_1146 = arith.addi %add3A_1124, %add3A_1145 : i32
        %get3A_1147 = arith.index_cast %add3A_1146 : i32 to index
        %get3A_1148 = arith.constant 16 : index
        %get3A_1149 = tpu.vector_load %arg7[%get3A_1147, %get3A_1148] {strides = array<i32>} : memref<1600x32xf32, #tpu.memory_space<vmem>>, vector<1x16xf32>,
        %get3A_1150 = vector.shape_cast %get3A_1149 : vector<1x16xf32> to vector<16xf32>
        %add3A_1151 = arith.addf %scan3A_1116, %get3A_1150 : vector<16xf32>
        %add3A_1152 = arith.constant 2 : i32
        %add3A_1153 = arith.addi %add3A_1124, %add3A_1152 : i32
        %get3A_1154 = arith.index_cast %add3A_1153 : i32 to index
        %get3A_1155 = arith.constant 0 : index
        %get3A_1156 = tpu.vector_load %arg7[%get3A_1154, %get3A_1155] {strides = array<i32>} : memref<1600x32xf32, #tpu.memory_space<vmem>>, vector<1x16xf32>,
        %get3A_1157 = vector.shape_cast %get3A_1156 : vector<1x16xf32> to vector<16xf32>
        %add3A_1158 = arith.addf %scan3A_1117, %get3A_1157 : vector<16xf32>
        %add3A_1159 = arith.constant 2 : i32
        %add3A_1160 = arith.addi %add3A_1124, %add3A_1159 : i32
        %get3A_1161 = arith.index_cast %add3A_1160 : i32 to index
        %get3A_1162 = arith.constant 16 : index
        %get3A_1163 = tpu.vector_load %arg7[%get3A_1161, %get3A_1162] {strides = array<i32>} : memref<1600x32xf32, #tpu.memory_space<vmem>>, vector<1x16xf32>,
        %get3A_1164 = vector.shape_cast %get3A_1163 : vector<1x16xf32> to vector<16xf32>
        %add3A_1165 = arith.addf %scan3A_1118, %get3A_1164 : vector<16xf32>
        %add3A_1166 = arith.constant 3 : i32
        %add3A_1167 = arith.addi %add3A_1124, %add3A_1166 : i32
        %get3A_1168 = arith.index_cast %add3A_1167 : i32 to index
        %get3A_1169 = arith.constant 0 : index
        %get3A_1170 = tpu.vector_load %arg7[%get3A_1168, %get3A_1169] {strides = array<i32>} : memref<1600x32xf32, #tpu.memory_space<vmem>>, vector<1x16xf32>,
        %get3A_1171 = vector.shape_cast %get3A_1170 : vector<1x16xf32> to vector<16xf32>
        %add3A_1172 = arith.addf %scan3A_1119, %get3A_1171 : vector<16xf32>
        %add3A_1173 = arith.constant 3 : i32
        %add3A_1174 = arith.addi %add3A_1124, %add3A_1173 : i32
        %get3A_1175 = arith.index_cast %add3A_1174 : i32 to index
        %get3A_1176 = arith.constant 16 : index
        %get3A_1177 = tpu.vector_load %arg7[%get3A_1175, %get3A_1176] {strides = array<i32>} : memref<1600x32xf32, #tpu.memory_space<vmem>>, vector<1x16xf32>,
        %get3A_1178 = vector.shape_cast %get3A_1177 : vector<1x16xf32> to vector<16xf32>
        %add3A_1179 = arith.addf %scan3A_1120, %get3A_1178 : vector<16xf32>
        %add3A_1180 = arith.constant 4 : i32
        %add3A_1181 = arith.addi %add3A_1124, %add3A_1180 : i32
        %get3A_1182 = arith.index_cast %add3A_1181 : i32 to index
        %get3A_1183 = arith.constant 0 : index
        %get3A_1184 = tpu.vector_load %arg7[%get3A_1182, %get3A_1183] {strides = array<i32>} : memref<1600x32xf32, #tpu.memory_space<vmem>>, vector<1x16xf32>,
        %get3A_1185 = vector.shape_cast %get3A_1184 : vector<1x16xf32> to vector<16xf32>
        %add3A_1186 = arith.addf %add3A_1130, %get3A_1185 : vector<16xf32>
        %add3A_1187 = arith.constant 4 : i32
        %add3A_1188 = arith.addi %add3A_1124, %add3A_1187 : i32
        %get3A_1189 = arith.index_cast %add3A_1188 : i32 to index
        %get3A_1190 = arith.constant 16 : index
        %get3A_1191 = tpu.vector_load %arg7[%get3A_1189, %get3A_1190] {strides = array<i32>} : memref<1600x32xf32, #tpu.memory_space<vmem>>, vector<1x16xf32>,
        %get3A_1192 = vector.shape_cast %get3A_1191 : vector<1x16xf32> to vector<16xf32>
        %add3A_1193 = arith.addf %add3A_1137, %get3A_1192 : vector<16xf32>
        %add3A_1194 = arith.constant 5 : i32
        %add3A_1195 = arith.addi %add3A_1124, %add3A_1194 : i32
        %get3A_1196 = arith.index_cast %add3A_1195 : i32 to index
        %get3A_1197 = arith.constant 0 : index
        %get3A_1198 = tpu.vector_load %arg7[%get3A_1196, %get3A_1197] {strides = array<i32>} : memref<1600x32xf32, #tpu.memory_space<vmem>>, vector<1x16xf32>,
        %get3A_1199 = vector.shape_cast %get3A_1198 : vector<1x16xf32> to vector<16xf32>
        %add3A_1200 = arith.addf %add3A_1144, %get3A_1199 : vector<16xf32>
        %add3A_1201 = arith.constant 5 : i32
        %add3A_1202 = arith.addi %add3A_1124, %add3A_1201 : i32
        %get3A_1203 = arith.index_cast %add3A_1202 : i32 to index
        %get3A_1204 = arith.constant 16 : index
        %get3A_1205 = tpu.vector_load %arg7[%get3A_1203, %get3A_1204] {strides = array<i32>} : memref<1600x32xf32, #tpu.memory_space<vmem>>, vector<1x16xf32>,
        %get3A_1206 = vector.shape_cast %get3A_1205 : vector<1x16xf32> to vector<16xf32>
        %add3A_1207 = arith.addf %add3A_1151, %get3A_1206 : vector<16xf32>
        %add3A_1208 = arith.constant 6 : i32
        %add3A_1209 = arith.addi %add3A_1124, %add3A_1208 : i32
        %get3A_1210 = arith.index_cast %add3A_1209 : i32 to index
        %get3A_1211 = arith.constant 0 : index
        %get3A_1212 = tpu.vector_load %arg7[%get3A_1210, %get3A_1211] {strides = array<i32>} : memref<1600x32xf32, #tpu.memory_space<vmem>>, vector<1x16xf32>,
        %get3A_1213 = vector.shape_cast %get3A_1212 : vector<1x16xf32> to vector<16xf32>
        %add3A_1214 = arith.addf %add3A_1158, %get3A_1213 : vector<16xf32>
        %add3A_1215 = arith.constant 6 : i32
        %add3A_1216 = arith.addi %add3A_1124, %add3A_1215 : i32
        %get3A_1217 = arith.index_cast %add3A_1216 : i32 to index
        %get3A_1218 = arith.constant 16 : index
        %get3A_1219 = tpu.vector_load %arg7[%get3A_1217, %get3A_1218] {strides = array<i32>} : memref<1600x32xf32, #tpu.memory_space<vmem>>, vector<1x16xf32>,
        %get3A_1220 = vector.shape_cast %get3A_1219 : vector<1x16xf32> to vector<16xf32>
        %add3A_1221 = arith.addf %add3A_1165, %get3A_1220 : vector<16xf32>
        %add3A_1222 = arith.constant 7 : i32
        %add3A_1223 = arith.addi %add3A_1124, %add3A_1222 : i32
        %get3A_1224 = arith.index_cast %add3A_1223 : i32 to index
        %get3A_1225 = arith.constant 0 : index
        %get3A_1226 = tpu.vector_load %arg7[%get3A_1224, %get3A_1225] {strides = array<i32>} : memref<1600x32xf32, #tpu.memory_space<vmem>>, vector<1x16xf32>,
        %get3A_1227 = vector.shape_cast %get3A_1226 : vector<1x16xf32> to vector<16xf32>
        %add3A_1228 = arith.addf %add3A_1172, %get3A_1227 : vector<16xf32>
        %add3A_1229 = arith.constant 7 : i32
        %add3A_1230 = arith.addi %add3A_1124, %add3A_1229 : i32
        %get3A_1231 = arith.index_cast %add3A_1230 : i32 to index
        %get3A_1232 = arith.constant 16 : index
        %get3A_1233 = tpu.vector_load %arg7[%get3A_1231, %get3A_1232] {strides = array<i32>} : memref<1600x32xf32, #tpu.memory_space<vmem>>, vector<1x16xf32>,
        %get3A_1234 = vector.shape_cast %get3A_1233 : vector<1x16xf32> to vector<16xf32>
        %add3A_1235 = arith.addf %add3A_1179, %get3A_1234 : vector<16xf32>
        scf.yield %add3A_1186, %add3A_1193, %add3A_1200, %add3A_1207, %add3A_1214, %add3A_1221, %add3A_1228, %add3A_1235 : vector<16xf32>, vector<16xf32>, vector<16xf32>, vector<16xf32>, vector<16xf32>, vector<16xf32>, vector<16xf32>, vector<16xf32>
      }
      %scan3A_567 = arith.constant 25 : i32
      %add3A_568 = arith.addf %scan3A_566#0, %scan3A_566#2 : vector<16xf32>
      %add3A_569 = arith.addf %scan3A_566#1, %scan3A_566#3 : vector<16xf32>
      %add3A_570 = arith.addf %add3A_568, %scan3A_566#4 : vector<16xf32>
      %add3A_571 = arith.addf %add3A_569, %scan3A_566#5 : vector<16xf32>
      %add3A_572 = arith.addf %add3A_570, %scan3A_566#6 : vector<16xf32>
      %add3A_573 = arith.addf %add3A_571, %scan3A_566#7 : vector<16xf32>
      %swap3A_574 = arith.index_cast %mul3A_561 : i32 to index
      %swap3A_575 = tpu.vector_load %arg9[%swap3A_574] {strides = array<i32>} : memref<16384xf32, #tpu.memory_space<vmem>>, vector<16xf32>,
      %swap3A_576 = vector.shape_cast %swap3A_575 : vector<16xf32> to vector<16xf32>
      %swap3A_577 = vector.shape_cast %add3A_572 : vector<16xf32> to vector<16xf32>
      tpu.vector_store %arg9[%swap3A_574], %swap3A_577 {strides = array<i32>} : memref<16384xf32, #tpu.memory_space<vmem>>, vector<16xf32>,
      %add3A_578 = arith.constant 16 : i32
      %add3A_579 = arith.addi %mul3A_561, %add3A_578 : i32
      %swap3A_580 = arith.index_cast %add3A_579 : i32 to index
      %swap3A_581 = tpu.vector_load %arg9[%swap3A_580] {strides = array<i32>} : memref<16384xf32, #tpu.memory_space<vmem>>, vector<16xf32>,
      %swap3A_582 = vector.shape_cast %swap3A_581 : vector<16xf32> to vector<16xf32>
      %swap3A_583 = vector.shape_cast %add3A_573 : vector<16xf32> to vector<16xf32>
      tpu.vector_store %arg9[%swap3A_580], %swap3A_583 {strides = array<i32>} : memref<16384xf32, #tpu.memory_space<vmem>>, vector<16xf32>,
      %mul3A_584 = arith.constant 8 : i32
      %mul3A_585 = arith.muli %mul3A_176, %mul3A_584 : i32
      %add3A_586 = arith.constant 3 : i32
      %add3A_587 = arith.addi %mul3A_585, %add3A_586 : i32
      %mul3A_588 = arith.constant 32 : i32
      %mul3A_589 = arith.muli %add3A_587, %mul3A_588 : i32
      %scan3A_590 = arith.constant 0 : i32
      %scan3A_591 = arith.constant 25 : i32
      %scan3A_592 = arith.addi %scan3A_590, %scan3A_591 : i32
      %scan3A_593 = arith.constant 1 : i32
      %scan3A_594:8 = scf.for %scan3A_1112 = %scan3A_590 to %scan3A_592 step %scan3A_593 iter_args(%scan3A_1113 = %broadcast_in_dim3A_3, %scan3A_1114 = %broadcast_in_dim3A_3, %scan3A_1115 = %broadcast_in_dim3A_3, %scan3A_1116 = %broadcast_in_dim3A_3, %scan3A_1117 = %broadcast_in_dim3A_3, %scan3A_1118 = %broadcast_in_dim3A_3, %scan3A_1119 = %broadcast_in_dim3A_3, %scan3A_1120 = %broadcast_in_dim3A_3) -> (vector<16xf32>, vector<16xf32>, vector<16xf32>, vector<16xf32>, vector<16xf32>, vector<16xf32>, vector<16xf32>, vector<16xf32>)  : i32 {
        %mul3A_1121 = arith.constant 8 : i32
        %mul3A_1122 = arith.muli %scan3A_1112, %mul3A_1121 : i32
        %add3A_1123 = arith.constant 600 : i32
        %add3A_1124 = arith.addi %add3A_1123, %mul3A_1122 : i32
        %add3A_1125 = arith.constant 0 : i32
        %add3A_1126 = arith.addi %add3A_1124, %add3A_1125 : i32
        %get3A = arith.index_cast %add3A_1126 : i32 to index
        %get3A_1127 = arith.constant 0 : index
        %get3A_1128 = tpu.vector_load %arg7[%get3A, %get3A_1127] {strides = array<i32>} : memref<1600x32xf32, #tpu.memory_space<vmem>>, vector<1x16xf32>,
        %get3A_1129 = vector.shape_cast %get3A_1128 : vector<1x16xf32> to vector<16xf32>
        %add3A_1130 = arith.addf %scan3A_1113, %get3A_1129 : vector<16xf32>
        %add3A_1131 = arith.constant 0 : i32
        %add3A_1132 = arith.addi %add3A_1124, %add3A_1131 : i32
        %get3A_1133 = arith.index_cast %add3A_1132 : i32 to index
        %get3A_1134 = arith.constant 16 : index
        %get3A_1135 = tpu.vector_load %arg7[%get3A_1133, %get3A_1134] {strides = array<i32>} : memref<1600x32xf32, #tpu.memory_space<vmem>>, vector<1x16xf32>,
        %get3A_1136 = vector.shape_cast %get3A_1135 : vector<1x16xf32> to vector<16xf32>
        %add3A_1137 = arith.addf %scan3A_1114, %get3A_1136 : vector<16xf32>
        %add3A_1138 = arith.constant 1 : i32
        %add3A_1139 = arith.addi %add3A_1124, %add3A_1138 : i32
        %get3A_1140 = arith.index_cast %add3A_1139 : i32 to index
        %get3A_1141 = arith.constant 0 : index
        %get3A_1142 = tpu.vector_load %arg7[%get3A_1140, %get3A_1141] {strides = array<i32>} : memref<1600x32xf32, #tpu.memory_space<vmem>>, vector<1x16xf32>,
        %get3A_1143 = vector.shape_cast %get3A_1142 : vector<1x16xf32> to vector<16xf32>
        %add3A_1144 = arith.addf %scan3A_1115, %get3A_1143 : vector<16xf32>
        %add3A_1145 = arith.constant 1 : i32
        %add3A_1146 = arith.addi %add3A_1124, %add3A_1145 : i32
        %get3A_1147 = arith.index_cast %add3A_1146 : i32 to index
        %get3A_1148 = arith.constant 16 : index
        %get3A_1149 = tpu.vector_load %arg7[%get3A_1147, %get3A_1148] {strides = array<i32>} : memref<1600x32xf32, #tpu.memory_space<vmem>>, vector<1x16xf32>,
        %get3A_1150 = vector.shape_cast %get3A_1149 : vector<1x16xf32> to vector<16xf32>
        %add3A_1151 = arith.addf %scan3A_1116, %get3A_1150 : vector<16xf32>
        %add3A_1152 = arith.constant 2 : i32
        %add3A_1153 = arith.addi %add3A_1124, %add3A_1152 : i32
        %get3A_1154 = arith.index_cast %add3A_1153 : i32 to index
        %get3A_1155 = arith.constant 0 : index
        %get3A_1156 = tpu.vector_load %arg7[%get3A_1154, %get3A_1155] {strides = array<i32>} : memref<1600x32xf32, #tpu.memory_space<vmem>>, vector<1x16xf32>,
        %get3A_1157 = vector.shape_cast %get3A_1156 : vector<1x16xf32> to vector<16xf32>
        %add3A_1158 = arith.addf %scan3A_1117, %get3A_1157 : vector<16xf32>
        %add3A_1159 = arith.constant 2 : i32
        %add3A_1160 = arith.addi %add3A_1124, %add3A_1159 : i32
        %get3A_1161 = arith.index_cast %add3A_1160 : i32 to index
        %get3A_1162 = arith.constant 16 : index
        %get3A_1163 = tpu.vector_load %arg7[%get3A_1161, %get3A_1162] {strides = array<i32>} : memref<1600x32xf32, #tpu.memory_space<vmem>>, vector<1x16xf32>,
        %get3A_1164 = vector.shape_cast %get3A_1163 : vector<1x16xf32> to vector<16xf32>
        %add3A_1165 = arith.addf %scan3A_1118, %get3A_1164 : vector<16xf32>
        %add3A_1166 = arith.constant 3 : i32
        %add3A_1167 = arith.addi %add3A_1124, %add3A_1166 : i32
        %get3A_1168 = arith.index_cast %add3A_1167 : i32 to index
        %get3A_1169 = arith.constant 0 : index
        %get3A_1170 = tpu.vector_load %arg7[%get3A_1168, %get3A_1169] {strides = array<i32>} : memref<1600x32xf32, #tpu.memory_space<vmem>>, vector<1x16xf32>,
        %get3A_1171 = vector.shape_cast %get3A_1170 : vector<1x16xf32> to vector<16xf32>
        %add3A_1172 = arith.addf %scan3A_1119, %get3A_1171 : vector<16xf32>
        %add3A_1173 = arith.constant 3 : i32
        %add3A_1174 = arith.addi %add3A_1124, %add3A_1173 : i32
        %get3A_1175 = arith.index_cast %add3A_1174 : i32 to index
        %get3A_1176 = arith.constant 16 : index
        %get3A_1177 = tpu.vector_load %arg7[%get3A_1175, %get3A_1176] {strides = array<i32>} : memref<1600x32xf32, #tpu.memory_space<vmem>>, vector<1x16xf32>,
        %get3A_1178 = vector.shape_cast %get3A_1177 : vector<1x16xf32> to vector<16xf32>
        %add3A_1179 = arith.addf %scan3A_1120, %get3A_1178 : vector<16xf32>
        %add3A_1180 = arith.constant 4 : i32
        %add3A_1181 = arith.addi %add3A_1124, %add3A_1180 : i32
        %get3A_1182 = arith.index_cast %add3A_1181 : i32 to index
        %get3A_1183 = arith.constant 0 : index
        %get3A_1184 = tpu.vector_load %arg7[%get3A_1182, %get3A_1183] {strides = array<i32>} : memref<1600x32xf32, #tpu.memory_space<vmem>>, vector<1x16xf32>,
        %get3A_1185 = vector.shape_cast %get3A_1184 : vector<1x16xf32> to vector<16xf32>
        %add3A_1186 = arith.addf %add3A_1130, %get3A_1185 : vector<16xf32>
        %add3A_1187 = arith.constant 4 : i32
        %add3A_1188 = arith.addi %add3A_1124, %add3A_1187 : i32
        %get3A_1189 = arith.index_cast %add3A_1188 : i32 to index
        %get3A_1190 = arith.constant 16 : index
        %get3A_1191 = tpu.vector_load %arg7[%get3A_1189, %get3A_1190] {strides = array<i32>} : memref<1600x32xf32, #tpu.memory_space<vmem>>, vector<1x16xf32>,
        %get3A_1192 = vector.shape_cast %get3A_1191 : vector<1x16xf32> to vector<16xf32>
        %add3A_1193 = arith.addf %add3A_1137, %get3A_1192 : vector<16xf32>
        %add3A_1194 = arith.constant 5 : i32
        %add3A_1195 = arith.addi %add3A_1124, %add3A_1194 : i32
        %get3A_1196 = arith.index_cast %add3A_1195 : i32 to index
        %get3A_1197 = arith.constant 0 : index
        %get3A_1198 = tpu.vector_load %arg7[%get3A_1196, %get3A_1197] {strides = array<i32>} : memref<1600x32xf32, #tpu.memory_space<vmem>>, vector<1x16xf32>,
        %get3A_1199 = vector.shape_cast %get3A_1198 : vector<1x16xf32> to vector<16xf32>
        %add3A_1200 = arith.addf %add3A_1144, %get3A_1199 : vector<16xf32>
        %add3A_1201 = arith.constant 5 : i32
        %add3A_1202 = arith.addi %add3A_1124, %add3A_1201 : i32
        %get3A_1203 = arith.index_cast %add3A_1202 : i32 to index
        %get3A_1204 = arith.constant 16 : index
        %get3A_1205 = tpu.vector_load %arg7[%get3A_1203, %get3A_1204] {strides = array<i32>} : memref<1600x32xf32, #tpu.memory_space<vmem>>, vector<1x16xf32>,
        %get3A_1206 = vector.shape_cast %get3A_1205 : vector<1x16xf32> to vector<16xf32>
        %add3A_1207 = arith.addf %add3A_1151, %get3A_1206 : vector<16xf32>
        %add3A_1208 = arith.constant 6 : i32
        %add3A_1209 = arith.addi %add3A_1124, %add3A_1208 : i32
        %get3A_1210 = arith.index_cast %add3A_1209 : i32 to index
        %get3A_1211 = arith.constant 0 : index
        %get3A_1212 = tpu.vector_load %arg7[%get3A_1210, %get3A_1211] {strides = array<i32>} : memref<1600x32xf32, #tpu.memory_space<vmem>>, vector<1x16xf32>,
        %get3A_1213 = vector.shape_cast %get3A_1212 : vector<1x16xf32> to vector<16xf32>
        %add3A_1214 = arith.addf %add3A_1158, %get3A_1213 : vector<16xf32>
        %add3A_1215 = arith.constant 6 : i32
        %add3A_1216 = arith.addi %add3A_1124, %add3A_1215 : i32
        %get3A_1217 = arith.index_cast %add3A_1216 : i32 to index
        %get3A_1218 = arith.constant 16 : index
        %get3A_1219 = tpu.vector_load %arg7[%get3A_1217, %get3A_1218] {strides = array<i32>} : memref<1600x32xf32, #tpu.memory_space<vmem>>, vector<1x16xf32>,
        %get3A_1220 = vector.shape_cast %get3A_1219 : vector<1x16xf32> to vector<16xf32>
        %add3A_1221 = arith.addf %add3A_1165, %get3A_1220 : vector<16xf32>
        %add3A_1222 = arith.constant 7 : i32
        %add3A_1223 = arith.addi %add3A_1124, %add3A_1222 : i32
        %get3A_1224 = arith.index_cast %add3A_1223 : i32 to index
        %get3A_1225 = arith.constant 0 : index
        %get3A_1226 = tpu.vector_load %arg7[%get3A_1224, %get3A_1225] {strides = array<i32>} : memref<1600x32xf32, #tpu.memory_space<vmem>>, vector<1x16xf32>,
        %get3A_1227 = vector.shape_cast %get3A_1226 : vector<1x16xf32> to vector<16xf32>
        %add3A_1228 = arith.addf %add3A_1172, %get3A_1227 : vector<16xf32>
        %add3A_1229 = arith.constant 7 : i32
        %add3A_1230 = arith.addi %add3A_1124, %add3A_1229 : i32
        %get3A_1231 = arith.index_cast %add3A_1230 : i32 to index
        %get3A_1232 = arith.constant 16 : index
        %get3A_1233 = tpu.vector_load %arg7[%get3A_1231, %get3A_1232] {strides = array<i32>} : memref<1600x32xf32, #tpu.memory_space<vmem>>, vector<1x16xf32>,
        %get3A_1234 = vector.shape_cast %get3A_1233 : vector<1x16xf32> to vector<16xf32>
        %add3A_1235 = arith.addf %add3A_1179, %get3A_1234 : vector<16xf32>
        scf.yield %add3A_1186, %add3A_1193, %add3A_1200, %add3A_1207, %add3A_1214, %add3A_1221, %add3A_1228, %add3A_1235 : vector<16xf32>, vector<16xf32>, vector<16xf32>, vector<16xf32>, vector<16xf32>, vector<16xf32>, vector<16xf32>, vector<16xf32>
      }
      %scan3A_595 = arith.constant 25 : i32
      %add3A_596 = arith.addf %scan3A_594#0, %scan3A_594#2 : vector<16xf32>
      %add3A_597 = arith.addf %scan3A_594#1, %scan3A_594#3 : vector<16xf32>
      %add3A_598 = arith.addf %add3A_596, %scan3A_594#4 : vector<16xf32>
      %add3A_599 = arith.addf %add3A_597, %scan3A_594#5 : vector<16xf32>
      %add3A_600 = arith.addf %add3A_598, %scan3A_594#6 : vector<16xf32>
      %add3A_601 = arith.addf %add3A_599, %scan3A_594#7 : vector<16xf32>
      %swap3A_602 = arith.index_cast %mul3A_589 : i32 to index
      %swap3A_603 = tpu.vector_load %arg9[%swap3A_602] {strides = array<i32>} : memref<16384xf32, #tpu.memory_space<vmem>>, vector<16xf32>,
      %swap3A_604 = vector.shape_cast %swap3A_603 : vector<16xf32> to vector<16xf32>
      %swap3A_605 = vector.shape_cast %add3A_600 : vector<16xf32> to vector<16xf32>
      tpu.vector_store %arg9[%swap3A_602], %swap3A_605 {strides = array<i32>} : memref<16384xf32, #tpu.memory_space<vmem>>, vector<16xf32>,
      %add3A_606 = arith.constant 16 : i32
      %add3A_607 = arith.addi %mul3A_589, %add3A_606 : i32
      %swap3A_608 = arith.index_cast %add3A_607 : i32 to index
      %swap3A_609 = tpu.vector_load %arg9[%swap3A_608] {strides = array<i32>} : memref<16384xf32, #tpu.memory_space<vmem>>, vector<16xf32>,
      %swap3A_610 = vector.shape_cast %swap3A_609 : vector<16xf32> to vector<16xf32>
      %swap3A_611 = vector.shape_cast %add3A_601 : vector<16xf32> to vector<16xf32>
      tpu.vector_store %arg9[%swap3A_608], %swap3A_611 {strides = array<i32>} : memref<16384xf32, #tpu.memory_space<vmem>>, vector<16xf32>,
      %mul3A_612 = arith.constant 8 : i32
      %mul3A_613 = arith.muli %mul3A_176, %mul3A_612 : i32
      %add3A_614 = arith.constant 4 : i32
      %add3A_615 = arith.addi %mul3A_613, %add3A_614 : i32
      %mul3A_616 = arith.constant 32 : i32
      %mul3A_617 = arith.muli %add3A_615, %mul3A_616 : i32
      %scan3A_618 = arith.constant 0 : i32
      %scan3A_619 = arith.constant 25 : i32
      %scan3A_620 = arith.addi %scan3A_618, %scan3A_619 : i32
      %scan3A_621 = arith.constant 1 : i32
      %scan3A_622:8 = scf.for %scan3A_1112 = %scan3A_618 to %scan3A_620 step %scan3A_621 iter_args(%scan3A_1113 = %broadcast_in_dim3A_3, %scan3A_1114 = %broadcast_in_dim3A_3, %scan3A_1115 = %broadcast_in_dim3A_3, %scan3A_1116 = %broadcast_in_dim3A_3, %scan3A_1117 = %broadcast_in_dim3A_3, %scan3A_1118 = %broadcast_in_dim3A_3, %scan3A_1119 = %broadcast_in_dim3A_3, %scan3A_1120 = %broadcast_in_dim3A_3) -> (vector<16xf32>, vector<16xf32>, vector<16xf32>, vector<16xf32>, vector<16xf32>, vector<16xf32>, vector<16xf32>, vector<16xf32>)  : i32 {
        %mul3A_1121 = arith.constant 8 : i32
        %mul3A_1122 = arith.muli %scan3A_1112, %mul3A_1121 : i32
        %add3A_1123 = arith.constant 800 : i32
        %add3A_1124 = arith.addi %add3A_1123, %mul3A_1122 : i32
        %add3A_1125 = arith.constant 0 : i32
        %add3A_1126 = arith.addi %add3A_1124, %add3A_1125 : i32
        %get3A = arith.index_cast %add3A_1126 : i32 to index
        %get3A_1127 = arith.constant 0 : index
        %get3A_1128 = tpu.vector_load %arg7[%get3A, %get3A_1127] {strides = array<i32>} : memref<1600x32xf32, #tpu.memory_space<vmem>>, vector<1x16xf32>,
        %get3A_1129 = vector.shape_cast %get3A_1128 : vector<1x16xf32> to vector<16xf32>
        %add3A_1130 = arith.addf %scan3A_1113, %get3A_1129 : vector<16xf32>
        %add3A_1131 = arith.constant 0 : i32
        %add3A_1132 = arith.addi %add3A_1124, %add3A_1131 : i32
        %get3A_1133 = arith.index_cast %add3A_1132 : i32 to index
        %get3A_1134 = arith.constant 16 : index
        %get3A_1135 = tpu.vector_load %arg7[%get3A_1133, %get3A_1134] {strides = array<i32>} : memref<1600x32xf32, #tpu.memory_space<vmem>>, vector<1x16xf32>,
        %get3A_1136 = vector.shape_cast %get3A_1135 : vector<1x16xf32> to vector<16xf32>
        %add3A_1137 = arith.addf %scan3A_1114, %get3A_1136 : vector<16xf32>
        %add3A_1138 = arith.constant 1 : i32
        %add3A_1139 = arith.addi %add3A_1124, %add3A_1138 : i32
        %get3A_1140 = arith.index_cast %add3A_1139 : i32 to index
        %get3A_1141 = arith.constant 0 : index
        %get3A_1142 = tpu.vector_load %arg7[%get3A_1140, %get3A_1141] {strides = array<i32>} : memref<1600x32xf32, #tpu.memory_space<vmem>>, vector<1x16xf32>,
        %get3A_1143 = vector.shape_cast %get3A_1142 : vector<1x16xf32> to vector<16xf32>
        %add3A_1144 = arith.addf %scan3A_1115, %get3A_1143 : vector<16xf32>
        %add3A_1145 = arith.constant 1 : i32
        %add3A_1146 = arith.addi %add3A_1124, %add3A_1145 : i32
        %get3A_1147 = arith.index_cast %add3A_1146 : i32 to index
        %get3A_1148 = arith.constant 16 : index
        %get3A_1149 = tpu.vector_load %arg7[%get3A_1147, %get3A_1148] {strides = array<i32>} : memref<1600x32xf32, #tpu.memory_space<vmem>>, vector<1x16xf32>,
        %get3A_1150 = vector.shape_cast %get3A_1149 : vector<1x16xf32> to vector<16xf32>
        %add3A_1151 = arith.addf %scan3A_1116, %get3A_1150 : vector<16xf32>
        %add3A_1152 = arith.constant 2 : i32
        %add3A_1153 = arith.addi %add3A_1124, %add3A_1152 : i32
        %get3A_1154 = arith.index_cast %add3A_1153 : i32 to index
        %get3A_1155 = arith.constant 0 : index
        %get3A_1156 = tpu.vector_load %arg7[%get3A_1154, %get3A_1155] {strides = array<i32>} : memref<1600x32xf32, #tpu.memory_space<vmem>>, vector<1x16xf32>,
        %get3A_1157 = vector.shape_cast %get3A_1156 : vector<1x16xf32> to vector<16xf32>
        %add3A_1158 = arith.addf %scan3A_1117, %get3A_1157 : vector<16xf32>
        %add3A_1159 = arith.constant 2 : i32
        %add3A_1160 = arith.addi %add3A_1124, %add3A_1159 : i32
        %get3A_1161 = arith.index_cast %add3A_1160 : i32 to index
        %get3A_1162 = arith.constant 16 : index
        %get3A_1163 = tpu.vector_load %arg7[%get3A_1161, %get3A_1162] {strides = array<i32>} : memref<1600x32xf32, #tpu.memory_space<vmem>>, vector<1x16xf32>,
        %get3A_1164 = vector.shape_cast %get3A_1163 : vector<1x16xf32> to vector<16xf32>
        %add3A_1165 = arith.addf %scan3A_1118, %get3A_1164 : vector<16xf32>
        %add3A_1166 = arith.constant 3 : i32
        %add3A_1167 = arith.addi %add3A_1124, %add3A_1166 : i32
        %get3A_1168 = arith.index_cast %add3A_1167 : i32 to index
        %get3A_1169 = arith.constant 0 : index
        %get3A_1170 = tpu.vector_load %arg7[%get3A_1168, %get3A_1169] {strides = array<i32>} : memref<1600x32xf32, #tpu.memory_space<vmem>>, vector<1x16xf32>,
        %get3A_1171 = vector.shape_cast %get3A_1170 : vector<1x16xf32> to vector<16xf32>
        %add3A_1172 = arith.addf %scan3A_1119, %get3A_1171 : vector<16xf32>
        %add3A_1173 = arith.constant 3 : i32
        %add3A_1174 = arith.addi %add3A_1124, %add3A_1173 : i32
        %get3A_1175 = arith.index_cast %add3A_1174 : i32 to index
        %get3A_1176 = arith.constant 16 : index
        %get3A_1177 = tpu.vector_load %arg7[%get3A_1175, %get3A_1176] {strides = array<i32>} : memref<1600x32xf32, #tpu.memory_space<vmem>>, vector<1x16xf32>,
        %get3A_1178 = vector.shape_cast %get3A_1177 : vector<1x16xf32> to vector<16xf32>
        %add3A_1179 = arith.addf %scan3A_1120, %get3A_1178 : vector<16xf32>
        %add3A_1180 = arith.constant 4 : i32
        %add3A_1181 = arith.addi %add3A_1124, %add3A_1180 : i32
        %get3A_1182 = arith.index_cast %add3A_1181 : i32 to index
        %get3A_1183 = arith.constant 0 : index
        %get3A_1184 = tpu.vector_load %arg7[%get3A_1182, %get3A_1183] {strides = array<i32>} : memref<1600x32xf32, #tpu.memory_space<vmem>>, vector<1x16xf32>,
        %get3A_1185 = vector.shape_cast %get3A_1184 : vector<1x16xf32> to vector<16xf32>
        %add3A_1186 = arith.addf %add3A_1130, %get3A_1185 : vector<16xf32>
        %add3A_1187 = arith.constant 4 : i32
        %add3A_1188 = arith.addi %add3A_1124, %add3A_1187 : i32
        %get3A_1189 = arith.index_cast %add3A_1188 : i32 to index
        %get3A_1190 = arith.constant 16 : index
        %get3A_1191 = tpu.vector_load %arg7[%get3A_1189, %get3A_1190] {strides = array<i32>} : memref<1600x32xf32, #tpu.memory_space<vmem>>, vector<1x16xf32>,
        %get3A_1192 = vector.shape_cast %get3A_1191 : vector<1x16xf32> to vector<16xf32>
        %add3A_1193 = arith.addf %add3A_1137, %get3A_1192 : vector<16xf32>
        %add3A_1194 = arith.constant 5 : i32
        %add3A_1195 = arith.addi %add3A_1124, %add3A_1194 : i32
        %get3A_1196 = arith.index_cast %add3A_1195 : i32 to index
        %get3A_1197 = arith.constant 0 : index
        %get3A_1198 = tpu.vector_load %arg7[%get3A_1196, %get3A_1197] {strides = array<i32>} : memref<1600x32xf32, #tpu.memory_space<vmem>>, vector<1x16xf32>,
        %get3A_1199 = vector.shape_cast %get3A_1198 : vector<1x16xf32> to vector<16xf32>
        %add3A_1200 = arith.addf %add3A_1144, %get3A_1199 : vector<16xf32>
        %add3A_1201 = arith.constant 5 : i32
        %add3A_1202 = arith.addi %add3A_1124, %add3A_1201 : i32
        %get3A_1203 = arith.index_cast %add3A_1202 : i32 to index
        %get3A_1204 = arith.constant 16 : index
        %get3A_1205 = tpu.vector_load %arg7[%get3A_1203, %get3A_1204] {strides = array<i32>} : memref<1600x32xf32, #tpu.memory_space<vmem>>, vector<1x16xf32>,
        %get3A_1206 = vector.shape_cast %get3A_1205 : vector<1x16xf32> to vector<16xf32>
        %add3A_1207 = arith.addf %add3A_1151, %get3A_1206 : vector<16xf32>
        %add3A_1208 = arith.constant 6 : i32
        %add3A_1209 = arith.addi %add3A_1124, %add3A_1208 : i32
        %get3A_1210 = arith.index_cast %add3A_1209 : i32 to index
        %get3A_1211 = arith.constant 0 : index
        %get3A_1212 = tpu.vector_load %arg7[%get3A_1210, %get3A_1211] {strides = array<i32>} : memref<1600x32xf32, #tpu.memory_space<vmem>>, vector<1x16xf32>,
        %get3A_1213 = vector.shape_cast %get3A_1212 : vector<1x16xf32> to vector<16xf32>
        %add3A_1214 = arith.addf %add3A_1158, %get3A_1213 : vector<16xf32>
        %add3A_1215 = arith.constant 6 : i32
        %add3A_1216 = arith.addi %add3A_1124, %add3A_1215 : i32
        %get3A_1217 = arith.index_cast %add3A_1216 : i32 to index
        %get3A_1218 = arith.constant 16 : index
        %get3A_1219 = tpu.vector_load %arg7[%get3A_1217, %get3A_1218] {strides = array<i32>} : memref<1600x32xf32, #tpu.memory_space<vmem>>, vector<1x16xf32>,
        %get3A_1220 = vector.shape_cast %get3A_1219 : vector<1x16xf32> to vector<16xf32>
        %add3A_1221 = arith.addf %add3A_1165, %get3A_1220 : vector<16xf32>
        %add3A_1222 = arith.constant 7 : i32
        %add3A_1223 = arith.addi %add3A_1124, %add3A_1222 : i32
        %get3A_1224 = arith.index_cast %add3A_1223 : i32 to index
        %get3A_1225 = arith.constant 0 : index
        %get3A_1226 = tpu.vector_load %arg7[%get3A_1224, %get3A_1225] {strides = array<i32>} : memref<1600x32xf32, #tpu.memory_space<vmem>>, vector<1x16xf32>,
        %get3A_1227 = vector.shape_cast %get3A_1226 : vector<1x16xf32> to vector<16xf32>
        %add3A_1228 = arith.addf %add3A_1172, %get3A_1227 : vector<16xf32>
        %add3A_1229 = arith.constant 7 : i32
        %add3A_1230 = arith.addi %add3A_1124, %add3A_1229 : i32
        %get3A_1231 = arith.index_cast %add3A_1230 : i32 to index
        %get3A_1232 = arith.constant 16 : index
        %get3A_1233 = tpu.vector_load %arg7[%get3A_1231, %get3A_1232] {strides = array<i32>} : memref<1600x32xf32, #tpu.memory_space<vmem>>, vector<1x16xf32>,
        %get3A_1234 = vector.shape_cast %get3A_1233 : vector<1x16xf32> to vector<16xf32>
        %add3A_1235 = arith.addf %add3A_1179, %get3A_1234 : vector<16xf32>
        scf.yield %add3A_1186, %add3A_1193, %add3A_1200, %add3A_1207, %add3A_1214, %add3A_1221, %add3A_1228, %add3A_1235 : vector<16xf32>, vector<16xf32>, vector<16xf32>, vector<16xf32>, vector<16xf32>, vector<16xf32>, vector<16xf32>, vector<16xf32>
      }
      %scan3A_623 = arith.constant 25 : i32
      %add3A_624 = arith.addf %scan3A_622#0, %scan3A_622#2 : vector<16xf32>
      %add3A_625 = arith.addf %scan3A_622#1, %scan3A_622#3 : vector<16xf32>
      %add3A_626 = arith.addf %add3A_624, %scan3A_622#4 : vector<16xf32>
      %add3A_627 = arith.addf %add3A_625, %scan3A_622#5 : vector<16xf32>
      %add3A_628 = arith.addf %add3A_626, %scan3A_622#6 : vector<16xf32>
      %add3A_629 = arith.addf %add3A_627, %scan3A_622#7 : vector<16xf32>
      %swap3A_630 = arith.index_cast %mul3A_617 : i32 to index
      %swap3A_631 = tpu.vector_load %arg9[%swap3A_630] {strides = array<i32>} : memref<16384xf32, #tpu.memory_space<vmem>>, vector<16xf32>,
      %swap3A_632 = vector.shape_cast %swap3A_631 : vector<16xf32> to vector<16xf32>
      %swap3A_633 = vector.shape_cast %add3A_628 : vector<16xf32> to vector<16xf32>
      tpu.vector_store %arg9[%swap3A_630], %swap3A_633 {strides = array<i32>} : memref<16384xf32, #tpu.memory_space<vmem>>, vector<16xf32>,
      %add3A_634 = arith.constant 16 : i32
      %add3A_635 = arith.addi %mul3A_617, %add3A_634 : i32
      %swap3A_636 = arith.index_cast %add3A_635 : i32 to index
      %swap3A_637 = tpu.vector_load %arg9[%swap3A_636] {strides = array<i32>} : memref<16384xf32, #tpu.memory_space<vmem>>, vector<16xf32>,
      %swap3A_638 = vector.shape_cast %swap3A_637 : vector<16xf32> to vector<16xf32>
      %swap3A_639 = vector.shape_cast %add3A_629 : vector<16xf32> to vector<16xf32>
      tpu.vector_store %arg9[%swap3A_636], %swap3A_639 {strides = array<i32>} : memref<16384xf32, #tpu.memory_space<vmem>>, vector<16xf32>,
      %mul3A_640 = arith.constant 8 : i32
      %mul3A_641 = arith.muli %mul3A_176, %mul3A_640 : i32
      %add3A_642 = arith.constant 5 : i32
      %add3A_643 = arith.addi %mul3A_641, %add3A_642 : i32
      %mul3A_644 = arith.constant 32 : i32
      %mul3A_645 = arith.muli %add3A_643, %mul3A_644 : i32
      %scan3A_646 = arith.constant 0 : i32
      %scan3A_647 = arith.constant 25 : i32
      %scan3A_648 = arith.addi %scan3A_646, %scan3A_647 : i32
      %scan3A_649 = arith.constant 1 : i32
      %scan3A_650:8 = scf.for %scan3A_1112 = %scan3A_646 to %scan3A_648 step %scan3A_649 iter_args(%scan3A_1113 = %broadcast_in_dim3A_3, %scan3A_1114 = %broadcast_in_dim3A_3, %scan3A_1115 = %broadcast_in_dim3A_3, %scan3A_1116 = %broadcast_in_dim3A_3, %scan3A_1117 = %broadcast_in_dim3A_3, %scan3A_1118 = %broadcast_in_dim3A_3, %scan3A_1119 = %broadcast_in_dim3A_3, %scan3A_1120 = %broadcast_in_dim3A_3) -> (vector<16xf32>, vector<16xf32>, vector<16xf32>, vector<16xf32>, vector<16xf32>, vector<16xf32>, vector<16xf32>, vector<16xf32>)  : i32 {
        %mul3A_1121 = arith.constant 8 : i32
        %mul3A_1122 = arith.muli %scan3A_1112, %mul3A_1121 : i32
        %add3A_1123 = arith.constant 1000 : i32
        %add3A_1124 = arith.addi %add3A_1123, %mul3A_1122 : i32
        %add3A_1125 = arith.constant 0 : i32
        %add3A_1126 = arith.addi %add3A_1124, %add3A_1125 : i32
        %get3A = arith.index_cast %add3A_1126 : i32 to index
        %get3A_1127 = arith.constant 0 : index
        %get3A_1128 = tpu.vector_load %arg7[%get3A, %get3A_1127] {strides = array<i32>} : memref<1600x32xf32, #tpu.memory_space<vmem>>, vector<1x16xf32>,
        %get3A_1129 = vector.shape_cast %get3A_1128 : vector<1x16xf32> to vector<16xf32>
        %add3A_1130 = arith.addf %scan3A_1113, %get3A_1129 : vector<16xf32>
        %add3A_1131 = arith.constant 0 : i32
        %add3A_1132 = arith.addi %add3A_1124, %add3A_1131 : i32
        %get3A_1133 = arith.index_cast %add3A_1132 : i32 to index
        %get3A_1134 = arith.constant 16 : index
        %get3A_1135 = tpu.vector_load %arg7[%get3A_1133, %get3A_1134] {strides = array<i32>} : memref<1600x32xf32, #tpu.memory_space<vmem>>, vector<1x16xf32>,
        %get3A_1136 = vector.shape_cast %get3A_1135 : vector<1x16xf32> to vector<16xf32>
        %add3A_1137 = arith.addf %scan3A_1114, %get3A_1136 : vector<16xf32>
        %add3A_1138 = arith.constant 1 : i32
        %add3A_1139 = arith.addi %add3A_1124, %add3A_1138 : i32
        %get3A_1140 = arith.index_cast %add3A_1139 : i32 to index
        %get3A_1141 = arith.constant 0 : index
        %get3A_1142 = tpu.vector_load %arg7[%get3A_1140, %get3A_1141] {strides = array<i32>} : memref<1600x32xf32, #tpu.memory_space<vmem>>, vector<1x16xf32>,
        %get3A_1143 = vector.shape_cast %get3A_1142 : vector<1x16xf32> to vector<16xf32>
        %add3A_1144 = arith.addf %scan3A_1115, %get3A_1143 : vector<16xf32>
        %add3A_1145 = arith.constant 1 : i32
        %add3A_1146 = arith.addi %add3A_1124, %add3A_1145 : i32
        %get3A_1147 = arith.index_cast %add3A_1146 : i32 to index
        %get3A_1148 = arith.constant 16 : index
        %get3A_1149 = tpu.vector_load %arg7[%get3A_1147, %get3A_1148] {strides = array<i32>} : memref<1600x32xf32, #tpu.memory_space<vmem>>, vector<1x16xf32>,
        %get3A_1150 = vector.shape_cast %get3A_1149 : vector<1x16xf32> to vector<16xf32>
        %add3A_1151 = arith.addf %scan3A_1116, %get3A_1150 : vector<16xf32>
        %add3A_1152 = arith.constant 2 : i32
        %add3A_1153 = arith.addi %add3A_1124, %add3A_1152 : i32
        %get3A_1154 = arith.index_cast %add3A_1153 : i32 to index
        %get3A_1155 = arith.constant 0 : index
        %get3A_1156 = tpu.vector_load %arg7[%get3A_1154, %get3A_1155] {strides = array<i32>} : memref<1600x32xf32, #tpu.memory_space<vmem>>, vector<1x16xf32>,
        %get3A_1157 = vector.shape_cast %get3A_1156 : vector<1x16xf32> to vector<16xf32>
        %add3A_1158 = arith.addf %scan3A_1117, %get3A_1157 : vector<16xf32>
        %add3A_1159 = arith.constant 2 : i32
        %add3A_1160 = arith.addi %add3A_1124, %add3A_1159 : i32
        %get3A_1161 = arith.index_cast %add3A_1160 : i32 to index
        %get3A_1162 = arith.constant 16 : index
        %get3A_1163 = tpu.vector_load %arg7[%get3A_1161, %get3A_1162] {strides = array<i32>} : memref<1600x32xf32, #tpu.memory_space<vmem>>, vector<1x16xf32>,
        %get3A_1164 = vector.shape_cast %get3A_1163 : vector<1x16xf32> to vector<16xf32>
        %add3A_1165 = arith.addf %scan3A_1118, %get3A_1164 : vector<16xf32>
        %add3A_1166 = arith.constant 3 : i32
        %add3A_1167 = arith.addi %add3A_1124, %add3A_1166 : i32
        %get3A_1168 = arith.index_cast %add3A_1167 : i32 to index
        %get3A_1169 = arith.constant 0 : index
        %get3A_1170 = tpu.vector_load %arg7[%get3A_1168, %get3A_1169] {strides = array<i32>} : memref<1600x32xf32, #tpu.memory_space<vmem>>, vector<1x16xf32>,
        %get3A_1171 = vector.shape_cast %get3A_1170 : vector<1x16xf32> to vector<16xf32>
        %add3A_1172 = arith.addf %scan3A_1119, %get3A_1171 : vector<16xf32>
        %add3A_1173 = arith.constant 3 : i32
        %add3A_1174 = arith.addi %add3A_1124, %add3A_1173 : i32
        %get3A_1175 = arith.index_cast %add3A_1174 : i32 to index
        %get3A_1176 = arith.constant 16 : index
        %get3A_1177 = tpu.vector_load %arg7[%get3A_1175, %get3A_1176] {strides = array<i32>} : memref<1600x32xf32, #tpu.memory_space<vmem>>, vector<1x16xf32>,
        %get3A_1178 = vector.shape_cast %get3A_1177 : vector<1x16xf32> to vector<16xf32>
        %add3A_1179 = arith.addf %scan3A_1120, %get3A_1178 : vector<16xf32>
        %add3A_1180 = arith.constant 4 : i32
        %add3A_1181 = arith.addi %add3A_1124, %add3A_1180 : i32
        %get3A_1182 = arith.index_cast %add3A_1181 : i32 to index
        %get3A_1183 = arith.constant 0 : index
        %get3A_1184 = tpu.vector_load %arg7[%get3A_1182, %get3A_1183] {strides = array<i32>} : memref<1600x32xf32, #tpu.memory_space<vmem>>, vector<1x16xf32>,
        %get3A_1185 = vector.shape_cast %get3A_1184 : vector<1x16xf32> to vector<16xf32>
        %add3A_1186 = arith.addf %add3A_1130, %get3A_1185 : vector<16xf32>
        %add3A_1187 = arith.constant 4 : i32
        %add3A_1188 = arith.addi %add3A_1124, %add3A_1187 : i32
        %get3A_1189 = arith.index_cast %add3A_1188 : i32 to index
        %get3A_1190 = arith.constant 16 : index
        %get3A_1191 = tpu.vector_load %arg7[%get3A_1189, %get3A_1190] {strides = array<i32>} : memref<1600x32xf32, #tpu.memory_space<vmem>>, vector<1x16xf32>,
        %get3A_1192 = vector.shape_cast %get3A_1191 : vector<1x16xf32> to vector<16xf32>
        %add3A_1193 = arith.addf %add3A_1137, %get3A_1192 : vector<16xf32>
        %add3A_1194 = arith.constant 5 : i32
        %add3A_1195 = arith.addi %add3A_1124, %add3A_1194 : i32
        %get3A_1196 = arith.index_cast %add3A_1195 : i32 to index
        %get3A_1197 = arith.constant 0 : index
        %get3A_1198 = tpu.vector_load %arg7[%get3A_1196, %get3A_1197] {strides = array<i32>} : memref<1600x32xf32, #tpu.memory_space<vmem>>, vector<1x16xf32>,
        %get3A_1199 = vector.shape_cast %get3A_1198 : vector<1x16xf32> to vector<16xf32>
        %add3A_1200 = arith.addf %add3A_1144, %get3A_1199 : vector<16xf32>
        %add3A_1201 = arith.constant 5 : i32
        %add3A_1202 = arith.addi %add3A_1124, %add3A_1201 : i32
        %get3A_1203 = arith.index_cast %add3A_1202 : i32 to index
        %get3A_1204 = arith.constant 16 : index
        %get3A_1205 = tpu.vector_load %arg7[%get3A_1203, %get3A_1204] {strides = array<i32>} : memref<1600x32xf32, #tpu.memory_space<vmem>>, vector<1x16xf32>,
        %get3A_1206 = vector.shape_cast %get3A_1205 : vector<1x16xf32> to vector<16xf32>
        %add3A_1207 = arith.addf %add3A_1151, %get3A_1206 : vector<16xf32>
        %add3A_1208 = arith.constant 6 : i32
        %add3A_1209 = arith.addi %add3A_1124, %add3A_1208 : i32
        %get3A_1210 = arith.index_cast %add3A_1209 : i32 to index
        %get3A_1211 = arith.constant 0 : index
        %get3A_1212 = tpu.vector_load %arg7[%get3A_1210, %get3A_1211] {strides = array<i32>} : memref<1600x32xf32, #tpu.memory_space<vmem>>, vector<1x16xf32>,
        %get3A_1213 = vector.shape_cast %get3A_1212 : vector<1x16xf32> to vector<16xf32>
        %add3A_1214 = arith.addf %add3A_1158, %get3A_1213 : vector<16xf32>
        %add3A_1215 = arith.constant 6 : i32
        %add3A_1216 = arith.addi %add3A_1124, %add3A_1215 : i32
        %get3A_1217 = arith.index_cast %add3A_1216 : i32 to index
        %get3A_1218 = arith.constant 16 : index
        %get3A_1219 = tpu.vector_load %arg7[%get3A_1217, %get3A_1218] {strides = array<i32>} : memref<1600x32xf32, #tpu.memory_space<vmem>>, vector<1x16xf32>,
        %get3A_1220 = vector.shape_cast %get3A_1219 : vector<1x16xf32> to vector<16xf32>
        %add3A_1221 = arith.addf %add3A_1165, %get3A_1220 : vector<16xf32>
        %add3A_1222 = arith.constant 7 : i32
        %add3A_1223 = arith.addi %add3A_1124, %add3A_1222 : i32
        %get3A_1224 = arith.index_cast %add3A_1223 : i32 to index
        %get3A_1225 = arith.constant 0 : index
        %get3A_1226 = tpu.vector_load %arg7[%get3A_1224, %get3A_1225] {strides = array<i32>} : memref<1600x32xf32, #tpu.memory_space<vmem>>, vector<1x16xf32>,
        %get3A_1227 = vector.shape_cast %get3A_1226 : vector<1x16xf32> to vector<16xf32>
        %add3A_1228 = arith.addf %add3A_1172, %get3A_1227 : vector<16xf32>
        %add3A_1229 = arith.constant 7 : i32
        %add3A_1230 = arith.addi %add3A_1124, %add3A_1229 : i32
        %get3A_1231 = arith.index_cast %add3A_1230 : i32 to index
        %get3A_1232 = arith.constant 16 : index
        %get3A_1233 = tpu.vector_load %arg7[%get3A_1231, %get3A_1232] {strides = array<i32>} : memref<1600x32xf32, #tpu.memory_space<vmem>>, vector<1x16xf32>,
        %get3A_1234 = vector.shape_cast %get3A_1233 : vector<1x16xf32> to vector<16xf32>
        %add3A_1235 = arith.addf %add3A_1179, %get3A_1234 : vector<16xf32>
        scf.yield %add3A_1186, %add3A_1193, %add3A_1200, %add3A_1207, %add3A_1214, %add3A_1221, %add3A_1228, %add3A_1235 : vector<16xf32>, vector<16xf32>, vector<16xf32>, vector<16xf32>, vector<16xf32>, vector<16xf32>, vector<16xf32>, vector<16xf32>
      }
      %scan3A_651 = arith.constant 25 : i32
      %add3A_652 = arith.addf %scan3A_650#0, %scan3A_650#2 : vector<16xf32>
      %add3A_653 = arith.addf %scan3A_650#1, %scan3A_650#3 : vector<16xf32>
      %add3A_654 = arith.addf %add3A_652, %scan3A_650#4 : vector<16xf32>
      %add3A_655 = arith.addf %add3A_653, %scan3A_650#5 : vector<16xf32>
      %add3A_656 = arith.addf %add3A_654, %scan3A_650#6 : vector<16xf32>
      %add3A_657 = arith.addf %add3A_655, %scan3A_650#7 : vector<16xf32>
      %swap3A_658 = arith.index_cast %mul3A_645 : i32 to index
      %swap3A_659 = tpu.vector_load %arg9[%swap3A_658] {strides = array<i32>} : memref<16384xf32, #tpu.memory_space<vmem>>, vector<16xf32>,
      %swap3A_660 = vector.shape_cast %swap3A_659 : vector<16xf32> to vector<16xf32>
      %swap3A_661 = vector.shape_cast %add3A_656 : vector<16xf32> to vector<16xf32>
      tpu.vector_store %arg9[%swap3A_658], %swap3A_661 {strides = array<i32>} : memref<16384xf32, #tpu.memory_space<vmem>>, vector<16xf32>,
      %add3A_662 = arith.constant 16 : i32
      %add3A_663 = arith.addi %mul3A_645, %add3A_662 : i32
      %swap3A_664 = arith.index_cast %add3A_663 : i32 to index
      %swap3A_665 = tpu.vector_load %arg9[%swap3A_664] {strides = array<i32>} : memref<16384xf32, #tpu.memory_space<vmem>>, vector<16xf32>,
      %swap3A_666 = vector.shape_cast %swap3A_665 : vector<16xf32> to vector<16xf32>
      %swap3A_667 = vector.shape_cast %add3A_657 : vector<16xf32> to vector<16xf32>
      tpu.vector_store %arg9[%swap3A_664], %swap3A_667 {strides = array<i32>} : memref<16384xf32, #tpu.memory_space<vmem>>, vector<16xf32>,
      %mul3A_668 = arith.constant 8 : i32
      %mul3A_669 = arith.muli %mul3A_176, %mul3A_668 : i32
      %add3A_670 = arith.constant 6 : i32
      %add3A_671 = arith.addi %mul3A_669, %add3A_670 : i32
      %mul3A_672 = arith.constant 32 : i32
      %mul3A_673 = arith.muli %add3A_671, %mul3A_672 : i32
      %scan3A_674 = arith.constant 0 : i32
      %scan3A_675 = arith.constant 25 : i32
      %scan3A_676 = arith.addi %scan3A_674, %scan3A_675 : i32
      %scan3A_677 = arith.constant 1 : i32
      %scan3A_678:8 = scf.for %scan3A_1112 = %scan3A_674 to %scan3A_676 step %scan3A_677 iter_args(%scan3A_1113 = %broadcast_in_dim3A_3, %scan3A_1114 = %broadcast_in_dim3A_3, %scan3A_1115 = %broadcast_in_dim3A_3, %scan3A_1116 = %broadcast_in_dim3A_3, %scan3A_1117 = %broadcast_in_dim3A_3, %scan3A_1118 = %broadcast_in_dim3A_3, %scan3A_1119 = %broadcast_in_dim3A_3, %scan3A_1120 = %broadcast_in_dim3A_3) -> (vector<16xf32>, vector<16xf32>, vector<16xf32>, vector<16xf32>, vector<16xf32>, vector<16xf32>, vector<16xf32>, vector<16xf32>)  : i32 {
        %mul3A_1121 = arith.constant 8 : i32
        %mul3A_1122 = arith.muli %scan3A_1112, %mul3A_1121 : i32
        %add3A_1123 = arith.constant 1200 : i32
        %add3A_1124 = arith.addi %add3A_1123, %mul3A_1122 : i32
        %add3A_1125 = arith.constant 0 : i32
        %add3A_1126 = arith.addi %add3A_1124, %add3A_1125 : i32
        %get3A = arith.index_cast %add3A_1126 : i32 to index
        %get3A_1127 = arith.constant 0 : index
        %get3A_1128 = tpu.vector_load %arg7[%get3A, %get3A_1127] {strides = array<i32>} : memref<1600x32xf32, #tpu.memory_space<vmem>>, vector<1x16xf32>,
        %get3A_1129 = vector.shape_cast %get3A_1128 : vector<1x16xf32> to vector<16xf32>
        %add3A_1130 = arith.addf %scan3A_1113, %get3A_1129 : vector<16xf32>
        %add3A_1131 = arith.constant 0 : i32
        %add3A_1132 = arith.addi %add3A_1124, %add3A_1131 : i32
        %get3A_1133 = arith.index_cast %add3A_1132 : i32 to index
        %get3A_1134 = arith.constant 16 : index
        %get3A_1135 = tpu.vector_load %arg7[%get3A_1133, %get3A_1134] {strides = array<i32>} : memref<1600x32xf32, #tpu.memory_space<vmem>>, vector<1x16xf32>,
        %get3A_1136 = vector.shape_cast %get3A_1135 : vector<1x16xf32> to vector<16xf32>
        %add3A_1137 = arith.addf %scan3A_1114, %get3A_1136 : vector<16xf32>
        %add3A_1138 = arith.constant 1 : i32
        %add3A_1139 = arith.addi %add3A_1124, %add3A_1138 : i32
        %get3A_1140 = arith.index_cast %add3A_1139 : i32 to index
        %get3A_1141 = arith.constant 0 : index
        %get3A_1142 = tpu.vector_load %arg7[%get3A_1140, %get3A_1141] {strides = array<i32>} : memref<1600x32xf32, #tpu.memory_space<vmem>>, vector<1x16xf32>,
        %get3A_1143 = vector.shape_cast %get3A_1142 : vector<1x16xf32> to vector<16xf32>
        %add3A_1144 = arith.addf %scan3A_1115, %get3A_1143 : vector<16xf32>
        %add3A_1145 = arith.constant 1 : i32
        %add3A_1146 = arith.addi %add3A_1124, %add3A_1145 : i32
        %get3A_1147 = arith.index_cast %add3A_1146 : i32 to index
        %get3A_1148 = arith.constant 16 : index
        %get3A_1149 = tpu.vector_load %arg7[%get3A_1147, %get3A_1148] {strides = array<i32>} : memref<1600x32xf32, #tpu.memory_space<vmem>>, vector<1x16xf32>,
        %get3A_1150 = vector.shape_cast %get3A_1149 : vector<1x16xf32> to vector<16xf32>
        %add3A_1151 = arith.addf %scan3A_1116, %get3A_1150 : vector<16xf32>
        %add3A_1152 = arith.constant 2 : i32
        %add3A_1153 = arith.addi %add3A_1124, %add3A_1152 : i32
        %get3A_1154 = arith.index_cast %add3A_1153 : i32 to index
        %get3A_1155 = arith.constant 0 : index
        %get3A_1156 = tpu.vector_load %arg7[%get3A_1154, %get3A_1155] {strides = array<i32>} : memref<1600x32xf32, #tpu.memory_space<vmem>>, vector<1x16xf32>,
        %get3A_1157 = vector.shape_cast %get3A_1156 : vector<1x16xf32> to vector<16xf32>
        %add3A_1158 = arith.addf %scan3A_1117, %get3A_1157 : vector<16xf32>
        %add3A_1159 = arith.constant 2 : i32
        %add3A_1160 = arith.addi %add3A_1124, %add3A_1159 : i32
        %get3A_1161 = arith.index_cast %add3A_1160 : i32 to index
        %get3A_1162 = arith.constant 16 : index
        %get3A_1163 = tpu.vector_load %arg7[%get3A_1161, %get3A_1162] {strides = array<i32>} : memref<1600x32xf32, #tpu.memory_space<vmem>>, vector<1x16xf32>,
        %get3A_1164 = vector.shape_cast %get3A_1163 : vector<1x16xf32> to vector<16xf32>
        %add3A_1165 = arith.addf %scan3A_1118, %get3A_1164 : vector<16xf32>
        %add3A_1166 = arith.constant 3 : i32
        %add3A_1167 = arith.addi %add3A_1124, %add3A_1166 : i32
        %get3A_1168 = arith.index_cast %add3A_1167 : i32 to index
        %get3A_1169 = arith.constant 0 : index
        %get3A_1170 = tpu.vector_load %arg7[%get3A_1168, %get3A_1169] {strides = array<i32>} : memref<1600x32xf32, #tpu.memory_space<vmem>>, vector<1x16xf32>,
        %get3A_1171 = vector.shape_cast %get3A_1170 : vector<1x16xf32> to vector<16xf32>
        %add3A_1172 = arith.addf %scan3A_1119, %get3A_1171 : vector<16xf32>
        %add3A_1173 = arith.constant 3 : i32
        %add3A_1174 = arith.addi %add3A_1124, %add3A_1173 : i32
        %get3A_1175 = arith.index_cast %add3A_1174 : i32 to index
        %get3A_1176 = arith.constant 16 : index
        %get3A_1177 = tpu.vector_load %arg7[%get3A_1175, %get3A_1176] {strides = array<i32>} : memref<1600x32xf32, #tpu.memory_space<vmem>>, vector<1x16xf32>,
        %get3A_1178 = vector.shape_cast %get3A_1177 : vector<1x16xf32> to vector<16xf32>
        %add3A_1179 = arith.addf %scan3A_1120, %get3A_1178 : vector<16xf32>
        %add3A_1180 = arith.constant 4 : i32
        %add3A_1181 = arith.addi %add3A_1124, %add3A_1180 : i32
        %get3A_1182 = arith.index_cast %add3A_1181 : i32 to index
        %get3A_1183 = arith.constant 0 : index
        %get3A_1184 = tpu.vector_load %arg7[%get3A_1182, %get3A_1183] {strides = array<i32>} : memref<1600x32xf32, #tpu.memory_space<vmem>>, vector<1x16xf32>,
        %get3A_1185 = vector.shape_cast %get3A_1184 : vector<1x16xf32> to vector<16xf32>
        %add3A_1186 = arith.addf %add3A_1130, %get3A_1185 : vector<16xf32>
        %add3A_1187 = arith.constant 4 : i32
        %add3A_1188 = arith.addi %add3A_1124, %add3A_1187 : i32
        %get3A_1189 = arith.index_cast %add3A_1188 : i32 to index
        %get3A_1190 = arith.constant 16 : index
        %get3A_1191 = tpu.vector_load %arg7[%get3A_1189, %get3A_1190] {strides = array<i32>} : memref<1600x32xf32, #tpu.memory_space<vmem>>, vector<1x16xf32>,
        %get3A_1192 = vector.shape_cast %get3A_1191 : vector<1x16xf32> to vector<16xf32>
        %add3A_1193 = arith.addf %add3A_1137, %get3A_1192 : vector<16xf32>
        %add3A_1194 = arith.constant 5 : i32
        %add3A_1195 = arith.addi %add3A_1124, %add3A_1194 : i32
        %get3A_1196 = arith.index_cast %add3A_1195 : i32 to index
        %get3A_1197 = arith.constant 0 : index
        %get3A_1198 = tpu.vector_load %arg7[%get3A_1196, %get3A_1197] {strides = array<i32>} : memref<1600x32xf32, #tpu.memory_space<vmem>>, vector<1x16xf32>,
        %get3A_1199 = vector.shape_cast %get3A_1198 : vector<1x16xf32> to vector<16xf32>
        %add3A_1200 = arith.addf %add3A_1144, %get3A_1199 : vector<16xf32>
        %add3A_1201 = arith.constant 5 : i32
        %add3A_1202 = arith.addi %add3A_1124, %add3A_1201 : i32
        %get3A_1203 = arith.index_cast %add3A_1202 : i32 to index
        %get3A_1204 = arith.constant 16 : index
        %get3A_1205 = tpu.vector_load %arg7[%get3A_1203, %get3A_1204] {strides = array<i32>} : memref<1600x32xf32, #tpu.memory_space<vmem>>, vector<1x16xf32>,
        %get3A_1206 = vector.shape_cast %get3A_1205 : vector<1x16xf32> to vector<16xf32>
        %add3A_1207 = arith.addf %add3A_1151, %get3A_1206 : vector<16xf32>
        %add3A_1208 = arith.constant 6 : i32
        %add3A_1209 = arith.addi %add3A_1124, %add3A_1208 : i32
        %get3A_1210 = arith.index_cast %add3A_1209 : i32 to index
        %get3A_1211 = arith.constant 0 : index
        %get3A_1212 = tpu.vector_load %arg7[%get3A_1210, %get3A_1211] {strides = array<i32>} : memref<1600x32xf32, #tpu.memory_space<vmem>>, vector<1x16xf32>,
        %get3A_1213 = vector.shape_cast %get3A_1212 : vector<1x16xf32> to vector<16xf32>
        %add3A_1214 = arith.addf %add3A_1158, %get3A_1213 : vector<16xf32>
        %add3A_1215 = arith.constant 6 : i32
        %add3A_1216 = arith.addi %add3A_1124, %add3A_1215 : i32
        %get3A_1217 = arith.index_cast %add3A_1216 : i32 to index
        %get3A_1218 = arith.constant 16 : index
        %get3A_1219 = tpu.vector_load %arg7[%get3A_1217, %get3A_1218] {strides = array<i32>} : memref<1600x32xf32, #tpu.memory_space<vmem>>, vector<1x16xf32>,
        %get3A_1220 = vector.shape_cast %get3A_1219 : vector<1x16xf32> to vector<16xf32>
        %add3A_1221 = arith.addf %add3A_1165, %get3A_1220 : vector<16xf32>
        %add3A_1222 = arith.constant 7 : i32
        %add3A_1223 = arith.addi %add3A_1124, %add3A_1222 : i32
        %get3A_1224 = arith.index_cast %add3A_1223 : i32 to index
        %get3A_1225 = arith.constant 0 : index
        %get3A_1226 = tpu.vector_load %arg7[%get3A_1224, %get3A_1225] {strides = array<i32>} : memref<1600x32xf32, #tpu.memory_space<vmem>>, vector<1x16xf32>,
        %get3A_1227 = vector.shape_cast %get3A_1226 : vector<1x16xf32> to vector<16xf32>
        %add3A_1228 = arith.addf %add3A_1172, %get3A_1227 : vector<16xf32>
        %add3A_1229 = arith.constant 7 : i32
        %add3A_1230 = arith.addi %add3A_1124, %add3A_1229 : i32
        %get3A_1231 = arith.index_cast %add3A_1230 : i32 to index
        %get3A_1232 = arith.constant 16 : index
        %get3A_1233 = tpu.vector_load %arg7[%get3A_1231, %get3A_1232] {strides = array<i32>} : memref<1600x32xf32, #tpu.memory_space<vmem>>, vector<1x16xf32>,
        %get3A_1234 = vector.shape_cast %get3A_1233 : vector<1x16xf32> to vector<16xf32>
        %add3A_1235 = arith.addf %add3A_1179, %get3A_1234 : vector<16xf32>
        scf.yield %add3A_1186, %add3A_1193, %add3A_1200, %add3A_1207, %add3A_1214, %add3A_1221, %add3A_1228, %add3A_1235 : vector<16xf32>, vector<16xf32>, vector<16xf32>, vector<16xf32>, vector<16xf32>, vector<16xf32>, vector<16xf32>, vector<16xf32>
      }
      %scan3A_679 = arith.constant 25 : i32
      %add3A_680 = arith.addf %scan3A_678#0, %scan3A_678#2 : vector<16xf32>
      %add3A_681 = arith.addf %scan3A_678#1, %scan3A_678#3 : vector<16xf32>
      %add3A_682 = arith.addf %add3A_680, %scan3A_678#4 : vector<16xf32>
      %add3A_683 = arith.addf %add3A_681, %scan3A_678#5 : vector<16xf32>
      %add3A_684 = arith.addf %add3A_682, %scan3A_678#6 : vector<16xf32>
      %add3A_685 = arith.addf %add3A_683, %scan3A_678#7 : vector<16xf32>
      %swap3A_686 = arith.index_cast %mul3A_673 : i32 to index
      %swap3A_687 = tpu.vector_load %arg9[%swap3A_686] {strides = array<i32>} : memref<16384xf32, #tpu.memory_space<vmem>>, vector<16xf32>,
      %swap3A_688 = vector.shape_cast %swap3A_687 : vector<16xf32> to vector<16xf32>
      %swap3A_689 = vector.shape_cast %add3A_684 : vector<16xf32> to vector<16xf32>
      tpu.vector_store %arg9[%swap3A_686], %swap3A_689 {strides = array<i32>} : memref<16384xf32, #tpu.memory_space<vmem>>, vector<16xf32>,
      %add3A_690 = arith.constant 16 : i32
      %add3A_691 = arith.addi %mul3A_673, %add3A_690 : i32
      %swap3A_692 = arith.index_cast %add3A_691 : i32 to index
      %swap3A_693 = tpu.vector_load %arg9[%swap3A_692] {strides = array<i32>} : memref<16384xf32, #tpu.memory_space<vmem>>, vector<16xf32>,
      %swap3A_694 = vector.shape_cast %swap3A_693 : vector<16xf32> to vector<16xf32>
      %swap3A_695 = vector.shape_cast %add3A_685 : vector<16xf32> to vector<16xf32>
      tpu.vector_store %arg9[%swap3A_692], %swap3A_695 {strides = array<i32>} : memref<16384xf32, #tpu.memory_space<vmem>>, vector<16xf32>,
      %mul3A_696 = arith.constant 8 : i32
      %mul3A_697 = arith.muli %mul3A_176, %mul3A_696 : i32
      %add3A_698 = arith.constant 7 : i32
      %add3A_699 = arith.addi %mul3A_697, %add3A_698 : i32
      %mul3A_700 = arith.constant 32 : i32
      %mul3A_701 = arith.muli %add3A_699, %mul3A_700 : i32
      %scan3A_702 = arith.constant 0 : i32
      %scan3A_703 = arith.constant 25 : i32
      %scan3A_704 = arith.addi %scan3A_702, %scan3A_703 : i32
      %scan3A_705 = arith.constant 1 : i32
      %scan3A_706:8 = scf.for %scan3A_1112 = %scan3A_702 to %scan3A_704 step %scan3A_705 iter_args(%scan3A_1113 = %broadcast_in_dim3A_3, %scan3A_1114 = %broadcast_in_dim3A_3, %scan3A_1115 = %broadcast_in_dim3A_3, %scan3A_1116 = %broadcast_in_dim3A_3, %scan3A_1117 = %broadcast_in_dim3A_3, %scan3A_1118 = %broadcast_in_dim3A_3, %scan3A_1119 = %broadcast_in_dim3A_3, %scan3A_1120 = %broadcast_in_dim3A_3) -> (vector<16xf32>, vector<16xf32>, vector<16xf32>, vector<16xf32>, vector<16xf32>, vector<16xf32>, vector<16xf32>, vector<16xf32>)  : i32 {
        %mul3A_1121 = arith.constant 8 : i32
        %mul3A_1122 = arith.muli %scan3A_1112, %mul3A_1121 : i32
        %add3A_1123 = arith.constant 1400 : i32
        %add3A_1124 = arith.addi %add3A_1123, %mul3A_1122 : i32
        %add3A_1125 = arith.constant 0 : i32
        %add3A_1126 = arith.addi %add3A_1124, %add3A_1125 : i32
        %get3A = arith.index_cast %add3A_1126 : i32 to index
        %get3A_1127 = arith.constant 0 : index
        %get3A_1128 = tpu.vector_load %arg7[%get3A, %get3A_1127] {strides = array<i32>} : memref<1600x32xf32, #tpu.memory_space<vmem>>, vector<1x16xf32>,
        %get3A_1129 = vector.shape_cast %get3A_1128 : vector<1x16xf32> to vector<16xf32>
        %add3A_1130 = arith.addf %scan3A_1113, %get3A_1129 : vector<16xf32>
        %add3A_1131 = arith.constant 0 : i32
        %add3A_1132 = arith.addi %add3A_1124, %add3A_1131 : i32
        %get3A_1133 = arith.index_cast %add3A_1132 : i32 to index
        %get3A_1134 = arith.constant 16 : index
        %get3A_1135 = tpu.vector_load %arg7[%get3A_1133, %get3A_1134] {strides = array<i32>} : memref<1600x32xf32, #tpu.memory_space<vmem>>, vector<1x16xf32>,
        %get3A_1136 = vector.shape_cast %get3A_1135 : vector<1x16xf32> to vector<16xf32>
        %add3A_1137 = arith.addf %scan3A_1114, %get3A_1136 : vector<16xf32>
        %add3A_1138 = arith.constant 1 : i32
        %add3A_1139 = arith.addi %add3A_1124, %add3A_1138 : i32
        %get3A_1140 = arith.index_cast %add3A_1139 : i32 to index
        %get3A_1141 = arith.constant 0 : index
        %get3A_1142 = tpu.vector_load %arg7[%get3A_1140, %get3A_1141] {strides = array<i32>} : memref<1600x32xf32, #tpu.memory_space<vmem>>, vector<1x16xf32>,
        %get3A_1143 = vector.shape_cast %get3A_1142 : vector<1x16xf32> to vector<16xf32>
        %add3A_1144 = arith.addf %scan3A_1115, %get3A_1143 : vector<16xf32>
        %add3A_1145 = arith.constant 1 : i32
        %add3A_1146 = arith.addi %add3A_1124, %add3A_1145 : i32
        %get3A_1147 = arith.index_cast %add3A_1146 : i32 to index
        %get3A_1148 = arith.constant 16 : index
        %get3A_1149 = tpu.vector_load %arg7[%get3A_1147, %get3A_1148] {strides = array<i32>} : memref<1600x32xf32, #tpu.memory_space<vmem>>, vector<1x16xf32>,
        %get3A_1150 = vector.shape_cast %get3A_1149 : vector<1x16xf32> to vector<16xf32>
        %add3A_1151 = arith.addf %scan3A_1116, %get3A_1150 : vector<16xf32>
        %add3A_1152 = arith.constant 2 : i32
        %add3A_1153 = arith.addi %add3A_1124, %add3A_1152 : i32
        %get3A_1154 = arith.index_cast %add3A_1153 : i32 to index
        %get3A_1155 = arith.constant 0 : index
        %get3A_1156 = tpu.vector_load %arg7[%get3A_1154, %get3A_1155] {strides = array<i32>} : memref<1600x32xf32, #tpu.memory_space<vmem>>, vector<1x16xf32>,
        %get3A_1157 = vector.shape_cast %get3A_1156 : vector<1x16xf32> to vector<16xf32>
        %add3A_1158 = arith.addf %scan3A_1117, %get3A_1157 : vector<16xf32>
        %add3A_1159 = arith.constant 2 : i32
        %add3A_1160 = arith.addi %add3A_1124, %add3A_1159 : i32
        %get3A_1161 = arith.index_cast %add3A_1160 : i32 to index
        %get3A_1162 = arith.constant 16 : index
        %get3A_1163 = tpu.vector_load %arg7[%get3A_1161, %get3A_1162] {strides = array<i32>} : memref<1600x32xf32, #tpu.memory_space<vmem>>, vector<1x16xf32>,
        %get3A_1164 = vector.shape_cast %get3A_1163 : vector<1x16xf32> to vector<16xf32>
        %add3A_1165 = arith.addf %scan3A_1118, %get3A_1164 : vector<16xf32>
        %add3A_1166 = arith.constant 3 : i32
        %add3A_1167 = arith.addi %add3A_1124, %add3A_1166 : i32
        %get3A_1168 = arith.index_cast %add3A_1167 : i32 to index
        %get3A_1169 = arith.constant 0 : index
        %get3A_1170 = tpu.vector_load %arg7[%get3A_1168, %get3A_1169] {strides = array<i32>} : memref<1600x32xf32, #tpu.memory_space<vmem>>, vector<1x16xf32>,
        %get3A_1171 = vector.shape_cast %get3A_1170 : vector<1x16xf32> to vector<16xf32>
        %add3A_1172 = arith.addf %scan3A_1119, %get3A_1171 : vector<16xf32>
        %add3A_1173 = arith.constant 3 : i32
        %add3A_1174 = arith.addi %add3A_1124, %add3A_1173 : i32
        %get3A_1175 = arith.index_cast %add3A_1174 : i32 to index
        %get3A_1176 = arith.constant 16 : index
        %get3A_1177 = tpu.vector_load %arg7[%get3A_1175, %get3A_1176] {strides = array<i32>} : memref<1600x32xf32, #tpu.memory_space<vmem>>, vector<1x16xf32>,
        %get3A_1178 = vector.shape_cast %get3A_1177 : vector<1x16xf32> to vector<16xf32>
        %add3A_1179 = arith.addf %scan3A_1120, %get3A_1178 : vector<16xf32>
        %add3A_1180 = arith.constant 4 : i32
        %add3A_1181 = arith.addi %add3A_1124, %add3A_1180 : i32
        %get3A_1182 = arith.index_cast %add3A_1181 : i32 to index
        %get3A_1183 = arith.constant 0 : index
        %get3A_1184 = tpu.vector_load %arg7[%get3A_1182, %get3A_1183] {strides = array<i32>} : memref<1600x32xf32, #tpu.memory_space<vmem>>, vector<1x16xf32>,
        %get3A_1185 = vector.shape_cast %get3A_1184 : vector<1x16xf32> to vector<16xf32>
        %add3A_1186 = arith.addf %add3A_1130, %get3A_1185 : vector<16xf32>
        %add3A_1187 = arith.constant 4 : i32
        %add3A_1188 = arith.addi %add3A_1124, %add3A_1187 : i32
        %get3A_1189 = arith.index_cast %add3A_1188 : i32 to index
        %get3A_1190 = arith.constant 16 : index
        %get3A_1191 = tpu.vector_load %arg7[%get3A_1189, %get3A_1190] {strides = array<i32>} : memref<1600x32xf32, #tpu.memory_space<vmem>>, vector<1x16xf32>,
        %get3A_1192 = vector.shape_cast %get3A_1191 : vector<1x16xf32> to vector<16xf32>
        %add3A_1193 = arith.addf %add3A_1137, %get3A_1192 : vector<16xf32>
        %add3A_1194 = arith.constant 5 : i32
        %add3A_1195 = arith.addi %add3A_1124, %add3A_1194 : i32
        %get3A_1196 = arith.index_cast %add3A_1195 : i32 to index
        %get3A_1197 = arith.constant 0 : index
        %get3A_1198 = tpu.vector_load %arg7[%get3A_1196, %get3A_1197] {strides = array<i32>} : memref<1600x32xf32, #tpu.memory_space<vmem>>, vector<1x16xf32>,
        %get3A_1199 = vector.shape_cast %get3A_1198 : vector<1x16xf32> to vector<16xf32>
        %add3A_1200 = arith.addf %add3A_1144, %get3A_1199 : vector<16xf32>
        %add3A_1201 = arith.constant 5 : i32
        %add3A_1202 = arith.addi %add3A_1124, %add3A_1201 : i32
        %get3A_1203 = arith.index_cast %add3A_1202 : i32 to index
        %get3A_1204 = arith.constant 16 : index
        %get3A_1205 = tpu.vector_load %arg7[%get3A_1203, %get3A_1204] {strides = array<i32>} : memref<1600x32xf32, #tpu.memory_space<vmem>>, vector<1x16xf32>,
        %get3A_1206 = vector.shape_cast %get3A_1205 : vector<1x16xf32> to vector<16xf32>
        %add3A_1207 = arith.addf %add3A_1151, %get3A_1206 : vector<16xf32>
        %add3A_1208 = arith.constant 6 : i32
        %add3A_1209 = arith.addi %add3A_1124, %add3A_1208 : i32
        %get3A_1210 = arith.index_cast %add3A_1209 : i32 to index
        %get3A_1211 = arith.constant 0 : index
        %get3A_1212 = tpu.vector_load %arg7[%get3A_1210, %get3A_1211] {strides = array<i32>} : memref<1600x32xf32, #tpu.memory_space<vmem>>, vector<1x16xf32>,
        %get3A_1213 = vector.shape_cast %get3A_1212 : vector<1x16xf32> to vector<16xf32>
        %add3A_1214 = arith.addf %add3A_1158, %get3A_1213 : vector<16xf32>
        %add3A_1215 = arith.constant 6 : i32
        %add3A_1216 = arith.addi %add3A_1124, %add3A_1215 : i32
        %get3A_1217 = arith.index_cast %add3A_1216 : i32 to index
        %get3A_1218 = arith.constant 16 : index
        %get3A_1219 = tpu.vector_load %arg7[%get3A_1217, %get3A_1218] {strides = array<i32>} : memref<1600x32xf32, #tpu.memory_space<vmem>>, vector<1x16xf32>,
        %get3A_1220 = vector.shape_cast %get3A_1219 : vector<1x16xf32> to vector<16xf32>
        %add3A_1221 = arith.addf %add3A_1165, %get3A_1220 : vector<16xf32>
        %add3A_1222 = arith.constant 7 : i32
        %add3A_1223 = arith.addi %add3A_1124, %add3A_1222 : i32
        %get3A_1224 = arith.index_cast %add3A_1223 : i32 to index
        %get3A_1225 = arith.constant 0 : index
        %get3A_1226 = tpu.vector_load %arg7[%get3A_1224, %get3A_1225] {strides = array<i32>} : memref<1600x32xf32, #tpu.memory_space<vmem>>, vector<1x16xf32>,
        %get3A_1227 = vector.shape_cast %get3A_1226 : vector<1x16xf32> to vector<16xf32>
        %add3A_1228 = arith.addf %add3A_1172, %get3A_1227 : vector<16xf32>
        %add3A_1229 = arith.constant 7 : i32
        %add3A_1230 = arith.addi %add3A_1124, %add3A_1229 : i32
        %get3A_1231 = arith.index_cast %add3A_1230 : i32 to index
        %get3A_1232 = arith.constant 16 : index
        %get3A_1233 = tpu.vector_load %arg7[%get3A_1231, %get3A_1232] {strides = array<i32>} : memref<1600x32xf32, #tpu.memory_space<vmem>>, vector<1x16xf32>,
        %get3A_1234 = vector.shape_cast %get3A_1233 : vector<1x16xf32> to vector<16xf32>
        %add3A_1235 = arith.addf %add3A_1179, %get3A_1234 : vector<16xf32>
        scf.yield %add3A_1186, %add3A_1193, %add3A_1200, %add3A_1207, %add3A_1214, %add3A_1221, %add3A_1228, %add3A_1235 : vector<16xf32>, vector<16xf32>, vector<16xf32>, vector<16xf32>, vector<16xf32>, vector<16xf32>, vector<16xf32>, vector<16xf32>
      }
      %scan3A_707 = arith.constant 25 : i32
      %add3A_708 = arith.addf %scan3A_706#0, %scan3A_706#2 : vector<16xf32>
      %add3A_709 = arith.addf %scan3A_706#1, %scan3A_706#3 : vector<16xf32>
      %add3A_710 = arith.addf %add3A_708, %scan3A_706#4 : vector<16xf32>
      %add3A_711 = arith.addf %add3A_709, %scan3A_706#5 : vector<16xf32>
      %add3A_712 = arith.addf %add3A_710, %scan3A_706#6 : vector<16xf32>
      %add3A_713 = arith.addf %add3A_711, %scan3A_706#7 : vector<16xf32>
      %swap3A_714 = arith.index_cast %mul3A_701 : i32 to index
      %swap3A_715 = tpu.vector_load %arg9[%swap3A_714] {strides = array<i32>} : memref<16384xf32, #tpu.memory_space<vmem>>, vector<16xf32>,
      %swap3A_716 = vector.shape_cast %swap3A_715 : vector<16xf32> to vector<16xf32>
      %swap3A_717 = vector.shape_cast %add3A_712 : vector<16xf32> to vector<16xf32>
      tpu.vector_store %arg9[%swap3A_714], %swap3A_717 {strides = array<i32>} : memref<16384xf32, #tpu.memory_space<vmem>>, vector<16xf32>,
      %add3A_718 = arith.constant 16 : i32
      %add3A_719 = arith.addi %mul3A_701, %add3A_718 : i32
      %swap3A_720 = arith.index_cast %add3A_719 : i32 to index
      %swap3A_721 = tpu.vector_load %arg9[%swap3A_720] {strides = array<i32>} : memref<16384xf32, #tpu.memory_space<vmem>>, vector<16xf32>,
      %swap3A_722 = vector.shape_cast %swap3A_721 : vector<16xf32> to vector<16xf32>
      %swap3A_723 = vector.shape_cast %add3A_713 : vector<16xf32> to vector<16xf32>
      tpu.vector_store %arg9[%swap3A_720], %swap3A_723 {strides = array<i32>} : memref<16384xf32, #tpu.memory_space<vmem>>, vector<16xf32>,
      %lt3A = arith.constant 31 : i32
      %lt3A_724 = arith.cmpi slt, %scan3A_174, %lt3A : i32
      %convert_element_type3A = arith.extui %lt3A_724 : i1 to i32
      %cond3A = arith.constant 0 : i32
      %cond3A_725 = arith.cmpi ne, %convert_element_type3A, %cond3A : i32
      scf.if %cond3A_725 {
        %add3A_1112 = arith.constant 2 : i32
        %add3A_1113 = arith.addi %mul3A_176, %add3A_1112 : i32
        %mul3A_1114 = arith.constant 8 : i32
        %mul3A_1115 = arith.muli %add3A_1113, %mul3A_1114 : i32
        %add3A_1116 = arith.addi %mul3A_2, %mul3A_1115 : i32
        "tpu.region"() ({
          %run_scoped3A = tpu.sem_alloc : memref<!tpu.dma_semaphore, #tpu.memory_space<semaphore_mem>>
          %dma_start3A_1277 = arith.constant 0 : i32
          %dma_start3A_1278 = tpu.memref_slice %arg2[%add3A_1116, %dma_start3A_1277] : memref<16384x200xi32, #tpu.memory_space<hbm>> -> memref<8x200xi32, #tpu.memory_space<hbm>>
          %dma_start3A_1279 = arith.constant 0 : i32
          %dma_start3A_1280 = tpu.memref_slice %arg2[%add3A_1116, %dma_start3A_1279] : memref<16384x200xi32, #tpu.memory_space<hbm>> -> memref<8x200xi32, #tpu.memory_space<hbm>>
          tpu.enqueue_dma source(%dma_start3A_1280 : memref<8x200xi32, #tpu.memory_space<hbm>>) target(%arg5 : memref<8x200xi32, #tpu.memory_space<vmem>>) target_semaphore(%run_scoped3A : memref<!tpu.dma_semaphore, #tpu.memory_space<semaphore_mem>>)
          %dma_wait3A_1281 = arith.constant 0 : i32
          %dma_wait3A_1282 = tpu.memref_slice %arg2[%add3A_1116, %dma_wait3A_1281] : memref<16384x200xi32, #tpu.memory_space<hbm>> -> memref<8x200xi32, #tpu.memory_space<hbm>>
          %dma_wait3A_1283 = arith.constant 0 : i32
          %dma_wait3A_1284 = tpu.memref_slice %arg2[%add3A_1116, %dma_wait3A_1283] : memref<16384x200xi32, #tpu.memory_space<hbm>> -> memref<8x200xi32, #tpu.memory_space<hbm>>
          tpu.wait_dma2 semaphore(%run_scoped3A : memref<!tpu.dma_semaphore, #tpu.memory_space<semaphore_mem>>) src(%dma_wait3A_1284 : memref<8x200xi32, #tpu.memory_space<hbm>>) dst(%arg5 : memref<8x200xi32, #tpu.memory_space<vmem>>)
          tpu.yield
        }) : () -> ()
        %dma_start3A_1117 = arith.constant 0 : i32
        %dma_start3A_1118 = arith.constant 0 : i32
        %dma_start3A_1119 = arith.constant 0 : i32
        %dma_start3A_1120 = tpu.memref_slice %arg7[%dma_start3A_1118, %dma_start3A_1119] : memref<1600x32xf32, #tpu.memory_space<vmem>> -> memref<104x32xf32, #tpu.memory_space<vmem>>
        %dma_start3A_1121 = arith.constant 0 : i32
        %dma_start3A_1122 = tpu.memref_slice %arg5[%dma_start3A_1117, %dma_start3A_1121] : memref<8x200xi32, #tpu.memory_space<vmem>> -> memref<1x104xi32, #tpu.memory_space<vmem>>
        %dma_start3A_1123 = tpu.memref_squeeze %dma_start3A_1122 : memref<1x104xi32, #tpu.memory_space<vmem>> -> memref<104xi32, #tpu.memory_space<vmem>>
        %dma_start3A_1124 = arith.constant 0 : i32
        %dma_start3A_1125 = arith.constant 0 : i32
        %dma_start3A_1126 = tpu.memref_slice %arg3[%dma_start3A_1124, %dma_start3A_1125] : memref<1015808x32xf32, #tpu.memory_space<hbm>> -> memref<1015808x32xf32, #tpu.memory_space<hbm>>
        tpu.enqueue_indirect_dma source(%dma_start3A_1126 : memref<1015808x32xf32, #tpu.memory_space<hbm>>) target(%dma_start3A_1120 : memref<104x32xf32, #tpu.memory_space<vmem>>) offsets(%dma_start3A_1123 : memref<104xi32, #tpu.memory_space<vmem>>) semaphore(%arg10 : memref<!tpu.dma_semaphore, #tpu.memory_space<semaphore_mem>>)
        %dma_start3A_1127 = arith.constant 0 : i32
        %dma_start3A_1128 = arith.constant 104 : i32
        %dma_start3A_1129 = arith.constant 0 : i32
        %dma_start3A_1130 = tpu.memref_slice %arg7[%dma_start3A_1128, %dma_start3A_1129] : memref<1600x32xf32, #tpu.memory_space<vmem>> -> memref<96x32xf32, #tpu.memory_space<vmem>>
        %dma_start3A_1131 = arith.constant 104 : i32
        %dma_start3A_1132 = tpu.memref_slice %arg5[%dma_start3A_1127, %dma_start3A_1131] : memref<8x200xi32, #tpu.memory_space<vmem>> -> memref<1x96xi32, #tpu.memory_space<vmem>>
        %dma_start3A_1133 = tpu.memref_squeeze %dma_start3A_1132 : memref<1x96xi32, #tpu.memory_space<vmem>> -> memref<96xi32, #tpu.memory_space<vmem>>
        %dma_start3A_1134 = arith.constant 0 : i32
        %dma_start3A_1135 = arith.constant 0 : i32
        %dma_start3A_1136 = tpu.memref_slice %arg3[%dma_start3A_1134, %dma_start3A_1135] : memref<1015808x32xf32, #tpu.memory_space<hbm>> -> memref<1015808x32xf32, #tpu.memory_space<hbm>>
        tpu.enqueue_indirect_dma source(%dma_start3A_1136 : memref<1015808x32xf32, #tpu.memory_space<hbm>>) target(%dma_start3A_1130 : memref<96x32xf32, #tpu.memory_space<vmem>>) offsets(%dma_start3A_1133 : memref<96xi32, #tpu.memory_space<vmem>>) semaphore(%arg10 : memref<!tpu.dma_semaphore, #tpu.memory_space<semaphore_mem>>)
        %dma_start3A_1137 = arith.constant 1 : i32
        %dma_start3A_1138 = arith.constant 200 : i32
        %dma_start3A_1139 = arith.constant 0 : i32
        %dma_start3A_1140 = tpu.memref_slice %arg7[%dma_start3A_1138, %dma_start3A_1139] : memref<1600x32xf32, #tpu.memory_space<vmem>> -> memref<104x32xf32, #tpu.memory_space<vmem>>
        %dma_start3A_1141 = arith.constant 0 : i32
        %dma_start3A_1142 = tpu.memref_slice %arg5[%dma_start3A_1137, %dma_start3A_1141] : memref<8x200xi32, #tpu.memory_space<vmem>> -> memref<1x104xi32, #tpu.memory_space<vmem>>
        %dma_start3A_1143 = tpu.memref_squeeze %dma_start3A_1142 : memref<1x104xi32, #tpu.memory_space<vmem>> -> memref<104xi32, #tpu.memory_space<vmem>>
        %dma_start3A_1144 = arith.constant 0 : i32
        %dma_start3A_1145 = arith.constant 0 : i32
        %dma_start3A_1146 = tpu.memref_slice %arg3[%dma_start3A_1144, %dma_start3A_1145] : memref<1015808x32xf32, #tpu.memory_space<hbm>> -> memref<1015808x32xf32, #tpu.memory_space<hbm>>
        tpu.enqueue_indirect_dma source(%dma_start3A_1146 : memref<1015808x32xf32, #tpu.memory_space<hbm>>) target(%dma_start3A_1140 : memref<104x32xf32, #tpu.memory_space<vmem>>) offsets(%dma_start3A_1143 : memref<104xi32, #tpu.memory_space<vmem>>) semaphore(%arg10 : memref<!tpu.dma_semaphore, #tpu.memory_space<semaphore_mem>>)
        %dma_start3A_1147 = arith.constant 1 : i32
        %dma_start3A_1148 = arith.constant 304 : i32
        %dma_start3A_1149 = arith.constant 0 : i32
        %dma_start3A_1150 = tpu.memref_slice %arg7[%dma_start3A_1148, %dma_start3A_1149] : memref<1600x32xf32, #tpu.memory_space<vmem>> -> memref<96x32xf32, #tpu.memory_space<vmem>>
        %dma_start3A_1151 = arith.constant 104 : i32
        %dma_start3A_1152 = tpu.memref_slice %arg5[%dma_start3A_1147, %dma_start3A_1151] : memref<8x200xi32, #tpu.memory_space<vmem>> -> memref<1x96xi32, #tpu.memory_space<vmem>>
        %dma_start3A_1153 = tpu.memref_squeeze %dma_start3A_1152 : memref<1x96xi32, #tpu.memory_space<vmem>> -> memref<96xi32, #tpu.memory_space<vmem>>
        %dma_start3A_1154 = arith.constant 0 : i32
        %dma_start3A_1155 = arith.constant 0 : i32
        %dma_start3A_1156 = tpu.memref_slice %arg3[%dma_start3A_1154, %dma_start3A_1155] : memref<1015808x32xf32, #tpu.memory_space<hbm>> -> memref<1015808x32xf32, #tpu.memory_space<hbm>>
        tpu.enqueue_indirect_dma source(%dma_start3A_1156 : memref<1015808x32xf32, #tpu.memory_space<hbm>>) target(%dma_start3A_1150 : memref<96x32xf32, #tpu.memory_space<vmem>>) offsets(%dma_start3A_1153 : memref<96xi32, #tpu.memory_space<vmem>>) semaphore(%arg10 : memref<!tpu.dma_semaphore, #tpu.memory_space<semaphore_mem>>)
        %dma_start3A_1157 = arith.constant 2 : i32
        %dma_start3A_1158 = arith.constant 400 : i32
        %dma_start3A_1159 = arith.constant 0 : i32
        %dma_start3A_1160 = tpu.memref_slice %arg7[%dma_start3A_1158, %dma_start3A_1159] : memref<1600x32xf32, #tpu.memory_space<vmem>> -> memref<104x32xf32, #tpu.memory_space<vmem>>
        %dma_start3A_1161 = arith.constant 0 : i32
        %dma_start3A_1162 = tpu.memref_slice %arg5[%dma_start3A_1157, %dma_start3A_1161] : memref<8x200xi32, #tpu.memory_space<vmem>> -> memref<1x104xi32, #tpu.memory_space<vmem>>
        %dma_start3A_1163 = tpu.memref_squeeze %dma_start3A_1162 : memref<1x104xi32, #tpu.memory_space<vmem>> -> memref<104xi32, #tpu.memory_space<vmem>>
        %dma_start3A_1164 = arith.constant 0 : i32
        %dma_start3A_1165 = arith.constant 0 : i32
        %dma_start3A_1166 = tpu.memref_slice %arg3[%dma_start3A_1164, %dma_start3A_1165] : memref<1015808x32xf32, #tpu.memory_space<hbm>> -> memref<1015808x32xf32, #tpu.memory_space<hbm>>
        tpu.enqueue_indirect_dma source(%dma_start3A_1166 : memref<1015808x32xf32, #tpu.memory_space<hbm>>) target(%dma_start3A_1160 : memref<104x32xf32, #tpu.memory_space<vmem>>) offsets(%dma_start3A_1163 : memref<104xi32, #tpu.memory_space<vmem>>) semaphore(%arg10 : memref<!tpu.dma_semaphore, #tpu.memory_space<semaphore_mem>>)
        %dma_start3A_1167 = arith.constant 2 : i32
        %dma_start3A_1168 = arith.constant 504 : i32
        %dma_start3A_1169 = arith.constant 0 : i32
        %dma_start3A_1170 = tpu.memref_slice %arg7[%dma_start3A_1168, %dma_start3A_1169] : memref<1600x32xf32, #tpu.memory_space<vmem>> -> memref<96x32xf32, #tpu.memory_space<vmem>>
        %dma_start3A_1171 = arith.constant 104 : i32
        %dma_start3A_1172 = tpu.memref_slice %arg5[%dma_start3A_1167, %dma_start3A_1171] : memref<8x200xi32, #tpu.memory_space<vmem>> -> memref<1x96xi32, #tpu.memory_space<vmem>>
        %dma_start3A_1173 = tpu.memref_squeeze %dma_start3A_1172 : memref<1x96xi32, #tpu.memory_space<vmem>> -> memref<96xi32, #tpu.memory_space<vmem>>
        %dma_start3A_1174 = arith.constant 0 : i32
        %dma_start3A_1175 = arith.constant 0 : i32
        %dma_start3A_1176 = tpu.memref_slice %arg3[%dma_start3A_1174, %dma_start3A_1175] : memref<1015808x32xf32, #tpu.memory_space<hbm>> -> memref<1015808x32xf32, #tpu.memory_space<hbm>>
        tpu.enqueue_indirect_dma source(%dma_start3A_1176 : memref<1015808x32xf32, #tpu.memory_space<hbm>>) target(%dma_start3A_1170 : memref<96x32xf32, #tpu.memory_space<vmem>>) offsets(%dma_start3A_1173 : memref<96xi32, #tpu.memory_space<vmem>>) semaphore(%arg10 : memref<!tpu.dma_semaphore, #tpu.memory_space<semaphore_mem>>)
        %dma_start3A_1177 = arith.constant 3 : i32
        %dma_start3A_1178 = arith.constant 600 : i32
        %dma_start3A_1179 = arith.constant 0 : i32
        %dma_start3A_1180 = tpu.memref_slice %arg7[%dma_start3A_1178, %dma_start3A_1179] : memref<1600x32xf32, #tpu.memory_space<vmem>> -> memref<104x32xf32, #tpu.memory_space<vmem>>
        %dma_start3A_1181 = arith.constant 0 : i32
        %dma_start3A_1182 = tpu.memref_slice %arg5[%dma_start3A_1177, %dma_start3A_1181] : memref<8x200xi32, #tpu.memory_space<vmem>> -> memref<1x104xi32, #tpu.memory_space<vmem>>
        %dma_start3A_1183 = tpu.memref_squeeze %dma_start3A_1182 : memref<1x104xi32, #tpu.memory_space<vmem>> -> memref<104xi32, #tpu.memory_space<vmem>>
        %dma_start3A_1184 = arith.constant 0 : i32
        %dma_start3A_1185 = arith.constant 0 : i32
        %dma_start3A_1186 = tpu.memref_slice %arg3[%dma_start3A_1184, %dma_start3A_1185] : memref<1015808x32xf32, #tpu.memory_space<hbm>> -> memref<1015808x32xf32, #tpu.memory_space<hbm>>
        tpu.enqueue_indirect_dma source(%dma_start3A_1186 : memref<1015808x32xf32, #tpu.memory_space<hbm>>) target(%dma_start3A_1180 : memref<104x32xf32, #tpu.memory_space<vmem>>) offsets(%dma_start3A_1183 : memref<104xi32, #tpu.memory_space<vmem>>) semaphore(%arg10 : memref<!tpu.dma_semaphore, #tpu.memory_space<semaphore_mem>>)
        %dma_start3A_1187 = arith.constant 3 : i32
        %dma_start3A_1188 = arith.constant 704 : i32
        %dma_start3A_1189 = arith.constant 0 : i32
        %dma_start3A_1190 = tpu.memref_slice %arg7[%dma_start3A_1188, %dma_start3A_1189] : memref<1600x32xf32, #tpu.memory_space<vmem>> -> memref<96x32xf32, #tpu.memory_space<vmem>>
        %dma_start3A_1191 = arith.constant 104 : i32
        %dma_start3A_1192 = tpu.memref_slice %arg5[%dma_start3A_1187, %dma_start3A_1191] : memref<8x200xi32, #tpu.memory_space<vmem>> -> memref<1x96xi32, #tpu.memory_space<vmem>>
        %dma_start3A_1193 = tpu.memref_squeeze %dma_start3A_1192 : memref<1x96xi32, #tpu.memory_space<vmem>> -> memref<96xi32, #tpu.memory_space<vmem>>
        %dma_start3A_1194 = arith.constant 0 : i32
        %dma_start3A_1195 = arith.constant 0 : i32
        %dma_start3A_1196 = tpu.memref_slice %arg3[%dma_start3A_1194, %dma_start3A_1195] : memref<1015808x32xf32, #tpu.memory_space<hbm>> -> memref<1015808x32xf32, #tpu.memory_space<hbm>>
        tpu.enqueue_indirect_dma source(%dma_start3A_1196 : memref<1015808x32xf32, #tpu.memory_space<hbm>>) target(%dma_start3A_1190 : memref<96x32xf32, #tpu.memory_space<vmem>>) offsets(%dma_start3A_1193 : memref<96xi32, #tpu.memory_space<vmem>>) semaphore(%arg10 : memref<!tpu.dma_semaphore, #tpu.memory_space<semaphore_mem>>)
        %dma_start3A_1197 = arith.constant 4 : i32
        %dma_start3A_1198 = arith.constant 800 : i32
        %dma_start3A_1199 = arith.constant 0 : i32
        %dma_start3A_1200 = tpu.memref_slice %arg7[%dma_start3A_1198, %dma_start3A_1199] : memref<1600x32xf32, #tpu.memory_space<vmem>> -> memref<104x32xf32, #tpu.memory_space<vmem>>
        %dma_start3A_1201 = arith.constant 0 : i32
        %dma_start3A_1202 = tpu.memref_slice %arg5[%dma_start3A_1197, %dma_start3A_1201] : memref<8x200xi32, #tpu.memory_space<vmem>> -> memref<1x104xi32, #tpu.memory_space<vmem>>
        %dma_start3A_1203 = tpu.memref_squeeze %dma_start3A_1202 : memref<1x104xi32, #tpu.memory_space<vmem>> -> memref<104xi32, #tpu.memory_space<vmem>>
        %dma_start3A_1204 = arith.constant 0 : i32
        %dma_start3A_1205 = arith.constant 0 : i32
        %dma_start3A_1206 = tpu.memref_slice %arg3[%dma_start3A_1204, %dma_start3A_1205] : memref<1015808x32xf32, #tpu.memory_space<hbm>> -> memref<1015808x32xf32, #tpu.memory_space<hbm>>
        tpu.enqueue_indirect_dma source(%dma_start3A_1206 : memref<1015808x32xf32, #tpu.memory_space<hbm>>) target(%dma_start3A_1200 : memref<104x32xf32, #tpu.memory_space<vmem>>) offsets(%dma_start3A_1203 : memref<104xi32, #tpu.memory_space<vmem>>) semaphore(%arg10 : memref<!tpu.dma_semaphore, #tpu.memory_space<semaphore_mem>>)
        %dma_start3A_1207 = arith.constant 4 : i32
        %dma_start3A_1208 = arith.constant 904 : i32
        %dma_start3A_1209 = arith.constant 0 : i32
        %dma_start3A_1210 = tpu.memref_slice %arg7[%dma_start3A_1208, %dma_start3A_1209] : memref<1600x32xf32, #tpu.memory_space<vmem>> -> memref<96x32xf32, #tpu.memory_space<vmem>>
        %dma_start3A_1211 = arith.constant 104 : i32
        %dma_start3A_1212 = tpu.memref_slice %arg5[%dma_start3A_1207, %dma_start3A_1211] : memref<8x200xi32, #tpu.memory_space<vmem>> -> memref<1x96xi32, #tpu.memory_space<vmem>>
        %dma_start3A_1213 = tpu.memref_squeeze %dma_start3A_1212 : memref<1x96xi32, #tpu.memory_space<vmem>> -> memref<96xi32, #tpu.memory_space<vmem>>
        %dma_start3A_1214 = arith.constant 0 : i32
        %dma_start3A_1215 = arith.constant 0 : i32
        %dma_start3A_1216 = tpu.memref_slice %arg3[%dma_start3A_1214, %dma_start3A_1215] : memref<1015808x32xf32, #tpu.memory_space<hbm>> -> memref<1015808x32xf32, #tpu.memory_space<hbm>>
        tpu.enqueue_indirect_dma source(%dma_start3A_1216 : memref<1015808x32xf32, #tpu.memory_space<hbm>>) target(%dma_start3A_1210 : memref<96x32xf32, #tpu.memory_space<vmem>>) offsets(%dma_start3A_1213 : memref<96xi32, #tpu.memory_space<vmem>>) semaphore(%arg10 : memref<!tpu.dma_semaphore, #tpu.memory_space<semaphore_mem>>)
        %dma_start3A_1217 = arith.constant 5 : i32
        %dma_start3A_1218 = arith.constant 1000 : i32
        %dma_start3A_1219 = arith.constant 0 : i32
        %dma_start3A_1220 = tpu.memref_slice %arg7[%dma_start3A_1218, %dma_start3A_1219] : memref<1600x32xf32, #tpu.memory_space<vmem>> -> memref<104x32xf32, #tpu.memory_space<vmem>>
        %dma_start3A_1221 = arith.constant 0 : i32
        %dma_start3A_1222 = tpu.memref_slice %arg5[%dma_start3A_1217, %dma_start3A_1221] : memref<8x200xi32, #tpu.memory_space<vmem>> -> memref<1x104xi32, #tpu.memory_space<vmem>>
        %dma_start3A_1223 = tpu.memref_squeeze %dma_start3A_1222 : memref<1x104xi32, #tpu.memory_space<vmem>> -> memref<104xi32, #tpu.memory_space<vmem>>
        %dma_start3A_1224 = arith.constant 0 : i32
        %dma_start3A_1225 = arith.constant 0 : i32
        %dma_start3A_1226 = tpu.memref_slice %arg3[%dma_start3A_1224, %dma_start3A_1225] : memref<1015808x32xf32, #tpu.memory_space<hbm>> -> memref<1015808x32xf32, #tpu.memory_space<hbm>>
        tpu.enqueue_indirect_dma source(%dma_start3A_1226 : memref<1015808x32xf32, #tpu.memory_space<hbm>>) target(%dma_start3A_1220 : memref<104x32xf32, #tpu.memory_space<vmem>>) offsets(%dma_start3A_1223 : memref<104xi32, #tpu.memory_space<vmem>>) semaphore(%arg10 : memref<!tpu.dma_semaphore, #tpu.memory_space<semaphore_mem>>)
        %dma_start3A_1227 = arith.constant 5 : i32
        %dma_start3A_1228 = arith.constant 1104 : i32
        %dma_start3A_1229 = arith.constant 0 : i32
        %dma_start3A_1230 = tpu.memref_slice %arg7[%dma_start3A_1228, %dma_start3A_1229] : memref<1600x32xf32, #tpu.memory_space<vmem>> -> memref<96x32xf32, #tpu.memory_space<vmem>>
        %dma_start3A_1231 = arith.constant 104 : i32
        %dma_start3A_1232 = tpu.memref_slice %arg5[%dma_start3A_1227, %dma_start3A_1231] : memref<8x200xi32, #tpu.memory_space<vmem>> -> memref<1x96xi32, #tpu.memory_space<vmem>>
        %dma_start3A_1233 = tpu.memref_squeeze %dma_start3A_1232 : memref<1x96xi32, #tpu.memory_space<vmem>> -> memref<96xi32, #tpu.memory_space<vmem>>
        %dma_start3A_1234 = arith.constant 0 : i32
        %dma_start3A_1235 = arith.constant 0 : i32
        %dma_start3A_1236 = tpu.memref_slice %arg3[%dma_start3A_1234, %dma_start3A_1235] : memref<1015808x32xf32, #tpu.memory_space<hbm>> -> memref<1015808x32xf32, #tpu.memory_space<hbm>>
        tpu.enqueue_indirect_dma source(%dma_start3A_1236 : memref<1015808x32xf32, #tpu.memory_space<hbm>>) target(%dma_start3A_1230 : memref<96x32xf32, #tpu.memory_space<vmem>>) offsets(%dma_start3A_1233 : memref<96xi32, #tpu.memory_space<vmem>>) semaphore(%arg10 : memref<!tpu.dma_semaphore, #tpu.memory_space<semaphore_mem>>)
        %dma_start3A_1237 = arith.constant 6 : i32
        %dma_start3A_1238 = arith.constant 1200 : i32
        %dma_start3A_1239 = arith.constant 0 : i32
        %dma_start3A_1240 = tpu.memref_slice %arg7[%dma_start3A_1238, %dma_start3A_1239] : memref<1600x32xf32, #tpu.memory_space<vmem>> -> memref<104x32xf32, #tpu.memory_space<vmem>>
        %dma_start3A_1241 = arith.constant 0 : i32
        %dma_start3A_1242 = tpu.memref_slice %arg5[%dma_start3A_1237, %dma_start3A_1241] : memref<8x200xi32, #tpu.memory_space<vmem>> -> memref<1x104xi32, #tpu.memory_space<vmem>>
        %dma_start3A_1243 = tpu.memref_squeeze %dma_start3A_1242 : memref<1x104xi32, #tpu.memory_space<vmem>> -> memref<104xi32, #tpu.memory_space<vmem>>
        %dma_start3A_1244 = arith.constant 0 : i32
        %dma_start3A_1245 = arith.constant 0 : i32
        %dma_start3A_1246 = tpu.memref_slice %arg3[%dma_start3A_1244, %dma_start3A_1245] : memref<1015808x32xf32, #tpu.memory_space<hbm>> -> memref<1015808x32xf32, #tpu.memory_space<hbm>>
        tpu.enqueue_indirect_dma source(%dma_start3A_1246 : memref<1015808x32xf32, #tpu.memory_space<hbm>>) target(%dma_start3A_1240 : memref<104x32xf32, #tpu.memory_space<vmem>>) offsets(%dma_start3A_1243 : memref<104xi32, #tpu.memory_space<vmem>>) semaphore(%arg10 : memref<!tpu.dma_semaphore, #tpu.memory_space<semaphore_mem>>)
        %dma_start3A_1247 = arith.constant 6 : i32
        %dma_start3A_1248 = arith.constant 1304 : i32
        %dma_start3A_1249 = arith.constant 0 : i32
        %dma_start3A_1250 = tpu.memref_slice %arg7[%dma_start3A_1248, %dma_start3A_1249] : memref<1600x32xf32, #tpu.memory_space<vmem>> -> memref<96x32xf32, #tpu.memory_space<vmem>>
        %dma_start3A_1251 = arith.constant 104 : i32
        %dma_start3A_1252 = tpu.memref_slice %arg5[%dma_start3A_1247, %dma_start3A_1251] : memref<8x200xi32, #tpu.memory_space<vmem>> -> memref<1x96xi32, #tpu.memory_space<vmem>>
        %dma_start3A_1253 = tpu.memref_squeeze %dma_start3A_1252 : memref<1x96xi32, #tpu.memory_space<vmem>> -> memref<96xi32, #tpu.memory_space<vmem>>
        %dma_start3A_1254 = arith.constant 0 : i32
        %dma_start3A_1255 = arith.constant 0 : i32
        %dma_start3A_1256 = tpu.memref_slice %arg3[%dma_start3A_1254, %dma_start3A_1255] : memref<1015808x32xf32, #tpu.memory_space<hbm>> -> memref<1015808x32xf32, #tpu.memory_space<hbm>>
        tpu.enqueue_indirect_dma source(%dma_start3A_1256 : memref<1015808x32xf32, #tpu.memory_space<hbm>>) target(%dma_start3A_1250 : memref<96x32xf32, #tpu.memory_space<vmem>>) offsets(%dma_start3A_1253 : memref<96xi32, #tpu.memory_space<vmem>>) semaphore(%arg10 : memref<!tpu.dma_semaphore, #tpu.memory_space<semaphore_mem>>)
        %dma_start3A_1257 = arith.constant 7 : i32
        %dma_start3A_1258 = arith.constant 1400 : i32
        %dma_start3A_1259 = arith.constant 0 : i32
        %dma_start3A_1260 = tpu.memref_slice %arg7[%dma_start3A_1258, %dma_start3A_1259] : memref<1600x32xf32, #tpu.memory_space<vmem>> -> memref<104x32xf32, #tpu.memory_space<vmem>>
        %dma_start3A_1261 = arith.constant 0 : i32
        %dma_start3A_1262 = tpu.memref_slice %arg5[%dma_start3A_1257, %dma_start3A_1261] : memref<8x200xi32, #tpu.memory_space<vmem>> -> memref<1x104xi32, #tpu.memory_space<vmem>>
        %dma_start3A_1263 = tpu.memref_squeeze %dma_start3A_1262 : memref<1x104xi32, #tpu.memory_space<vmem>> -> memref<104xi32, #tpu.memory_space<vmem>>
        %dma_start3A_1264 = arith.constant 0 : i32
        %dma_start3A_1265 = arith.constant 0 : i32
        %dma_start3A_1266 = tpu.memref_slice %arg3[%dma_start3A_1264, %dma_start3A_1265] : memref<1015808x32xf32, #tpu.memory_space<hbm>> -> memref<1015808x32xf32, #tpu.memory_space<hbm>>
        tpu.enqueue_indirect_dma source(%dma_start3A_1266 : memref<1015808x32xf32, #tpu.memory_space<hbm>>) target(%dma_start3A_1260 : memref<104x32xf32, #tpu.memory_space<vmem>>) offsets(%dma_start3A_1263 : memref<104xi32, #tpu.memory_space<vmem>>) semaphore(%arg10 : memref<!tpu.dma_semaphore, #tpu.memory_space<semaphore_mem>>)
        %dma_start3A_1267 = arith.constant 7 : i32
        %dma_start3A_1268 = arith.constant 1504 : i32
        %dma_start3A_1269 = arith.constant 0 : i32
        %dma_start3A_1270 = tpu.memref_slice %arg7[%dma_start3A_1268, %dma_start3A_1269] : memref<1600x32xf32, #tpu.memory_space<vmem>> -> memref<96x32xf32, #tpu.memory_space<vmem>>
        %dma_start3A_1271 = arith.constant 104 : i32
        %dma_start3A_1272 = tpu.memref_slice %arg5[%dma_start3A_1267, %dma_start3A_1271] : memref<8x200xi32, #tpu.memory_space<vmem>> -> memref<1x96xi32, #tpu.memory_space<vmem>>
        %dma_start3A_1273 = tpu.memref_squeeze %dma_start3A_1272 : memref<1x96xi32, #tpu.memory_space<vmem>> -> memref<96xi32, #tpu.memory_space<vmem>>
        %dma_start3A_1274 = arith.constant 0 : i32
        %dma_start3A_1275 = arith.constant 0 : i32
        %dma_start3A_1276 = tpu.memref_slice %arg3[%dma_start3A_1274, %dma_start3A_1275] : memref<1015808x32xf32, #tpu.memory_space<hbm>> -> memref<1015808x32xf32, #tpu.memory_space<hbm>>
        tpu.enqueue_indirect_dma source(%dma_start3A_1276 : memref<1015808x32xf32, #tpu.memory_space<hbm>>) target(%dma_start3A_1270 : memref<96x32xf32, #tpu.memory_space<vmem>>) offsets(%dma_start3A_1273 : memref<96xi32, #tpu.memory_space<vmem>>) semaphore(%arg10 : memref<!tpu.dma_semaphore, #tpu.memory_space<semaphore_mem>>)
      } else {
      }
      %dma_wait3A_726 = arith.constant 0 : i32
      %dma_wait3A_727 = arith.constant 0 : i32
      %dma_wait3A_728 = arith.constant 0 : i32
      %dma_wait3A_729 = tpu.memref_slice %arg8[%dma_wait3A_727, %dma_wait3A_728] : memref<1600x32xf32, #tpu.memory_space<vmem>> -> memref<104x32xf32, #tpu.memory_space<vmem>>
      %dma_wait3A_730 = arith.constant 0 : i32
      %dma_wait3A_731 = tpu.memref_slice %arg6[%dma_wait3A_726, %dma_wait3A_730] : memref<8x200xi32, #tpu.memory_space<vmem>> -> memref<1x104xi32, #tpu.memory_space<vmem>>
      %dma_wait3A_732 = tpu.memref_squeeze %dma_wait3A_731 : memref<1x104xi32, #tpu.memory_space<vmem>> -> memref<104xi32, #tpu.memory_space<vmem>>
      %dma_wait3A_733 = arith.constant 0 : i32
      %dma_wait3A_734 = arith.constant 0 : i32
      %dma_wait3A_735 = tpu.memref_slice %arg3[%dma_wait3A_733, %dma_wait3A_734] : memref<1015808x32xf32, #tpu.memory_space<hbm>> -> memref<1015808x32xf32, #tpu.memory_space<hbm>>
      tpu.wait_indirect_dma semaphore(%arg11 : memref<!tpu.dma_semaphore, #tpu.memory_space<semaphore_mem>>) src(%dma_wait3A_735 : memref<1015808x32xf32, #tpu.memory_space<hbm>>) dst(%dma_wait3A_729 : memref<104x32xf32, #tpu.memory_space<vmem>>)
      %dma_wait3A_736 = arith.constant 0 : i32
      %dma_wait3A_737 = arith.constant 104 : i32
      %dma_wait3A_738 = arith.constant 0 : i32
      %dma_wait3A_739 = tpu.memref_slice %arg8[%dma_wait3A_737, %dma_wait3A_738] : memref<1600x32xf32, #tpu.memory_space<vmem>> -> memref<96x32xf32, #tpu.memory_space<vmem>>
      %dma_wait3A_740 = arith.constant 104 : i32
      %dma_wait3A_741 = tpu.memref_slice %arg6[%dma_wait3A_736, %dma_wait3A_740] : memref<8x200xi32, #tpu.memory_space<vmem>> -> memref<1x96xi32, #tpu.memory_space<vmem>>
      %dma_wait3A_742 = tpu.memref_squeeze %dma_wait3A_741 : memref<1x96xi32, #tpu.memory_space<vmem>> -> memref<96xi32, #tpu.memory_space<vmem>>
      %dma_wait3A_743 = arith.constant 0 : i32
      %dma_wait3A_744 = arith.constant 0 : i32
      %dma_wait3A_745 = tpu.memref_slice %arg3[%dma_wait3A_743, %dma_wait3A_744] : memref<1015808x32xf32, #tpu.memory_space<hbm>> -> memref<1015808x32xf32, #tpu.memory_space<hbm>>
      tpu.wait_indirect_dma semaphore(%arg11 : memref<!tpu.dma_semaphore, #tpu.memory_space<semaphore_mem>>) src(%dma_wait3A_745 : memref<1015808x32xf32, #tpu.memory_space<hbm>>) dst(%dma_wait3A_739 : memref<96x32xf32, #tpu.memory_space<vmem>>)
      %dma_wait3A_746 = arith.constant 1 : i32
      %dma_wait3A_747 = arith.constant 200 : i32
      %dma_wait3A_748 = arith.constant 0 : i32
      %dma_wait3A_749 = tpu.memref_slice %arg8[%dma_wait3A_747, %dma_wait3A_748] : memref<1600x32xf32, #tpu.memory_space<vmem>> -> memref<104x32xf32, #tpu.memory_space<vmem>>
      %dma_wait3A_750 = arith.constant 0 : i32
      %dma_wait3A_751 = tpu.memref_slice %arg6[%dma_wait3A_746, %dma_wait3A_750] : memref<8x200xi32, #tpu.memory_space<vmem>> -> memref<1x104xi32, #tpu.memory_space<vmem>>
      %dma_wait3A_752 = tpu.memref_squeeze %dma_wait3A_751 : memref<1x104xi32, #tpu.memory_space<vmem>> -> memref<104xi32, #tpu.memory_space<vmem>>
      %dma_wait3A_753 = arith.constant 0 : i32
      %dma_wait3A_754 = arith.constant 0 : i32
      %dma_wait3A_755 = tpu.memref_slice %arg3[%dma_wait3A_753, %dma_wait3A_754] : memref<1015808x32xf32, #tpu.memory_space<hbm>> -> memref<1015808x32xf32, #tpu.memory_space<hbm>>
      tpu.wait_indirect_dma semaphore(%arg11 : memref<!tpu.dma_semaphore, #tpu.memory_space<semaphore_mem>>) src(%dma_wait3A_755 : memref<1015808x32xf32, #tpu.memory_space<hbm>>) dst(%dma_wait3A_749 : memref<104x32xf32, #tpu.memory_space<vmem>>)
      %dma_wait3A_756 = arith.constant 1 : i32
      %dma_wait3A_757 = arith.constant 304 : i32
      %dma_wait3A_758 = arith.constant 0 : i32
      %dma_wait3A_759 = tpu.memref_slice %arg8[%dma_wait3A_757, %dma_wait3A_758] : memref<1600x32xf32, #tpu.memory_space<vmem>> -> memref<96x32xf32, #tpu.memory_space<vmem>>
      %dma_wait3A_760 = arith.constant 104 : i32
      %dma_wait3A_761 = tpu.memref_slice %arg6[%dma_wait3A_756, %dma_wait3A_760] : memref<8x200xi32, #tpu.memory_space<vmem>> -> memref<1x96xi32, #tpu.memory_space<vmem>>
      %dma_wait3A_762 = tpu.memref_squeeze %dma_wait3A_761 : memref<1x96xi32, #tpu.memory_space<vmem>> -> memref<96xi32, #tpu.memory_space<vmem>>
      %dma_wait3A_763 = arith.constant 0 : i32
      %dma_wait3A_764 = arith.constant 0 : i32
      %dma_wait3A_765 = tpu.memref_slice %arg3[%dma_wait3A_763, %dma_wait3A_764] : memref<1015808x32xf32, #tpu.memory_space<hbm>> -> memref<1015808x32xf32, #tpu.memory_space<hbm>>
      tpu.wait_indirect_dma semaphore(%arg11 : memref<!tpu.dma_semaphore, #tpu.memory_space<semaphore_mem>>) src(%dma_wait3A_765 : memref<1015808x32xf32, #tpu.memory_space<hbm>>) dst(%dma_wait3A_759 : memref<96x32xf32, #tpu.memory_space<vmem>>)
      %dma_wait3A_766 = arith.constant 2 : i32
      %dma_wait3A_767 = arith.constant 400 : i32
      %dma_wait3A_768 = arith.constant 0 : i32
      %dma_wait3A_769 = tpu.memref_slice %arg8[%dma_wait3A_767, %dma_wait3A_768] : memref<1600x32xf32, #tpu.memory_space<vmem>> -> memref<104x32xf32, #tpu.memory_space<vmem>>
      %dma_wait3A_770 = arith.constant 0 : i32
      %dma_wait3A_771 = tpu.memref_slice %arg6[%dma_wait3A_766, %dma_wait3A_770] : memref<8x200xi32, #tpu.memory_space<vmem>> -> memref<1x104xi32, #tpu.memory_space<vmem>>
      %dma_wait3A_772 = tpu.memref_squeeze %dma_wait3A_771 : memref<1x104xi32, #tpu.memory_space<vmem>> -> memref<104xi32, #tpu.memory_space<vmem>>
      %dma_wait3A_773 = arith.constant 0 : i32
      %dma_wait3A_774 = arith.constant 0 : i32
      %dma_wait3A_775 = tpu.memref_slice %arg3[%dma_wait3A_773, %dma_wait3A_774] : memref<1015808x32xf32, #tpu.memory_space<hbm>> -> memref<1015808x32xf32, #tpu.memory_space<hbm>>
      tpu.wait_indirect_dma semaphore(%arg11 : memref<!tpu.dma_semaphore, #tpu.memory_space<semaphore_mem>>) src(%dma_wait3A_775 : memref<1015808x32xf32, #tpu.memory_space<hbm>>) dst(%dma_wait3A_769 : memref<104x32xf32, #tpu.memory_space<vmem>>)
      %dma_wait3A_776 = arith.constant 2 : i32
      %dma_wait3A_777 = arith.constant 504 : i32
      %dma_wait3A_778 = arith.constant 0 : i32
      %dma_wait3A_779 = tpu.memref_slice %arg8[%dma_wait3A_777, %dma_wait3A_778] : memref<1600x32xf32, #tpu.memory_space<vmem>> -> memref<96x32xf32, #tpu.memory_space<vmem>>
      %dma_wait3A_780 = arith.constant 104 : i32
      %dma_wait3A_781 = tpu.memref_slice %arg6[%dma_wait3A_776, %dma_wait3A_780] : memref<8x200xi32, #tpu.memory_space<vmem>> -> memref<1x96xi32, #tpu.memory_space<vmem>>
      %dma_wait3A_782 = tpu.memref_squeeze %dma_wait3A_781 : memref<1x96xi32, #tpu.memory_space<vmem>> -> memref<96xi32, #tpu.memory_space<vmem>>
      %dma_wait3A_783 = arith.constant 0 : i32
      %dma_wait3A_784 = arith.constant 0 : i32
      %dma_wait3A_785 = tpu.memref_slice %arg3[%dma_wait3A_783, %dma_wait3A_784] : memref<1015808x32xf32, #tpu.memory_space<hbm>> -> memref<1015808x32xf32, #tpu.memory_space<hbm>>
      tpu.wait_indirect_dma semaphore(%arg11 : memref<!tpu.dma_semaphore, #tpu.memory_space<semaphore_mem>>) src(%dma_wait3A_785 : memref<1015808x32xf32, #tpu.memory_space<hbm>>) dst(%dma_wait3A_779 : memref<96x32xf32, #tpu.memory_space<vmem>>)
      %dma_wait3A_786 = arith.constant 3 : i32
      %dma_wait3A_787 = arith.constant 600 : i32
      %dma_wait3A_788 = arith.constant 0 : i32
      %dma_wait3A_789 = tpu.memref_slice %arg8[%dma_wait3A_787, %dma_wait3A_788] : memref<1600x32xf32, #tpu.memory_space<vmem>> -> memref<104x32xf32, #tpu.memory_space<vmem>>
      %dma_wait3A_790 = arith.constant 0 : i32
      %dma_wait3A_791 = tpu.memref_slice %arg6[%dma_wait3A_786, %dma_wait3A_790] : memref<8x200xi32, #tpu.memory_space<vmem>> -> memref<1x104xi32, #tpu.memory_space<vmem>>
      %dma_wait3A_792 = tpu.memref_squeeze %dma_wait3A_791 : memref<1x104xi32, #tpu.memory_space<vmem>> -> memref<104xi32, #tpu.memory_space<vmem>>
      %dma_wait3A_793 = arith.constant 0 : i32
      %dma_wait3A_794 = arith.constant 0 : i32
      %dma_wait3A_795 = tpu.memref_slice %arg3[%dma_wait3A_793, %dma_wait3A_794] : memref<1015808x32xf32, #tpu.memory_space<hbm>> -> memref<1015808x32xf32, #tpu.memory_space<hbm>>
      tpu.wait_indirect_dma semaphore(%arg11 : memref<!tpu.dma_semaphore, #tpu.memory_space<semaphore_mem>>) src(%dma_wait3A_795 : memref<1015808x32xf32, #tpu.memory_space<hbm>>) dst(%dma_wait3A_789 : memref<104x32xf32, #tpu.memory_space<vmem>>)
      %dma_wait3A_796 = arith.constant 3 : i32
      %dma_wait3A_797 = arith.constant 704 : i32
      %dma_wait3A_798 = arith.constant 0 : i32
      %dma_wait3A_799 = tpu.memref_slice %arg8[%dma_wait3A_797, %dma_wait3A_798] : memref<1600x32xf32, #tpu.memory_space<vmem>> -> memref<96x32xf32, #tpu.memory_space<vmem>>
      %dma_wait3A_800 = arith.constant 104 : i32
      %dma_wait3A_801 = tpu.memref_slice %arg6[%dma_wait3A_796, %dma_wait3A_800] : memref<8x200xi32, #tpu.memory_space<vmem>> -> memref<1x96xi32, #tpu.memory_space<vmem>>
      %dma_wait3A_802 = tpu.memref_squeeze %dma_wait3A_801 : memref<1x96xi32, #tpu.memory_space<vmem>> -> memref<96xi32, #tpu.memory_space<vmem>>
      %dma_wait3A_803 = arith.constant 0 : i32
      %dma_wait3A_804 = arith.constant 0 : i32
      %dma_wait3A_805 = tpu.memref_slice %arg3[%dma_wait3A_803, %dma_wait3A_804] : memref<1015808x32xf32, #tpu.memory_space<hbm>> -> memref<1015808x32xf32, #tpu.memory_space<hbm>>
      tpu.wait_indirect_dma semaphore(%arg11 : memref<!tpu.dma_semaphore, #tpu.memory_space<semaphore_mem>>) src(%dma_wait3A_805 : memref<1015808x32xf32, #tpu.memory_space<hbm>>) dst(%dma_wait3A_799 : memref<96x32xf32, #tpu.memory_space<vmem>>)
      %dma_wait3A_806 = arith.constant 4 : i32
      %dma_wait3A_807 = arith.constant 800 : i32
      %dma_wait3A_808 = arith.constant 0 : i32
      %dma_wait3A_809 = tpu.memref_slice %arg8[%dma_wait3A_807, %dma_wait3A_808] : memref<1600x32xf32, #tpu.memory_space<vmem>> -> memref<104x32xf32, #tpu.memory_space<vmem>>
      %dma_wait3A_810 = arith.constant 0 : i32
      %dma_wait3A_811 = tpu.memref_slice %arg6[%dma_wait3A_806, %dma_wait3A_810] : memref<8x200xi32, #tpu.memory_space<vmem>> -> memref<1x104xi32, #tpu.memory_space<vmem>>
      %dma_wait3A_812 = tpu.memref_squeeze %dma_wait3A_811 : memref<1x104xi32, #tpu.memory_space<vmem>> -> memref<104xi32, #tpu.memory_space<vmem>>
      %dma_wait3A_813 = arith.constant 0 : i32
      %dma_wait3A_814 = arith.constant 0 : i32
      %dma_wait3A_815 = tpu.memref_slice %arg3[%dma_wait3A_813, %dma_wait3A_814] : memref<1015808x32xf32, #tpu.memory_space<hbm>> -> memref<1015808x32xf32, #tpu.memory_space<hbm>>
      tpu.wait_indirect_dma semaphore(%arg11 : memref<!tpu.dma_semaphore, #tpu.memory_space<semaphore_mem>>) src(%dma_wait3A_815 : memref<1015808x32xf32, #tpu.memory_space<hbm>>) dst(%dma_wait3A_809 : memref<104x32xf32, #tpu.memory_space<vmem>>)
      %dma_wait3A_816 = arith.constant 4 : i32
      %dma_wait3A_817 = arith.constant 904 : i32
      %dma_wait3A_818 = arith.constant 0 : i32
      %dma_wait3A_819 = tpu.memref_slice %arg8[%dma_wait3A_817, %dma_wait3A_818] : memref<1600x32xf32, #tpu.memory_space<vmem>> -> memref<96x32xf32, #tpu.memory_space<vmem>>
      %dma_wait3A_820 = arith.constant 104 : i32
      %dma_wait3A_821 = tpu.memref_slice %arg6[%dma_wait3A_816, %dma_wait3A_820] : memref<8x200xi32, #tpu.memory_space<vmem>> -> memref<1x96xi32, #tpu.memory_space<vmem>>
      %dma_wait3A_822 = tpu.memref_squeeze %dma_wait3A_821 : memref<1x96xi32, #tpu.memory_space<vmem>> -> memref<96xi32, #tpu.memory_space<vmem>>
      %dma_wait3A_823 = arith.constant 0 : i32
      %dma_wait3A_824 = arith.constant 0 : i32
      %dma_wait3A_825 = tpu.memref_slice %arg3[%dma_wait3A_823, %dma_wait3A_824] : memref<1015808x32xf32, #tpu.memory_space<hbm>> -> memref<1015808x32xf32, #tpu.memory_space<hbm>>
      tpu.wait_indirect_dma semaphore(%arg11 : memref<!tpu.dma_semaphore, #tpu.memory_space<semaphore_mem>>) src(%dma_wait3A_825 : memref<1015808x32xf32, #tpu.memory_space<hbm>>) dst(%dma_wait3A_819 : memref<96x32xf32, #tpu.memory_space<vmem>>)
      %dma_wait3A_826 = arith.constant 5 : i32
      %dma_wait3A_827 = arith.constant 1000 : i32
      %dma_wait3A_828 = arith.constant 0 : i32
      %dma_wait3A_829 = tpu.memref_slice %arg8[%dma_wait3A_827, %dma_wait3A_828] : memref<1600x32xf32, #tpu.memory_space<vmem>> -> memref<104x32xf32, #tpu.memory_space<vmem>>
      %dma_wait3A_830 = arith.constant 0 : i32
      %dma_wait3A_831 = tpu.memref_slice %arg6[%dma_wait3A_826, %dma_wait3A_830] : memref<8x200xi32, #tpu.memory_space<vmem>> -> memref<1x104xi32, #tpu.memory_space<vmem>>
      %dma_wait3A_832 = tpu.memref_squeeze %dma_wait3A_831 : memref<1x104xi32, #tpu.memory_space<vmem>> -> memref<104xi32, #tpu.memory_space<vmem>>
      %dma_wait3A_833 = arith.constant 0 : i32
      %dma_wait3A_834 = arith.constant 0 : i32
      %dma_wait3A_835 = tpu.memref_slice %arg3[%dma_wait3A_833, %dma_wait3A_834] : memref<1015808x32xf32, #tpu.memory_space<hbm>> -> memref<1015808x32xf32, #tpu.memory_space<hbm>>
      tpu.wait_indirect_dma semaphore(%arg11 : memref<!tpu.dma_semaphore, #tpu.memory_space<semaphore_mem>>) src(%dma_wait3A_835 : memref<1015808x32xf32, #tpu.memory_space<hbm>>) dst(%dma_wait3A_829 : memref<104x32xf32, #tpu.memory_space<vmem>>)
      %dma_wait3A_836 = arith.constant 5 : i32
      %dma_wait3A_837 = arith.constant 1104 : i32
      %dma_wait3A_838 = arith.constant 0 : i32
      %dma_wait3A_839 = tpu.memref_slice %arg8[%dma_wait3A_837, %dma_wait3A_838] : memref<1600x32xf32, #tpu.memory_space<vmem>> -> memref<96x32xf32, #tpu.memory_space<vmem>>
      %dma_wait3A_840 = arith.constant 104 : i32
      %dma_wait3A_841 = tpu.memref_slice %arg6[%dma_wait3A_836, %dma_wait3A_840] : memref<8x200xi32, #tpu.memory_space<vmem>> -> memref<1x96xi32, #tpu.memory_space<vmem>>
      %dma_wait3A_842 = tpu.memref_squeeze %dma_wait3A_841 : memref<1x96xi32, #tpu.memory_space<vmem>> -> memref<96xi32, #tpu.memory_space<vmem>>
      %dma_wait3A_843 = arith.constant 0 : i32
      %dma_wait3A_844 = arith.constant 0 : i32
      %dma_wait3A_845 = tpu.memref_slice %arg3[%dma_wait3A_843, %dma_wait3A_844] : memref<1015808x32xf32, #tpu.memory_space<hbm>> -> memref<1015808x32xf32, #tpu.memory_space<hbm>>
      tpu.wait_indirect_dma semaphore(%arg11 : memref<!tpu.dma_semaphore, #tpu.memory_space<semaphore_mem>>) src(%dma_wait3A_845 : memref<1015808x32xf32, #tpu.memory_space<hbm>>) dst(%dma_wait3A_839 : memref<96x32xf32, #tpu.memory_space<vmem>>)
      %dma_wait3A_846 = arith.constant 6 : i32
      %dma_wait3A_847 = arith.constant 1200 : i32
      %dma_wait3A_848 = arith.constant 0 : i32
      %dma_wait3A_849 = tpu.memref_slice %arg8[%dma_wait3A_847, %dma_wait3A_848] : memref<1600x32xf32, #tpu.memory_space<vmem>> -> memref<104x32xf32, #tpu.memory_space<vmem>>
      %dma_wait3A_850 = arith.constant 0 : i32
      %dma_wait3A_851 = tpu.memref_slice %arg6[%dma_wait3A_846, %dma_wait3A_850] : memref<8x200xi32, #tpu.memory_space<vmem>> -> memref<1x104xi32, #tpu.memory_space<vmem>>
      %dma_wait3A_852 = tpu.memref_squeeze %dma_wait3A_851 : memref<1x104xi32, #tpu.memory_space<vmem>> -> memref<104xi32, #tpu.memory_space<vmem>>
      %dma_wait3A_853 = arith.constant 0 : i32
      %dma_wait3A_854 = arith.constant 0 : i32
      %dma_wait3A_855 = tpu.memref_slice %arg3[%dma_wait3A_853, %dma_wait3A_854] : memref<1015808x32xf32, #tpu.memory_space<hbm>> -> memref<1015808x32xf32, #tpu.memory_space<hbm>>
      tpu.wait_indirect_dma semaphore(%arg11 : memref<!tpu.dma_semaphore, #tpu.memory_space<semaphore_mem>>) src(%dma_wait3A_855 : memref<1015808x32xf32, #tpu.memory_space<hbm>>) dst(%dma_wait3A_849 : memref<104x32xf32, #tpu.memory_space<vmem>>)
      %dma_wait3A_856 = arith.constant 6 : i32
      %dma_wait3A_857 = arith.constant 1304 : i32
      %dma_wait3A_858 = arith.constant 0 : i32
      %dma_wait3A_859 = tpu.memref_slice %arg8[%dma_wait3A_857, %dma_wait3A_858] : memref<1600x32xf32, #tpu.memory_space<vmem>> -> memref<96x32xf32, #tpu.memory_space<vmem>>
      %dma_wait3A_860 = arith.constant 104 : i32
      %dma_wait3A_861 = tpu.memref_slice %arg6[%dma_wait3A_856, %dma_wait3A_860] : memref<8x200xi32, #tpu.memory_space<vmem>> -> memref<1x96xi32, #tpu.memory_space<vmem>>
      %dma_wait3A_862 = tpu.memref_squeeze %dma_wait3A_861 : memref<1x96xi32, #tpu.memory_space<vmem>> -> memref<96xi32, #tpu.memory_space<vmem>>
      %dma_wait3A_863 = arith.constant 0 : i32
      %dma_wait3A_864 = arith.constant 0 : i32
      %dma_wait3A_865 = tpu.memref_slice %arg3[%dma_wait3A_863, %dma_wait3A_864] : memref<1015808x32xf32, #tpu.memory_space<hbm>> -> memref<1015808x32xf32, #tpu.memory_space<hbm>>
      tpu.wait_indirect_dma semaphore(%arg11 : memref<!tpu.dma_semaphore, #tpu.memory_space<semaphore_mem>>) src(%dma_wait3A_865 : memref<1015808x32xf32, #tpu.memory_space<hbm>>) dst(%dma_wait3A_859 : memref<96x32xf32, #tpu.memory_space<vmem>>)
      %dma_wait3A_866 = arith.constant 7 : i32
      %dma_wait3A_867 = arith.constant 1400 : i32
      %dma_wait3A_868 = arith.constant 0 : i32
      %dma_wait3A_869 = tpu.memref_slice %arg8[%dma_wait3A_867, %dma_wait3A_868] : memref<1600x32xf32, #tpu.memory_space<vmem>> -> memref<104x32xf32, #tpu.memory_space<vmem>>
      %dma_wait3A_870 = arith.constant 0 : i32
      %dma_wait3A_871 = tpu.memref_slice %arg6[%dma_wait3A_866, %dma_wait3A_870] : memref<8x200xi32, #tpu.memory_space<vmem>> -> memref<1x104xi32, #tpu.memory_space<vmem>>
      %dma_wait3A_872 = tpu.memref_squeeze %dma_wait3A_871 : memref<1x104xi32, #tpu.memory_space<vmem>> -> memref<104xi32, #tpu.memory_space<vmem>>
      %dma_wait3A_873 = arith.constant 0 : i32
      %dma_wait3A_874 = arith.constant 0 : i32
      %dma_wait3A_875 = tpu.memref_slice %arg3[%dma_wait3A_873, %dma_wait3A_874] : memref<1015808x32xf32, #tpu.memory_space<hbm>> -> memref<1015808x32xf32, #tpu.memory_space<hbm>>
      tpu.wait_indirect_dma semaphore(%arg11 : memref<!tpu.dma_semaphore, #tpu.memory_space<semaphore_mem>>) src(%dma_wait3A_875 : memref<1015808x32xf32, #tpu.memory_space<hbm>>) dst(%dma_wait3A_869 : memref<104x32xf32, #tpu.memory_space<vmem>>)
      %dma_wait3A_876 = arith.constant 7 : i32
      %dma_wait3A_877 = arith.constant 1504 : i32
      %dma_wait3A_878 = arith.constant 0 : i32
      %dma_wait3A_879 = tpu.memref_slice %arg8[%dma_wait3A_877, %dma_wait3A_878] : memref<1600x32xf32, #tpu.memory_space<vmem>> -> memref<96x32xf32, #tpu.memory_space<vmem>>
      %dma_wait3A_880 = arith.constant 104 : i32
      %dma_wait3A_881 = tpu.memref_slice %arg6[%dma_wait3A_876, %dma_wait3A_880] : memref<8x200xi32, #tpu.memory_space<vmem>> -> memref<1x96xi32, #tpu.memory_space<vmem>>
      %dma_wait3A_882 = tpu.memref_squeeze %dma_wait3A_881 : memref<1x96xi32, #tpu.memory_space<vmem>> -> memref<96xi32, #tpu.memory_space<vmem>>
      %dma_wait3A_883 = arith.constant 0 : i32
      %dma_wait3A_884 = arith.constant 0 : i32
      %dma_wait3A_885 = tpu.memref_slice %arg3[%dma_wait3A_883, %dma_wait3A_884] : memref<1015808x32xf32, #tpu.memory_space<hbm>> -> memref<1015808x32xf32, #tpu.memory_space<hbm>>
      tpu.wait_indirect_dma semaphore(%arg11 : memref<!tpu.dma_semaphore, #tpu.memory_space<semaphore_mem>>) src(%dma_wait3A_885 : memref<1015808x32xf32, #tpu.memory_space<hbm>>) dst(%dma_wait3A_879 : memref<96x32xf32, #tpu.memory_space<vmem>>)
      %add3A_886 = arith.constant 1 : i32
      %add3A_887 = arith.addi %mul3A_176, %add3A_886 : i32
      %mul3A_888 = arith.constant 8 : i32
      %mul3A_889 = arith.muli %add3A_887, %mul3A_888 : i32
      %add3A_890 = arith.constant 0 : i32
      %add3A_891 = arith.addi %mul3A_889, %add3A_890 : i32
      %mul3A_892 = arith.constant 32 : i32
      %mul3A_893 = arith.muli %add3A_891, %mul3A_892 : i32
      %scan3A_894 = arith.constant 0 : i32
      %scan3A_895 = arith.constant 25 : i32
      %scan3A_896 = arith.addi %scan3A_894, %scan3A_895 : i32
      %scan3A_897 = arith.constant 1 : i32
      %scan3A_898:8 = scf.for %scan3A_1112 = %scan3A_894 to %scan3A_896 step %scan3A_897 iter_args(%scan3A_1113 = %broadcast_in_dim3A_3, %scan3A_1114 = %broadcast_in_dim3A_3, %scan3A_1115 = %broadcast_in_dim3A_3, %scan3A_1116 = %broadcast_in_dim3A_3, %scan3A_1117 = %broadcast_in_dim3A_3, %scan3A_1118 = %broadcast_in_dim3A_3, %scan3A_1119 = %broadcast_in_dim3A_3, %scan3A_1120 = %broadcast_in_dim3A_3) -> (vector<16xf32>, vector<16xf32>, vector<16xf32>, vector<16xf32>, vector<16xf32>, vector<16xf32>, vector<16xf32>, vector<16xf32>)  : i32 {
        %mul3A_1121 = arith.constant 8 : i32
        %mul3A_1122 = arith.muli %scan3A_1112, %mul3A_1121 : i32
        %add3A_1123 = arith.constant 0 : i32
        %add3A_1124 = arith.addi %add3A_1123, %mul3A_1122 : i32
        %add3A_1125 = arith.constant 0 : i32
        %add3A_1126 = arith.addi %add3A_1124, %add3A_1125 : i32
        %get3A = arith.index_cast %add3A_1126 : i32 to index
        %get3A_1127 = arith.constant 0 : index
        %get3A_1128 = tpu.vector_load %arg8[%get3A, %get3A_1127] {strides = array<i32>} : memref<1600x32xf32, #tpu.memory_space<vmem>>, vector<1x16xf32>,
        %get3A_1129 = vector.shape_cast %get3A_1128 : vector<1x16xf32> to vector<16xf32>
        %add3A_1130 = arith.addf %scan3A_1113, %get3A_1129 : vector<16xf32>
        %add3A_1131 = arith.constant 0 : i32
        %add3A_1132 = arith.addi %add3A_1124, %add3A_1131 : i32
        %get3A_1133 = arith.index_cast %add3A_1132 : i32 to index
        %get3A_1134 = arith.constant 16 : index
        %get3A_1135 = tpu.vector_load %arg8[%get3A_1133, %get3A_1134] {strides = array<i32>} : memref<1600x32xf32, #tpu.memory_space<vmem>>, vector<1x16xf32>,
        %get3A_1136 = vector.shape_cast %get3A_1135 : vector<1x16xf32> to vector<16xf32>
        %add3A_1137 = arith.addf %scan3A_1114, %get3A_1136 : vector<16xf32>
        %add3A_1138 = arith.constant 1 : i32
        %add3A_1139 = arith.addi %add3A_1124, %add3A_1138 : i32
        %get3A_1140 = arith.index_cast %add3A_1139 : i32 to index
        %get3A_1141 = arith.constant 0 : index
        %get3A_1142 = tpu.vector_load %arg8[%get3A_1140, %get3A_1141] {strides = array<i32>} : memref<1600x32xf32, #tpu.memory_space<vmem>>, vector<1x16xf32>,
        %get3A_1143 = vector.shape_cast %get3A_1142 : vector<1x16xf32> to vector<16xf32>
        %add3A_1144 = arith.addf %scan3A_1115, %get3A_1143 : vector<16xf32>
        %add3A_1145 = arith.constant 1 : i32
        %add3A_1146 = arith.addi %add3A_1124, %add3A_1145 : i32
        %get3A_1147 = arith.index_cast %add3A_1146 : i32 to index
        %get3A_1148 = arith.constant 16 : index
        %get3A_1149 = tpu.vector_load %arg8[%get3A_1147, %get3A_1148] {strides = array<i32>} : memref<1600x32xf32, #tpu.memory_space<vmem>>, vector<1x16xf32>,
        %get3A_1150 = vector.shape_cast %get3A_1149 : vector<1x16xf32> to vector<16xf32>
        %add3A_1151 = arith.addf %scan3A_1116, %get3A_1150 : vector<16xf32>
        %add3A_1152 = arith.constant 2 : i32
        %add3A_1153 = arith.addi %add3A_1124, %add3A_1152 : i32
        %get3A_1154 = arith.index_cast %add3A_1153 : i32 to index
        %get3A_1155 = arith.constant 0 : index
        %get3A_1156 = tpu.vector_load %arg8[%get3A_1154, %get3A_1155] {strides = array<i32>} : memref<1600x32xf32, #tpu.memory_space<vmem>>, vector<1x16xf32>,
        %get3A_1157 = vector.shape_cast %get3A_1156 : vector<1x16xf32> to vector<16xf32>
        %add3A_1158 = arith.addf %scan3A_1117, %get3A_1157 : vector<16xf32>
        %add3A_1159 = arith.constant 2 : i32
        %add3A_1160 = arith.addi %add3A_1124, %add3A_1159 : i32
        %get3A_1161 = arith.index_cast %add3A_1160 : i32 to index
        %get3A_1162 = arith.constant 16 : index
        %get3A_1163 = tpu.vector_load %arg8[%get3A_1161, %get3A_1162] {strides = array<i32>} : memref<1600x32xf32, #tpu.memory_space<vmem>>, vector<1x16xf32>,
        %get3A_1164 = vector.shape_cast %get3A_1163 : vector<1x16xf32> to vector<16xf32>
        %add3A_1165 = arith.addf %scan3A_1118, %get3A_1164 : vector<16xf32>
        %add3A_1166 = arith.constant 3 : i32
        %add3A_1167 = arith.addi %add3A_1124, %add3A_1166 : i32
        %get3A_1168 = arith.index_cast %add3A_1167 : i32 to index
        %get3A_1169 = arith.constant 0 : index
        %get3A_1170 = tpu.vector_load %arg8[%get3A_1168, %get3A_1169] {strides = array<i32>} : memref<1600x32xf32, #tpu.memory_space<vmem>>, vector<1x16xf32>,
        %get3A_1171 = vector.shape_cast %get3A_1170 : vector<1x16xf32> to vector<16xf32>
        %add3A_1172 = arith.addf %scan3A_1119, %get3A_1171 : vector<16xf32>
        %add3A_1173 = arith.constant 3 : i32
        %add3A_1174 = arith.addi %add3A_1124, %add3A_1173 : i32
        %get3A_1175 = arith.index_cast %add3A_1174 : i32 to index
        %get3A_1176 = arith.constant 16 : index
        %get3A_1177 = tpu.vector_load %arg8[%get3A_1175, %get3A_1176] {strides = array<i32>} : memref<1600x32xf32, #tpu.memory_space<vmem>>, vector<1x16xf32>,
        %get3A_1178 = vector.shape_cast %get3A_1177 : vector<1x16xf32> to vector<16xf32>
        %add3A_1179 = arith.addf %scan3A_1120, %get3A_1178 : vector<16xf32>
        %add3A_1180 = arith.constant 4 : i32
        %add3A_1181 = arith.addi %add3A_1124, %add3A_1180 : i32
        %get3A_1182 = arith.index_cast %add3A_1181 : i32 to index
        %get3A_1183 = arith.constant 0 : index
        %get3A_1184 = tpu.vector_load %arg8[%get3A_1182, %get3A_1183] {strides = array<i32>} : memref<1600x32xf32, #tpu.memory_space<vmem>>, vector<1x16xf32>,
        %get3A_1185 = vector.shape_cast %get3A_1184 : vector<1x16xf32> to vector<16xf32>
        %add3A_1186 = arith.addf %add3A_1130, %get3A_1185 : vector<16xf32>
        %add3A_1187 = arith.constant 4 : i32
        %add3A_1188 = arith.addi %add3A_1124, %add3A_1187 : i32
        %get3A_1189 = arith.index_cast %add3A_1188 : i32 to index
        %get3A_1190 = arith.constant 16 : index
        %get3A_1191 = tpu.vector_load %arg8[%get3A_1189, %get3A_1190] {strides = array<i32>} : memref<1600x32xf32, #tpu.memory_space<vmem>>, vector<1x16xf32>,
        %get3A_1192 = vector.shape_cast %get3A_1191 : vector<1x16xf32> to vector<16xf32>
        %add3A_1193 = arith.addf %add3A_1137, %get3A_1192 : vector<16xf32>
        %add3A_1194 = arith.constant 5 : i32
        %add3A_1195 = arith.addi %add3A_1124, %add3A_1194 : i32
        %get3A_1196 = arith.index_cast %add3A_1195 : i32 to index
        %get3A_1197 = arith.constant 0 : index
        %get3A_1198 = tpu.vector_load %arg8[%get3A_1196, %get3A_1197] {strides = array<i32>} : memref<1600x32xf32, #tpu.memory_space<vmem>>, vector<1x16xf32>,
        %get3A_1199 = vector.shape_cast %get3A_1198 : vector<1x16xf32> to vector<16xf32>
        %add3A_1200 = arith.addf %add3A_1144, %get3A_1199 : vector<16xf32>
        %add3A_1201 = arith.constant 5 : i32
        %add3A_1202 = arith.addi %add3A_1124, %add3A_1201 : i32
        %get3A_1203 = arith.index_cast %add3A_1202 : i32 to index
        %get3A_1204 = arith.constant 16 : index
        %get3A_1205 = tpu.vector_load %arg8[%get3A_1203, %get3A_1204] {strides = array<i32>} : memref<1600x32xf32, #tpu.memory_space<vmem>>, vector<1x16xf32>,
        %get3A_1206 = vector.shape_cast %get3A_1205 : vector<1x16xf32> to vector<16xf32>
        %add3A_1207 = arith.addf %add3A_1151, %get3A_1206 : vector<16xf32>
        %add3A_1208 = arith.constant 6 : i32
        %add3A_1209 = arith.addi %add3A_1124, %add3A_1208 : i32
        %get3A_1210 = arith.index_cast %add3A_1209 : i32 to index
        %get3A_1211 = arith.constant 0 : index
        %get3A_1212 = tpu.vector_load %arg8[%get3A_1210, %get3A_1211] {strides = array<i32>} : memref<1600x32xf32, #tpu.memory_space<vmem>>, vector<1x16xf32>,
        %get3A_1213 = vector.shape_cast %get3A_1212 : vector<1x16xf32> to vector<16xf32>
        %add3A_1214 = arith.addf %add3A_1158, %get3A_1213 : vector<16xf32>
        %add3A_1215 = arith.constant 6 : i32
        %add3A_1216 = arith.addi %add3A_1124, %add3A_1215 : i32
        %get3A_1217 = arith.index_cast %add3A_1216 : i32 to index
        %get3A_1218 = arith.constant 16 : index
        %get3A_1219 = tpu.vector_load %arg8[%get3A_1217, %get3A_1218] {strides = array<i32>} : memref<1600x32xf32, #tpu.memory_space<vmem>>, vector<1x16xf32>,
        %get3A_1220 = vector.shape_cast %get3A_1219 : vector<1x16xf32> to vector<16xf32>
        %add3A_1221 = arith.addf %add3A_1165, %get3A_1220 : vector<16xf32>
        %add3A_1222 = arith.constant 7 : i32
        %add3A_1223 = arith.addi %add3A_1124, %add3A_1222 : i32
        %get3A_1224 = arith.index_cast %add3A_1223 : i32 to index
        %get3A_1225 = arith.constant 0 : index
        %get3A_1226 = tpu.vector_load %arg8[%get3A_1224, %get3A_1225] {strides = array<i32>} : memref<1600x32xf32, #tpu.memory_space<vmem>>, vector<1x16xf32>,
        %get3A_1227 = vector.shape_cast %get3A_1226 : vector<1x16xf32> to vector<16xf32>
        %add3A_1228 = arith.addf %add3A_1172, %get3A_1227 : vector<16xf32>
        %add3A_1229 = arith.constant 7 : i32
        %add3A_1230 = arith.addi %add3A_1124, %add3A_1229 : i32
        %get3A_1231 = arith.index_cast %add3A_1230 : i32 to index
        %get3A_1232 = arith.constant 16 : index
        %get3A_1233 = tpu.vector_load %arg8[%get3A_1231, %get3A_1232] {strides = array<i32>} : memref<1600x32xf32, #tpu.memory_space<vmem>>, vector<1x16xf32>,
        %get3A_1234 = vector.shape_cast %get3A_1233 : vector<1x16xf32> to vector<16xf32>
        %add3A_1235 = arith.addf %add3A_1179, %get3A_1234 : vector<16xf32>
        scf.yield %add3A_1186, %add3A_1193, %add3A_1200, %add3A_1207, %add3A_1214, %add3A_1221, %add3A_1228, %add3A_1235 : vector<16xf32>, vector<16xf32>, vector<16xf32>, vector<16xf32>, vector<16xf32>, vector<16xf32>, vector<16xf32>, vector<16xf32>
      }
      %scan3A_899 = arith.constant 25 : i32
      %add3A_900 = arith.addf %scan3A_898#0, %scan3A_898#2 : vector<16xf32>
      %add3A_901 = arith.addf %scan3A_898#1, %scan3A_898#3 : vector<16xf32>
      %add3A_902 = arith.addf %add3A_900, %scan3A_898#4 : vector<16xf32>
      %add3A_903 = arith.addf %add3A_901, %scan3A_898#5 : vector<16xf32>
      %add3A_904 = arith.addf %add3A_902, %scan3A_898#6 : vector<16xf32>
      %add3A_905 = arith.addf %add3A_903, %scan3A_898#7 : vector<16xf32>
      %swap3A_906 = arith.index_cast %mul3A_893 : i32 to index
      %swap3A_907 = tpu.vector_load %arg9[%swap3A_906] {strides = array<i32>} : memref<16384xf32, #tpu.memory_space<vmem>>, vector<16xf32>,
      %swap3A_908 = vector.shape_cast %swap3A_907 : vector<16xf32> to vector<16xf32>
      %swap3A_909 = vector.shape_cast %add3A_904 : vector<16xf32> to vector<16xf32>
      tpu.vector_store %arg9[%swap3A_906], %swap3A_909 {strides = array<i32>} : memref<16384xf32, #tpu.memory_space<vmem>>, vector<16xf32>,
      %add3A_910 = arith.constant 16 : i32
      %add3A_911 = arith.addi %mul3A_893, %add3A_910 : i32
      %swap3A_912 = arith.index_cast %add3A_911 : i32 to index
      %swap3A_913 = tpu.vector_load %arg9[%swap3A_912] {strides = array<i32>} : memref<16384xf32, #tpu.memory_space<vmem>>, vector<16xf32>,
      %swap3A_914 = vector.shape_cast %swap3A_913 : vector<16xf32> to vector<16xf32>
      %swap3A_915 = vector.shape_cast %add3A_905 : vector<16xf32> to vector<16xf32>
      tpu.vector_store %arg9[%swap3A_912], %swap3A_915 {strides = array<i32>} : memref<16384xf32, #tpu.memory_space<vmem>>, vector<16xf32>,
      %mul3A_916 = arith.constant 8 : i32
      %mul3A_917 = arith.muli %add3A_887, %mul3A_916 : i32
      %add3A_918 = arith.constant 1 : i32
      %add3A_919 = arith.addi %mul3A_917, %add3A_918 : i32
      %mul3A_920 = arith.constant 32 : i32
      %mul3A_921 = arith.muli %add3A_919, %mul3A_920 : i32
      %scan3A_922 = arith.constant 0 : i32
      %scan3A_923 = arith.constant 25 : i32
      %scan3A_924 = arith.addi %scan3A_922, %scan3A_923 : i32
      %scan3A_925 = arith.constant 1 : i32
      %scan3A_926:8 = scf.for %scan3A_1112 = %scan3A_922 to %scan3A_924 step %scan3A_925 iter_args(%scan3A_1113 = %broadcast_in_dim3A_3, %scan3A_1114 = %broadcast_in_dim3A_3, %scan3A_1115 = %broadcast_in_dim3A_3, %scan3A_1116 = %broadcast_in_dim3A_3, %scan3A_1117 = %broadcast_in_dim3A_3, %scan3A_1118 = %broadcast_in_dim3A_3, %scan3A_1119 = %broadcast_in_dim3A_3, %scan3A_1120 = %broadcast_in_dim3A_3) -> (vector<16xf32>, vector<16xf32>, vector<16xf32>, vector<16xf32>, vector<16xf32>, vector<16xf32>, vector<16xf32>, vector<16xf32>)  : i32 {
        %mul3A_1121 = arith.constant 8 : i32
        %mul3A_1122 = arith.muli %scan3A_1112, %mul3A_1121 : i32
        %add3A_1123 = arith.constant 200 : i32
        %add3A_1124 = arith.addi %add3A_1123, %mul3A_1122 : i32
        %add3A_1125 = arith.constant 0 : i32
        %add3A_1126 = arith.addi %add3A_1124, %add3A_1125 : i32
        %get3A = arith.index_cast %add3A_1126 : i32 to index
        %get3A_1127 = arith.constant 0 : index
        %get3A_1128 = tpu.vector_load %arg8[%get3A, %get3A_1127] {strides = array<i32>} : memref<1600x32xf32, #tpu.memory_space<vmem>>, vector<1x16xf32>,
        %get3A_1129 = vector.shape_cast %get3A_1128 : vector<1x16xf32> to vector<16xf32>
        %add3A_1130 = arith.addf %scan3A_1113, %get3A_1129 : vector<16xf32>
        %add3A_1131 = arith.constant 0 : i32
        %add3A_1132 = arith.addi %add3A_1124, %add3A_1131 : i32
        %get3A_1133 = arith.index_cast %add3A_1132 : i32 to index
        %get3A_1134 = arith.constant 16 : index
        %get3A_1135 = tpu.vector_load %arg8[%get3A_1133, %get3A_1134] {strides = array<i32>} : memref<1600x32xf32, #tpu.memory_space<vmem>>, vector<1x16xf32>,
        %get3A_1136 = vector.shape_cast %get3A_1135 : vector<1x16xf32> to vector<16xf32>
        %add3A_1137 = arith.addf %scan3A_1114, %get3A_1136 : vector<16xf32>
        %add3A_1138 = arith.constant 1 : i32
        %add3A_1139 = arith.addi %add3A_1124, %add3A_1138 : i32
        %get3A_1140 = arith.index_cast %add3A_1139 : i32 to index
        %get3A_1141 = arith.constant 0 : index
        %get3A_1142 = tpu.vector_load %arg8[%get3A_1140, %get3A_1141] {strides = array<i32>} : memref<1600x32xf32, #tpu.memory_space<vmem>>, vector<1x16xf32>,
        %get3A_1143 = vector.shape_cast %get3A_1142 : vector<1x16xf32> to vector<16xf32>
        %add3A_1144 = arith.addf %scan3A_1115, %get3A_1143 : vector<16xf32>
        %add3A_1145 = arith.constant 1 : i32
        %add3A_1146 = arith.addi %add3A_1124, %add3A_1145 : i32
        %get3A_1147 = arith.index_cast %add3A_1146 : i32 to index
        %get3A_1148 = arith.constant 16 : index
        %get3A_1149 = tpu.vector_load %arg8[%get3A_1147, %get3A_1148] {strides = array<i32>} : memref<1600x32xf32, #tpu.memory_space<vmem>>, vector<1x16xf32>,
        %get3A_1150 = vector.shape_cast %get3A_1149 : vector<1x16xf32> to vector<16xf32>
        %add3A_1151 = arith.addf %scan3A_1116, %get3A_1150 : vector<16xf32>
        %add3A_1152 = arith.constant 2 : i32
        %add3A_1153 = arith.addi %add3A_1124, %add3A_1152 : i32
        %get3A_1154 = arith.index_cast %add3A_1153 : i32 to index
        %get3A_1155 = arith.constant 0 : index
        %get3A_1156 = tpu.vector_load %arg8[%get3A_1154, %get3A_1155] {strides = array<i32>} : memref<1600x32xf32, #tpu.memory_space<vmem>>, vector<1x16xf32>,
        %get3A_1157 = vector.shape_cast %get3A_1156 : vector<1x16xf32> to vector<16xf32>
        %add3A_1158 = arith.addf %scan3A_1117, %get3A_1157 : vector<16xf32>
        %add3A_1159 = arith.constant 2 : i32
        %add3A_1160 = arith.addi %add3A_1124, %add3A_1159 : i32
        %get3A_1161 = arith.index_cast %add3A_1160 : i32 to index
        %get3A_1162 = arith.constant 16 : index
        %get3A_1163 = tpu.vector_load %arg8[%get3A_1161, %get3A_1162] {strides = array<i32>} : memref<1600x32xf32, #tpu.memory_space<vmem>>, vector<1x16xf32>,
        %get3A_1164 = vector.shape_cast %get3A_1163 : vector<1x16xf32> to vector<16xf32>
        %add3A_1165 = arith.addf %scan3A_1118, %get3A_1164 : vector<16xf32>
        %add3A_1166 = arith.constant 3 : i32
        %add3A_1167 = arith.addi %add3A_1124, %add3A_1166 : i32
        %get3A_1168 = arith.index_cast %add3A_1167 : i32 to index
        %get3A_1169 = arith.constant 0 : index
        %get3A_1170 = tpu.vector_load %arg8[%get3A_1168, %get3A_1169] {strides = array<i32>} : memref<1600x32xf32, #tpu.memory_space<vmem>>, vector<1x16xf32>,
        %get3A_1171 = vector.shape_cast %get3A_1170 : vector<1x16xf32> to vector<16xf32>
        %add3A_1172 = arith.addf %scan3A_1119, %get3A_1171 : vector<16xf32>
        %add3A_1173 = arith.constant 3 : i32
        %add3A_1174 = arith.addi %add3A_1124, %add3A_1173 : i32
        %get3A_1175 = arith.index_cast %add3A_1174 : i32 to index
        %get3A_1176 = arith.constant 16 : index
        %get3A_1177 = tpu.vector_load %arg8[%get3A_1175, %get3A_1176] {strides = array<i32>} : memref<1600x32xf32, #tpu.memory_space<vmem>>, vector<1x16xf32>,
        %get3A_1178 = vector.shape_cast %get3A_1177 : vector<1x16xf32> to vector<16xf32>
        %add3A_1179 = arith.addf %scan3A_1120, %get3A_1178 : vector<16xf32>
        %add3A_1180 = arith.constant 4 : i32
        %add3A_1181 = arith.addi %add3A_1124, %add3A_1180 : i32
        %get3A_1182 = arith.index_cast %add3A_1181 : i32 to index
        %get3A_1183 = arith.constant 0 : index
        %get3A_1184 = tpu.vector_load %arg8[%get3A_1182, %get3A_1183] {strides = array<i32>} : memref<1600x32xf32, #tpu.memory_space<vmem>>, vector<1x16xf32>,
        %get3A_1185 = vector.shape_cast %get3A_1184 : vector<1x16xf32> to vector<16xf32>
        %add3A_1186 = arith.addf %add3A_1130, %get3A_1185 : vector<16xf32>
        %add3A_1187 = arith.constant 4 : i32
        %add3A_1188 = arith.addi %add3A_1124, %add3A_1187 : i32
        %get3A_1189 = arith.index_cast %add3A_1188 : i32 to index
        %get3A_1190 = arith.constant 16 : index
        %get3A_1191 = tpu.vector_load %arg8[%get3A_1189, %get3A_1190] {strides = array<i32>} : memref<1600x32xf32, #tpu.memory_space<vmem>>, vector<1x16xf32>,
        %get3A_1192 = vector.shape_cast %get3A_1191 : vector<1x16xf32> to vector<16xf32>
        %add3A_1193 = arith.addf %add3A_1137, %get3A_1192 : vector<16xf32>
        %add3A_1194 = arith.constant 5 : i32
        %add3A_1195 = arith.addi %add3A_1124, %add3A_1194 : i32
        %get3A_1196 = arith.index_cast %add3A_1195 : i32 to index
        %get3A_1197 = arith.constant 0 : index
        %get3A_1198 = tpu.vector_load %arg8[%get3A_1196, %get3A_1197] {strides = array<i32>} : memref<1600x32xf32, #tpu.memory_space<vmem>>, vector<1x16xf32>,
        %get3A_1199 = vector.shape_cast %get3A_1198 : vector<1x16xf32> to vector<16xf32>
        %add3A_1200 = arith.addf %add3A_1144, %get3A_1199 : vector<16xf32>
        %add3A_1201 = arith.constant 5 : i32
        %add3A_1202 = arith.addi %add3A_1124, %add3A_1201 : i32
        %get3A_1203 = arith.index_cast %add3A_1202 : i32 to index
        %get3A_1204 = arith.constant 16 : index
        %get3A_1205 = tpu.vector_load %arg8[%get3A_1203, %get3A_1204] {strides = array<i32>} : memref<1600x32xf32, #tpu.memory_space<vmem>>, vector<1x16xf32>,
        %get3A_1206 = vector.shape_cast %get3A_1205 : vector<1x16xf32> to vector<16xf32>
        %add3A_1207 = arith.addf %add3A_1151, %get3A_1206 : vector<16xf32>
        %add3A_1208 = arith.constant 6 : i32
        %add3A_1209 = arith.addi %add3A_1124, %add3A_1208 : i32
        %get3A_1210 = arith.index_cast %add3A_1209 : i32 to index
        %get3A_1211 = arith.constant 0 : index
        %get3A_1212 = tpu.vector_load %arg8[%get3A_1210, %get3A_1211] {strides = array<i32>} : memref<1600x32xf32, #tpu.memory_space<vmem>>, vector<1x16xf32>,
        %get3A_1213 = vector.shape_cast %get3A_1212 : vector<1x16xf32> to vector<16xf32>
        %add3A_1214 = arith.addf %add3A_1158, %get3A_1213 : vector<16xf32>
        %add3A_1215 = arith.constant 6 : i32
        %add3A_1216 = arith.addi %add3A_1124, %add3A_1215 : i32
        %get3A_1217 = arith.index_cast %add3A_1216 : i32 to index
        %get3A_1218 = arith.constant 16 : index
        %get3A_1219 = tpu.vector_load %arg8[%get3A_1217, %get3A_1218] {strides = array<i32>} : memref<1600x32xf32, #tpu.memory_space<vmem>>, vector<1x16xf32>,
        %get3A_1220 = vector.shape_cast %get3A_1219 : vector<1x16xf32> to vector<16xf32>
        %add3A_1221 = arith.addf %add3A_1165, %get3A_1220 : vector<16xf32>
        %add3A_1222 = arith.constant 7 : i32
        %add3A_1223 = arith.addi %add3A_1124, %add3A_1222 : i32
        %get3A_1224 = arith.index_cast %add3A_1223 : i32 to index
        %get3A_1225 = arith.constant 0 : index
        %get3A_1226 = tpu.vector_load %arg8[%get3A_1224, %get3A_1225] {strides = array<i32>} : memref<1600x32xf32, #tpu.memory_space<vmem>>, vector<1x16xf32>,
        %get3A_1227 = vector.shape_cast %get3A_1226 : vector<1x16xf32> to vector<16xf32>
        %add3A_1228 = arith.addf %add3A_1172, %get3A_1227 : vector<16xf32>
        %add3A_1229 = arith.constant 7 : i32
        %add3A_1230 = arith.addi %add3A_1124, %add3A_1229 : i32
        %get3A_1231 = arith.index_cast %add3A_1230 : i32 to index
        %get3A_1232 = arith.constant 16 : index
        %get3A_1233 = tpu.vector_load %arg8[%get3A_1231, %get3A_1232] {strides = array<i32>} : memref<1600x32xf32, #tpu.memory_space<vmem>>, vector<1x16xf32>,
        %get3A_1234 = vector.shape_cast %get3A_1233 : vector<1x16xf32> to vector<16xf32>
        %add3A_1235 = arith.addf %add3A_1179, %get3A_1234 : vector<16xf32>
        scf.yield %add3A_1186, %add3A_1193, %add3A_1200, %add3A_1207, %add3A_1214, %add3A_1221, %add3A_1228, %add3A_1235 : vector<16xf32>, vector<16xf32>, vector<16xf32>, vector<16xf32>, vector<16xf32>, vector<16xf32>, vector<16xf32>, vector<16xf32>
      }
      %scan3A_927 = arith.constant 25 : i32
      %add3A_928 = arith.addf %scan3A_926#0, %scan3A_926#2 : vector<16xf32>
      %add3A_929 = arith.addf %scan3A_926#1, %scan3A_926#3 : vector<16xf32>
      %add3A_930 = arith.addf %add3A_928, %scan3A_926#4 : vector<16xf32>
      %add3A_931 = arith.addf %add3A_929, %scan3A_926#5 : vector<16xf32>
      %add3A_932 = arith.addf %add3A_930, %scan3A_926#6 : vector<16xf32>
      %add3A_933 = arith.addf %add3A_931, %scan3A_926#7 : vector<16xf32>
      %swap3A_934 = arith.index_cast %mul3A_921 : i32 to index
      %swap3A_935 = tpu.vector_load %arg9[%swap3A_934] {strides = array<i32>} : memref<16384xf32, #tpu.memory_space<vmem>>, vector<16xf32>,
      %swap3A_936 = vector.shape_cast %swap3A_935 : vector<16xf32> to vector<16xf32>
      %swap3A_937 = vector.shape_cast %add3A_932 : vector<16xf32> to vector<16xf32>
      tpu.vector_store %arg9[%swap3A_934], %swap3A_937 {strides = array<i32>} : memref<16384xf32, #tpu.memory_space<vmem>>, vector<16xf32>,
      %add3A_938 = arith.constant 16 : i32
      %add3A_939 = arith.addi %mul3A_921, %add3A_938 : i32
      %swap3A_940 = arith.index_cast %add3A_939 : i32 to index
      %swap3A_941 = tpu.vector_load %arg9[%swap3A_940] {strides = array<i32>} : memref<16384xf32, #tpu.memory_space<vmem>>, vector<16xf32>,
      %swap3A_942 = vector.shape_cast %swap3A_941 : vector<16xf32> to vector<16xf32>
      %swap3A_943 = vector.shape_cast %add3A_933 : vector<16xf32> to vector<16xf32>
      tpu.vector_store %arg9[%swap3A_940], %swap3A_943 {strides = array<i32>} : memref<16384xf32, #tpu.memory_space<vmem>>, vector<16xf32>,
      %mul3A_944 = arith.constant 8 : i32
      %mul3A_945 = arith.muli %add3A_887, %mul3A_944 : i32
      %add3A_946 = arith.constant 2 : i32
      %add3A_947 = arith.addi %mul3A_945, %add3A_946 : i32
      %mul3A_948 = arith.constant 32 : i32
      %mul3A_949 = arith.muli %add3A_947, %mul3A_948 : i32
      %scan3A_950 = arith.constant 0 : i32
      %scan3A_951 = arith.constant 25 : i32
      %scan3A_952 = arith.addi %scan3A_950, %scan3A_951 : i32
      %scan3A_953 = arith.constant 1 : i32
      %scan3A_954:8 = scf.for %scan3A_1112 = %scan3A_950 to %scan3A_952 step %scan3A_953 iter_args(%scan3A_1113 = %broadcast_in_dim3A_3, %scan3A_1114 = %broadcast_in_dim3A_3, %scan3A_1115 = %broadcast_in_dim3A_3, %scan3A_1116 = %broadcast_in_dim3A_3, %scan3A_1117 = %broadcast_in_dim3A_3, %scan3A_1118 = %broadcast_in_dim3A_3, %scan3A_1119 = %broadcast_in_dim3A_3, %scan3A_1120 = %broadcast_in_dim3A_3) -> (vector<16xf32>, vector<16xf32>, vector<16xf32>, vector<16xf32>, vector<16xf32>, vector<16xf32>, vector<16xf32>, vector<16xf32>)  : i32 {
        %mul3A_1121 = arith.constant 8 : i32
        %mul3A_1122 = arith.muli %scan3A_1112, %mul3A_1121 : i32
        %add3A_1123 = arith.constant 400 : i32
        %add3A_1124 = arith.addi %add3A_1123, %mul3A_1122 : i32
        %add3A_1125 = arith.constant 0 : i32
        %add3A_1126 = arith.addi %add3A_1124, %add3A_1125 : i32
        %get3A = arith.index_cast %add3A_1126 : i32 to index
        %get3A_1127 = arith.constant 0 : index
        %get3A_1128 = tpu.vector_load %arg8[%get3A, %get3A_1127] {strides = array<i32>} : memref<1600x32xf32, #tpu.memory_space<vmem>>, vector<1x16xf32>,
        %get3A_1129 = vector.shape_cast %get3A_1128 : vector<1x16xf32> to vector<16xf32>
        %add3A_1130 = arith.addf %scan3A_1113, %get3A_1129 : vector<16xf32>
        %add3A_1131 = arith.constant 0 : i32
        %add3A_1132 = arith.addi %add3A_1124, %add3A_1131 : i32
        %get3A_1133 = arith.index_cast %add3A_1132 : i32 to index
        %get3A_1134 = arith.constant 16 : index
        %get3A_1135 = tpu.vector_load %arg8[%get3A_1133, %get3A_1134] {strides = array<i32>} : memref<1600x32xf32, #tpu.memory_space<vmem>>, vector<1x16xf32>,
        %get3A_1136 = vector.shape_cast %get3A_1135 : vector<1x16xf32> to vector<16xf32>
        %add3A_1137 = arith.addf %scan3A_1114, %get3A_1136 : vector<16xf32>
        %add3A_1138 = arith.constant 1 : i32
        %add3A_1139 = arith.addi %add3A_1124, %add3A_1138 : i32
        %get3A_1140 = arith.index_cast %add3A_1139 : i32 to index
        %get3A_1141 = arith.constant 0 : index
        %get3A_1142 = tpu.vector_load %arg8[%get3A_1140, %get3A_1141] {strides = array<i32>} : memref<1600x32xf32, #tpu.memory_space<vmem>>, vector<1x16xf32>,
        %get3A_1143 = vector.shape_cast %get3A_1142 : vector<1x16xf32> to vector<16xf32>
        %add3A_1144 = arith.addf %scan3A_1115, %get3A_1143 : vector<16xf32>
        %add3A_1145 = arith.constant 1 : i32
        %add3A_1146 = arith.addi %add3A_1124, %add3A_1145 : i32
        %get3A_1147 = arith.index_cast %add3A_1146 : i32 to index
        %get3A_1148 = arith.constant 16 : index
        %get3A_1149 = tpu.vector_load %arg8[%get3A_1147, %get3A_1148] {strides = array<i32>} : memref<1600x32xf32, #tpu.memory_space<vmem>>, vector<1x16xf32>,
        %get3A_1150 = vector.shape_cast %get3A_1149 : vector<1x16xf32> to vector<16xf32>
        %add3A_1151 = arith.addf %scan3A_1116, %get3A_1150 : vector<16xf32>
        %add3A_1152 = arith.constant 2 : i32
        %add3A_1153 = arith.addi %add3A_1124, %add3A_1152 : i32
        %get3A_1154 = arith.index_cast %add3A_1153 : i32 to index
        %get3A_1155 = arith.constant 0 : index
        %get3A_1156 = tpu.vector_load %arg8[%get3A_1154, %get3A_1155] {strides = array<i32>} : memref<1600x32xf32, #tpu.memory_space<vmem>>, vector<1x16xf32>,
        %get3A_1157 = vector.shape_cast %get3A_1156 : vector<1x16xf32> to vector<16xf32>
        %add3A_1158 = arith.addf %scan3A_1117, %get3A_1157 : vector<16xf32>
        %add3A_1159 = arith.constant 2 : i32
        %add3A_1160 = arith.addi %add3A_1124, %add3A_1159 : i32
        %get3A_1161 = arith.index_cast %add3A_1160 : i32 to index
        %get3A_1162 = arith.constant 16 : index
        %get3A_1163 = tpu.vector_load %arg8[%get3A_1161, %get3A_1162] {strides = array<i32>} : memref<1600x32xf32, #tpu.memory_space<vmem>>, vector<1x16xf32>,
        %get3A_1164 = vector.shape_cast %get3A_1163 : vector<1x16xf32> to vector<16xf32>
        %add3A_1165 = arith.addf %scan3A_1118, %get3A_1164 : vector<16xf32>
        %add3A_1166 = arith.constant 3 : i32
        %add3A_1167 = arith.addi %add3A_1124, %add3A_1166 : i32
        %get3A_1168 = arith.index_cast %add3A_1167 : i32 to index
        %get3A_1169 = arith.constant 0 : index
        %get3A_1170 = tpu.vector_load %arg8[%get3A_1168, %get3A_1169] {strides = array<i32>} : memref<1600x32xf32, #tpu.memory_space<vmem>>, vector<1x16xf32>,
        %get3A_1171 = vector.shape_cast %get3A_1170 : vector<1x16xf32> to vector<16xf32>
        %add3A_1172 = arith.addf %scan3A_1119, %get3A_1171 : vector<16xf32>
        %add3A_1173 = arith.constant 3 : i32
        %add3A_1174 = arith.addi %add3A_1124, %add3A_1173 : i32
        %get3A_1175 = arith.index_cast %add3A_1174 : i32 to index
        %get3A_1176 = arith.constant 16 : index
        %get3A_1177 = tpu.vector_load %arg8[%get3A_1175, %get3A_1176] {strides = array<i32>} : memref<1600x32xf32, #tpu.memory_space<vmem>>, vector<1x16xf32>,
        %get3A_1178 = vector.shape_cast %get3A_1177 : vector<1x16xf32> to vector<16xf32>
        %add3A_1179 = arith.addf %scan3A_1120, %get3A_1178 : vector<16xf32>
        %add3A_1180 = arith.constant 4 : i32
        %add3A_1181 = arith.addi %add3A_1124, %add3A_1180 : i32
        %get3A_1182 = arith.index_cast %add3A_1181 : i32 to index
        %get3A_1183 = arith.constant 0 : index
        %get3A_1184 = tpu.vector_load %arg8[%get3A_1182, %get3A_1183] {strides = array<i32>} : memref<1600x32xf32, #tpu.memory_space<vmem>>, vector<1x16xf32>,
        %get3A_1185 = vector.shape_cast %get3A_1184 : vector<1x16xf32> to vector<16xf32>
        %add3A_1186 = arith.addf %add3A_1130, %get3A_1185 : vector<16xf32>
        %add3A_1187 = arith.constant 4 : i32
        %add3A_1188 = arith.addi %add3A_1124, %add3A_1187 : i32
        %get3A_1189 = arith.index_cast %add3A_1188 : i32 to index
        %get3A_1190 = arith.constant 16 : index
        %get3A_1191 = tpu.vector_load %arg8[%get3A_1189, %get3A_1190] {strides = array<i32>} : memref<1600x32xf32, #tpu.memory_space<vmem>>, vector<1x16xf32>,
        %get3A_1192 = vector.shape_cast %get3A_1191 : vector<1x16xf32> to vector<16xf32>
        %add3A_1193 = arith.addf %add3A_1137, %get3A_1192 : vector<16xf32>
        %add3A_1194 = arith.constant 5 : i32
        %add3A_1195 = arith.addi %add3A_1124, %add3A_1194 : i32
        %get3A_1196 = arith.index_cast %add3A_1195 : i32 to index
        %get3A_1197 = arith.constant 0 : index
        %get3A_1198 = tpu.vector_load %arg8[%get3A_1196, %get3A_1197] {strides = array<i32>} : memref<1600x32xf32, #tpu.memory_space<vmem>>, vector<1x16xf32>,
        %get3A_1199 = vector.shape_cast %get3A_1198 : vector<1x16xf32> to vector<16xf32>
        %add3A_1200 = arith.addf %add3A_1144, %get3A_1199 : vector<16xf32>
        %add3A_1201 = arith.constant 5 : i32
        %add3A_1202 = arith.addi %add3A_1124, %add3A_1201 : i32
        %get3A_1203 = arith.index_cast %add3A_1202 : i32 to index
        %get3A_1204 = arith.constant 16 : index
        %get3A_1205 = tpu.vector_load %arg8[%get3A_1203, %get3A_1204] {strides = array<i32>} : memref<1600x32xf32, #tpu.memory_space<vmem>>, vector<1x16xf32>,
        %get3A_1206 = vector.shape_cast %get3A_1205 : vector<1x16xf32> to vector<16xf32>
        %add3A_1207 = arith.addf %add3A_1151, %get3A_1206 : vector<16xf32>
        %add3A_1208 = arith.constant 6 : i32
        %add3A_1209 = arith.addi %add3A_1124, %add3A_1208 : i32
        %get3A_1210 = arith.index_cast %add3A_1209 : i32 to index
        %get3A_1211 = arith.constant 0 : index
        %get3A_1212 = tpu.vector_load %arg8[%get3A_1210, %get3A_1211] {strides = array<i32>} : memref<1600x32xf32, #tpu.memory_space<vmem>>, vector<1x16xf32>,
        %get3A_1213 = vector.shape_cast %get3A_1212 : vector<1x16xf32> to vector<16xf32>
        %add3A_1214 = arith.addf %add3A_1158, %get3A_1213 : vector<16xf32>
        %add3A_1215 = arith.constant 6 : i32
        %add3A_1216 = arith.addi %add3A_1124, %add3A_1215 : i32
        %get3A_1217 = arith.index_cast %add3A_1216 : i32 to index
        %get3A_1218 = arith.constant 16 : index
        %get3A_1219 = tpu.vector_load %arg8[%get3A_1217, %get3A_1218] {strides = array<i32>} : memref<1600x32xf32, #tpu.memory_space<vmem>>, vector<1x16xf32>,
        %get3A_1220 = vector.shape_cast %get3A_1219 : vector<1x16xf32> to vector<16xf32>
        %add3A_1221 = arith.addf %add3A_1165, %get3A_1220 : vector<16xf32>
        %add3A_1222 = arith.constant 7 : i32
        %add3A_1223 = arith.addi %add3A_1124, %add3A_1222 : i32
        %get3A_1224 = arith.index_cast %add3A_1223 : i32 to index
        %get3A_1225 = arith.constant 0 : index
        %get3A_1226 = tpu.vector_load %arg8[%get3A_1224, %get3A_1225] {strides = array<i32>} : memref<1600x32xf32, #tpu.memory_space<vmem>>, vector<1x16xf32>,
        %get3A_1227 = vector.shape_cast %get3A_1226 : vector<1x16xf32> to vector<16xf32>
        %add3A_1228 = arith.addf %add3A_1172, %get3A_1227 : vector<16xf32>
        %add3A_1229 = arith.constant 7 : i32
        %add3A_1230 = arith.addi %add3A_1124, %add3A_1229 : i32
        %get3A_1231 = arith.index_cast %add3A_1230 : i32 to index
        %get3A_1232 = arith.constant 16 : index
        %get3A_1233 = tpu.vector_load %arg8[%get3A_1231, %get3A_1232] {strides = array<i32>} : memref<1600x32xf32, #tpu.memory_space<vmem>>, vector<1x16xf32>,
        %get3A_1234 = vector.shape_cast %get3A_1233 : vector<1x16xf32> to vector<16xf32>
        %add3A_1235 = arith.addf %add3A_1179, %get3A_1234 : vector<16xf32>
        scf.yield %add3A_1186, %add3A_1193, %add3A_1200, %add3A_1207, %add3A_1214, %add3A_1221, %add3A_1228, %add3A_1235 : vector<16xf32>, vector<16xf32>, vector<16xf32>, vector<16xf32>, vector<16xf32>, vector<16xf32>, vector<16xf32>, vector<16xf32>
      }
      %scan3A_955 = arith.constant 25 : i32
      %add3A_956 = arith.addf %scan3A_954#0, %scan3A_954#2 : vector<16xf32>
      %add3A_957 = arith.addf %scan3A_954#1, %scan3A_954#3 : vector<16xf32>
      %add3A_958 = arith.addf %add3A_956, %scan3A_954#4 : vector<16xf32>
      %add3A_959 = arith.addf %add3A_957, %scan3A_954#5 : vector<16xf32>
      %add3A_960 = arith.addf %add3A_958, %scan3A_954#6 : vector<16xf32>
      %add3A_961 = arith.addf %add3A_959, %scan3A_954#7 : vector<16xf32>
      %swap3A_962 = arith.index_cast %mul3A_949 : i32 to index
      %swap3A_963 = tpu.vector_load %arg9[%swap3A_962] {strides = array<i32>} : memref<16384xf32, #tpu.memory_space<vmem>>, vector<16xf32>,
      %swap3A_964 = vector.shape_cast %swap3A_963 : vector<16xf32> to vector<16xf32>
      %swap3A_965 = vector.shape_cast %add3A_960 : vector<16xf32> to vector<16xf32>
      tpu.vector_store %arg9[%swap3A_962], %swap3A_965 {strides = array<i32>} : memref<16384xf32, #tpu.memory_space<vmem>>, vector<16xf32>,
      %add3A_966 = arith.constant 16 : i32
      %add3A_967 = arith.addi %mul3A_949, %add3A_966 : i32
      %swap3A_968 = arith.index_cast %add3A_967 : i32 to index
      %swap3A_969 = tpu.vector_load %arg9[%swap3A_968] {strides = array<i32>} : memref<16384xf32, #tpu.memory_space<vmem>>, vector<16xf32>,
      %swap3A_970 = vector.shape_cast %swap3A_969 : vector<16xf32> to vector<16xf32>
      %swap3A_971 = vector.shape_cast %add3A_961 : vector<16xf32> to vector<16xf32>
      tpu.vector_store %arg9[%swap3A_968], %swap3A_971 {strides = array<i32>} : memref<16384xf32, #tpu.memory_space<vmem>>, vector<16xf32>,
      %mul3A_972 = arith.constant 8 : i32
      %mul3A_973 = arith.muli %add3A_887, %mul3A_972 : i32
      %add3A_974 = arith.constant 3 : i32
      %add3A_975 = arith.addi %mul3A_973, %add3A_974 : i32
      %mul3A_976 = arith.constant 32 : i32
      %mul3A_977 = arith.muli %add3A_975, %mul3A_976 : i32
      %scan3A_978 = arith.constant 0 : i32
      %scan3A_979 = arith.constant 25 : i32
      %scan3A_980 = arith.addi %scan3A_978, %scan3A_979 : i32
      %scan3A_981 = arith.constant 1 : i32
      %scan3A_982:8 = scf.for %scan3A_1112 = %scan3A_978 to %scan3A_980 step %scan3A_981 iter_args(%scan3A_1113 = %broadcast_in_dim3A_3, %scan3A_1114 = %broadcast_in_dim3A_3, %scan3A_1115 = %broadcast_in_dim3A_3, %scan3A_1116 = %broadcast_in_dim3A_3, %scan3A_1117 = %broadcast_in_dim3A_3, %scan3A_1118 = %broadcast_in_dim3A_3, %scan3A_1119 = %broadcast_in_dim3A_3, %scan3A_1120 = %broadcast_in_dim3A_3) -> (vector<16xf32>, vector<16xf32>, vector<16xf32>, vector<16xf32>, vector<16xf32>, vector<16xf32>, vector<16xf32>, vector<16xf32>)  : i32 {
        %mul3A_1121 = arith.constant 8 : i32
        %mul3A_1122 = arith.muli %scan3A_1112, %mul3A_1121 : i32
        %add3A_1123 = arith.constant 600 : i32
        %add3A_1124 = arith.addi %add3A_1123, %mul3A_1122 : i32
        %add3A_1125 = arith.constant 0 : i32
        %add3A_1126 = arith.addi %add3A_1124, %add3A_1125 : i32
        %get3A = arith.index_cast %add3A_1126 : i32 to index
        %get3A_1127 = arith.constant 0 : index
        %get3A_1128 = tpu.vector_load %arg8[%get3A, %get3A_1127] {strides = array<i32>} : memref<1600x32xf32, #tpu.memory_space<vmem>>, vector<1x16xf32>,
        %get3A_1129 = vector.shape_cast %get3A_1128 : vector<1x16xf32> to vector<16xf32>
        %add3A_1130 = arith.addf %scan3A_1113, %get3A_1129 : vector<16xf32>
        %add3A_1131 = arith.constant 0 : i32
        %add3A_1132 = arith.addi %add3A_1124, %add3A_1131 : i32
        %get3A_1133 = arith.index_cast %add3A_1132 : i32 to index
        %get3A_1134 = arith.constant 16 : index
        %get3A_1135 = tpu.vector_load %arg8[%get3A_1133, %get3A_1134] {strides = array<i32>} : memref<1600x32xf32, #tpu.memory_space<vmem>>, vector<1x16xf32>,
        %get3A_1136 = vector.shape_cast %get3A_1135 : vector<1x16xf32> to vector<16xf32>
        %add3A_1137 = arith.addf %scan3A_1114, %get3A_1136 : vector<16xf32>
        %add3A_1138 = arith.constant 1 : i32
        %add3A_1139 = arith.addi %add3A_1124, %add3A_1138 : i32
        %get3A_1140 = arith.index_cast %add3A_1139 : i32 to index
        %get3A_1141 = arith.constant 0 : index
        %get3A_1142 = tpu.vector_load %arg8[%get3A_1140, %get3A_1141] {strides = array<i32>} : memref<1600x32xf32, #tpu.memory_space<vmem>>, vector<1x16xf32>,
        %get3A_1143 = vector.shape_cast %get3A_1142 : vector<1x16xf32> to vector<16xf32>
        %add3A_1144 = arith.addf %scan3A_1115, %get3A_1143 : vector<16xf32>
        %add3A_1145 = arith.constant 1 : i32
        %add3A_1146 = arith.addi %add3A_1124, %add3A_1145 : i32
        %get3A_1147 = arith.index_cast %add3A_1146 : i32 to index
        %get3A_1148 = arith.constant 16 : index
        %get3A_1149 = tpu.vector_load %arg8[%get3A_1147, %get3A_1148] {strides = array<i32>} : memref<1600x32xf32, #tpu.memory_space<vmem>>, vector<1x16xf32>,
        %get3A_1150 = vector.shape_cast %get3A_1149 : vector<1x16xf32> to vector<16xf32>
        %add3A_1151 = arith.addf %scan3A_1116, %get3A_1150 : vector<16xf32>
        %add3A_1152 = arith.constant 2 : i32
        %add3A_1153 = arith.addi %add3A_1124, %add3A_1152 : i32
        %get3A_1154 = arith.index_cast %add3A_1153 : i32 to index
        %get3A_1155 = arith.constant 0 : index
        %get3A_1156 = tpu.vector_load %arg8[%get3A_1154, %get3A_1155] {strides = array<i32>} : memref<1600x32xf32, #tpu.memory_space<vmem>>, vector<1x16xf32>,
        %get3A_1157 = vector.shape_cast %get3A_1156 : vector<1x16xf32> to vector<16xf32>
        %add3A_1158 = arith.addf %scan3A_1117, %get3A_1157 : vector<16xf32>
        %add3A_1159 = arith.constant 2 : i32
        %add3A_1160 = arith.addi %add3A_1124, %add3A_1159 : i32
        %get3A_1161 = arith.index_cast %add3A_1160 : i32 to index
        %get3A_1162 = arith.constant 16 : index
        %get3A_1163 = tpu.vector_load %arg8[%get3A_1161, %get3A_1162] {strides = array<i32>} : memref<1600x32xf32, #tpu.memory_space<vmem>>, vector<1x16xf32>,
        %get3A_1164 = vector.shape_cast %get3A_1163 : vector<1x16xf32> to vector<16xf32>
        %add3A_1165 = arith.addf %scan3A_1118, %get3A_1164 : vector<16xf32>
        %add3A_1166 = arith.constant 3 : i32
        %add3A_1167 = arith.addi %add3A_1124, %add3A_1166 : i32
        %get3A_1168 = arith.index_cast %add3A_1167 : i32 to index
        %get3A_1169 = arith.constant 0 : index
        %get3A_1170 = tpu.vector_load %arg8[%get3A_1168, %get3A_1169] {strides = array<i32>} : memref<1600x32xf32, #tpu.memory_space<vmem>>, vector<1x16xf32>,
        %get3A_1171 = vector.shape_cast %get3A_1170 : vector<1x16xf32> to vector<16xf32>
        %add3A_1172 = arith.addf %scan3A_1119, %get3A_1171 : vector<16xf32>
        %add3A_1173 = arith.constant 3 : i32
        %add3A_1174 = arith.addi %add3A_1124, %add3A_1173 : i32
        %get3A_1175 = arith.index_cast %add3A_1174 : i32 to index
        %get3A_1176 = arith.constant 16 : index
        %get3A_1177 = tpu.vector_load %arg8[%get3A_1175, %get3A_1176] {strides = array<i32>} : memref<1600x32xf32, #tpu.memory_space<vmem>>, vector<1x16xf32>,
        %get3A_1178 = vector.shape_cast %get3A_1177 : vector<1x16xf32> to vector<16xf32>
        %add3A_1179 = arith.addf %scan3A_1120, %get3A_1178 : vector<16xf32>
        %add3A_1180 = arith.constant 4 : i32
        %add3A_1181 = arith.addi %add3A_1124, %add3A_1180 : i32
        %get3A_1182 = arith.index_cast %add3A_1181 : i32 to index
        %get3A_1183 = arith.constant 0 : index
        %get3A_1184 = tpu.vector_load %arg8[%get3A_1182, %get3A_1183] {strides = array<i32>} : memref<1600x32xf32, #tpu.memory_space<vmem>>, vector<1x16xf32>,
        %get3A_1185 = vector.shape_cast %get3A_1184 : vector<1x16xf32> to vector<16xf32>
        %add3A_1186 = arith.addf %add3A_1130, %get3A_1185 : vector<16xf32>
        %add3A_1187 = arith.constant 4 : i32
        %add3A_1188 = arith.addi %add3A_1124, %add3A_1187 : i32
        %get3A_1189 = arith.index_cast %add3A_1188 : i32 to index
        %get3A_1190 = arith.constant 16 : index
        %get3A_1191 = tpu.vector_load %arg8[%get3A_1189, %get3A_1190] {strides = array<i32>} : memref<1600x32xf32, #tpu.memory_space<vmem>>, vector<1x16xf32>,
        %get3A_1192 = vector.shape_cast %get3A_1191 : vector<1x16xf32> to vector<16xf32>
        %add3A_1193 = arith.addf %add3A_1137, %get3A_1192 : vector<16xf32>
        %add3A_1194 = arith.constant 5 : i32
        %add3A_1195 = arith.addi %add3A_1124, %add3A_1194 : i32
        %get3A_1196 = arith.index_cast %add3A_1195 : i32 to index
        %get3A_1197 = arith.constant 0 : index
        %get3A_1198 = tpu.vector_load %arg8[%get3A_1196, %get3A_1197] {strides = array<i32>} : memref<1600x32xf32, #tpu.memory_space<vmem>>, vector<1x16xf32>,
        %get3A_1199 = vector.shape_cast %get3A_1198 : vector<1x16xf32> to vector<16xf32>
        %add3A_1200 = arith.addf %add3A_1144, %get3A_1199 : vector<16xf32>
        %add3A_1201 = arith.constant 5 : i32
        %add3A_1202 = arith.addi %add3A_1124, %add3A_1201 : i32
        %get3A_1203 = arith.index_cast %add3A_1202 : i32 to index
        %get3A_1204 = arith.constant 16 : index
        %get3A_1205 = tpu.vector_load %arg8[%get3A_1203, %get3A_1204] {strides = array<i32>} : memref<1600x32xf32, #tpu.memory_space<vmem>>, vector<1x16xf32>,
        %get3A_1206 = vector.shape_cast %get3A_1205 : vector<1x16xf32> to vector<16xf32>
        %add3A_1207 = arith.addf %add3A_1151, %get3A_1206 : vector<16xf32>
        %add3A_1208 = arith.constant 6 : i32
        %add3A_1209 = arith.addi %add3A_1124, %add3A_1208 : i32
        %get3A_1210 = arith.index_cast %add3A_1209 : i32 to index
        %get3A_1211 = arith.constant 0 : index
        %get3A_1212 = tpu.vector_load %arg8[%get3A_1210, %get3A_1211] {strides = array<i32>} : memref<1600x32xf32, #tpu.memory_space<vmem>>, vector<1x16xf32>,
        %get3A_1213 = vector.shape_cast %get3A_1212 : vector<1x16xf32> to vector<16xf32>
        %add3A_1214 = arith.addf %add3A_1158, %get3A_1213 : vector<16xf32>
        %add3A_1215 = arith.constant 6 : i32
        %add3A_1216 = arith.addi %add3A_1124, %add3A_1215 : i32
        %get3A_1217 = arith.index_cast %add3A_1216 : i32 to index
        %get3A_1218 = arith.constant 16 : index
        %get3A_1219 = tpu.vector_load %arg8[%get3A_1217, %get3A_1218] {strides = array<i32>} : memref<1600x32xf32, #tpu.memory_space<vmem>>, vector<1x16xf32>,
        %get3A_1220 = vector.shape_cast %get3A_1219 : vector<1x16xf32> to vector<16xf32>
        %add3A_1221 = arith.addf %add3A_1165, %get3A_1220 : vector<16xf32>
        %add3A_1222 = arith.constant 7 : i32
        %add3A_1223 = arith.addi %add3A_1124, %add3A_1222 : i32
        %get3A_1224 = arith.index_cast %add3A_1223 : i32 to index
        %get3A_1225 = arith.constant 0 : index
        %get3A_1226 = tpu.vector_load %arg8[%get3A_1224, %get3A_1225] {strides = array<i32>} : memref<1600x32xf32, #tpu.memory_space<vmem>>, vector<1x16xf32>,
        %get3A_1227 = vector.shape_cast %get3A_1226 : vector<1x16xf32> to vector<16xf32>
        %add3A_1228 = arith.addf %add3A_1172, %get3A_1227 : vector<16xf32>
        %add3A_1229 = arith.constant 7 : i32
        %add3A_1230 = arith.addi %add3A_1124, %add3A_1229 : i32
        %get3A_1231 = arith.index_cast %add3A_1230 : i32 to index
        %get3A_1232 = arith.constant 16 : index
        %get3A_1233 = tpu.vector_load %arg8[%get3A_1231, %get3A_1232] {strides = array<i32>} : memref<1600x32xf32, #tpu.memory_space<vmem>>, vector<1x16xf32>,
        %get3A_1234 = vector.shape_cast %get3A_1233 : vector<1x16xf32> to vector<16xf32>
        %add3A_1235 = arith.addf %add3A_1179, %get3A_1234 : vector<16xf32>
        scf.yield %add3A_1186, %add3A_1193, %add3A_1200, %add3A_1207, %add3A_1214, %add3A_1221, %add3A_1228, %add3A_1235 : vector<16xf32>, vector<16xf32>, vector<16xf32>, vector<16xf32>, vector<16xf32>, vector<16xf32>, vector<16xf32>, vector<16xf32>
      }
      %scan3A_983 = arith.constant 25 : i32
      %add3A_984 = arith.addf %scan3A_982#0, %scan3A_982#2 : vector<16xf32>
      %add3A_985 = arith.addf %scan3A_982#1, %scan3A_982#3 : vector<16xf32>
      %add3A_986 = arith.addf %add3A_984, %scan3A_982#4 : vector<16xf32>
      %add3A_987 = arith.addf %add3A_985, %scan3A_982#5 : vector<16xf32>
      %add3A_988 = arith.addf %add3A_986, %scan3A_982#6 : vector<16xf32>
      %add3A_989 = arith.addf %add3A_987, %scan3A_982#7 : vector<16xf32>
      %swap3A_990 = arith.index_cast %mul3A_977 : i32 to index
      %swap3A_991 = tpu.vector_load %arg9[%swap3A_990] {strides = array<i32>} : memref<16384xf32, #tpu.memory_space<vmem>>, vector<16xf32>,
      %swap3A_992 = vector.shape_cast %swap3A_991 : vector<16xf32> to vector<16xf32>
      %swap3A_993 = vector.shape_cast %add3A_988 : vector<16xf32> to vector<16xf32>
      tpu.vector_store %arg9[%swap3A_990], %swap3A_993 {strides = array<i32>} : memref<16384xf32, #tpu.memory_space<vmem>>, vector<16xf32>,
      %add3A_994 = arith.constant 16 : i32
      %add3A_995 = arith.addi %mul3A_977, %add3A_994 : i32
      %swap3A_996 = arith.index_cast %add3A_995 : i32 to index
      %swap3A_997 = tpu.vector_load %arg9[%swap3A_996] {strides = array<i32>} : memref<16384xf32, #tpu.memory_space<vmem>>, vector<16xf32>,
      %swap3A_998 = vector.shape_cast %swap3A_997 : vector<16xf32> to vector<16xf32>
      %swap3A_999 = vector.shape_cast %add3A_989 : vector<16xf32> to vector<16xf32>
      tpu.vector_store %arg9[%swap3A_996], %swap3A_999 {strides = array<i32>} : memref<16384xf32, #tpu.memory_space<vmem>>, vector<16xf32>,
      %mul3A_1000 = arith.constant 8 : i32
      %mul3A_1001 = arith.muli %add3A_887, %mul3A_1000 : i32
      %add3A_1002 = arith.constant 4 : i32
      %add3A_1003 = arith.addi %mul3A_1001, %add3A_1002 : i32
      %mul3A_1004 = arith.constant 32 : i32
      %mul3A_1005 = arith.muli %add3A_1003, %mul3A_1004 : i32
      %scan3A_1006 = arith.constant 0 : i32
      %scan3A_1007 = arith.constant 25 : i32
      %scan3A_1008 = arith.addi %scan3A_1006, %scan3A_1007 : i32
      %scan3A_1009 = arith.constant 1 : i32
      %scan3A_1010:8 = scf.for %scan3A_1112 = %scan3A_1006 to %scan3A_1008 step %scan3A_1009 iter_args(%scan3A_1113 = %broadcast_in_dim3A_3, %scan3A_1114 = %broadcast_in_dim3A_3, %scan3A_1115 = %broadcast_in_dim3A_3, %scan3A_1116 = %broadcast_in_dim3A_3, %scan3A_1117 = %broadcast_in_dim3A_3, %scan3A_1118 = %broadcast_in_dim3A_3, %scan3A_1119 = %broadcast_in_dim3A_3, %scan3A_1120 = %broadcast_in_dim3A_3) -> (vector<16xf32>, vector<16xf32>, vector<16xf32>, vector<16xf32>, vector<16xf32>, vector<16xf32>, vector<16xf32>, vector<16xf32>)  : i32 {
        %mul3A_1121 = arith.constant 8 : i32
        %mul3A_1122 = arith.muli %scan3A_1112, %mul3A_1121 : i32
        %add3A_1123 = arith.constant 800 : i32
        %add3A_1124 = arith.addi %add3A_1123, %mul3A_1122 : i32
        %add3A_1125 = arith.constant 0 : i32
        %add3A_1126 = arith.addi %add3A_1124, %add3A_1125 : i32
        %get3A = arith.index_cast %add3A_1126 : i32 to index
        %get3A_1127 = arith.constant 0 : index
        %get3A_1128 = tpu.vector_load %arg8[%get3A, %get3A_1127] {strides = array<i32>} : memref<1600x32xf32, #tpu.memory_space<vmem>>, vector<1x16xf32>,
        %get3A_1129 = vector.shape_cast %get3A_1128 : vector<1x16xf32> to vector<16xf32>
        %add3A_1130 = arith.addf %scan3A_1113, %get3A_1129 : vector<16xf32>
        %add3A_1131 = arith.constant 0 : i32
        %add3A_1132 = arith.addi %add3A_1124, %add3A_1131 : i32
        %get3A_1133 = arith.index_cast %add3A_1132 : i32 to index
        %get3A_1134 = arith.constant 16 : index
        %get3A_1135 = tpu.vector_load %arg8[%get3A_1133, %get3A_1134] {strides = array<i32>} : memref<1600x32xf32, #tpu.memory_space<vmem>>, vector<1x16xf32>,
        %get3A_1136 = vector.shape_cast %get3A_1135 : vector<1x16xf32> to vector<16xf32>
        %add3A_1137 = arith.addf %scan3A_1114, %get3A_1136 : vector<16xf32>
        %add3A_1138 = arith.constant 1 : i32
        %add3A_1139 = arith.addi %add3A_1124, %add3A_1138 : i32
        %get3A_1140 = arith.index_cast %add3A_1139 : i32 to index
        %get3A_1141 = arith.constant 0 : index
        %get3A_1142 = tpu.vector_load %arg8[%get3A_1140, %get3A_1141] {strides = array<i32>} : memref<1600x32xf32, #tpu.memory_space<vmem>>, vector<1x16xf32>,
        %get3A_1143 = vector.shape_cast %get3A_1142 : vector<1x16xf32> to vector<16xf32>
        %add3A_1144 = arith.addf %scan3A_1115, %get3A_1143 : vector<16xf32>
        %add3A_1145 = arith.constant 1 : i32
        %add3A_1146 = arith.addi %add3A_1124, %add3A_1145 : i32
        %get3A_1147 = arith.index_cast %add3A_1146 : i32 to index
        %get3A_1148 = arith.constant 16 : index
        %get3A_1149 = tpu.vector_load %arg8[%get3A_1147, %get3A_1148] {strides = array<i32>} : memref<1600x32xf32, #tpu.memory_space<vmem>>, vector<1x16xf32>,
        %get3A_1150 = vector.shape_cast %get3A_1149 : vector<1x16xf32> to vector<16xf32>
        %add3A_1151 = arith.addf %scan3A_1116, %get3A_1150 : vector<16xf32>
        %add3A_1152 = arith.constant 2 : i32
        %add3A_1153 = arith.addi %add3A_1124, %add3A_1152 : i32
        %get3A_1154 = arith.index_cast %add3A_1153 : i32 to index
        %get3A_1155 = arith.constant 0 : index
        %get3A_1156 = tpu.vector_load %arg8[%get3A_1154, %get3A_1155] {strides = array<i32>} : memref<1600x32xf32, #tpu.memory_space<vmem>>, vector<1x16xf32>,
        %get3A_1157 = vector.shape_cast %get3A_1156 : vector<1x16xf32> to vector<16xf32>
        %add3A_1158 = arith.addf %scan3A_1117, %get3A_1157 : vector<16xf32>
        %add3A_1159 = arith.constant 2 : i32
        %add3A_1160 = arith.addi %add3A_1124, %add3A_1159 : i32
        %get3A_1161 = arith.index_cast %add3A_1160 : i32 to index
        %get3A_1162 = arith.constant 16 : index
        %get3A_1163 = tpu.vector_load %arg8[%get3A_1161, %get3A_1162] {strides = array<i32>} : memref<1600x32xf32, #tpu.memory_space<vmem>>, vector<1x16xf32>,
        %get3A_1164 = vector.shape_cast %get3A_1163 : vector<1x16xf32> to vector<16xf32>
        %add3A_1165 = arith.addf %scan3A_1118, %get3A_1164 : vector<16xf32>
        %add3A_1166 = arith.constant 3 : i32
        %add3A_1167 = arith.addi %add3A_1124, %add3A_1166 : i32
        %get3A_1168 = arith.index_cast %add3A_1167 : i32 to index
        %get3A_1169 = arith.constant 0 : index
        %get3A_1170 = tpu.vector_load %arg8[%get3A_1168, %get3A_1169] {strides = array<i32>} : memref<1600x32xf32, #tpu.memory_space<vmem>>, vector<1x16xf32>,
        %get3A_1171 = vector.shape_cast %get3A_1170 : vector<1x16xf32> to vector<16xf32>
        %add3A_1172 = arith.addf %scan3A_1119, %get3A_1171 : vector<16xf32>
        %add3A_1173 = arith.constant 3 : i32
        %add3A_1174 = arith.addi %add3A_1124, %add3A_1173 : i32
        %get3A_1175 = arith.index_cast %add3A_1174 : i32 to index
        %get3A_1176 = arith.constant 16 : index
        %get3A_1177 = tpu.vector_load %arg8[%get3A_1175, %get3A_1176] {strides = array<i32>} : memref<1600x32xf32, #tpu.memory_space<vmem>>, vector<1x16xf32>,
        %get3A_1178 = vector.shape_cast %get3A_1177 : vector<1x16xf32> to vector<16xf32>
        %add3A_1179 = arith.addf %scan3A_1120, %get3A_1178 : vector<16xf32>
        %add3A_1180 = arith.constant 4 : i32
        %add3A_1181 = arith.addi %add3A_1124, %add3A_1180 : i32
        %get3A_1182 = arith.index_cast %add3A_1181 : i32 to index
        %get3A_1183 = arith.constant 0 : index
        %get3A_1184 = tpu.vector_load %arg8[%get3A_1182, %get3A_1183] {strides = array<i32>} : memref<1600x32xf32, #tpu.memory_space<vmem>>, vector<1x16xf32>,
        %get3A_1185 = vector.shape_cast %get3A_1184 : vector<1x16xf32> to vector<16xf32>
        %add3A_1186 = arith.addf %add3A_1130, %get3A_1185 : vector<16xf32>
        %add3A_1187 = arith.constant 4 : i32
        %add3A_1188 = arith.addi %add3A_1124, %add3A_1187 : i32
        %get3A_1189 = arith.index_cast %add3A_1188 : i32 to index
        %get3A_1190 = arith.constant 16 : index
        %get3A_1191 = tpu.vector_load %arg8[%get3A_1189, %get3A_1190] {strides = array<i32>} : memref<1600x32xf32, #tpu.memory_space<vmem>>, vector<1x16xf32>,
        %get3A_1192 = vector.shape_cast %get3A_1191 : vector<1x16xf32> to vector<16xf32>
        %add3A_1193 = arith.addf %add3A_1137, %get3A_1192 : vector<16xf32>
        %add3A_1194 = arith.constant 5 : i32
        %add3A_1195 = arith.addi %add3A_1124, %add3A_1194 : i32
        %get3A_1196 = arith.index_cast %add3A_1195 : i32 to index
        %get3A_1197 = arith.constant 0 : index
        %get3A_1198 = tpu.vector_load %arg8[%get3A_1196, %get3A_1197] {strides = array<i32>} : memref<1600x32xf32, #tpu.memory_space<vmem>>, vector<1x16xf32>,
        %get3A_1199 = vector.shape_cast %get3A_1198 : vector<1x16xf32> to vector<16xf32>
        %add3A_1200 = arith.addf %add3A_1144, %get3A_1199 : vector<16xf32>
        %add3A_1201 = arith.constant 5 : i32
        %add3A_1202 = arith.addi %add3A_1124, %add3A_1201 : i32
        %get3A_1203 = arith.index_cast %add3A_1202 : i32 to index
        %get3A_1204 = arith.constant 16 : index
        %get3A_1205 = tpu.vector_load %arg8[%get3A_1203, %get3A_1204] {strides = array<i32>} : memref<1600x32xf32, #tpu.memory_space<vmem>>, vector<1x16xf32>,
        %get3A_1206 = vector.shape_cast %get3A_1205 : vector<1x16xf32> to vector<16xf32>
        %add3A_1207 = arith.addf %add3A_1151, %get3A_1206 : vector<16xf32>
        %add3A_1208 = arith.constant 6 : i32
        %add3A_1209 = arith.addi %add3A_1124, %add3A_1208 : i32
        %get3A_1210 = arith.index_cast %add3A_1209 : i32 to index
        %get3A_1211 = arith.constant 0 : index
        %get3A_1212 = tpu.vector_load %arg8[%get3A_1210, %get3A_1211] {strides = array<i32>} : memref<1600x32xf32, #tpu.memory_space<vmem>>, vector<1x16xf32>,
        %get3A_1213 = vector.shape_cast %get3A_1212 : vector<1x16xf32> to vector<16xf32>
        %add3A_1214 = arith.addf %add3A_1158, %get3A_1213 : vector<16xf32>
        %add3A_1215 = arith.constant 6 : i32
        %add3A_1216 = arith.addi %add3A_1124, %add3A_1215 : i32
        %get3A_1217 = arith.index_cast %add3A_1216 : i32 to index
        %get3A_1218 = arith.constant 16 : index
        %get3A_1219 = tpu.vector_load %arg8[%get3A_1217, %get3A_1218] {strides = array<i32>} : memref<1600x32xf32, #tpu.memory_space<vmem>>, vector<1x16xf32>,
        %get3A_1220 = vector.shape_cast %get3A_1219 : vector<1x16xf32> to vector<16xf32>
        %add3A_1221 = arith.addf %add3A_1165, %get3A_1220 : vector<16xf32>
        %add3A_1222 = arith.constant 7 : i32
        %add3A_1223 = arith.addi %add3A_1124, %add3A_1222 : i32
        %get3A_1224 = arith.index_cast %add3A_1223 : i32 to index
        %get3A_1225 = arith.constant 0 : index
        %get3A_1226 = tpu.vector_load %arg8[%get3A_1224, %get3A_1225] {strides = array<i32>} : memref<1600x32xf32, #tpu.memory_space<vmem>>, vector<1x16xf32>,
        %get3A_1227 = vector.shape_cast %get3A_1226 : vector<1x16xf32> to vector<16xf32>
        %add3A_1228 = arith.addf %add3A_1172, %get3A_1227 : vector<16xf32>
        %add3A_1229 = arith.constant 7 : i32
        %add3A_1230 = arith.addi %add3A_1124, %add3A_1229 : i32
        %get3A_1231 = arith.index_cast %add3A_1230 : i32 to index
        %get3A_1232 = arith.constant 16 : index
        %get3A_1233 = tpu.vector_load %arg8[%get3A_1231, %get3A_1232] {strides = array<i32>} : memref<1600x32xf32, #tpu.memory_space<vmem>>, vector<1x16xf32>,
        %get3A_1234 = vector.shape_cast %get3A_1233 : vector<1x16xf32> to vector<16xf32>
        %add3A_1235 = arith.addf %add3A_1179, %get3A_1234 : vector<16xf32>
        scf.yield %add3A_1186, %add3A_1193, %add3A_1200, %add3A_1207, %add3A_1214, %add3A_1221, %add3A_1228, %add3A_1235 : vector<16xf32>, vector<16xf32>, vector<16xf32>, vector<16xf32>, vector<16xf32>, vector<16xf32>, vector<16xf32>, vector<16xf32>
      }
      %scan3A_1011 = arith.constant 25 : i32
      %add3A_1012 = arith.addf %scan3A_1010#0, %scan3A_1010#2 : vector<16xf32>
      %add3A_1013 = arith.addf %scan3A_1010#1, %scan3A_1010#3 : vector<16xf32>
      %add3A_1014 = arith.addf %add3A_1012, %scan3A_1010#4 : vector<16xf32>
      %add3A_1015 = arith.addf %add3A_1013, %scan3A_1010#5 : vector<16xf32>
      %add3A_1016 = arith.addf %add3A_1014, %scan3A_1010#6 : vector<16xf32>
      %add3A_1017 = arith.addf %add3A_1015, %scan3A_1010#7 : vector<16xf32>
      %swap3A_1018 = arith.index_cast %mul3A_1005 : i32 to index
      %swap3A_1019 = tpu.vector_load %arg9[%swap3A_1018] {strides = array<i32>} : memref<16384xf32, #tpu.memory_space<vmem>>, vector<16xf32>,
      %swap3A_1020 = vector.shape_cast %swap3A_1019 : vector<16xf32> to vector<16xf32>
      %swap3A_1021 = vector.shape_cast %add3A_1016 : vector<16xf32> to vector<16xf32>
      tpu.vector_store %arg9[%swap3A_1018], %swap3A_1021 {strides = array<i32>} : memref<16384xf32, #tpu.memory_space<vmem>>, vector<16xf32>,
      %add3A_1022 = arith.constant 16 : i32
      %add3A_1023 = arith.addi %mul3A_1005, %add3A_1022 : i32
      %swap3A_1024 = arith.index_cast %add3A_1023 : i32 to index
      %swap3A_1025 = tpu.vector_load %arg9[%swap3A_1024] {strides = array<i32>} : memref<16384xf32, #tpu.memory_space<vmem>>, vector<16xf32>,
      %swap3A_1026 = vector.shape_cast %swap3A_1025 : vector<16xf32> to vector<16xf32>
      %swap3A_1027 = vector.shape_cast %add3A_1017 : vector<16xf32> to vector<16xf32>
      tpu.vector_store %arg9[%swap3A_1024], %swap3A_1027 {strides = array<i32>} : memref<16384xf32, #tpu.memory_space<vmem>>, vector<16xf32>,
      %mul3A_1028 = arith.constant 8 : i32
      %mul3A_1029 = arith.muli %add3A_887, %mul3A_1028 : i32
      %add3A_1030 = arith.constant 5 : i32
      %add3A_1031 = arith.addi %mul3A_1029, %add3A_1030 : i32
      %mul3A_1032 = arith.constant 32 : i32
      %mul3A_1033 = arith.muli %add3A_1031, %mul3A_1032 : i32
      %scan3A_1034 = arith.constant 0 : i32
      %scan3A_1035 = arith.constant 25 : i32
      %scan3A_1036 = arith.addi %scan3A_1034, %scan3A_1035 : i32
      %scan3A_1037 = arith.constant 1 : i32
      %scan3A_1038:8 = scf.for %scan3A_1112 = %scan3A_1034 to %scan3A_1036 step %scan3A_1037 iter_args(%scan3A_1113 = %broadcast_in_dim3A_3, %scan3A_1114 = %broadcast_in_dim3A_3, %scan3A_1115 = %broadcast_in_dim3A_3, %scan3A_1116 = %broadcast_in_dim3A_3, %scan3A_1117 = %broadcast_in_dim3A_3, %scan3A_1118 = %broadcast_in_dim3A_3, %scan3A_1119 = %broadcast_in_dim3A_3, %scan3A_1120 = %broadcast_in_dim3A_3) -> (vector<16xf32>, vector<16xf32>, vector<16xf32>, vector<16xf32>, vector<16xf32>, vector<16xf32>, vector<16xf32>, vector<16xf32>)  : i32 {
        %mul3A_1121 = arith.constant 8 : i32
        %mul3A_1122 = arith.muli %scan3A_1112, %mul3A_1121 : i32
        %add3A_1123 = arith.constant 1000 : i32
        %add3A_1124 = arith.addi %add3A_1123, %mul3A_1122 : i32
        %add3A_1125 = arith.constant 0 : i32
        %add3A_1126 = arith.addi %add3A_1124, %add3A_1125 : i32
        %get3A = arith.index_cast %add3A_1126 : i32 to index
        %get3A_1127 = arith.constant 0 : index
        %get3A_1128 = tpu.vector_load %arg8[%get3A, %get3A_1127] {strides = array<i32>} : memref<1600x32xf32, #tpu.memory_space<vmem>>, vector<1x16xf32>,
        %get3A_1129 = vector.shape_cast %get3A_1128 : vector<1x16xf32> to vector<16xf32>
        %add3A_1130 = arith.addf %scan3A_1113, %get3A_1129 : vector<16xf32>
        %add3A_1131 = arith.constant 0 : i32
        %add3A_1132 = arith.addi %add3A_1124, %add3A_1131 : i32
        %get3A_1133 = arith.index_cast %add3A_1132 : i32 to index
        %get3A_1134 = arith.constant 16 : index
        %get3A_1135 = tpu.vector_load %arg8[%get3A_1133, %get3A_1134] {strides = array<i32>} : memref<1600x32xf32, #tpu.memory_space<vmem>>, vector<1x16xf32>,
        %get3A_1136 = vector.shape_cast %get3A_1135 : vector<1x16xf32> to vector<16xf32>
        %add3A_1137 = arith.addf %scan3A_1114, %get3A_1136 : vector<16xf32>
        %add3A_1138 = arith.constant 1 : i32
        %add3A_1139 = arith.addi %add3A_1124, %add3A_1138 : i32
        %get3A_1140 = arith.index_cast %add3A_1139 : i32 to index
        %get3A_1141 = arith.constant 0 : index
        %get3A_1142 = tpu.vector_load %arg8[%get3A_1140, %get3A_1141] {strides = array<i32>} : memref<1600x32xf32, #tpu.memory_space<vmem>>, vector<1x16xf32>,
        %get3A_1143 = vector.shape_cast %get3A_1142 : vector<1x16xf32> to vector<16xf32>
        %add3A_1144 = arith.addf %scan3A_1115, %get3A_1143 : vector<16xf32>
        %add3A_1145 = arith.constant 1 : i32
        %add3A_1146 = arith.addi %add3A_1124, %add3A_1145 : i32
        %get3A_1147 = arith.index_cast %add3A_1146 : i32 to index
        %get3A_1148 = arith.constant 16 : index
        %get3A_1149 = tpu.vector_load %arg8[%get3A_1147, %get3A_1148] {strides = array<i32>} : memref<1600x32xf32, #tpu.memory_space<vmem>>, vector<1x16xf32>,
        %get3A_1150 = vector.shape_cast %get3A_1149 : vector<1x16xf32> to vector<16xf32>
        %add3A_1151 = arith.addf %scan3A_1116, %get3A_1150 : vector<16xf32>
        %add3A_1152 = arith.constant 2 : i32
        %add3A_1153 = arith.addi %add3A_1124, %add3A_1152 : i32
        %get3A_1154 = arith.index_cast %add3A_1153 : i32 to index
        %get3A_1155 = arith.constant 0 : index
        %get3A_1156 = tpu.vector_load %arg8[%get3A_1154, %get3A_1155] {strides = array<i32>} : memref<1600x32xf32, #tpu.memory_space<vmem>>, vector<1x16xf32>,
        %get3A_1157 = vector.shape_cast %get3A_1156 : vector<1x16xf32> to vector<16xf32>
        %add3A_1158 = arith.addf %scan3A_1117, %get3A_1157 : vector<16xf32>
        %add3A_1159 = arith.constant 2 : i32
        %add3A_1160 = arith.addi %add3A_1124, %add3A_1159 : i32
        %get3A_1161 = arith.index_cast %add3A_1160 : i32 to index
        %get3A_1162 = arith.constant 16 : index
        %get3A_1163 = tpu.vector_load %arg8[%get3A_1161, %get3A_1162] {strides = array<i32>} : memref<1600x32xf32, #tpu.memory_space<vmem>>, vector<1x16xf32>,
        %get3A_1164 = vector.shape_cast %get3A_1163 : vector<1x16xf32> to vector<16xf32>
        %add3A_1165 = arith.addf %scan3A_1118, %get3A_1164 : vector<16xf32>
        %add3A_1166 = arith.constant 3 : i32
        %add3A_1167 = arith.addi %add3A_1124, %add3A_1166 : i32
        %get3A_1168 = arith.index_cast %add3A_1167 : i32 to index
        %get3A_1169 = arith.constant 0 : index
        %get3A_1170 = tpu.vector_load %arg8[%get3A_1168, %get3A_1169] {strides = array<i32>} : memref<1600x32xf32, #tpu.memory_space<vmem>>, vector<1x16xf32>,
        %get3A_1171 = vector.shape_cast %get3A_1170 : vector<1x16xf32> to vector<16xf32>
        %add3A_1172 = arith.addf %scan3A_1119, %get3A_1171 : vector<16xf32>
        %add3A_1173 = arith.constant 3 : i32
        %add3A_1174 = arith.addi %add3A_1124, %add3A_1173 : i32
        %get3A_1175 = arith.index_cast %add3A_1174 : i32 to index
        %get3A_1176 = arith.constant 16 : index
        %get3A_1177 = tpu.vector_load %arg8[%get3A_1175, %get3A_1176] {strides = array<i32>} : memref<1600x32xf32, #tpu.memory_space<vmem>>, vector<1x16xf32>,
        %get3A_1178 = vector.shape_cast %get3A_1177 : vector<1x16xf32> to vector<16xf32>
        %add3A_1179 = arith.addf %scan3A_1120, %get3A_1178 : vector<16xf32>
        %add3A_1180 = arith.constant 4 : i32
        %add3A_1181 = arith.addi %add3A_1124, %add3A_1180 : i32
        %get3A_1182 = arith.index_cast %add3A_1181 : i32 to index
        %get3A_1183 = arith.constant 0 : index
        %get3A_1184 = tpu.vector_load %arg8[%get3A_1182, %get3A_1183] {strides = array<i32>} : memref<1600x32xf32, #tpu.memory_space<vmem>>, vector<1x16xf32>,
        %get3A_1185 = vector.shape_cast %get3A_1184 : vector<1x16xf32> to vector<16xf32>
        %add3A_1186 = arith.addf %add3A_1130, %get3A_1185 : vector<16xf32>
        %add3A_1187 = arith.constant 4 : i32
        %add3A_1188 = arith.addi %add3A_1124, %add3A_1187 : i32
        %get3A_1189 = arith.index_cast %add3A_1188 : i32 to index
        %get3A_1190 = arith.constant 16 : index
        %get3A_1191 = tpu.vector_load %arg8[%get3A_1189, %get3A_1190] {strides = array<i32>} : memref<1600x32xf32, #tpu.memory_space<vmem>>, vector<1x16xf32>,
        %get3A_1192 = vector.shape_cast %get3A_1191 : vector<1x16xf32> to vector<16xf32>
        %add3A_1193 = arith.addf %add3A_1137, %get3A_1192 : vector<16xf32>
        %add3A_1194 = arith.constant 5 : i32
        %add3A_1195 = arith.addi %add3A_1124, %add3A_1194 : i32
        %get3A_1196 = arith.index_cast %add3A_1195 : i32 to index
        %get3A_1197 = arith.constant 0 : index
        %get3A_1198 = tpu.vector_load %arg8[%get3A_1196, %get3A_1197] {strides = array<i32>} : memref<1600x32xf32, #tpu.memory_space<vmem>>, vector<1x16xf32>,
        %get3A_1199 = vector.shape_cast %get3A_1198 : vector<1x16xf32> to vector<16xf32>
        %add3A_1200 = arith.addf %add3A_1144, %get3A_1199 : vector<16xf32>
        %add3A_1201 = arith.constant 5 : i32
        %add3A_1202 = arith.addi %add3A_1124, %add3A_1201 : i32
        %get3A_1203 = arith.index_cast %add3A_1202 : i32 to index
        %get3A_1204 = arith.constant 16 : index
        %get3A_1205 = tpu.vector_load %arg8[%get3A_1203, %get3A_1204] {strides = array<i32>} : memref<1600x32xf32, #tpu.memory_space<vmem>>, vector<1x16xf32>,
        %get3A_1206 = vector.shape_cast %get3A_1205 : vector<1x16xf32> to vector<16xf32>
        %add3A_1207 = arith.addf %add3A_1151, %get3A_1206 : vector<16xf32>
        %add3A_1208 = arith.constant 6 : i32
        %add3A_1209 = arith.addi %add3A_1124, %add3A_1208 : i32
        %get3A_1210 = arith.index_cast %add3A_1209 : i32 to index
        %get3A_1211 = arith.constant 0 : index
        %get3A_1212 = tpu.vector_load %arg8[%get3A_1210, %get3A_1211] {strides = array<i32>} : memref<1600x32xf32, #tpu.memory_space<vmem>>, vector<1x16xf32>,
        %get3A_1213 = vector.shape_cast %get3A_1212 : vector<1x16xf32> to vector<16xf32>
        %add3A_1214 = arith.addf %add3A_1158, %get3A_1213 : vector<16xf32>
        %add3A_1215 = arith.constant 6 : i32
        %add3A_1216 = arith.addi %add3A_1124, %add3A_1215 : i32
        %get3A_1217 = arith.index_cast %add3A_1216 : i32 to index
        %get3A_1218 = arith.constant 16 : index
        %get3A_1219 = tpu.vector_load %arg8[%get3A_1217, %get3A_1218] {strides = array<i32>} : memref<1600x32xf32, #tpu.memory_space<vmem>>, vector<1x16xf32>,
        %get3A_1220 = vector.shape_cast %get3A_1219 : vector<1x16xf32> to vector<16xf32>
        %add3A_1221 = arith.addf %add3A_1165, %get3A_1220 : vector<16xf32>
        %add3A_1222 = arith.constant 7 : i32
        %add3A_1223 = arith.addi %add3A_1124, %add3A_1222 : i32
        %get3A_1224 = arith.index_cast %add3A_1223 : i32 to index
        %get3A_1225 = arith.constant 0 : index
        %get3A_1226 = tpu.vector_load %arg8[%get3A_1224, %get3A_1225] {strides = array<i32>} : memref<1600x32xf32, #tpu.memory_space<vmem>>, vector<1x16xf32>,
        %get3A_1227 = vector.shape_cast %get3A_1226 : vector<1x16xf32> to vector<16xf32>
        %add3A_1228 = arith.addf %add3A_1172, %get3A_1227 : vector<16xf32>
        %add3A_1229 = arith.constant 7 : i32
        %add3A_1230 = arith.addi %add3A_1124, %add3A_1229 : i32
        %get3A_1231 = arith.index_cast %add3A_1230 : i32 to index
        %get3A_1232 = arith.constant 16 : index
        %get3A_1233 = tpu.vector_load %arg8[%get3A_1231, %get3A_1232] {strides = array<i32>} : memref<1600x32xf32, #tpu.memory_space<vmem>>, vector<1x16xf32>,
        %get3A_1234 = vector.shape_cast %get3A_1233 : vector<1x16xf32> to vector<16xf32>
        %add3A_1235 = arith.addf %add3A_1179, %get3A_1234 : vector<16xf32>
        scf.yield %add3A_1186, %add3A_1193, %add3A_1200, %add3A_1207, %add3A_1214, %add3A_1221, %add3A_1228, %add3A_1235 : vector<16xf32>, vector<16xf32>, vector<16xf32>, vector<16xf32>, vector<16xf32>, vector<16xf32>, vector<16xf32>, vector<16xf32>
      }
      %scan3A_1039 = arith.constant 25 : i32
      %add3A_1040 = arith.addf %scan3A_1038#0, %scan3A_1038#2 : vector<16xf32>
      %add3A_1041 = arith.addf %scan3A_1038#1, %scan3A_1038#3 : vector<16xf32>
      %add3A_1042 = arith.addf %add3A_1040, %scan3A_1038#4 : vector<16xf32>
      %add3A_1043 = arith.addf %add3A_1041, %scan3A_1038#5 : vector<16xf32>
      %add3A_1044 = arith.addf %add3A_1042, %scan3A_1038#6 : vector<16xf32>
      %add3A_1045 = arith.addf %add3A_1043, %scan3A_1038#7 : vector<16xf32>
      %swap3A_1046 = arith.index_cast %mul3A_1033 : i32 to index
      %swap3A_1047 = tpu.vector_load %arg9[%swap3A_1046] {strides = array<i32>} : memref<16384xf32, #tpu.memory_space<vmem>>, vector<16xf32>,
      %swap3A_1048 = vector.shape_cast %swap3A_1047 : vector<16xf32> to vector<16xf32>
      %swap3A_1049 = vector.shape_cast %add3A_1044 : vector<16xf32> to vector<16xf32>
      tpu.vector_store %arg9[%swap3A_1046], %swap3A_1049 {strides = array<i32>} : memref<16384xf32, #tpu.memory_space<vmem>>, vector<16xf32>,
      %add3A_1050 = arith.constant 16 : i32
      %add3A_1051 = arith.addi %mul3A_1033, %add3A_1050 : i32
      %swap3A_1052 = arith.index_cast %add3A_1051 : i32 to index
      %swap3A_1053 = tpu.vector_load %arg9[%swap3A_1052] {strides = array<i32>} : memref<16384xf32, #tpu.memory_space<vmem>>, vector<16xf32>,
      %swap3A_1054 = vector.shape_cast %swap3A_1053 : vector<16xf32> to vector<16xf32>
      %swap3A_1055 = vector.shape_cast %add3A_1045 : vector<16xf32> to vector<16xf32>
      tpu.vector_store %arg9[%swap3A_1052], %swap3A_1055 {strides = array<i32>} : memref<16384xf32, #tpu.memory_space<vmem>>, vector<16xf32>,
      %mul3A_1056 = arith.constant 8 : i32
      %mul3A_1057 = arith.muli %add3A_887, %mul3A_1056 : i32
      %add3A_1058 = arith.constant 6 : i32
      %add3A_1059 = arith.addi %mul3A_1057, %add3A_1058 : i32
      %mul3A_1060 = arith.constant 32 : i32
      %mul3A_1061 = arith.muli %add3A_1059, %mul3A_1060 : i32
      %scan3A_1062 = arith.constant 0 : i32
      %scan3A_1063 = arith.constant 25 : i32
      %scan3A_1064 = arith.addi %scan3A_1062, %scan3A_1063 : i32
      %scan3A_1065 = arith.constant 1 : i32
      %scan3A_1066:8 = scf.for %scan3A_1112 = %scan3A_1062 to %scan3A_1064 step %scan3A_1065 iter_args(%scan3A_1113 = %broadcast_in_dim3A_3, %scan3A_1114 = %broadcast_in_dim3A_3, %scan3A_1115 = %broadcast_in_dim3A_3, %scan3A_1116 = %broadcast_in_dim3A_3, %scan3A_1117 = %broadcast_in_dim3A_3, %scan3A_1118 = %broadcast_in_dim3A_3, %scan3A_1119 = %broadcast_in_dim3A_3, %scan3A_1120 = %broadcast_in_dim3A_3) -> (vector<16xf32>, vector<16xf32>, vector<16xf32>, vector<16xf32>, vector<16xf32>, vector<16xf32>, vector<16xf32>, vector<16xf32>)  : i32 {
        %mul3A_1121 = arith.constant 8 : i32
        %mul3A_1122 = arith.muli %scan3A_1112, %mul3A_1121 : i32
        %add3A_1123 = arith.constant 1200 : i32
        %add3A_1124 = arith.addi %add3A_1123, %mul3A_1122 : i32
        %add3A_1125 = arith.constant 0 : i32
        %add3A_1126 = arith.addi %add3A_1124, %add3A_1125 : i32
        %get3A = arith.index_cast %add3A_1126 : i32 to index
        %get3A_1127 = arith.constant 0 : index
        %get3A_1128 = tpu.vector_load %arg8[%get3A, %get3A_1127] {strides = array<i32>} : memref<1600x32xf32, #tpu.memory_space<vmem>>, vector<1x16xf32>,
        %get3A_1129 = vector.shape_cast %get3A_1128 : vector<1x16xf32> to vector<16xf32>
        %add3A_1130 = arith.addf %scan3A_1113, %get3A_1129 : vector<16xf32>
        %add3A_1131 = arith.constant 0 : i32
        %add3A_1132 = arith.addi %add3A_1124, %add3A_1131 : i32
        %get3A_1133 = arith.index_cast %add3A_1132 : i32 to index
        %get3A_1134 = arith.constant 16 : index
        %get3A_1135 = tpu.vector_load %arg8[%get3A_1133, %get3A_1134] {strides = array<i32>} : memref<1600x32xf32, #tpu.memory_space<vmem>>, vector<1x16xf32>,
        %get3A_1136 = vector.shape_cast %get3A_1135 : vector<1x16xf32> to vector<16xf32>
        %add3A_1137 = arith.addf %scan3A_1114, %get3A_1136 : vector<16xf32>
        %add3A_1138 = arith.constant 1 : i32
        %add3A_1139 = arith.addi %add3A_1124, %add3A_1138 : i32
        %get3A_1140 = arith.index_cast %add3A_1139 : i32 to index
        %get3A_1141 = arith.constant 0 : index
        %get3A_1142 = tpu.vector_load %arg8[%get3A_1140, %get3A_1141] {strides = array<i32>} : memref<1600x32xf32, #tpu.memory_space<vmem>>, vector<1x16xf32>,
        %get3A_1143 = vector.shape_cast %get3A_1142 : vector<1x16xf32> to vector<16xf32>
        %add3A_1144 = arith.addf %scan3A_1115, %get3A_1143 : vector<16xf32>
        %add3A_1145 = arith.constant 1 : i32
        %add3A_1146 = arith.addi %add3A_1124, %add3A_1145 : i32
        %get3A_1147 = arith.index_cast %add3A_1146 : i32 to index
        %get3A_1148 = arith.constant 16 : index
        %get3A_1149 = tpu.vector_load %arg8[%get3A_1147, %get3A_1148] {strides = array<i32>} : memref<1600x32xf32, #tpu.memory_space<vmem>>, vector<1x16xf32>,
        %get3A_1150 = vector.shape_cast %get3A_1149 : vector<1x16xf32> to vector<16xf32>
        %add3A_1151 = arith.addf %scan3A_1116, %get3A_1150 : vector<16xf32>
        %add3A_1152 = arith.constant 2 : i32
        %add3A_1153 = arith.addi %add3A_1124, %add3A_1152 : i32
        %get3A_1154 = arith.index_cast %add3A_1153 : i32 to index
        %get3A_1155 = arith.constant 0 : index
        %get3A_1156 = tpu.vector_load %arg8[%get3A_1154, %get3A_1155] {strides = array<i32>} : memref<1600x32xf32, #tpu.memory_space<vmem>>, vector<1x16xf32>,
        %get3A_1157 = vector.shape_cast %get3A_1156 : vector<1x16xf32> to vector<16xf32>
        %add3A_1158 = arith.addf %scan3A_1117, %get3A_1157 : vector<16xf32>
        %add3A_1159 = arith.constant 2 : i32
        %add3A_1160 = arith.addi %add3A_1124, %add3A_1159 : i32
        %get3A_1161 = arith.index_cast %add3A_1160 : i32 to index
        %get3A_1162 = arith.constant 16 : index
        %get3A_1163 = tpu.vector_load %arg8[%get3A_1161, %get3A_1162] {strides = array<i32>} : memref<1600x32xf32, #tpu.memory_space<vmem>>, vector<1x16xf32>,
        %get3A_1164 = vector.shape_cast %get3A_1163 : vector<1x16xf32> to vector<16xf32>
        %add3A_1165 = arith.addf %scan3A_1118, %get3A_1164 : vector<16xf32>
        %add3A_1166 = arith.constant 3 : i32
        %add3A_1167 = arith.addi %add3A_1124, %add3A_1166 : i32
        %get3A_1168 = arith.index_cast %add3A_1167 : i32 to index
        %get3A_1169 = arith.constant 0 : index
        %get3A_1170 = tpu.vector_load %arg8[%get3A_1168, %get3A_1169] {strides = array<i32>} : memref<1600x32xf32, #tpu.memory_space<vmem>>, vector<1x16xf32>,
        %get3A_1171 = vector.shape_cast %get3A_1170 : vector<1x16xf32> to vector<16xf32>
        %add3A_1172 = arith.addf %scan3A_1119, %get3A_1171 : vector<16xf32>
        %add3A_1173 = arith.constant 3 : i32
        %add3A_1174 = arith.addi %add3A_1124, %add3A_1173 : i32
        %get3A_1175 = arith.index_cast %add3A_1174 : i32 to index
        %get3A_1176 = arith.constant 16 : index
        %get3A_1177 = tpu.vector_load %arg8[%get3A_1175, %get3A_1176] {strides = array<i32>} : memref<1600x32xf32, #tpu.memory_space<vmem>>, vector<1x16xf32>,
        %get3A_1178 = vector.shape_cast %get3A_1177 : vector<1x16xf32> to vector<16xf32>
        %add3A_1179 = arith.addf %scan3A_1120, %get3A_1178 : vector<16xf32>
        %add3A_1180 = arith.constant 4 : i32
        %add3A_1181 = arith.addi %add3A_1124, %add3A_1180 : i32
        %get3A_1182 = arith.index_cast %add3A_1181 : i32 to index
        %get3A_1183 = arith.constant 0 : index
        %get3A_1184 = tpu.vector_load %arg8[%get3A_1182, %get3A_1183] {strides = array<i32>} : memref<1600x32xf32, #tpu.memory_space<vmem>>, vector<1x16xf32>,
        %get3A_1185 = vector.shape_cast %get3A_1184 : vector<1x16xf32> to vector<16xf32>
        %add3A_1186 = arith.addf %add3A_1130, %get3A_1185 : vector<16xf32>
        %add3A_1187 = arith.constant 4 : i32
        %add3A_1188 = arith.addi %add3A_1124, %add3A_1187 : i32
        %get3A_1189 = arith.index_cast %add3A_1188 : i32 to index
        %get3A_1190 = arith.constant 16 : index
        %get3A_1191 = tpu.vector_load %arg8[%get3A_1189, %get3A_1190] {strides = array<i32>} : memref<1600x32xf32, #tpu.memory_space<vmem>>, vector<1x16xf32>,
        %get3A_1192 = vector.shape_cast %get3A_1191 : vector<1x16xf32> to vector<16xf32>
        %add3A_1193 = arith.addf %add3A_1137, %get3A_1192 : vector<16xf32>
        %add3A_1194 = arith.constant 5 : i32
        %add3A_1195 = arith.addi %add3A_1124, %add3A_1194 : i32
        %get3A_1196 = arith.index_cast %add3A_1195 : i32 to index
        %get3A_1197 = arith.constant 0 : index
        %get3A_1198 = tpu.vector_load %arg8[%get3A_1196, %get3A_1197] {strides = array<i32>} : memref<1600x32xf32, #tpu.memory_space<vmem>>, vector<1x16xf32>,
        %get3A_1199 = vector.shape_cast %get3A_1198 : vector<1x16xf32> to vector<16xf32>
        %add3A_1200 = arith.addf %add3A_1144, %get3A_1199 : vector<16xf32>
        %add3A_1201 = arith.constant 5 : i32
        %add3A_1202 = arith.addi %add3A_1124, %add3A_1201 : i32
        %get3A_1203 = arith.index_cast %add3A_1202 : i32 to index
        %get3A_1204 = arith.constant 16 : index
        %get3A_1205 = tpu.vector_load %arg8[%get3A_1203, %get3A_1204] {strides = array<i32>} : memref<1600x32xf32, #tpu.memory_space<vmem>>, vector<1x16xf32>,
        %get3A_1206 = vector.shape_cast %get3A_1205 : vector<1x16xf32> to vector<16xf32>
        %add3A_1207 = arith.addf %add3A_1151, %get3A_1206 : vector<16xf32>
        %add3A_1208 = arith.constant 6 : i32
        %add3A_1209 = arith.addi %add3A_1124, %add3A_1208 : i32
        %get3A_1210 = arith.index_cast %add3A_1209 : i32 to index
        %get3A_1211 = arith.constant 0 : index
        %get3A_1212 = tpu.vector_load %arg8[%get3A_1210, %get3A_1211] {strides = array<i32>} : memref<1600x32xf32, #tpu.memory_space<vmem>>, vector<1x16xf32>,
        %get3A_1213 = vector.shape_cast %get3A_1212 : vector<1x16xf32> to vector<16xf32>
        %add3A_1214 = arith.addf %add3A_1158, %get3A_1213 : vector<16xf32>
        %add3A_1215 = arith.constant 6 : i32
        %add3A_1216 = arith.addi %add3A_1124, %add3A_1215 : i32
        %get3A_1217 = arith.index_cast %add3A_1216 : i32 to index
        %get3A_1218 = arith.constant 16 : index
        %get3A_1219 = tpu.vector_load %arg8[%get3A_1217, %get3A_1218] {strides = array<i32>} : memref<1600x32xf32, #tpu.memory_space<vmem>>, vector<1x16xf32>,
        %get3A_1220 = vector.shape_cast %get3A_1219 : vector<1x16xf32> to vector<16xf32>
        %add3A_1221 = arith.addf %add3A_1165, %get3A_1220 : vector<16xf32>
        %add3A_1222 = arith.constant 7 : i32
        %add3A_1223 = arith.addi %add3A_1124, %add3A_1222 : i32
        %get3A_1224 = arith.index_cast %add3A_1223 : i32 to index
        %get3A_1225 = arith.constant 0 : index
        %get3A_1226 = tpu.vector_load %arg8[%get3A_1224, %get3A_1225] {strides = array<i32>} : memref<1600x32xf32, #tpu.memory_space<vmem>>, vector<1x16xf32>,
        %get3A_1227 = vector.shape_cast %get3A_1226 : vector<1x16xf32> to vector<16xf32>
        %add3A_1228 = arith.addf %add3A_1172, %get3A_1227 : vector<16xf32>
        %add3A_1229 = arith.constant 7 : i32
        %add3A_1230 = arith.addi %add3A_1124, %add3A_1229 : i32
        %get3A_1231 = arith.index_cast %add3A_1230 : i32 to index
        %get3A_1232 = arith.constant 16 : index
        %get3A_1233 = tpu.vector_load %arg8[%get3A_1231, %get3A_1232] {strides = array<i32>} : memref<1600x32xf32, #tpu.memory_space<vmem>>, vector<1x16xf32>,
        %get3A_1234 = vector.shape_cast %get3A_1233 : vector<1x16xf32> to vector<16xf32>
        %add3A_1235 = arith.addf %add3A_1179, %get3A_1234 : vector<16xf32>
        scf.yield %add3A_1186, %add3A_1193, %add3A_1200, %add3A_1207, %add3A_1214, %add3A_1221, %add3A_1228, %add3A_1235 : vector<16xf32>, vector<16xf32>, vector<16xf32>, vector<16xf32>, vector<16xf32>, vector<16xf32>, vector<16xf32>, vector<16xf32>
      }
      %scan3A_1067 = arith.constant 25 : i32
      %add3A_1068 = arith.addf %scan3A_1066#0, %scan3A_1066#2 : vector<16xf32>
      %add3A_1069 = arith.addf %scan3A_1066#1, %scan3A_1066#3 : vector<16xf32>
      %add3A_1070 = arith.addf %add3A_1068, %scan3A_1066#4 : vector<16xf32>
      %add3A_1071 = arith.addf %add3A_1069, %scan3A_1066#5 : vector<16xf32>
      %add3A_1072 = arith.addf %add3A_1070, %scan3A_1066#6 : vector<16xf32>
      %add3A_1073 = arith.addf %add3A_1071, %scan3A_1066#7 : vector<16xf32>
      %swap3A_1074 = arith.index_cast %mul3A_1061 : i32 to index
      %swap3A_1075 = tpu.vector_load %arg9[%swap3A_1074] {strides = array<i32>} : memref<16384xf32, #tpu.memory_space<vmem>>, vector<16xf32>,
      %swap3A_1076 = vector.shape_cast %swap3A_1075 : vector<16xf32> to vector<16xf32>
      %swap3A_1077 = vector.shape_cast %add3A_1072 : vector<16xf32> to vector<16xf32>
      tpu.vector_store %arg9[%swap3A_1074], %swap3A_1077 {strides = array<i32>} : memref<16384xf32, #tpu.memory_space<vmem>>, vector<16xf32>,
      %add3A_1078 = arith.constant 16 : i32
      %add3A_1079 = arith.addi %mul3A_1061, %add3A_1078 : i32
      %swap3A_1080 = arith.index_cast %add3A_1079 : i32 to index
      %swap3A_1081 = tpu.vector_load %arg9[%swap3A_1080] {strides = array<i32>} : memref<16384xf32, #tpu.memory_space<vmem>>, vector<16xf32>,
      %swap3A_1082 = vector.shape_cast %swap3A_1081 : vector<16xf32> to vector<16xf32>
      %swap3A_1083 = vector.shape_cast %add3A_1073 : vector<16xf32> to vector<16xf32>
      tpu.vector_store %arg9[%swap3A_1080], %swap3A_1083 {strides = array<i32>} : memref<16384xf32, #tpu.memory_space<vmem>>, vector<16xf32>,
      %mul3A_1084 = arith.constant 8 : i32
      %mul3A_1085 = arith.muli %add3A_887, %mul3A_1084 : i32
      %add3A_1086 = arith.constant 7 : i32
      %add3A_1087 = arith.addi %mul3A_1085, %add3A_1086 : i32
      %mul3A_1088 = arith.constant 32 : i32
      %mul3A_1089 = arith.muli %add3A_1087, %mul3A_1088 : i32
      %scan3A_1090 = arith.constant 0 : i32
      %scan3A_1091 = arith.constant 25 : i32
      %scan3A_1092 = arith.addi %scan3A_1090, %scan3A_1091 : i32
      %scan3A_1093 = arith.constant 1 : i32
      %scan3A_1094:8 = scf.for %scan3A_1112 = %scan3A_1090 to %scan3A_1092 step %scan3A_1093 iter_args(%scan3A_1113 = %broadcast_in_dim3A_3, %scan3A_1114 = %broadcast_in_dim3A_3, %scan3A_1115 = %broadcast_in_dim3A_3, %scan3A_1116 = %broadcast_in_dim3A_3, %scan3A_1117 = %broadcast_in_dim3A_3, %scan3A_1118 = %broadcast_in_dim3A_3, %scan3A_1119 = %broadcast_in_dim3A_3, %scan3A_1120 = %broadcast_in_dim3A_3) -> (vector<16xf32>, vector<16xf32>, vector<16xf32>, vector<16xf32>, vector<16xf32>, vector<16xf32>, vector<16xf32>, vector<16xf32>)  : i32 {
        %mul3A_1121 = arith.constant 8 : i32
        %mul3A_1122 = arith.muli %scan3A_1112, %mul3A_1121 : i32
        %add3A_1123 = arith.constant 1400 : i32
        %add3A_1124 = arith.addi %add3A_1123, %mul3A_1122 : i32
        %add3A_1125 = arith.constant 0 : i32
        %add3A_1126 = arith.addi %add3A_1124, %add3A_1125 : i32
        %get3A = arith.index_cast %add3A_1126 : i32 to index
        %get3A_1127 = arith.constant 0 : index
        %get3A_1128 = tpu.vector_load %arg8[%get3A, %get3A_1127] {strides = array<i32>} : memref<1600x32xf32, #tpu.memory_space<vmem>>, vector<1x16xf32>,
        %get3A_1129 = vector.shape_cast %get3A_1128 : vector<1x16xf32> to vector<16xf32>
        %add3A_1130 = arith.addf %scan3A_1113, %get3A_1129 : vector<16xf32>
        %add3A_1131 = arith.constant 0 : i32
        %add3A_1132 = arith.addi %add3A_1124, %add3A_1131 : i32
        %get3A_1133 = arith.index_cast %add3A_1132 : i32 to index
        %get3A_1134 = arith.constant 16 : index
        %get3A_1135 = tpu.vector_load %arg8[%get3A_1133, %get3A_1134] {strides = array<i32>} : memref<1600x32xf32, #tpu.memory_space<vmem>>, vector<1x16xf32>,
        %get3A_1136 = vector.shape_cast %get3A_1135 : vector<1x16xf32> to vector<16xf32>
        %add3A_1137 = arith.addf %scan3A_1114, %get3A_1136 : vector<16xf32>
        %add3A_1138 = arith.constant 1 : i32
        %add3A_1139 = arith.addi %add3A_1124, %add3A_1138 : i32
        %get3A_1140 = arith.index_cast %add3A_1139 : i32 to index
        %get3A_1141 = arith.constant 0 : index
        %get3A_1142 = tpu.vector_load %arg8[%get3A_1140, %get3A_1141] {strides = array<i32>} : memref<1600x32xf32, #tpu.memory_space<vmem>>, vector<1x16xf32>,
        %get3A_1143 = vector.shape_cast %get3A_1142 : vector<1x16xf32> to vector<16xf32>
        %add3A_1144 = arith.addf %scan3A_1115, %get3A_1143 : vector<16xf32>
        %add3A_1145 = arith.constant 1 : i32
        %add3A_1146 = arith.addi %add3A_1124, %add3A_1145 : i32
        %get3A_1147 = arith.index_cast %add3A_1146 : i32 to index
        %get3A_1148 = arith.constant 16 : index
        %get3A_1149 = tpu.vector_load %arg8[%get3A_1147, %get3A_1148] {strides = array<i32>} : memref<1600x32xf32, #tpu.memory_space<vmem>>, vector<1x16xf32>,
        %get3A_1150 = vector.shape_cast %get3A_1149 : vector<1x16xf32> to vector<16xf32>
        %add3A_1151 = arith.addf %scan3A_1116, %get3A_1150 : vector<16xf32>
        %add3A_1152 = arith.constant 2 : i32
        %add3A_1153 = arith.addi %add3A_1124, %add3A_1152 : i32
        %get3A_1154 = arith.index_cast %add3A_1153 : i32 to index
        %get3A_1155 = arith.constant 0 : index
        %get3A_1156 = tpu.vector_load %arg8[%get3A_1154, %get3A_1155] {strides = array<i32>} : memref<1600x32xf32, #tpu.memory_space<vmem>>, vector<1x16xf32>,
        %get3A_1157 = vector.shape_cast %get3A_1156 : vector<1x16xf32> to vector<16xf32>
        %add3A_1158 = arith.addf %scan3A_1117, %get3A_1157 : vector<16xf32>
        %add3A_1159 = arith.constant 2 : i32
        %add3A_1160 = arith.addi %add3A_1124, %add3A_1159 : i32
        %get3A_1161 = arith.index_cast %add3A_1160 : i32 to index
        %get3A_1162 = arith.constant 16 : index
        %get3A_1163 = tpu.vector_load %arg8[%get3A_1161, %get3A_1162] {strides = array<i32>} : memref<1600x32xf32, #tpu.memory_space<vmem>>, vector<1x16xf32>,
        %get3A_1164 = vector.shape_cast %get3A_1163 : vector<1x16xf32> to vector<16xf32>
        %add3A_1165 = arith.addf %scan3A_1118, %get3A_1164 : vector<16xf32>
        %add3A_1166 = arith.constant 3 : i32
        %add3A_1167 = arith.addi %add3A_1124, %add3A_1166 : i32
        %get3A_1168 = arith.index_cast %add3A_1167 : i32 to index
        %get3A_1169 = arith.constant 0 : index
        %get3A_1170 = tpu.vector_load %arg8[%get3A_1168, %get3A_1169] {strides = array<i32>} : memref<1600x32xf32, #tpu.memory_space<vmem>>, vector<1x16xf32>,
        %get3A_1171 = vector.shape_cast %get3A_1170 : vector<1x16xf32> to vector<16xf32>
        %add3A_1172 = arith.addf %scan3A_1119, %get3A_1171 : vector<16xf32>
        %add3A_1173 = arith.constant 3 : i32
        %add3A_1174 = arith.addi %add3A_1124, %add3A_1173 : i32
        %get3A_1175 = arith.index_cast %add3A_1174 : i32 to index
        %get3A_1176 = arith.constant 16 : index
        %get3A_1177 = tpu.vector_load %arg8[%get3A_1175, %get3A_1176] {strides = array<i32>} : memref<1600x32xf32, #tpu.memory_space<vmem>>, vector<1x16xf32>,
        %get3A_1178 = vector.shape_cast %get3A_1177 : vector<1x16xf32> to vector<16xf32>
        %add3A_1179 = arith.addf %scan3A_1120, %get3A_1178 : vector<16xf32>
        %add3A_1180 = arith.constant 4 : i32
        %add3A_1181 = arith.addi %add3A_1124, %add3A_1180 : i32
        %get3A_1182 = arith.index_cast %add3A_1181 : i32 to index
        %get3A_1183 = arith.constant 0 : index
        %get3A_1184 = tpu.vector_load %arg8[%get3A_1182, %get3A_1183] {strides = array<i32>} : memref<1600x32xf32, #tpu.memory_space<vmem>>, vector<1x16xf32>,
        %get3A_1185 = vector.shape_cast %get3A_1184 : vector<1x16xf32> to vector<16xf32>
        %add3A_1186 = arith.addf %add3A_1130, %get3A_1185 : vector<16xf32>
        %add3A_1187 = arith.constant 4 : i32
        %add3A_1188 = arith.addi %add3A_1124, %add3A_1187 : i32
        %get3A_1189 = arith.index_cast %add3A_1188 : i32 to index
        %get3A_1190 = arith.constant 16 : index
        %get3A_1191 = tpu.vector_load %arg8[%get3A_1189, %get3A_1190] {strides = array<i32>} : memref<1600x32xf32, #tpu.memory_space<vmem>>, vector<1x16xf32>,
        %get3A_1192 = vector.shape_cast %get3A_1191 : vector<1x16xf32> to vector<16xf32>
        %add3A_1193 = arith.addf %add3A_1137, %get3A_1192 : vector<16xf32>
        %add3A_1194 = arith.constant 5 : i32
        %add3A_1195 = arith.addi %add3A_1124, %add3A_1194 : i32
        %get3A_1196 = arith.index_cast %add3A_1195 : i32 to index
        %get3A_1197 = arith.constant 0 : index
        %get3A_1198 = tpu.vector_load %arg8[%get3A_1196, %get3A_1197] {strides = array<i32>} : memref<1600x32xf32, #tpu.memory_space<vmem>>, vector<1x16xf32>,
        %get3A_1199 = vector.shape_cast %get3A_1198 : vector<1x16xf32> to vector<16xf32>
        %add3A_1200 = arith.addf %add3A_1144, %get3A_1199 : vector<16xf32>
        %add3A_1201 = arith.constant 5 : i32
        %add3A_1202 = arith.addi %add3A_1124, %add3A_1201 : i32
        %get3A_1203 = arith.index_cast %add3A_1202 : i32 to index
        %get3A_1204 = arith.constant 16 : index
        %get3A_1205 = tpu.vector_load %arg8[%get3A_1203, %get3A_1204] {strides = array<i32>} : memref<1600x32xf32, #tpu.memory_space<vmem>>, vector<1x16xf32>,
        %get3A_1206 = vector.shape_cast %get3A_1205 : vector<1x16xf32> to vector<16xf32>
        %add3A_1207 = arith.addf %add3A_1151, %get3A_1206 : vector<16xf32>
        %add3A_1208 = arith.constant 6 : i32
        %add3A_1209 = arith.addi %add3A_1124, %add3A_1208 : i32
        %get3A_1210 = arith.index_cast %add3A_1209 : i32 to index
        %get3A_1211 = arith.constant 0 : index
        %get3A_1212 = tpu.vector_load %arg8[%get3A_1210, %get3A_1211] {strides = array<i32>} : memref<1600x32xf32, #tpu.memory_space<vmem>>, vector<1x16xf32>,
        %get3A_1213 = vector.shape_cast %get3A_1212 : vector<1x16xf32> to vector<16xf32>
        %add3A_1214 = arith.addf %add3A_1158, %get3A_1213 : vector<16xf32>
        %add3A_1215 = arith.constant 6 : i32
        %add3A_1216 = arith.addi %add3A_1124, %add3A_1215 : i32
        %get3A_1217 = arith.index_cast %add3A_1216 : i32 to index
        %get3A_1218 = arith.constant 16 : index
        %get3A_1219 = tpu.vector_load %arg8[%get3A_1217, %get3A_1218] {strides = array<i32>} : memref<1600x32xf32, #tpu.memory_space<vmem>>, vector<1x16xf32>,
        %get3A_1220 = vector.shape_cast %get3A_1219 : vector<1x16xf32> to vector<16xf32>
        %add3A_1221 = arith.addf %add3A_1165, %get3A_1220 : vector<16xf32>
        %add3A_1222 = arith.constant 7 : i32
        %add3A_1223 = arith.addi %add3A_1124, %add3A_1222 : i32
        %get3A_1224 = arith.index_cast %add3A_1223 : i32 to index
        %get3A_1225 = arith.constant 0 : index
        %get3A_1226 = tpu.vector_load %arg8[%get3A_1224, %get3A_1225] {strides = array<i32>} : memref<1600x32xf32, #tpu.memory_space<vmem>>, vector<1x16xf32>,
        %get3A_1227 = vector.shape_cast %get3A_1226 : vector<1x16xf32> to vector<16xf32>
        %add3A_1228 = arith.addf %add3A_1172, %get3A_1227 : vector<16xf32>
        %add3A_1229 = arith.constant 7 : i32
        %add3A_1230 = arith.addi %add3A_1124, %add3A_1229 : i32
        %get3A_1231 = arith.index_cast %add3A_1230 : i32 to index
        %get3A_1232 = arith.constant 16 : index
        %get3A_1233 = tpu.vector_load %arg8[%get3A_1231, %get3A_1232] {strides = array<i32>} : memref<1600x32xf32, #tpu.memory_space<vmem>>, vector<1x16xf32>,
        %get3A_1234 = vector.shape_cast %get3A_1233 : vector<1x16xf32> to vector<16xf32>
        %add3A_1235 = arith.addf %add3A_1179, %get3A_1234 : vector<16xf32>
        scf.yield %add3A_1186, %add3A_1193, %add3A_1200, %add3A_1207, %add3A_1214, %add3A_1221, %add3A_1228, %add3A_1235 : vector<16xf32>, vector<16xf32>, vector<16xf32>, vector<16xf32>, vector<16xf32>, vector<16xf32>, vector<16xf32>, vector<16xf32>
      }
      %scan3A_1095 = arith.constant 25 : i32
      %add3A_1096 = arith.addf %scan3A_1094#0, %scan3A_1094#2 : vector<16xf32>
      %add3A_1097 = arith.addf %scan3A_1094#1, %scan3A_1094#3 : vector<16xf32>
      %add3A_1098 = arith.addf %add3A_1096, %scan3A_1094#4 : vector<16xf32>
      %add3A_1099 = arith.addf %add3A_1097, %scan3A_1094#5 : vector<16xf32>
      %add3A_1100 = arith.addf %add3A_1098, %scan3A_1094#6 : vector<16xf32>
      %add3A_1101 = arith.addf %add3A_1099, %scan3A_1094#7 : vector<16xf32>
      %swap3A_1102 = arith.index_cast %mul3A_1089 : i32 to index
      %swap3A_1103 = tpu.vector_load %arg9[%swap3A_1102] {strides = array<i32>} : memref<16384xf32, #tpu.memory_space<vmem>>, vector<16xf32>,
      %swap3A_1104 = vector.shape_cast %swap3A_1103 : vector<16xf32> to vector<16xf32>
      %swap3A_1105 = vector.shape_cast %add3A_1100 : vector<16xf32> to vector<16xf32>
      tpu.vector_store %arg9[%swap3A_1102], %swap3A_1105 {strides = array<i32>} : memref<16384xf32, #tpu.memory_space<vmem>>, vector<16xf32>,
      %add3A_1106 = arith.constant 16 : i32
      %add3A_1107 = arith.addi %mul3A_1089, %add3A_1106 : i32
      %swap3A_1108 = arith.index_cast %add3A_1107 : i32 to index
      %swap3A_1109 = tpu.vector_load %arg9[%swap3A_1108] {strides = array<i32>} : memref<16384xf32, #tpu.memory_space<vmem>>, vector<16xf32>,
      %swap3A_1110 = vector.shape_cast %swap3A_1109 : vector<16xf32> to vector<16xf32>
      %swap3A_1111 = vector.shape_cast %add3A_1101 : vector<16xf32> to vector<16xf32>
      tpu.vector_store %arg9[%swap3A_1108], %swap3A_1111 {strides = array<i32>} : memref<16384xf32, #tpu.memory_space<vmem>>, vector<16xf32>,
    }
    %scan3A_169 = arith.constant 32 : i32
    %mul3A_170 = arith.constant 512 : i32
    %mul3A_171 = arith.muli %add3A, %mul3A_170 : i32
    %mul3A_172 = arith.constant 32 : i32
    %mul3A_173 = arith.muli %mul3A_171, %mul3A_172 : i32
    "tpu.region"() ({
      %run_scoped3A = tpu.sem_alloc : memref<!tpu.dma_semaphore, #tpu.memory_space<semaphore_mem>>
      %dma_start3A_174 = tpu.memref_slice %arg4[%mul3A_173] : memref<524288xf32, #tpu.memory_space<hbm>> -> memref<16384xf32, #tpu.memory_space<hbm>>
      %dma_start3A_175 = tpu.memref_slice %arg4[%mul3A_173] : memref<524288xf32, #tpu.memory_space<hbm>> -> memref<16384xf32, #tpu.memory_space<hbm>>
      tpu.enqueue_dma source(%arg9 : memref<16384xf32, #tpu.memory_space<vmem>>) target(%dma_start3A_175 : memref<16384xf32, #tpu.memory_space<hbm>>) target_semaphore(%run_scoped3A : memref<!tpu.dma_semaphore, #tpu.memory_space<semaphore_mem>>)
      %dma_wait3A = tpu.memref_slice %arg4[%mul3A_173] : memref<524288xf32, #tpu.memory_space<hbm>> -> memref<16384xf32, #tpu.memory_space<hbm>>
      %dma_wait3A_176 = tpu.memref_slice %arg4[%mul3A_173] : memref<524288xf32, #tpu.memory_space<hbm>> -> memref<16384xf32, #tpu.memory_space<hbm>>
      tpu.wait_dma2 semaphore(%run_scoped3A : memref<!tpu.dma_semaphore, #tpu.memory_space<semaphore_mem>>) src(%arg9 : memref<16384xf32, #tpu.memory_space<vmem>>) dst(%dma_wait3A_176 : memref<16384xf32, #tpu.memory_space<hbm>>)
      tpu.yield
    }) : () -> ()
    return
  }
}

</mosaic_0001>

<sc_bundles>
// kernel: _sc_pool.3.cloned.1.call-start
scs
__scs_entry_jumppad:
0x0: {  	(pc) =	sbr.rel $0x88, $3  }
0x1: {  	(tag) =	ssettag $0x0;
	lr =	simm.s32 $0x1  }
0x2: {  	[smem:$0x3F9F] =	sst lr;
	_ =	strace $0xD0000000  }
0x3: {  	_ = 	snop  }
0x4: {  	_ = 	snop  }
0x5: {  	_ = 	snop  }
0x6: {  	_ = 	snop  }
0x7: {  	_ = 	snop  }
__scs_overlays_trampoline_lowered:
0x8: {  	[smem:$0x3FAE] =	sst s0  }
0x9: {  	[smem:$0x3FAF] =	sst s1  }
0xa: {  	[smem:$0x3FB0] =	sst s2  }
0xb: {  	[smem:$0x3FB1] =	sst s3  }
0xc: {  	[smem:$0x3FB2] =	sst s4  }
0xd: {  	[smem:$0x3FB3] =	sst s5  }
0xe: {  	[smem:$0x3FB4] =	sst s6  }
0xf: {  	[smem:$0x3FB5] =	sst s7  }
0x10: {  	[smem:$0x3FB6] =	sst s8  }
0x11: {  	[smem:$0x3FB7] =	sst s9;
	s0 =	simm.s32 @!p0 $0x0  }
0x12: {  	s1 =	sld [smem:$0x3F9D];
	s0 =	simm.s32 @p0 $0x1  }
0x13: {  	[smem:$0x3FB8] =	sst s0;
	s0 =	simm.s32 @!p1 $0x0  }
0x14: {  	s2 =	sld [smem:$0x3F9C];
	s0 =	simm.s32 @p1 $0x1  }
0x15: {  	[smem:$0x3FB9] =	sst s0;
	s0 =	simm.s32 @!p2 $0x0  }
0x16: {  	s3 =	sld [smem:$0x3FDB];
	s0 =	simm.s32 @p2 $0x1  }
0x17: {  	s4 =	simm.s32 $0x1BF5;
	[smem:$0x3FBB] =	sst s0  }
0x18: {  	s0 =	sld [smem:$0x3F9E];
	_ =	swait.ge [sflag:s4], $0x0  }
0x19: {  	s7 =	sld [smem:$0x3F9F]  }
0x1a: {  	s8 =	sadd.s32 $0xFFFFE003, lr  }
0x1b: {  	s9 =	sadd.s32 $0xFFFFFEF7, lr;
	s5 =	simm.s32 $0xFFFFFFFF;
	p2 =	slt.u32 s8, $0xFFFFF086  }
0x1c: {  	p1 =	slt.u32 s9, $0xF7A;
	s5 =	simm.s32 @!p2 $0x0  }
0x1d: {  	s5 =	simm.s32 @p1 $0x1;
	p0 =	seq.s32 s7, s2  }
0x1e: {  	s7 =	smul.u32 @!p0 $0xF7A, s2;
	p2 =	seq.s32 @!p0 s5, $0x0  }
0x1f: {  	s9 =	smul.u32 $0xF7A, s1;
	s8 =	simm.s32 @!p0 $0x1BF5;
	p2 =	por !p2, p0  }
0x20: {  	[sflag:s8] =	ssyncset.s32 @!p0 $0xFFFFF086;
	s6 =	sadd.s32 @!p0 s3, s7;
	s7 =	simm.s32 @!p0 $0x108  }
0x21: {  	s3 =	sadd.s32 s3, s9;
	s6 =	sadd.s32 @!p0 $0x88, s6;
	s7 =	simm.s32 @p2 $0x1082  }
0x22: {  	[simem:s7], [sflag:s8] =	dma.local @!p0 [hbm:s6], $0xF7A  }
0x23: {  	s9 =	sor.u32 $0xD0000000, s2;
	s6 =	simm.s32 $0x108;
	_ =	swait.ge @!p0 [sflag:s8], $0x0  }
0x24: {  	s3 =	sadd.s32 $0x88, s3;
	s6 =	simm.s32 @!p1 $0x1082;
	[sflag:s4] =	ssyncset.s32 $0xFFFFF086  }
0x25: {  	[simem:s6], [sflag:s4] =	dma.local [hbm:s3], $0xF7A  }
0x26: {  	[smem:$0x3F9F] =	sst s1;
	(tag) =	ssettag s2;
	_ =	strace s9  }
0x27: {  	s1 =	sld [smem:$0x3FAF]  }
0x28: {  	s2 =	sld [smem:$0x3FB0]  }
0x29: {  	s4 =	sld [smem:$0x3FB2]  }
0x2a: {  	p0 =	seq.s32 s5, $0x0;
	s5 =	sld [smem:$0x3FB3]  }
0x2b: {  	s6 =	sld [smem:$0x3FB4]  }
0x2c: {  	s7 =	sld [smem:$0x3FB5]  }
0x2d: {  	s3 =	simm.s32 $0x108;
	s8 =	sld [smem:$0x3FB6]  }
0x2e: {  	s3 =	simm.s32 @!p0 $0x1082;
	s9 =	sld [smem:$0x3FB7]  }
0x2f: {  	lr =	sadd.s32 s0, s3;
	s0 =	sld [smem:$0x3FAE]  }
0x30: {  	s3 =	sld [smem:$0x3FB1]  }
0x31: {  	[smem:$0x3FBA] =	sst s10  }
0x32: {  	s10 =	sld [smem:$0x3FB8];
	_ =	sdelay $0x3  }
0x33: {  	p0 =	seq.s32 s10, $0x1;
	s10 =	sld [smem:$0x3FBA];
	_ =	sdelay $0x3  }
0x34: {  	[smem:$0x3FBA] =	sst s10  }
0x35: {  	s10 =	sld [smem:$0x3FB9];
	_ =	sdelay $0x3  }
0x36: {  	p1 =	seq.s32 s10, $0x1;
	s10 =	sld [smem:$0x3FBA];
	_ =	sdelay $0x3  }
0x37: {  	[smem:$0x3FBA] =	sst s10  }
0x38: {  	s10 =	sld [smem:$0x3FBB]  }
0x39: {  	_ = 	snop;
	(pc) =	sbr.ind lr, $3  }
0x3a: {  	_ = 	snop  }
0x3b: {  	_ = 	snop  }
0x3c: {  	p2 =	seq.s32 s10, $0x1;
	s10 =	sld [smem:$0x3FBA]  }
0x3d: {  	_ =	shalt  }
0x3e: {  	_ =	shalt  }
0x3f: {  	_ =	shalt  }
0x40: {  	_ =	shalt  }
0x41: {  	_ =	shalt  }
0x42: {  	_ =	shalt  }
0x43: {  	_ =	shalt  }
0x44: {  	_ =	shalt  }
0x45: {  	_ =	shalt  }
0x46: {  	_ =	shalt  }
0x47: {  	_ =	shalt  }
0x48: {  	_ =	shalt  }
0x49: {  	_ =	shalt  }
0x4a: {  	_ =	shalt  }
0x4b: {  	_ =	shalt  }
0x4c: {  	_ =	shalt  }
0x4d: {  	_ =	shalt  }
0x4e: {  	_ =	shalt  }
0x4f: {  	_ =	shalt  }
0x50: {  	_ =	shalt  }
0x51: {  	_ =	shalt  }
0x52: {  	_ =	shalt  }
0x53: {  	_ =	shalt  }
0x54: {  	_ =	shalt  }
0x55: {  	_ =	shalt  }
0x56: {  	_ =	shalt  }
0x57: {  	_ =	shalt  }
0x58: {  	_ =	shalt  }
0x59: {  	_ =	shalt  }
0x5a: {  	_ =	shalt  }
0x5b: {  	_ =	shalt  }
0x5c: {  	_ =	shalt  }
0x5d: {  	_ =	shalt  }
0x5e: {  	_ =	shalt  }
0x5f: {  	_ =	shalt  }
0x60: {  	_ =	shalt  }
0x61: {  	_ =	shalt  }
0x62: {  	_ =	shalt  }
0x63: {  	_ =	shalt  }
0x64: {  	_ =	shalt  }
0x65: {  	_ =	shalt  }
0x66: {  	_ =	shalt  }
0x67: {  	_ =	shalt  }
0x68: {  	_ =	shalt  }
0x69: {  	_ =	shalt  }
0x6a: {  	_ =	shalt  }
0x6b: {  	_ =	shalt  }
0x6c: {  	_ =	shalt  }
0x6d: {  	_ =	shalt  }
0x6e: {  	_ =	shalt  }
0x6f: {  	_ =	shalt  }
0x70: {  	_ =	shalt  }
0x71: {  	_ =	shalt  }
0x72: {  	_ =	shalt  }
0x73: {  	_ =	shalt  }
0x74: {  	_ =	shalt  }
0x75: {  	_ =	shalt  }
0x76: {  	_ =	shalt  }
0x77: {  	_ =	shalt  }
0x78: {  	_ =	shalt  }
0x79: {  	_ =	shalt  }
0x7a: {  	_ =	shalt  }
0x7b: {  	_ =	shalt  }
0x7c: {  	_ =	shalt  }
0x7d: {  	_ =	shalt  }
0x7e: {  	_ =	shalt  }
0x7f: {  	_ =	shalt  }
0x80: {  	_ =	shalt  }
0x81: {  	_ =	shalt  }
0x82: {  	_ =	shalt  }
0x83: {  	_ =	shalt  }
0x84: {  	_ =	shalt  }
0x85: {  	_ =	shalt  }
0x86: {  	_ =	shalt  }
0x87: {  	_ =	shalt  }
.Lfunc_end0:
.L_simem_size_0:
called_computation_lowered:
.L_overlay_start_0:
0x88: {  	s2 =	sld [smem:$0x3FD9]  }
0x89: {  	s3 =	sld [smem:$0x3FFE];
	_ =	sdelay $0x1  }
0x8a: {  	s1 =	srdreg.scid  }
0x8b: {  	s0 =	sand.u32 $0x1, s1  }
0x8c: {  	s17 =	sshll.u32 s0, $0xA;
	s2 =	sadd.s32 s3, s2  }
0x8d: {  	s2 =	sadd.s32 s2, s17  }
0x8e: {  	[smem:$0x3FC6] =	sst s2  }
0x8f: {  	_ = 	snop  }
0x90: {  	s2 =	sld [smem:$0x3FD0];
	(tm) =	ssettm $0x1  }
0x91: {  	s18 =	sld [smem:$0x3FFB];
	_ =	sdelay $0x3  }
0x92: {  	_ =	strace s18  }
0x93: {  	s3 =	sld [smem:$0x3FFC];
	_ =	sdelay $0x3  }
0x94: {  	_ =	strace s3  }
0x95: {  	s3 =	sld [smem:$0x3FFD];
	_ =	sdelay $0x3  }
0x96: {  	_ =	strace s3  }
0x97: {  	_ =	strace $0x8FFFFFFF  }
0x98: {  	s19 =	sld [smem:$0x3FDB];
	_ =	sdelay $0x1  }
0x99: {  	s4 =	simm.s32 $_scs_section_size  }
0x9a: {  	s5 =	simm.s32 $_size__tile_overlayer_lowered;
	s6 =	simm.s32 $_tile_overlayer_lowered  }
0x9b: {  	s22 =	simm.s32 $0x1BFF;
	s21 =	sshll.u32 s6, $0x1;
	s3 =	sadd.s32 s4, s19  }
0x9c: {  	s7 =	simm.s32 $0x0;
	s20 =	sshll.u32 s5, $0x1;
	s5 =	sadd.s32 s21, s3  }
0x9d: {  	[timem:s7], [sflag:s22] =	dma.local [hbm:s5], s20  }
0x9e: {  	_ =	swait.ge [sflag:s22], s20  }
0x9f: {  	s4 =	ssub.s32 $0x0, s20;
	[sflag:s22] =	ssyncset.done $0x0  }
0xa0: {  	[sflag:s22] =	ssyncadd.s32 s4;
	_ =	sdelay $0x1  }
0xa1: {  	s23 =	simm.s32 $0x1B8B  }
0xa2: {  	_ =	swait.ge [sflag:s23], $0x1  }
0xa3: {  	[sflag:s23] =	ssyncset.done $0x0  }
0xa4: {  	s25 =	simm.s32 $0x1B8E;
	s24 =	sld [smem:$0x3FFE];
	[sflag:s23] =	ssyncadd.s32 $0xFFFFFFFF  }
0xa5: {  	s26 =	simm.s32 $execute0_lowered;
	[smem:$0x3FD2] =	sst s25  }
0xa6: {  	s5 =	sshll.u32 s26, $0x1;
	_ =	strace $0x80000046;
	[dreg:$0x1] =	wrdreg $0xFFFFFFFF  }
0xa7: {  	s28 =	simm.s32 $_size_execute0_lowered;
	s3 =	sadd.s32 s3, s5;
	[dreg:$0x0] =	wrdreg $0x0  }
0xa8: {  	s5 =	sshll.u32 s28, $0x1;
	[dreg:$0x2] =	wrdreg s3  }
0xa9: {  	[dreg:$0x3] =	wrdreg s5  }
0xaa: {  	[dreg:$0x4] =	wrdreg $0xC0  }
0xab: {  	_ =	task [dreg:s7], $0x5FFFF  }
0xac: {  	[dreg:$0x1] =	wrdreg $0xFFFFFFFF  }
0xad: {  	[dreg:$0x0] =	wrdreg $0x60  }
0xae: {  	[dreg:$0x2] =	wrdreg s24  }
0xaf: {  	[dreg:$0x3] =	wrdreg s2  }
0xb0: {  	[dreg:$0x4] =	wrdreg $0x9  }
0xb1: {  	_ =	task.clear_ibuf [dreg:s7], $0x5FFFF;
	_ =	strace $0x90000046  }
0xb2: {  	s29 =	simm.s32 $0x9;
	_ =	strace $0x80000048  }
0xb3: {  	_ =	swait.ge [sflag:s29], $0x1  }
0xb4: {  	[sflag:s29] =	ssyncadd.s32 $0xFFFFFFFF  }
0xb5: {  	_ =	strace $0x90000048  }
0xb6: {  	_ =	sfence  }
0xb7: {  	s30 =	sld [smem:$0x0];
	_ =	sdelay $0x2  }
0xb8: {  	s31 =	sshll.u32 s1, $0xD;
	s1 =	sshrl.u32 s1, $0x2  }
0xb9: {  	s3 =	sand.u32 $0x4000, s31;
	s1 =	sadd.s32 s1, s30  }
0xba: {  	s0 =	sor.u32 s3, s0;
	s1 =	sshll.u32 s1, $0x11  }
0xbb: {  	s0 =	sor.u32 s1, s0  }
0xbc: {  	s0 =	sadd.s32 $0x8F2B, s0  }
0xbd: {  	[sflag:s0] =	ssyncadd.remote.s32 $0x1  }
0xbe: {  	_ =	sfence.sel $0xFFFF  }
0xbf: {  	[dreg:$0x0] =	wrdreg $0xFFFFFFFF;
	(pc) =	sbr.abs _section_cstart, $3  }
0xc0: {  	[dreg:$0x1] =	wrdreg $0xFFFFFFFF  }
0xc1: {  	_ =	task.clear_ibuf [dreg:s7], $0x2FFFF;
	_ =	strace $0x9FFFFFFF  }
0xc2: {  	(tm) =	ssettm $0x7FFFFFFF  }
0xc3: {  	_ =	shalt  }
tec
execute0_lowered:
.L_overlay_start_1:
0x0: {  	(tag) =	ssettag $0x1  }
0x1: {  	s0 =	rddreg [dreg:$0x0]  }
0x2: {  	s1 =	rddreg [dreg:$0x1]  }
0x3: {  	s2 =	srdreg.scid;
	s3 =	stileid.u32;
	s14 =	simm.s32 $0x0  }
0x4: {  	s10 =	simm.s32 $0x3;
	s11 =	simm.s32 $0x68;
	s13 =	simm.s32 $0x60  }
0x5: {  	s23 =	simm.s32 $0x640;
	s20 =	simm.s32 $0x13880;
	s21 =	simm.s32 $0x9C8  }
0x6: {  	s22 =	simm.s32 $0x14580;
	s8 =	simm.s32 $0x15180;
	s9 =	simm.s32 $0xA90  }
0x7: {  	s24 =	simm.s32 $0xAF0;
	s28 =	simm.s32 $0x17780;
	s29 =	simm.s32 $0xBB8  }
0x8: {  	s30 =	simm.s32 $0x18380;
	s31 =	simm.s32 $0xC20;
	s12 =	simm.s32 $0x2  }
0x9: {  	s16 =	simm.s32 $0x0;
	s2 =	sand.u32 $0x1, s2;
	s3 =	sshll.u32 s3, $0x1  }
0xa: {  	[smem:$0x7FF] =	sst s14;
	s5 =	ssub.s32 $0x2, s2;
	s2 =	sor.u32 s2, s3  }
0xb: {  	s4 =	sadd.s32 $0xF80600, s0;
	s6 =	sshrl.u32 s5, $0x1;
	s7 =	smul.u32 $0x3200, s2  }
0xc: {  	_ =	strace $0x80000047;
	s3 =	sadd.s32 $0x600, s0;
	s25 =	ssub.s32 s5, s6  }
0xd: {  	s5 =	sshll.u32 s2, $0x9;
	s2 =	sshll.u32 s2, $0xB;
	s26 =	sadd.s32 s3, s7  }
0xe: {  	s6 =	simm.s32 $0xA28;
	s1 =	sadd.s32 s1, s2;
	[dreg:$0x3] =	wrdreg s26  }
0xf: {  	s7 =	sor.u32 $0x10, s5;
	s0 =	smax.u32 s25, $0x1;
	[dreg:$0x4] =	wrdreg s1  }
0x10: {  	s2 =	simm.s32 $0x15E80;
	s25 =	simm.s32 $0x16A80;
	[dreg:$0x5] =	wrdreg s0  }
0x11: {  	s26 =	simm.s32 $0xB58;
	s0 =	simm.s32 $0x19080;
	s1 =	simm.s32 $0x1  }
.LBB2_1:
0x12: {  	[dreg:$0x6] =	wrdreg s16  }
0x13: {  	s15 =	rddreg [dreg:$0x3]  }
0x14: {  	[tilespmem:s14], [sflag:$0x3] =	stream.linear.gather [hbm4b:s15+s14], $0x640, $0x38;
	[tilespmem:$0x1DC80] =	vst v63  }
0x15: {  	_ =	swait.ge [sflag:s10], $0x640  }
0x16: {  	[sflag:s10] =	ssyncset.done $0x0  }
0x17: {  	s19 =	simm.s32 $0xC80;
	[sflag:s10] =	ssyncadd.s32 $0xFFFFF9C0  }
0x18: {  	[tilespmem:s19], [sflag:$0x1] =	stream.indirect.gather [hbm4b:s4+s11], $0x20, s14, s11, $0xb8;
	[tilespmem:$0x1DC80] =	vst v63  }
0x19: {  	s15 =	simm.s32 $0x1980  }
0x1a: {  	[tilespmem:s15], [sflag:$0x1] =	stream.indirect.gather [hbm4b:s4+s13], $0x20, s11, s13, $0xb8;
	[tilespmem:$0x1DC80] =	vst v63  }
0x1b: {  	s16 =	simm.s32 $0xC8;
	s17 =	simm.s32 $0x2580  }
0x1c: {  	[tilespmem:s17], [sflag:$0x1] =	stream.indirect.gather [hbm4b:s4+s11], $0x20, s16, s11, $0xb8;
	[tilespmem:$0x1DC80] =	vst v63  }
0x1d: {  	s18 =	simm.s32 $0x130;
	s19 =	simm.s32 $0x3280  }
0x1e: {  	[tilespmem:s19], [sflag:$0x1] =	stream.indirect.gather [hbm4b:s4+s13], $0x20, s18, s13, $0xb8;
	[tilespmem:$0x1DC80] =	vst v63  }
0x1f: {  	s16 =	simm.s32 $0x190;
	s17 =	simm.s32 $0x3E80  }
0x20: {  	[tilespmem:s17], [sflag:$0x1] =	stream.indirect.gather [hbm4b:s4+s11], $0x20, s16, s11, $0xb8;
	[tilespmem:$0x1DC80] =	vst v63  }
0x21: {  	s18 =	simm.s32 $0x1F8;
	s19 =	simm.s32 $0x4B80  }
0x22: {  	[tilespmem:s19], [sflag:$0x1] =	stream.indirect.gather [hbm4b:s4+s13], $0x20, s18, s13, $0xb8;
	[tilespmem:$0x1DC80] =	vst v63  }
0x23: {  	s16 =	simm.s32 $0x258;
	s17 =	simm.s32 $0x5780  }
0x24: {  	[tilespmem:s17], [sflag:$0x1] =	stream.indirect.gather [hbm4b:s4+s11], $0x20, s16, s11, $0xb8;
	[tilespmem:$0x1DC80] =	vst v63  }
0x25: {  	s18 =	simm.s32 $0x2C0;
	s19 =	simm.s32 $0x6480  }
0x26: {  	[tilespmem:s19], [sflag:$0x1] =	stream.indirect.gather [hbm4b:s4+s13], $0x20, s18, s13, $0xb8;
	[tilespmem:$0x1DC80] =	vst v63  }
0x27: {  	s16 =	simm.s32 $0x320;
	s17 =	simm.s32 $0x7080  }
0x28: {  	[tilespmem:s17], [sflag:$0x1] =	stream.indirect.gather [hbm4b:s4+s11], $0x20, s16, s11, $0xb8;
	[tilespmem:$0x1DC80] =	vst v63  }
0x29: {  	s18 =	simm.s32 $0x388;
	s19 =	simm.s32 $0x7D80  }
0x2a: {  	[tilespmem:s19], [sflag:$0x1] =	stream.indirect.gather [hbm4b:s4+s13], $0x20, s18, s13, $0xb8;
	[tilespmem:$0x1DC80] =	vst v63  }
0x2b: {  	s16 =	simm.s32 $0x3E8;
	s17 =	simm.s32 $0x8980  }
0x2c: {  	[tilespmem:s17], [sflag:$0x1] =	stream.indirect.gather [hbm4b:s4+s11], $0x20, s16, s11, $0xb8;
	[tilespmem:$0x1DC80] =	vst v63  }
0x2d: {  	s18 =	simm.s32 $0x450;
	s19 =	simm.s32 $0x9680  }
0x2e: {  	[tilespmem:s19], [sflag:$0x1] =	stream.indirect.gather [hbm4b:s4+s13], $0x20, s18, s13, $0xb8;
	[tilespmem:$0x1DC80] =	vst v63  }
0x2f: {  	s16 =	simm.s32 $0x4B0;
	s17 =	simm.s32 $0xA280  }
0x30: {  	[tilespmem:s17], [sflag:$0x1] =	stream.indirect.gather [hbm4b:s4+s11], $0x20, s16, s11, $0xb8;
	[tilespmem:$0x1DC80] =	vst v63  }
0x31: {  	s18 =	simm.s32 $0x518;
	s19 =	simm.s32 $0xAF80  }
0x32: {  	[tilespmem:s19], [sflag:$0x1] =	stream.indirect.gather [hbm4b:s4+s13], $0x20, s18, s13, $0xb8;
	[tilespmem:$0x1DC80] =	vst v63  }
0x33: {  	s16 =	simm.s32 $0x578;
	s17 =	simm.s32 $0xBB80  }
0x34: {  	[tilespmem:s17], [sflag:$0x1] =	stream.indirect.gather [hbm4b:s4+s11], $0x20, s16, s11, $0xb8;
	[tilespmem:$0x1DC80] =	vst v63  }
0x35: {  	s14 =	simm.s32 $0x0;
	s18 =	simm.s32 $0x5E0;
	s19 =	simm.s32 $0xC880  }
0x36: {  	[tilespmem:s19], [sflag:$0x1] =	stream.indirect.gather [hbm4b:s4+s13], $0x20, s18, s13, $0xb8;
	[tilespmem:$0x1DC80] =	vst v63  }
.LBB2_2:
0x37: {  	s15 =	sshllo.u32 s14, $0x1  }
0x38: {  	s16 =	sshll.u32 s15, $0x3  }
0x39: {  	s16 =	sadd.s32 s5, s16  }
0x3a: {  	s16 =	smul.u32 $0x19, s16;
	_ =	sdelay $0x1  }
0x3b: {  	s17 =	simm.s32 $0x0;
	s16 =	sadd.s32 s3, s16  }
0x3c: {  	[tilespmem:s23], [sflag:$0x3] =	stream.linear.gather [hbm4b:s16+s17], $0x640, $0x38;
	[tilespmem:$0x1DC80] =	vst v63  }
0x3d: {  	_ =	swait.ge [sflag:s10], $0x640  }
0x3e: {  	[sflag:s10] =	ssyncset.done $0x0  }
0x3f: {  	s17 =	simm.s32 $0xD480;
	[sflag:s10] =	ssyncadd.s32 $0xFFFFF9C0  }
0x40: {  	[tilespmem:s17], [sflag:$0x2] =	stream.indirect.gather [hbm4b:s4+s11], $0x20, s23, s11, $0xb8;
	[tilespmem:$0x1DC80] =	vst v63  }
0x41: {  	s18 =	simm.s32 $0x6A8;
	s19 =	simm.s32 $0xE180  }
0x42: {  	[tilespmem:s19], [sflag:$0x2] =	stream.indirect.gather [hbm4b:s4+s13], $0x20, s18, s13, $0xb8;
	[tilespmem:$0x1DC80] =	vst v63  }
0x43: {  	s18 =	simm.s32 $0x708;
	s19 =	simm.s32 $0xED80  }
0x44: {  	[tilespmem:s19], [sflag:$0x2] =	stream.indirect.gather [hbm4b:s4+s11], $0x20, s18, s11, $0xb8;
	[tilespmem:$0x1DC80] =	vst v63  }
0x45: {  	s18 =	simm.s32 $0x770;
	s19 =	simm.s32 $0xFA80  }
0x46: {  	[tilespmem:s19], [sflag:$0x2] =	stream.indirect.gather [hbm4b:s4+s13], $0x20, s18, s13, $0xb8;
	[tilespmem:$0x1DC80] =	vst v63  }
0x47: {  	s18 =	simm.s32 $0x7D0;
	s19 =	simm.s32 $0x10680  }
0x48: {  	[tilespmem:s19], [sflag:$0x2] =	stream.indirect.gather [hbm4b:s4+s11], $0x20, s18, s11, $0xb8;
	[tilespmem:$0x1DC80] =	vst v63  }
0x49: {  	s18 =	simm.s32 $0x838;
	s19 =	simm.s32 $0x11380  }
0x4a: {  	[tilespmem:s19], [sflag:$0x2] =	stream.indirect.gather [hbm4b:s4+s13], $0x20, s18, s13, $0xb8;
	[tilespmem:$0x1DC80] =	vst v63  }
0x4b: {  	s18 =	simm.s32 $0x898;
	s19 =	simm.s32 $0x11F80  }
0x4c: {  	[tilespmem:s19], [sflag:$0x2] =	stream.indirect.gather [hbm4b:s4+s11], $0x20, s18, s11, $0xb8;
	[tilespmem:$0x1DC80] =	vst v63  }
0x4d: {  	s17 =	simm.s32 $0x900;
	s18 =	simm.s32 $0x12C80  }
0x4e: {  	[tilespmem:s18], [sflag:$0x2] =	stream.indirect.gather [hbm4b:s4+s13], $0x20, s17, s13, $0xb8;
	[tilespmem:$0x1DC80] =	vst v63  }
0x4f: {  	s19 =	simm.s32 $0x960  }
0x50: {  	[tilespmem:s20], [sflag:$0x2] =	stream.indirect.gather [hbm4b:s4+s11], $0x20, s19, s11, $0xb8;
	[tilespmem:$0x1DC80] =	vst v63  }
0x51: {  	_ = 	snop  }
0x52: {  	[tilespmem:s22], [sflag:$0x2] =	stream.indirect.gather [hbm4b:s4+s13], $0x20, s21, s13, $0xb8;
	[tilespmem:$0x1DC80] =	vst v63  }
0x53: {  	_ = 	snop  }
0x54: {  	[tilespmem:s8], [sflag:$0x2] =	stream.indirect.gather [hbm4b:s4+s11], $0x20, s6, s11, $0xb8;
	[tilespmem:$0x1DC80] =	vst v63  }
0x55: {  	_ = 	snop  }
0x56: {  	[tilespmem:s2], [sflag:$0x2] =	stream.indirect.gather [hbm4b:s4+s13], $0x20, s9, s13, $0xb8;
	[tilespmem:$0x1DC80] =	vst v63  }
0x57: {  	_ = 	snop  }
0x58: {  	[tilespmem:s25], [sflag:$0x2] =	stream.indirect.gather [hbm4b:s4+s11], $0x20, s24, s11, $0xb8;
	[tilespmem:$0x1DC80] =	vst v63  }
0x59: {  	_ = 	snop  }
0x5a: {  	[tilespmem:s28], [sflag:$0x2] =	stream.indirect.gather [hbm4b:s4+s13], $0x20, s26, s13, $0xb8;
	[tilespmem:$0x1DC80] =	vst v63  }
0x5b: {  	_ = 	snop  }
0x5c: {  	[tilespmem:s30], [sflag:$0x2] =	stream.indirect.gather [hbm4b:s4+s11], $0x20, s29, s11, $0xb8;
	[tilespmem:$0x1DC80] =	vst v63  }
0x5d: {  	_ = 	snop  }
0x5e: {  	[tilespmem:s0], [sflag:$0x2] =	stream.indirect.gather [hbm4b:s4+s13], $0x20, s31, s13, $0xb8;
	[tilespmem:$0x1DC80] =	vst v63  }
0x5f: {  	_ =	swait.ge [sflag:s1], $0xD00  }
0x60: {  	[sflag:s1] =	ssyncset.done $0x0  }
0x61: {  	[sflag:s1] =	ssyncadd.s32 $0xFFFFF300  }
0x62: {  	_ =	swait.ge [sflag:s1], $0xC00  }
0x63: {  	[sflag:s1] =	ssyncset.done $0x0  }
0x64: {  	[sflag:s1] =	ssyncadd.s32 $0xFFFFF400  }
0x65: {  	_ =	swait.ge [sflag:s1], $0xD00  }
0x66: {  	[sflag:s1] =	ssyncset.done $0x0  }
0x67: {  	[sflag:s1] =	ssyncadd.s32 $0xFFFFF300  }
0x68: {  	_ =	swait.ge [sflag:s1], $0xC00  }
0x69: {  	[sflag:s1] =	ssyncset.done $0x0  }
0x6a: {  	[sflag:s1] =	ssyncadd.s32 $0xFFFFF400  }
0x6b: {  	_ =	swait.ge [sflag:s1], $0xD00  }
0x6c: {  	[sflag:s1] =	ssyncset.done $0x0  }
0x6d: {  	[sflag:s1] =	ssyncadd.s32 $0xFFFFF300  }
0x6e: {  	_ =	swait.ge [sflag:s1], $0xC00  }
0x6f: {  	[sflag:s1] =	ssyncset.done $0x0  }
0x70: {  	[sflag:s1] =	ssyncadd.s32 $0xFFFFF400  }
0x71: {  	_ =	swait.ge [sflag:s1], $0xD00  }
0x72: {  	[sflag:s1] =	ssyncset.done $0x0  }
0x73: {  	[sflag:s1] =	ssyncadd.s32 $0xFFFFF300  }
0x74: {  	_ =	swait.ge [sflag:s1], $0xC00  }
0x75: {  	[sflag:s1] =	ssyncset.done $0x0  }
0x76: {  	[sflag:s1] =	ssyncadd.s32 $0xFFFFF400  }
0x77: {  	_ =	swait.ge [sflag:s1], $0xD00  }
0x78: {  	[sflag:s1] =	ssyncset.done $0x0  }
0x79: {  	[sflag:s1] =	ssyncadd.s32 $0xFFFFF300  }
0x7a: {  	_ =	swait.ge [sflag:s1], $0xC00  }
0x7b: {  	[sflag:s1] =	ssyncset.done $0x0  }
0x7c: {  	[sflag:s1] =	ssyncadd.s32 $0xFFFFF400  }
0x7d: {  	_ =	swait.ge [sflag:s1], $0xD00  }
0x7e: {  	[sflag:s1] =	ssyncset.done $0x0  }
0x7f: {  	[sflag:s1] =	ssyncadd.s32 $0xFFFFF300  }
0x80: {  	_ =	swait.ge [sflag:s1], $0xC00  }
0x81: {  	[sflag:s1] =	ssyncset.done $0x0  }
0x82: {  	[sflag:s1] =	ssyncadd.s32 $0xFFFFF400  }
0x83: {  	_ =	swait.ge [sflag:s1], $0xD00  }
0x84: {  	[sflag:s1] =	ssyncset.done $0x0  }
0x85: {  	[sflag:s1] =	ssyncadd.s32 $0xFFFFF300  }
0x86: {  	_ =	swait.ge [sflag:s1], $0xC00  }
0x87: {  	[sflag:s1] =	ssyncset.done $0x0  }
0x88: {  	[sflag:s1] =	ssyncadd.s32 $0xFFFFF400  }
0x89: {  	_ =	swait.ge [sflag:s1], $0xD00  }
0x8a: {  	[sflag:s1] =	ssyncset.done $0x0  }
0x8b: {  	[sflag:s1] =	ssyncadd.s32 $0xFFFFF300  }
0x8c: {  	_ =	swait.ge [sflag:s1], $0xC00  }
0x8d: {  	[sflag:s1] =	ssyncset.done $0x0  }
0x8e: {  	s16 =	simm.s32 $0x0;
	[sflag:s1] =	ssyncadd.s32 $0xFFFFF400  }
0x8f: {  	v2 =	vld [tilespmem:s16+$0xD00]  }
0x90: {  	v4 =	vld [tilespmem:s16+$0xD10]  }
0x91: {  	v3 =	vld [tilespmem:s16+$0xD20]  }
0x92: {  	v5 =	vld [tilespmem:s16+$0xD30]  }
0x93: {  	v0 =	vld [tilespmem:s16+$0xD40]  }
0x94: {  	v1 =	vld [tilespmem:s16+$0xD50]  }
0x95: {  	v18 =	vld [tilespmem:s16+$0xC80]  }
0x96: {  	v20 =	vld [tilespmem:s16+$0xC90]  }
0x97: {  	v17 =	vld [tilespmem:s16+$0xCA0]  }
0x98: {  	v19 =	vld [tilespmem:s16+$0xCB0]  }
0x99: {  	v10 =	vimm.f32 $0.0e+00;
	v11 =	vimm.f32 $0.0e+00;
	v14 =	vld [tilespmem:s16+$0xCC0]  }
0x9a: {  	v12 =	vimm.f32 $0.0e+00;
	v13 =	vimm.f32 $0.0e+00;
	v6 =	vimm.f32 $0.0e+00;
	v15 =	vld [tilespmem:s16+$0xCD0]  }
0x9b: {  	v7 =	vimm.f32 $0.0e+00;
	v8 =	vimm.f32 $0.0e+00;
	v9 =	vimm.f32 $0.0e+00;
	s17 =	simm.s32 $0x400;
	v16 =	vld [tilespmem:s16+$0xCE0]  }
.LBB2_3:
0x9c: {  	p0 =	sne.s32 s17, $0x6000;
	v10 =	vadd.f32 v18, v10;
	v11 =	vadd.f32 v20, v11;
	v18 =	vld [tilespmem:s16+$0xCF0]  }
0x9d: {  	v12 =	vadd.f32 v17, v12;
	v13 =	vadd.f32 v19, v13;
	v17 =	vld [tilespmem:s16+$0xD60]  }
0x9e: {  	v10 =	vadd.f32 v2, v10;
	v11 =	vadd.f32 v4, v11;
	v19 =	vld [tilespmem:s16+$0xD70];
	s16 =	sshra.s32 s17, $0x2  }
0x9f: {  	v12 =	vadd.f32 v3, v12;
	v2 =	vld [tilespmem:s16+$0xD00];
	v13 =	vadd.f32 v5, v13  }
0xa0: {  	v6 =	vadd.f32 v14, v6;
	v7 =	vadd.f32 v15, v7;
	v4 =	vld [tilespmem:s16+$0xD10]  }
0xa1: {  	v8 =	vadd.f32 v16, v8;
	v3 =	vld [tilespmem:s16+$0xD20];
	v9 =	vadd.f32 v18, v9  }
0xa2: {  	v6 =	vadd.f32 v0, v6;
	v7 =	vadd.f32 v1, v7;
	v5 =	vld [tilespmem:s16+$0xD30]  }
0xa3: {  	v8 =	vadd.f32 v17, v8;
	v0 =	vld [tilespmem:s16+$0xD40];
	v9 =	vadd.f32 v19, v9  }
0xa4: {  	v1 =	vld [tilespmem:s16+$0xD50]  }
0xa5: {  	v18 =	vld [tilespmem:s16+$0xC80]  }
0xa6: {  	v20 =	vld [tilespmem:s16+$0xC90]  }
.Ltmp0:
0xa7: {  	v17 =	vld [tilespmem:s16+$0xCA0];
	(pc) =	sbr.rel @p0 .LBB2_3-.Ltmp0, $4  }
0xa8: {  	v19 =	vld [tilespmem:s16+$0xCB0]  }
0xa9: {  	v14 =	vld [tilespmem:s16+$0xCC0]  }
0xaa: {  	v15 =	vld [tilespmem:s16+$0xCD0]  }
0xab: {  	s17 =	sadd.s32 $0x400, s17;
	v16 =	vld [tilespmem:s16+$0xCE0]  }
0xac: {  	v10 =	vadd.f32 v18, v10;
	v11 =	vadd.f32 v20, v11  }
0xad: {  	v18 =	vld [tilespmem:s16+$0xCF0];
	v12 =	vadd.f32 v17, v12;
	v13 =	vadd.f32 v19, v13  }
0xae: {  	v2 =	vadd.f32 v2, v10;
	v4 =	vadd.f32 v4, v11  }
0xaf: {  	v10 =	vld [tilespmem:s16+$0xD60];
	v3 =	vadd.f32 v3, v12;
	v6 =	vadd.f32 v14, v6  }
0xb0: {  	v11 =	vld [tilespmem:s16+$0xD70];
	v5 =	vadd.f32 v5, v13;
	v7 =	vadd.f32 v15, v7  }
0xb1: {  	v8 =	vadd.f32 v16, v8;
	v0 =	vadd.f32 v0, v6  }
0xb2: {  	v2 =	vadd.f32 v3, v2;
	v9 =	vadd.f32 v18, v9  }
0xb3: {  	v1 =	vadd.f32 v1, v7;
	v3 =	vadd.f32 v5, v4  }
0xb4: {  	v0 =	vadd.f32 v0, v2;
	v4 =	vadd.f32 v10, v8  }
0xb5: {  	v2 =	vadd.f32 v11, v9;
	v1 =	vadd.f32 v1, v3  }
0xb6: {  	s19 =	sshll.u32 s14, $0x9;
	v0 =	vadd.f32 v4, v0  }
0xb7: {  	s16 =	sand.u32 $0x3FFFFE00, s19;
	v1 =	vadd.f32 v2, v1  }
0xb8: {  	[tilespmem:s16+$0x19C80] =	vst v0  }
0xb9: {  	s17 =	simm.s32 $0x0;
	[tilespmem:s16+$0x19C90] =	vst v1  }
0xba: {  	v2 =	vld [tilespmem:s17+$0x2600]  }
0xbb: {  	v4 =	vld [tilespmem:s17+$0x2610]  }
0xbc: {  	v3 =	vld [tilespmem:s17+$0x2620]  }
0xbd: {  	v5 =	vld [tilespmem:s17+$0x2630]  }
0xbe: {  	v0 =	vld [tilespmem:s17+$0x2640]  }
0xbf: {  	v1 =	vld [tilespmem:s17+$0x2650]  }
0xc0: {  	v18 =	vld [tilespmem:s17+$0x2580]  }
0xc1: {  	v20 =	vld [tilespmem:s17+$0x2590]  }
0xc2: {  	v17 =	vld [tilespmem:s17+$0x25A0]  }
0xc3: {  	v19 =	vld [tilespmem:s17+$0x25B0]  }
0xc4: {  	v12 =	vimm.f32 $0.0e+00;
	v13 =	vimm.f32 $0.0e+00;
	v14 =	vld [tilespmem:s17+$0x25C0]  }
0xc5: {  	v6 =	vimm.f32 $0.0e+00;
	v7 =	vimm.f32 $0.0e+00;
	v10 =	vimm.f32 $0.0e+00;
	v15 =	vld [tilespmem:s17+$0x25D0]  }
0xc6: {  	s18 =	simm.s32 $0x400;
	v11 =	vimm.f32 $0.0e+00;
	v8 =	vimm.f32 $0.0e+00;
	v9 =	vimm.f32 $0.0e+00;
	v16 =	vld [tilespmem:s17+$0x25E0]  }
.LBB2_5:
0xc7: {  	p0 =	sne.s32 s18, $0x6000;
	v10 =	vadd.f32 v18, v10;
	v11 =	vadd.f32 v20, v11;
	v18 =	vld [tilespmem:s17+$0x25F0]  }
0xc8: {  	v12 =	vadd.f32 v17, v12;
	v13 =	vadd.f32 v19, v13;
	v17 =	vld [tilespmem:s17+$0x2660]  }
0xc9: {  	v10 =	vadd.f32 v2, v10;
	v11 =	vadd.f32 v4, v11;
	v19 =	vld [tilespmem:s17+$0x2670];
	s17 =	sshra.s32 s18, $0x2  }
0xca: {  	v12 =	vadd.f32 v3, v12;
	v2 =	vld [tilespmem:s17+$0x2600];
	v13 =	vadd.f32 v5, v13  }
0xcb: {  	v6 =	vadd.f32 v14, v6;
	v7 =	vadd.f32 v15, v7;
	v4 =	vld [tilespmem:s17+$0x2610]  }
0xcc: {  	v8 =	vadd.f32 v16, v8;
	v3 =	vld [tilespmem:s17+$0x2620];
	v9 =	vadd.f32 v18, v9  }
0xcd: {  	v6 =	vadd.f32 v0, v6;
	v7 =	vadd.f32 v1, v7;
	v5 =	vld [tilespmem:s17+$0x2630]  }
0xce: {  	v8 =	vadd.f32 v17, v8;
	v0 =	vld [tilespmem:s17+$0x2640];
	v9 =	vadd.f32 v19, v9  }
0xcf: {  	v1 =	vld [tilespmem:s17+$0x2650]  }
0xd0: {  	v18 =	vld [tilespmem:s17+$0x2580]  }
0xd1: {  	v20 =	vld [tilespmem:s17+$0x2590]  }
.Ltmp1:
0xd2: {  	v17 =	vld [tilespmem:s17+$0x25A0];
	(pc) =	sbr.rel @p0 .LBB2_5-.Ltmp1, $4  }
0xd3: {  	v19 =	vld [tilespmem:s17+$0x25B0]  }
0xd4: {  	v14 =	vld [tilespmem:s17+$0x25C0]  }
0xd5: {  	v15 =	vld [tilespmem:s17+$0x25D0]  }
0xd6: {  	s18 =	sadd.s32 $0x400, s18;
	v16 =	vld [tilespmem:s17+$0x25E0]  }
0xd7: {  	v10 =	vadd.f32 v18, v10;
	v11 =	vadd.f32 v20, v11  }
0xd8: {  	v18 =	vld [tilespmem:s17+$0x25F0];
	v12 =	vadd.f32 v17, v12;
	v13 =	vadd.f32 v19, v13  }
0xd9: {  	v2 =	vadd.f32 v2, v10;
	v4 =	vadd.f32 v4, v11  }
0xda: {  	v10 =	vld [tilespmem:s17+$0x2660];
	v3 =	vadd.f32 v3, v12;
	v6 =	vadd.f32 v14, v6  }
0xdb: {  	v11 =	vld [tilespmem:s17+$0x2670];
	v5 =	vadd.f32 v5, v13;
	v7 =	vadd.f32 v15, v7  }
0xdc: {  	v8 =	vadd.f32 v16, v8;
	v0 =	vadd.f32 v0, v6  }
0xdd: {  	v2 =	vadd.f32 v3, v2;
	v9 =	vadd.f32 v18, v9  }
0xde: {  	v1 =	vadd.f32 v1, v7;
	v3 =	vadd.f32 v5, v4  }
0xdf: {  	v0 =	vadd.f32 v0, v2;
	v4 =	vadd.f32 v10, v8  }
0xe0: {  	v2 =	vadd.f32 v11, v9;
	v1 =	vadd.f32 v1, v3  }
0xe1: {  	v0 =	vadd.f32 v4, v0  }
0xe2: {  	v1 =	vadd.f32 v2, v1  }
0xe3: {  	[tilespmem:s16+$0x19CA0] =	vst v0  }
0xe4: {  	s17 =	simm.s32 $0x0;
	[tilespmem:s16+$0x19CB0] =	vst v1  }
0xe5: {  	v2 =	vld [tilespmem:s17+$0x3F00]  }
0xe6: {  	v4 =	vld [tilespmem:s17+$0x3F10]  }
0xe7: {  	v3 =	vld [tilespmem:s17+$0x3F20]  }
0xe8: {  	v5 =	vld [tilespmem:s17+$0x3F30]  }
0xe9: {  	v0 =	vld [tilespmem:s17+$0x3F40]  }
0xea: {  	v1 =	vld [tilespmem:s17+$0x3F50]  }
0xeb: {  	v18 =	vld [tilespmem:s17+$0x3E80]  }
0xec: {  	v20 =	vld [tilespmem:s17+$0x3E90]  }
0xed: {  	v17 =	vld [tilespmem:s17+$0x3EA0]  }
0xee: {  	v19 =	vld [tilespmem:s17+$0x3EB0]  }
0xef: {  	v12 =	vimm.f32 $0.0e+00;
	v13 =	vimm.f32 $0.0e+00;
	v14 =	vld [tilespmem:s17+$0x3EC0]  }
0xf0: {  	v6 =	vimm.f32 $0.0e+00;
	v7 =	vimm.f32 $0.0e+00;
	v10 =	vimm.f32 $0.0e+00;
	v15 =	vld [tilespmem:s17+$0x3ED0]  }
0xf1: {  	s18 =	simm.s32 $0x400;
	v11 =	vimm.f32 $0.0e+00;
	v8 =	vimm.f32 $0.0e+00;
	v9 =	vimm.f32 $0.0e+00;
	v16 =	vld [tilespmem:s17+$0x3EE0]  }
.LBB2_7:
0xf2: {  	p0 =	sne.s32 s18, $0x6000;
	v10 =	vadd.f32 v18, v10;
	v11 =	vadd.f32 v20, v11;
	v18 =	vld [tilespmem:s17+$0x3EF0]  }
0xf3: {  	v12 =	vadd.f32 v17, v12;
	v13 =	vadd.f32 v19, v13;
	v17 =	vld [tilespmem:s17+$0x3F60]  }
0xf4: {  	v10 =	vadd.f32 v2, v10;
	v11 =	vadd.f32 v4, v11;
	v19 =	vld [tilespmem:s17+$0x3F70];
	s17 =	sshra.s32 s18, $0x2  }
0xf5: {  	v12 =	vadd.f32 v3, v12;
	v2 =	vld [tilespmem:s17+$0x3F00];
	v13 =	vadd.f32 v5, v13  }
0xf6: {  	v6 =	vadd.f32 v14, v6;
	v7 =	vadd.f32 v15, v7;
	v4 =	vld [tilespmem:s17+$0x3F10]  }
0xf7: {  	v8 =	vadd.f32 v16, v8;
	v3 =	vld [tilespmem:s17+$0x3F20];
	v9 =	vadd.f32 v18, v9  }
0xf8: {  	v6 =	vadd.f32 v0, v6;
	v7 =	vadd.f32 v1, v7;
	v5 =	vld [tilespmem:s17+$0x3F30]  }
0xf9: {  	v8 =	vadd.f32 v17, v8;
	v0 =	vld [tilespmem:s17+$0x3F40];
	v9 =	vadd.f32 v19, v9  }
0xfa: {  	v1 =	vld [tilespmem:s17+$0x3F50]  }
0xfb: {  	v18 =	vld [tilespmem:s17+$0x3E80]  }
0xfc: {  	v20 =	vld [tilespmem:s17+$0x3E90]  }
.Ltmp2:
0xfd: {  	v17 =	vld [tilespmem:s17+$0x3EA0];
	(pc) =	sbr.rel @p0 .LBB2_7-.Ltmp2, $4  }
0xfe: {  	v19 =	vld [tilespmem:s17+$0x3EB0]  }
0xff: {  	v14 =	vld [tilespmem:s17+$0x3EC0]  }
0x100: {  	v15 =	vld [tilespmem:s17+$0x3ED0]  }
0x101: {  	s18 =	sadd.s32 $0x400, s18;
	v16 =	vld [tilespmem:s17+$0x3EE0]  }
0x102: {  	v10 =	vadd.f32 v18, v10;
	v11 =	vadd.f32 v20, v11  }
0x103: {  	v18 =	vld [tilespmem:s17+$0x3EF0];
	v12 =	vadd.f32 v17, v12;
	v13 =	vadd.f32 v19, v13  }
0x104: {  	v2 =	vadd.f32 v2, v10;
	v4 =	vadd.f32 v4, v11  }
0x105: {  	v10 =	vld [tilespmem:s17+$0x3F60];
	v3 =	vadd.f32 v3, v12;
	v6 =	vadd.f32 v14, v6  }
0x106: {  	v11 =	vld [tilespmem:s17+$0x3F70];
	v5 =	vadd.f32 v5, v13;
	v7 =	vadd.f32 v15, v7  }
0x107: {  	v8 =	vadd.f32 v16, v8;
	v0 =	vadd.f32 v0, v6  }
0x108: {  	v2 =	vadd.f32 v3, v2;
	v9 =	vadd.f32 v18, v9  }
0x109: {  	v1 =	vadd.f32 v1, v7;
	v3 =	vadd.f32 v5, v4  }
0x10a: {  	v0 =	vadd.f32 v0, v2;
	v4 =	vadd.f32 v10, v8  }
0x10b: {  	v2 =	vadd.f32 v11, v9;
	v1 =	vadd.f32 v1, v3  }
0x10c: {  	v0 =	vadd.f32 v4, v0  }
0x10d: {  	v1 =	vadd.f32 v2, v1  }
0x10e: {  	[tilespmem:s16+$0x19CC0] =	vst v0  }
0x10f: {  	s17 =	simm.s32 $0x0;
	[tilespmem:s16+$0x19CD0] =	vst v1  }
0x110: {  	v2 =	vld [tilespmem:s17+$0x5800]  }
0x111: {  	v4 =	vld [tilespmem:s17+$0x5810]  }
0x112: {  	v3 =	vld [tilespmem:s17+$0x5820]  }
0x113: {  	v5 =	vld [tilespmem:s17+$0x5830]  }
0x114: {  	v0 =	vld [tilespmem:s17+$0x5840]  }
0x115: {  	v1 =	vld [tilespmem:s17+$0x5850]  }
0x116: {  	v18 =	vld [tilespmem:s17+$0x5780]  }
0x117: {  	v20 =	vld [tilespmem:s17+$0x5790]  }
0x118: {  	v17 =	vld [tilespmem:s17+$0x57A0]  }
0x119: {  	v19 =	vld [tilespmem:s17+$0x57B0]  }
0x11a: {  	v12 =	vimm.f32 $0.0e+00;
	v13 =	vimm.f32 $0.0e+00;
	v14 =	vld [tilespmem:s17+$0x57C0]  }
0x11b: {  	v6 =	vimm.f32 $0.0e+00;
	v7 =	vimm.f32 $0.0e+00;
	v10 =	vimm.f32 $0.0e+00;
	v15 =	vld [tilespmem:s17+$0x57D0]  }
0x11c: {  	s18 =	simm.s32 $0x400;
	v11 =	vimm.f32 $0.0e+00;
	v8 =	vimm.f32 $0.0e+00;
	v9 =	vimm.f32 $0.0e+00;
	v16 =	vld [tilespmem:s17+$0x57E0]  }
.LBB2_9:
0x11d: {  	p0 =	sne.s32 s18, $0x6000;
	v10 =	vadd.f32 v18, v10;
	v11 =	vadd.f32 v20, v11;
	v18 =	vld [tilespmem:s17+$0x57F0]  }
0x11e: {  	v12 =	vadd.f32 v17, v12;
	v13 =	vadd.f32 v19, v13;
	v17 =	vld [tilespmem:s17+$0x5860]  }
0x11f: {  	v10 =	vadd.f32 v2, v10;
	v11 =	vadd.f32 v4, v11;
	v19 =	vld [tilespmem:s17+$0x5870];
	s17 =	sshra.s32 s18, $0x2  }
0x120: {  	v12 =	vadd.f32 v3, v12;
	v2 =	vld [tilespmem:s17+$0x5800];
	v13 =	vadd.f32 v5, v13  }
0x121: {  	v6 =	vadd.f32 v14, v6;
	v7 =	vadd.f32 v15, v7;
	v4 =	vld [tilespmem:s17+$0x5810]  }
0x122: {  	v8 =	vadd.f32 v16, v8;
	v3 =	vld [tilespmem:s17+$0x5820];
	v9 =	vadd.f32 v18, v9  }
0x123: {  	v6 =	vadd.f32 v0, v6;
	v7 =	vadd.f32 v1, v7;
	v5 =	vld [tilespmem:s17+$0x5830]  }
0x124: {  	v8 =	vadd.f32 v17, v8;
	v0 =	vld [tilespmem:s17+$0x5840];
	v9 =	vadd.f32 v19, v9  }
0x125: {  	v1 =	vld [tilespmem:s17+$0x5850]  }
0x126: {  	v18 =	vld [tilespmem:s17+$0x5780]  }
0x127: {  	v20 =	vld [tilespmem:s17+$0x5790]  }
.Ltmp3:
0x128: {  	v17 =	vld [tilespmem:s17+$0x57A0];
	(pc) =	sbr.rel @p0 .LBB2_9-.Ltmp3, $4  }
0x129: {  	v19 =	vld [tilespmem:s17+$0x57B0]  }
0x12a: {  	v14 =	vld [tilespmem:s17+$0x57C0]  }
0x12b: {  	v15 =	vld [tilespmem:s17+$0x57D0]  }
0x12c: {  	s18 =	sadd.s32 $0x400, s18;
	v16 =	vld [tilespmem:s17+$0x57E0]  }
0x12d: {  	v10 =	vadd.f32 v18, v10;
	v11 =	vadd.f32 v20, v11  }
0x12e: {  	v18 =	vld [tilespmem:s17+$0x57F0];
	v12 =	vadd.f32 v17, v12;
	v13 =	vadd.f32 v19, v13  }
0x12f: {  	v2 =	vadd.f32 v2, v10;
	v4 =	vadd.f32 v4, v11  }
0x130: {  	v10 =	vld [tilespmem:s17+$0x5860];
	v3 =	vadd.f32 v3, v12;
	v6 =	vadd.f32 v14, v6  }
0x131: {  	v11 =	vld [tilespmem:s17+$0x5870];
	v5 =	vadd.f32 v5, v13;
	v7 =	vadd.f32 v15, v7  }
0x132: {  	v8 =	vadd.f32 v16, v8;
	v0 =	vadd.f32 v0, v6  }
0x133: {  	v2 =	vadd.f32 v3, v2;
	v9 =	vadd.f32 v18, v9  }
0x134: {  	v1 =	vadd.f32 v1, v7;
	v3 =	vadd.f32 v5, v4  }
0x135: {  	v0 =	vadd.f32 v0, v2;
	v4 =	vadd.f32 v10, v8  }
0x136: {  	v2 =	vadd.f32 v11, v9;
	v1 =	vadd.f32 v1, v3  }
0x137: {  	v0 =	vadd.f32 v4, v0  }
0x138: {  	v1 =	vadd.f32 v2, v1  }
0x139: {  	[tilespmem:s16+$0x19CE0] =	vst v0  }
0x13a: {  	s17 =	simm.s32 $0x0;
	[tilespmem:s16+$0x19CF0] =	vst v1  }
0x13b: {  	v2 =	vld [tilespmem:s17+$0x7100]  }
0x13c: {  	v4 =	vld [tilespmem:s17+$0x7110]  }
0x13d: {  	v3 =	vld [tilespmem:s17+$0x7120]  }
0x13e: {  	v5 =	vld [tilespmem:s17+$0x7130]  }
0x13f: {  	v0 =	vld [tilespmem:s17+$0x7140]  }
0x140: {  	v1 =	vld [tilespmem:s17+$0x7150]  }
0x141: {  	v18 =	vld [tilespmem:s17+$0x7080]  }
0x142: {  	v20 =	vld [tilespmem:s17+$0x7090]  }
0x143: {  	v17 =	vld [tilespmem:s17+$0x70A0]  }
0x144: {  	v19 =	vld [tilespmem:s17+$0x70B0]  }
0x145: {  	v12 =	vimm.f32 $0.0e+00;
	v13 =	vimm.f32 $0.0e+00;
	v14 =	vld [tilespmem:s17+$0x70C0]  }
0x146: {  	v6 =	vimm.f32 $0.0e+00;
	v7 =	vimm.f32 $0.0e+00;
	v10 =	vimm.f32 $0.0e+00;
	v15 =	vld [tilespmem:s17+$0x70D0]  }
0x147: {  	s18 =	simm.s32 $0x400;
	v11 =	vimm.f32 $0.0e+00;
	v8 =	vimm.f32 $0.0e+00;
	v9 =	vimm.f32 $0.0e+00;
	v16 =	vld [tilespmem:s17+$0x70E0]  }
.LBB2_11:
0x148: {  	p0 =	sne.s32 s18, $0x6000;
	v10 =	vadd.f32 v18, v10;
	v11 =	vadd.f32 v20, v11;
	v18 =	vld [tilespmem:s17+$0x70F0]  }
0x149: {  	v12 =	vadd.f32 v17, v12;
	v13 =	vadd.f32 v19, v13;
	v17 =	vld [tilespmem:s17+$0x7160]  }
0x14a: {  	v10 =	vadd.f32 v2, v10;
	v11 =	vadd.f32 v4, v11;
	v19 =	vld [tilespmem:s17+$0x7170];
	s17 =	sshra.s32 s18, $0x2  }
0x14b: {  	v12 =	vadd.f32 v3, v12;
	v2 =	vld [tilespmem:s17+$0x7100];
	v13 =	vadd.f32 v5, v13  }
0x14c: {  	v6 =	vadd.f32 v14, v6;
	v7 =	vadd.f32 v15, v7;
	v4 =	vld [tilespmem:s17+$0x7110]  }
0x14d: {  	v8 =	vadd.f32 v16, v8;
	v3 =	vld [tilespmem:s17+$0x7120];
	v9 =	vadd.f32 v18, v9  }
0x14e: {  	v6 =	vadd.f32 v0, v6;
	v7 =	vadd.f32 v1, v7;
	v5 =	vld [tilespmem:s17+$0x7130]  }
0x14f: {  	v8 =	vadd.f32 v17, v8;
	v0 =	vld [tilespmem:s17+$0x7140];
	v9 =	vadd.f32 v19, v9  }
0x150: {  	v1 =	vld [tilespmem:s17+$0x7150]  }
0x151: {  	v18 =	vld [tilespmem:s17+$0x7080]  }
0x152: {  	v20 =	vld [tilespmem:s17+$0x7090]  }
.Ltmp4:
0x153: {  	v17 =	vld [tilespmem:s17+$0x70A0];
	(pc) =	sbr.rel @p0 .LBB2_11-.Ltmp4, $4  }
0x154: {  	v19 =	vld [tilespmem:s17+$0x70B0]  }
0x155: {  	v14 =	vld [tilespmem:s17+$0x70C0]  }
0x156: {  	v15 =	vld [tilespmem:s17+$0x70D0]  }
0x157: {  	s18 =	sadd.s32 $0x400, s18;
	v16 =	vld [tilespmem:s17+$0x70E0]  }
0x158: {  	v10 =	vadd.f32 v18, v10;
	v11 =	vadd.f32 v20, v11  }
0x159: {  	v18 =	vld [tilespmem:s17+$0x70F0];
	v12 =	vadd.f32 v17, v12;
	v13 =	vadd.f32 v19, v13  }
0x15a: {  	v2 =	vadd.f32 v2, v10;
	v4 =	vadd.f32 v4, v11  }
0x15b: {  	v10 =	vld [tilespmem:s17+$0x7160];
	v3 =	vadd.f32 v3, v12;
	v6 =	vadd.f32 v14, v6  }
0x15c: {  	v11 =	vld [tilespmem:s17+$0x7170];
	v5 =	vadd.f32 v5, v13;
	v7 =	vadd.f32 v15, v7  }
0x15d: {  	v8 =	vadd.f32 v16, v8;
	v0 =	vadd.f32 v0, v6  }
0x15e: {  	v2 =	vadd.f32 v3, v2;
	v9 =	vadd.f32 v18, v9  }
0x15f: {  	v1 =	vadd.f32 v1, v7;
	v3 =	vadd.f32 v5, v4  }
0x160: {  	v0 =	vadd.f32 v0, v2;
	v4 =	vadd.f32 v10, v8  }
0x161: {  	v2 =	vadd.f32 v11, v9;
	v1 =	vadd.f32 v1, v3  }
0x162: {  	v0 =	vadd.f32 v4, v0  }
0x163: {  	v1 =	vadd.f32 v2, v1  }
0x164: {  	[tilespmem:s16+$0x19D00] =	vst v0  }
0x165: {  	s17 =	simm.s32 $0x0;
	[tilespmem:s16+$0x19D10] =	vst v1  }
0x166: {  	v2 =	vld [tilespmem:s17+$0x8A00]  }
0x167: {  	v4 =	vld [tilespmem:s17+$0x8A10]  }
0x168: {  	v3 =	vld [tilespmem:s17+$0x8A20]  }
0x169: {  	v5 =	vld [tilespmem:s17+$0x8A30]  }
0x16a: {  	v0 =	vld [tilespmem:s17+$0x8A40]  }
0x16b: {  	v1 =	vld [tilespmem:s17+$0x8A50]  }
0x16c: {  	v18 =	vld [tilespmem:s17+$0x8980]  }
0x16d: {  	v20 =	vld [tilespmem:s17+$0x8990]  }
0x16e: {  	v17 =	vld [tilespmem:s17+$0x89A0]  }
0x16f: {  	v19 =	vld [tilespmem:s17+$0x89B0]  }
0x170: {  	v12 =	vimm.f32 $0.0e+00;
	v13 =	vimm.f32 $0.0e+00;
	v14 =	vld [tilespmem:s17+$0x89C0]  }
0x171: {  	v6 =	vimm.f32 $0.0e+00;
	v7 =	vimm.f32 $0.0e+00;
	v10 =	vimm.f32 $0.0e+00;
	v15 =	vld [tilespmem:s17+$0x89D0]  }
0x172: {  	s18 =	simm.s32 $0x400;
	v11 =	vimm.f32 $0.0e+00;
	v8 =	vimm.f32 $0.0e+00;
	v9 =	vimm.f32 $0.0e+00;
	v16 =	vld [tilespmem:s17+$0x89E0]  }
.LBB2_13:
0x173: {  	p0 =	sne.s32 s18, $0x6000;
	v10 =	vadd.f32 v18, v10;
	v11 =	vadd.f32 v20, v11;
	v18 =	vld [tilespmem:s17+$0x89F0]  }
0x174: {  	v12 =	vadd.f32 v17, v12;
	v13 =	vadd.f32 v19, v13;
	v17 =	vld [tilespmem:s17+$0x8A60]  }
0x175: {  	v10 =	vadd.f32 v2, v10;
	v11 =	vadd.f32 v4, v11;
	v19 =	vld [tilespmem:s17+$0x8A70];
	s17 =	sshra.s32 s18, $0x2  }
0x176: {  	v12 =	vadd.f32 v3, v12;
	v2 =	vld [tilespmem:s17+$0x8A00];
	v13 =	vadd.f32 v5, v13  }
0x177: {  	v6 =	vadd.f32 v14, v6;
	v7 =	vadd.f32 v15, v7;
	v4 =	vld [tilespmem:s17+$0x8A10]  }
0x178: {  	v8 =	vadd.f32 v16, v8;
	v3 =	vld [tilespmem:s17+$0x8A20];
	v9 =	vadd.f32 v18, v9  }
0x179: {  	v6 =	vadd.f32 v0, v6;
	v7 =	vadd.f32 v1, v7;
	v5 =	vld [tilespmem:s17+$0x8A30]  }
0x17a: {  	v8 =	vadd.f32 v17, v8;
	v0 =	vld [tilespmem:s17+$0x8A40];
	v9 =	vadd.f32 v19, v9  }
0x17b: {  	v1 =	vld [tilespmem:s17+$0x8A50]  }
0x17c: {  	v18 =	vld [tilespmem:s17+$0x8980]  }
0x17d: {  	v20 =	vld [tilespmem:s17+$0x8990]  }
.Ltmp5:
0x17e: {  	v17 =	vld [tilespmem:s17+$0x89A0];
	(pc) =	sbr.rel @p0 .LBB2_13-.Ltmp5, $4  }
0x17f: {  	v19 =	vld [tilespmem:s17+$0x89B0]  }
0x180: {  	v14 =	vld [tilespmem:s17+$0x89C0]  }
0x181: {  	v15 =	vld [tilespmem:s17+$0x89D0]  }
0x182: {  	s18 =	sadd.s32 $0x400, s18;
	v16 =	vld [tilespmem:s17+$0x89E0]  }
0x183: {  	v10 =	vadd.f32 v18, v10;
	v11 =	vadd.f32 v20, v11  }
0x184: {  	v18 =	vld [tilespmem:s17+$0x89F0];
	v12 =	vadd.f32 v17, v12;
	v13 =	vadd.f32 v19, v13  }
0x185: {  	v2 =	vadd.f32 v2, v10;
	v4 =	vadd.f32 v4, v11  }
0x186: {  	v10 =	vld [tilespmem:s17+$0x8A60];
	v3 =	vadd.f32 v3, v12;
	v6 =	vadd.f32 v14, v6  }
0x187: {  	v11 =	vld [tilespmem:s17+$0x8A70];
	v5 =	vadd.f32 v5, v13;
	v7 =	vadd.f32 v15, v7  }
0x188: {  	v8 =	vadd.f32 v16, v8;
	v0 =	vadd.f32 v0, v6  }
0x189: {  	v2 =	vadd.f32 v3, v2;
	v9 =	vadd.f32 v18, v9  }
0x18a: {  	v1 =	vadd.f32 v1, v7;
	v3 =	vadd.f32 v5, v4  }
0x18b: {  	v0 =	vadd.f32 v0, v2;
	v4 =	vadd.f32 v10, v8  }
0x18c: {  	v2 =	vadd.f32 v11, v9;
	v1 =	vadd.f32 v1, v3  }
0x18d: {  	v0 =	vadd.f32 v4, v0  }
0x18e: {  	v1 =	vadd.f32 v2, v1  }
0x18f: {  	[tilespmem:s16+$0x19D20] =	vst v0  }
0x190: {  	s17 =	simm.s32 $0x0;
	[tilespmem:s16+$0x19D30] =	vst v1  }
0x191: {  	v2 =	vld [tilespmem:s17+$0xA300]  }
0x192: {  	v4 =	vld [tilespmem:s17+$0xA310]  }
0x193: {  	v3 =	vld [tilespmem:s17+$0xA320]  }
0x194: {  	v5 =	vld [tilespmem:s17+$0xA330]  }
0x195: {  	v0 =	vld [tilespmem:s17+$0xA340]  }
0x196: {  	v1 =	vld [tilespmem:s17+$0xA350]  }
0x197: {  	v18 =	vld [tilespmem:s17+$0xA280]  }
0x198: {  	v20 =	vld [tilespmem:s17+$0xA290]  }
0x199: {  	v17 =	vld [tilespmem:s17+$0xA2A0]  }
0x19a: {  	v19 =	vld [tilespmem:s17+$0xA2B0]  }
0x19b: {  	v12 =	vimm.f32 $0.0e+00;
	v13 =	vimm.f32 $0.0e+00;
	v14 =	vld [tilespmem:s17+$0xA2C0]  }
0x19c: {  	v6 =	vimm.f32 $0.0e+00;
	v7 =	vimm.f32 $0.0e+00;
	v10 =	vimm.f32 $0.0e+00;
	v15 =	vld [tilespmem:s17+$0xA2D0]  }
0x19d: {  	s18 =	simm.s32 $0x400;
	v11 =	vimm.f32 $0.0e+00;
	v8 =	vimm.f32 $0.0e+00;
	v9 =	vimm.f32 $0.0e+00;
	v16 =	vld [tilespmem:s17+$0xA2E0]  }
.LBB2_15:
0x19e: {  	p0 =	sne.s32 s18, $0x6000;
	v10 =	vadd.f32 v18, v10;
	v11 =	vadd.f32 v20, v11;
	v18 =	vld [tilespmem:s17+$0xA2F0]  }
0x19f: {  	v12 =	vadd.f32 v17, v12;
	v13 =	vadd.f32 v19, v13;
	v17 =	vld [tilespmem:s17+$0xA360]  }
0x1a0: {  	v10 =	vadd.f32 v2, v10;
	v11 =	vadd.f32 v4, v11;
	v19 =	vld [tilespmem:s17+$0xA370];
	s17 =	sshra.s32 s18, $0x2  }
0x1a1: {  	v12 =	vadd.f32 v3, v12;
	v2 =	vld [tilespmem:s17+$0xA300];
	v13 =	vadd.f32 v5, v13  }
0x1a2: {  	v6 =	vadd.f32 v14, v6;
	v7 =	vadd.f32 v15, v7;
	v4 =	vld [tilespmem:s17+$0xA310]  }
0x1a3: {  	v8 =	vadd.f32 v16, v8;
	v3 =	vld [tilespmem:s17+$0xA320];
	v9 =	vadd.f32 v18, v9  }
0x1a4: {  	v6 =	vadd.f32 v0, v6;
	v7 =	vadd.f32 v1, v7;
	v5 =	vld [tilespmem:s17+$0xA330]  }
0x1a5: {  	v8 =	vadd.f32 v17, v8;
	v0 =	vld [tilespmem:s17+$0xA340];
	v9 =	vadd.f32 v19, v9  }
0x1a6: {  	v1 =	vld [tilespmem:s17+$0xA350]  }
0x1a7: {  	v18 =	vld [tilespmem:s17+$0xA280]  }
0x1a8: {  	v20 =	vld [tilespmem:s17+$0xA290]  }
.Ltmp6:
0x1a9: {  	v17 =	vld [tilespmem:s17+$0xA2A0];
	(pc) =	sbr.rel @p0 .LBB2_15-.Ltmp6, $4  }
0x1aa: {  	v19 =	vld [tilespmem:s17+$0xA2B0]  }
0x1ab: {  	v14 =	vld [tilespmem:s17+$0xA2C0]  }
0x1ac: {  	v15 =	vld [tilespmem:s17+$0xA2D0]  }
0x1ad: {  	s18 =	sadd.s32 $0x400, s18;
	v16 =	vld [tilespmem:s17+$0xA2E0]  }
0x1ae: {  	v10 =	vadd.f32 v18, v10;
	v11 =	vadd.f32 v20, v11  }
0x1af: {  	v18 =	vld [tilespmem:s17+$0xA2F0];
	v12 =	vadd.f32 v17, v12;
	v13 =	vadd.f32 v19, v13  }
0x1b0: {  	v2 =	vadd.f32 v2, v10;
	v4 =	vadd.f32 v4, v11  }
0x1b1: {  	v10 =	vld [tilespmem:s17+$0xA360];
	v3 =	vadd.f32 v3, v12;
	v6 =	vadd.f32 v14, v6  }
0x1b2: {  	v11 =	vld [tilespmem:s17+$0xA370];
	v5 =	vadd.f32 v5, v13;
	v7 =	vadd.f32 v15, v7  }
0x1b3: {  	v8 =	vadd.f32 v16, v8;
	v0 =	vadd.f32 v0, v6  }
0x1b4: {  	v2 =	vadd.f32 v3, v2;
	v9 =	vadd.f32 v18, v9  }
0x1b5: {  	v1 =	vadd.f32 v1, v7;
	v3 =	vadd.f32 v5, v4  }
0x1b6: {  	v0 =	vadd.f32 v0, v2;
	v4 =	vadd.f32 v10, v8  }
0x1b7: {  	v2 =	vadd.f32 v11, v9;
	v1 =	vadd.f32 v1, v3  }
0x1b8: {  	v0 =	vadd.f32 v4, v0  }
0x1b9: {  	v1 =	vadd.f32 v2, v1  }
0x1ba: {  	[tilespmem:s16+$0x19D40] =	vst v0  }
0x1bb: {  	s17 =	simm.s32 $0x0;
	[tilespmem:s16+$0x19D50] =	vst v1  }
0x1bc: {  	v2 =	vld [tilespmem:s17+$0xBC00]  }
0x1bd: {  	v4 =	vld [tilespmem:s17+$0xBC10]  }
0x1be: {  	v3 =	vld [tilespmem:s17+$0xBC20]  }
0x1bf: {  	v5 =	vld [tilespmem:s17+$0xBC30]  }
0x1c0: {  	v0 =	vld [tilespmem:s17+$0xBC40]  }
0x1c1: {  	v1 =	vld [tilespmem:s17+$0xBC50]  }
0x1c2: {  	v18 =	vld [tilespmem:s17+$0xBB80]  }
0x1c3: {  	v20 =	vld [tilespmem:s17+$0xBB90]  }
0x1c4: {  	v17 =	vld [tilespmem:s17+$0xBBA0]  }
0x1c5: {  	v19 =	vld [tilespmem:s17+$0xBBB0]  }
0x1c6: {  	v12 =	vimm.f32 $0.0e+00;
	v13 =	vimm.f32 $0.0e+00;
	v14 =	vld [tilespmem:s17+$0xBBC0]  }
0x1c7: {  	v6 =	vimm.f32 $0.0e+00;
	v7 =	vimm.f32 $0.0e+00;
	v10 =	vimm.f32 $0.0e+00;
	v15 =	vld [tilespmem:s17+$0xBBD0]  }
0x1c8: {  	s18 =	simm.s32 $0x400;
	v11 =	vimm.f32 $0.0e+00;
	v8 =	vimm.f32 $0.0e+00;
	v9 =	vimm.f32 $0.0e+00;
	v16 =	vld [tilespmem:s17+$0xBBE0]  }
.LBB2_17:
0x1c9: {  	p0 =	sne.s32 s18, $0x6000;
	v10 =	vadd.f32 v18, v10;
	v11 =	vadd.f32 v20, v11;
	v18 =	vld [tilespmem:s17+$0xBBF0]  }
0x1ca: {  	v12 =	vadd.f32 v17, v12;
	v13 =	vadd.f32 v19, v13;
	v17 =	vld [tilespmem:s17+$0xBC60]  }
0x1cb: {  	v10 =	vadd.f32 v2, v10;
	v11 =	vadd.f32 v4, v11;
	v19 =	vld [tilespmem:s17+$0xBC70];
	s17 =	sshra.s32 s18, $0x2  }
0x1cc: {  	v12 =	vadd.f32 v3, v12;
	v2 =	vld [tilespmem:s17+$0xBC00];
	v13 =	vadd.f32 v5, v13  }
0x1cd: {  	v6 =	vadd.f32 v14, v6;
	v7 =	vadd.f32 v15, v7;
	v4 =	vld [tilespmem:s17+$0xBC10]  }
0x1ce: {  	v8 =	vadd.f32 v16, v8;
	v3 =	vld [tilespmem:s17+$0xBC20];
	v9 =	vadd.f32 v18, v9  }
0x1cf: {  	v6 =	vadd.f32 v0, v6;
	v7 =	vadd.f32 v1, v7;
	v5 =	vld [tilespmem:s17+$0xBC30]  }
0x1d0: {  	v8 =	vadd.f32 v17, v8;
	v0 =	vld [tilespmem:s17+$0xBC40];
	v9 =	vadd.f32 v19, v9  }
0x1d1: {  	v1 =	vld [tilespmem:s17+$0xBC50]  }
0x1d2: {  	v18 =	vld [tilespmem:s17+$0xBB80]  }
0x1d3: {  	v20 =	vld [tilespmem:s17+$0xBB90]  }
.Ltmp7:
0x1d4: {  	v17 =	vld [tilespmem:s17+$0xBBA0];
	(pc) =	sbr.rel @p0 .LBB2_17-.Ltmp7, $4  }
0x1d5: {  	v19 =	vld [tilespmem:s17+$0xBBB0]  }
0x1d6: {  	v14 =	vld [tilespmem:s17+$0xBBC0]  }
0x1d7: {  	v15 =	vld [tilespmem:s17+$0xBBD0]  }
0x1d8: {  	s18 =	sadd.s32 $0x400, s18;
	v16 =	vld [tilespmem:s17+$0xBBE0]  }
0x1d9: {  	v10 =	vadd.f32 v18, v10;
	v11 =	vadd.f32 v20, v11  }
0x1da: {  	v18 =	vld [tilespmem:s17+$0xBBF0];
	v12 =	vadd.f32 v17, v12;
	v13 =	vadd.f32 v19, v13  }
0x1db: {  	v2 =	vadd.f32 v2, v10;
	v4 =	vadd.f32 v4, v11  }
0x1dc: {  	v10 =	vld [tilespmem:s17+$0xBC60];
	v3 =	vadd.f32 v3, v12;
	v6 =	vadd.f32 v14, v6  }
0x1dd: {  	v11 =	vld [tilespmem:s17+$0xBC70];
	v5 =	vadd.f32 v5, v13;
	v7 =	vadd.f32 v15, v7  }
0x1de: {  	v8 =	vadd.f32 v16, v8;
	v0 =	vadd.f32 v0, v6  }
0x1df: {  	v2 =	vadd.f32 v3, v2;
	v9 =	vadd.f32 v18, v9  }
0x1e0: {  	v1 =	vadd.f32 v1, v7;
	v3 =	vadd.f32 v5, v4  }
0x1e1: {  	p0 =	seq.s32 s14, $0x1F;
	v0 =	vadd.f32 v0, v2;
	v4 =	vadd.f32 v10, v8  }
0x1e2: {  	s17 =	sshll.u32 @!p0 s14, $0x4;
	v2 =	vadd.f32 v11, v9;
	v1 =	vadd.f32 v1, v3  }
0x1e3: {  	s17 =	sadd.s32 @!p0 s17, s7;
	v0 =	vadd.f32 v4, v0  }
0x1e4: {  	s17 =	smul.u32 @!p0 $0x19, s17;
	v1 =	vadd.f32 v2, v1  }
0x1e5: {  	[tilespmem:s16+$0x19D60] =	vst v0  }
0x1e6: {  	[tilespmem:s16+$0x19D70] =	vst v1;
	s16 =	sadd.s32 @!p0 s3, s17;
	s17 =	simm.s32 @!p0 $0x0  }
0x1e7: {  	[tilespmem:s17], [sflag:$0x3] =	stream.linear.gather @!p0 [hbm4b:s16+s17], $0x640, $0x38;
	[tilespmem:$0x1DC80] =	vst v63  }
0x1e8: {  	s16 =	simm.s32 @!p0 $0x3  }
0x1e9: {  	_ =	swait.ge @!p0 [sflag:s16], $0x640  }
0x1ea: {  	[sflag:s16] =	ssyncset.done @!p0 $0x0  }
0x1eb: {  	s18 =	simm.s32 @!p0 $0xC80;
	[sflag:s16] =	ssyncadd.s32 @!p0 $0xFFFFF9C0;
	s16 =	simm.s32 @!p0 $0x68  }
0x1ec: {  	[tilespmem:s18], [sflag:$0x1] =	stream.indirect.gather @!p0 [hbm4b:s4+s16], $0x20, s17, s16, $0xb8;
	[tilespmem:$0x1DC80] =	vst v63  }
0x1ed: {  	s17 =	simm.s32 @!p0 $0x60;
	s18 =	simm.s32 @!p0 $0x1980  }
0x1ee: {  	[tilespmem:s18], [sflag:$0x1] =	stream.indirect.gather @!p0 [hbm4b:s4+s17], $0x20, s16, s17, $0xb8;
	[tilespmem:$0x1DC80] =	vst v63  }
0x1ef: {  	s19 =	simm.s32 @!p0 $0x2580;
	s18 =	simm.s32 @!p0 $0xC8  }
0x1f0: {  	[tilespmem:s19], [sflag:$0x1] =	stream.indirect.gather @!p0 [hbm4b:s4+s16], $0x20, s18, s16, $0xb8;
	[tilespmem:$0x1DC80] =	vst v63  }
0x1f1: {  	s18 =	simm.s32 @!p0 $0x130;
	s19 =	simm.s32 @!p0 $0x3280  }
0x1f2: {  	[tilespmem:s19], [sflag:$0x1] =	stream.indirect.gather @!p0 [hbm4b:s4+s17], $0x20, s18, s17, $0xb8;
	[tilespmem:$0x1DC80] =	vst v63  }
0x1f3: {  	s18 =	simm.s32 @!p0 $0x190;
	s19 =	simm.s32 @!p0 $0x3E80  }
0x1f4: {  	[tilespmem:s19], [sflag:$0x1] =	stream.indirect.gather @!p0 [hbm4b:s4+s16], $0x20, s18, s16, $0xb8;
	[tilespmem:$0x1DC80] =	vst v63  }
0x1f5: {  	s18 =	simm.s32 @!p0 $0x1F8;
	s19 =	simm.s32 @!p0 $0x4B80  }
0x1f6: {  	[tilespmem:s19], [sflag:$0x1] =	stream.indirect.gather @!p0 [hbm4b:s4+s17], $0x20, s18, s17, $0xb8;
	[tilespmem:$0x1DC80] =	vst v63  }
0x1f7: {  	s18 =	simm.s32 @!p0 $0x258;
	s19 =	simm.s32 @!p0 $0x5780  }
0x1f8: {  	[tilespmem:s19], [sflag:$0x1] =	stream.indirect.gather @!p0 [hbm4b:s4+s16], $0x20, s18, s16, $0xb8;
	[tilespmem:$0x1DC80] =	vst v63  }
0x1f9: {  	s18 =	simm.s32 @!p0 $0x2C0;
	s19 =	simm.s32 @!p0 $0x6480  }
0x1fa: {  	[tilespmem:s19], [sflag:$0x1] =	stream.indirect.gather @!p0 [hbm4b:s4+s17], $0x20, s18, s17, $0xb8;
	[tilespmem:$0x1DC80] =	vst v63  }
0x1fb: {  	s18 =	simm.s32 @!p0 $0x320;
	s19 =	simm.s32 @!p0 $0x7080  }
0x1fc: {  	[tilespmem:s19], [sflag:$0x1] =	stream.indirect.gather @!p0 [hbm4b:s4+s16], $0x20, s18, s16, $0xb8;
	[tilespmem:$0x1DC80] =	vst v63  }
0x1fd: {  	s18 =	simm.s32 @!p0 $0x388;
	s19 =	simm.s32 @!p0 $0x7D80  }
0x1fe: {  	[tilespmem:s19], [sflag:$0x1] =	stream.indirect.gather @!p0 [hbm4b:s4+s17], $0x20, s18, s17, $0xb8;
	[tilespmem:$0x1DC80] =	vst v63  }
0x1ff: {  	s18 =	simm.s32 @!p0 $0x3E8;
	s19 =	simm.s32 @!p0 $0x8980  }
0x200: {  	[tilespmem:s19], [sflag:$0x1] =	stream.indirect.gather @!p0 [hbm4b:s4+s16], $0x20, s18, s16, $0xb8;
	[tilespmem:$0x1DC80] =	vst v63  }
0x201: {  	s18 =	simm.s32 @!p0 $0x450;
	s19 =	simm.s32 @!p0 $0x9680  }
0x202: {  	[tilespmem:s19], [sflag:$0x1] =	stream.indirect.gather @!p0 [hbm4b:s4+s17], $0x20, s18, s17, $0xb8;
	[tilespmem:$0x1DC80] =	vst v63  }
0x203: {  	s18 =	simm.s32 @!p0 $0x4B0;
	s19 =	simm.s32 @!p0 $0xA280  }
0x204: {  	[tilespmem:s19], [sflag:$0x1] =	stream.indirect.gather @!p0 [hbm4b:s4+s16], $0x20, s18, s16, $0xb8;
	[tilespmem:$0x1DC80] =	vst v63  }
0x205: {  	s18 =	simm.s32 @!p0 $0x518;
	s19 =	simm.s32 @!p0 $0xAF80  }
0x206: {  	[tilespmem:s19], [sflag:$0x1] =	stream.indirect.gather @!p0 [hbm4b:s4+s17], $0x20, s18, s17, $0xb8;
	[tilespmem:$0x1DC80] =	vst v63  }
0x207: {  	s18 =	simm.s32 @!p0 $0x578;
	s19 =	simm.s32 @!p0 $0xBB80  }
0x208: {  	[tilespmem:s19], [sflag:$0x1] =	stream.indirect.gather @!p0 [hbm4b:s4+s16], $0x20, s18, s16, $0xb8;
	[tilespmem:$0x1DC80] =	vst v63  }
0x209: {  	s16 =	simm.s32 @!p0 $0x5E0;
	s18 =	simm.s32 @!p0 $0xC880  }
0x20a: {  	[tilespmem:s18], [sflag:$0x1] =	stream.indirect.gather @!p0 [hbm4b:s4+s17], $0x20, s16, s17, $0xb8;
	[tilespmem:$0x1DC80] =	vst v63  }
0x20b: {  	_ =	swait.ge [sflag:s12], $0xD00  }
0x20c: {  	[sflag:s12] =	ssyncset.done $0x0  }
0x20d: {  	[sflag:s12] =	ssyncadd.s32 $0xFFFFF300  }
0x20e: {  	_ =	swait.ge [sflag:s12], $0xC00  }
0x20f: {  	[sflag:s12] =	ssyncset.done $0x0  }
0x210: {  	[sflag:s12] =	ssyncadd.s32 $0xFFFFF400  }
0x211: {  	_ =	swait.ge [sflag:s12], $0xD00  }
0x212: {  	[sflag:s12] =	ssyncset.done $0x0  }
0x213: {  	[sflag:s12] =	ssyncadd.s32 $0xFFFFF300  }
0x214: {  	_ =	swait.ge [sflag:s12], $0xC00  }
0x215: {  	[sflag:s12] =	ssyncset.done $0x0  }
0x216: {  	[sflag:s12] =	ssyncadd.s32 $0xFFFFF400  }
0x217: {  	_ =	swait.ge [sflag:s12], $0xD00  }
0x218: {  	[sflag:s12] =	ssyncset.done $0x0  }
0x219: {  	[sflag:s12] =	ssyncadd.s32 $0xFFFFF300  }
0x21a: {  	_ =	swait.ge [sflag:s12], $0xC00  }
0x21b: {  	[sflag:s12] =	ssyncset.done $0x0  }
0x21c: {  	[sflag:s12] =	ssyncadd.s32 $0xFFFFF400  }
0x21d: {  	_ =	swait.ge [sflag:s12], $0xD00  }
0x21e: {  	[sflag:s12] =	ssyncset.done $0x0  }
0x21f: {  	[sflag:s12] =	ssyncadd.s32 $0xFFFFF300  }
0x220: {  	_ =	swait.ge [sflag:s12], $0xC00  }
0x221: {  	[sflag:s12] =	ssyncset.done $0x0  }
0x222: {  	[sflag:s12] =	ssyncadd.s32 $0xFFFFF400  }
0x223: {  	_ =	swait.ge [sflag:s12], $0xD00  }
0x224: {  	[sflag:s12] =	ssyncset.done $0x0  }
0x225: {  	[sflag:s12] =	ssyncadd.s32 $0xFFFFF300  }
0x226: {  	_ =	swait.ge [sflag:s12], $0xC00  }
0x227: {  	[sflag:s12] =	ssyncset.done $0x0  }
0x228: {  	[sflag:s12] =	ssyncadd.s32 $0xFFFFF400  }
0x229: {  	_ =	swait.ge [sflag:s12], $0xD00  }
0x22a: {  	[sflag:s12] =	ssyncset.done $0x0  }
0x22b: {  	[sflag:s12] =	ssyncadd.s32 $0xFFFFF300  }
0x22c: {  	_ =	swait.ge [sflag:s12], $0xC00  }
0x22d: {  	[sflag:s12] =	ssyncset.done $0x0  }
0x22e: {  	[sflag:s12] =	ssyncadd.s32 $0xFFFFF400  }
0x22f: {  	_ =	swait.ge [sflag:s12], $0xD00  }
0x230: {  	[sflag:s12] =	ssyncset.done $0x0  }
0x231: {  	[sflag:s12] =	ssyncadd.s32 $0xFFFFF300  }
0x232: {  	_ =	swait.ge [sflag:s12], $0xC00  }
0x233: {  	[sflag:s12] =	ssyncset.done $0x0  }
0x234: {  	[sflag:s12] =	ssyncadd.s32 $0xFFFFF400  }
0x235: {  	_ =	swait.ge [sflag:s12], $0xD00  }
0x236: {  	[sflag:s12] =	ssyncset.done $0x0  }
0x237: {  	[sflag:s12] =	ssyncadd.s32 $0xFFFFF300  }
0x238: {  	_ =	swait.ge [sflag:s12], $0xC00  }
0x239: {  	[sflag:s12] =	ssyncset.done $0x0  }
0x23a: {  	s16 =	simm.s32 $0x0;
	[sflag:s12] =	ssyncadd.s32 $0xFFFFF400  }
0x23b: {  	v2 =	vld [tilespmem:s16+$0xD500]  }
0x23c: {  	v4 =	vld [tilespmem:s16+$0xD510]  }
0x23d: {  	v3 =	vld [tilespmem:s16+$0xD520]  }
0x23e: {  	v5 =	vld [tilespmem:s16+$0xD530]  }
0x23f: {  	v0 =	vld [tilespmem:s16+$0xD540]  }
0x240: {  	v1 =	vld [tilespmem:s16+$0xD550]  }
0x241: {  	v18 =	vld [tilespmem:s16+$0xD480]  }
0x242: {  	v20 =	vld [tilespmem:s16+$0xD490]  }
0x243: {  	v17 =	vld [tilespmem:s16+$0xD4A0]  }
0x244: {  	v19 =	vld [tilespmem:s16+$0xD4B0]  }
0x245: {  	v12 =	vimm.f32 $0.0e+00;
	v13 =	vimm.f32 $0.0e+00;
	v14 =	vld [tilespmem:s16+$0xD4C0]  }
0x246: {  	v6 =	vimm.f32 $0.0e+00;
	v7 =	vimm.f32 $0.0e+00;
	v10 =	vimm.f32 $0.0e+00;
	v15 =	vld [tilespmem:s16+$0xD4D0]  }
0x247: {  	v11 =	vimm.f32 $0.0e+00;
	v8 =	vimm.f32 $0.0e+00;
	v9 =	vimm.f32 $0.0e+00;
	s17 =	simm.s32 $0x400;
	v16 =	vld [tilespmem:s16+$0xD4E0]  }
.LBB2_19:
0x248: {  	p0 =	sne.s32 s17, $0x6000;
	v10 =	vadd.f32 v18, v10;
	v11 =	vadd.f32 v20, v11;
	v18 =	vld [tilespmem:s16+$0xD4F0]  }
0x249: {  	v12 =	vadd.f32 v17, v12;
	v13 =	vadd.f32 v19, v13;
	v17 =	vld [tilespmem:s16+$0xD560]  }
0x24a: {  	v10 =	vadd.f32 v2, v10;
	v11 =	vadd.f32 v4, v11;
	v19 =	vld [tilespmem:s16+$0xD570];
	s16 =	sshra.s32 s17, $0x2  }
0x24b: {  	v12 =	vadd.f32 v3, v12;
	v2 =	vld [tilespmem:s16+$0xD500];
	v13 =	vadd.f32 v5, v13  }
0x24c: {  	v6 =	vadd.f32 v14, v6;
	v7 =	vadd.f32 v15, v7;
	v4 =	vld [tilespmem:s16+$0xD510]  }
0x24d: {  	v8 =	vadd.f32 v16, v8;
	v3 =	vld [tilespmem:s16+$0xD520];
	v9 =	vadd.f32 v18, v9  }
0x24e: {  	v6 =	vadd.f32 v0, v6;
	v7 =	vadd.f32 v1, v7;
	v5 =	vld [tilespmem:s16+$0xD530]  }
0x24f: {  	v8 =	vadd.f32 v17, v8;
	v0 =	vld [tilespmem:s16+$0xD540];
	v9 =	vadd.f32 v19, v9  }
0x250: {  	v1 =	vld [tilespmem:s16+$0xD550]  }
0x251: {  	v18 =	vld [tilespmem:s16+$0xD480]  }
0x252: {  	v20 =	vld [tilespmem:s16+$0xD490]  }
.Ltmp8:
0x253: {  	v17 =	vld [tilespmem:s16+$0xD4A0];
	(pc) =	sbr.rel @p0 .LBB2_19-.Ltmp8, $4  }
0x254: {  	v19 =	vld [tilespmem:s16+$0xD4B0]  }
0x255: {  	v14 =	vld [tilespmem:s16+$0xD4C0]  }
0x256: {  	v15 =	vld [tilespmem:s16+$0xD4D0]  }
0x257: {  	s17 =	sadd.s32 $0x400, s17;
	v16 =	vld [tilespmem:s16+$0xD4E0]  }
0x258: {  	v10 =	vadd.f32 v18, v10;
	v11 =	vadd.f32 v20, v11  }
0x259: {  	v18 =	vld [tilespmem:s16+$0xD4F0];
	v12 =	vadd.f32 v17, v12;
	v13 =	vadd.f32 v19, v13  }
0x25a: {  	v2 =	vadd.f32 v2, v10;
	v4 =	vadd.f32 v4, v11  }
0x25b: {  	v10 =	vld [tilespmem:s16+$0xD560];
	v3 =	vadd.f32 v3, v12;
	v6 =	vadd.f32 v14, v6  }
0x25c: {  	v11 =	vld [tilespmem:s16+$0xD570];
	v5 =	vadd.f32 v5, v13;
	v7 =	vadd.f32 v15, v7  }
0x25d: {  	v8 =	vadd.f32 v16, v8;
	v0 =	vadd.f32 v0, v6  }
0x25e: {  	v2 =	vadd.f32 v3, v2;
	v9 =	vadd.f32 v18, v9  }
0x25f: {  	v1 =	vadd.f32 v1, v7;
	v3 =	vadd.f32 v5, v4  }
0x260: {  	v0 =	vadd.f32 v0, v2;
	v4 =	vadd.f32 v10, v8  }
0x261: {  	v2 =	vadd.f32 v11, v9;
	v1 =	vadd.f32 v1, v3  }
0x262: {  	s15 =	sshll.u32 s15, $0x8;
	v0 =	vadd.f32 v4, v0  }
0x263: {  	s15 =	sand.u32 $0x3FFFFF00, s15;
	v1 =	vadd.f32 v2, v1  }
0x264: {  	[tilespmem:s15+$0x19C80] =	vst v0  }
0x265: {  	s16 =	simm.s32 $0x0;
	[tilespmem:s15+$0x19C90] =	vst v1  }
0x266: {  	v2 =	vld [tilespmem:s16+$0xEE00]  }
0x267: {  	v4 =	vld [tilespmem:s16+$0xEE10]  }
0x268: {  	v3 =	vld [tilespmem:s16+$0xEE20]  }
0x269: {  	v5 =	vld [tilespmem:s16+$0xEE30]  }
0x26a: {  	v0 =	vld [tilespmem:s16+$0xEE40]  }
0x26b: {  	v1 =	vld [tilespmem:s16+$0xEE50]  }
0x26c: {  	v18 =	vld [tilespmem:s16+$0xED80]  }
0x26d: {  	v20 =	vld [tilespmem:s16+$0xED90]  }
0x26e: {  	v17 =	vld [tilespmem:s16+$0xEDA0]  }
0x26f: {  	v19 =	vld [tilespmem:s16+$0xEDB0]  }
0x270: {  	v12 =	vimm.f32 $0.0e+00;
	v13 =	vimm.f32 $0.0e+00;
	v14 =	vld [tilespmem:s16+$0xEDC0]  }
0x271: {  	v6 =	vimm.f32 $0.0e+00;
	v7 =	vimm.f32 $0.0e+00;
	v10 =	vimm.f32 $0.0e+00;
	v15 =	vld [tilespmem:s16+$0xEDD0]  }
0x272: {  	s17 =	simm.s32 $0x400;
	v11 =	vimm.f32 $0.0e+00;
	v8 =	vimm.f32 $0.0e+00;
	v9 =	vimm.f32 $0.0e+00;
	v16 =	vld [tilespmem:s16+$0xEDE0]  }
.LBB2_21:
0x273: {  	p0 =	sne.s32 s17, $0x6000;
	v10 =	vadd.f32 v18, v10;
	v11 =	vadd.f32 v20, v11;
	v18 =	vld [tilespmem:s16+$0xEDF0]  }
0x274: {  	v12 =	vadd.f32 v17, v12;
	v13 =	vadd.f32 v19, v13;
	v17 =	vld [tilespmem:s16+$0xEE60]  }
0x275: {  	v10 =	vadd.f32 v2, v10;
	v11 =	vadd.f32 v4, v11;
	v19 =	vld [tilespmem:s16+$0xEE70];
	s16 =	sshra.s32 s17, $0x2  }
0x276: {  	v12 =	vadd.f32 v3, v12;
	v2 =	vld [tilespmem:s16+$0xEE00];
	v13 =	vadd.f32 v5, v13  }
0x277: {  	v6 =	vadd.f32 v14, v6;
	v7 =	vadd.f32 v15, v7;
	v4 =	vld [tilespmem:s16+$0xEE10]  }
0x278: {  	v8 =	vadd.f32 v16, v8;
	v3 =	vld [tilespmem:s16+$0xEE20];
	v9 =	vadd.f32 v18, v9  }
0x279: {  	v6 =	vadd.f32 v0, v6;
	v7 =	vadd.f32 v1, v7;
	v5 =	vld [tilespmem:s16+$0xEE30]  }
0x27a: {  	v8 =	vadd.f32 v17, v8;
	v0 =	vld [tilespmem:s16+$0xEE40];
	v9 =	vadd.f32 v19, v9  }
0x27b: {  	v1 =	vld [tilespmem:s16+$0xEE50]  }
0x27c: {  	v18 =	vld [tilespmem:s16+$0xED80]  }
0x27d: {  	v20 =	vld [tilespmem:s16+$0xED90]  }
.Ltmp9:
0x27e: {  	v17 =	vld [tilespmem:s16+$0xEDA0];
	(pc) =	sbr.rel @p0 .LBB2_21-.Ltmp9, $4  }
0x27f: {  	v19 =	vld [tilespmem:s16+$0xEDB0]  }
0x280: {  	v14 =	vld [tilespmem:s16+$0xEDC0]  }
0x281: {  	v15 =	vld [tilespmem:s16+$0xEDD0]  }
0x282: {  	s17 =	sadd.s32 $0x400, s17;
	v16 =	vld [tilespmem:s16+$0xEDE0]  }
0x283: {  	v10 =	vadd.f32 v18, v10;
	v11 =	vadd.f32 v20, v11  }
0x284: {  	v18 =	vld [tilespmem:s16+$0xEDF0];
	v12 =	vadd.f32 v17, v12;
	v13 =	vadd.f32 v19, v13  }
0x285: {  	v2 =	vadd.f32 v2, v10;
	v4 =	vadd.f32 v4, v11  }
0x286: {  	v10 =	vld [tilespmem:s16+$0xEE60];
	v3 =	vadd.f32 v3, v12;
	v6 =	vadd.f32 v14, v6  }
0x287: {  	v11 =	vld [tilespmem:s16+$0xEE70];
	v5 =	vadd.f32 v5, v13;
	v7 =	vadd.f32 v15, v7  }
0x288: {  	v8 =	vadd.f32 v16, v8;
	v0 =	vadd.f32 v0, v6  }
0x289: {  	v2 =	vadd.f32 v3, v2;
	v9 =	vadd.f32 v18, v9  }
0x28a: {  	v1 =	vadd.f32 v1, v7;
	v3 =	vadd.f32 v5, v4  }
0x28b: {  	v0 =	vadd.f32 v0, v2;
	v4 =	vadd.f32 v10, v8  }
0x28c: {  	v2 =	vadd.f32 v11, v9;
	v1 =	vadd.f32 v1, v3  }
0x28d: {  	v0 =	vadd.f32 v4, v0  }
0x28e: {  	v1 =	vadd.f32 v2, v1  }
0x28f: {  	[tilespmem:s15+$0x19CA0] =	vst v0  }
0x290: {  	s16 =	simm.s32 $0x0;
	[tilespmem:s15+$0x19CB0] =	vst v1  }
0x291: {  	v2 =	vld [tilespmem:s16+$0x10700]  }
0x292: {  	v4 =	vld [tilespmem:s16+$0x10710]  }
0x293: {  	v3 =	vld [tilespmem:s16+$0x10720]  }
0x294: {  	v5 =	vld [tilespmem:s16+$0x10730]  }
0x295: {  	v0 =	vld [tilespmem:s16+$0x10740]  }
0x296: {  	v1 =	vld [tilespmem:s16+$0x10750]  }
0x297: {  	v18 =	vld [tilespmem:s16+$0x10680]  }
0x298: {  	v20 =	vld [tilespmem:s16+$0x10690]  }
0x299: {  	v17 =	vld [tilespmem:s16+$0x106A0]  }
0x29a: {  	v19 =	vld [tilespmem:s16+$0x106B0]  }
0x29b: {  	v12 =	vimm.f32 $0.0e+00;
	v13 =	vimm.f32 $0.0e+00;
	v14 =	vld [tilespmem:s16+$0x106C0]  }
0x29c: {  	v6 =	vimm.f32 $0.0e+00;
	v7 =	vimm.f32 $0.0e+00;
	v10 =	vimm.f32 $0.0e+00;
	v15 =	vld [tilespmem:s16+$0x106D0]  }
0x29d: {  	s17 =	simm.s32 $0x400;
	v11 =	vimm.f32 $0.0e+00;
	v8 =	vimm.f32 $0.0e+00;
	v9 =	vimm.f32 $0.0e+00;
	v16 =	vld [tilespmem:s16+$0x106E0]  }
.LBB2_23:
0x29e: {  	p0 =	sne.s32 s17, $0x6000;
	v10 =	vadd.f32 v18, v10;
	v11 =	vadd.f32 v20, v11;
	v18 =	vld [tilespmem:s16+$0x106F0]  }
0x29f: {  	v12 =	vadd.f32 v17, v12;
	v13 =	vadd.f32 v19, v13;
	v17 =	vld [tilespmem:s16+$0x10760]  }
0x2a0: {  	v10 =	vadd.f32 v2, v10;
	v11 =	vadd.f32 v4, v11;
	v19 =	vld [tilespmem:s16+$0x10770];
	s16 =	sshra.s32 s17, $0x2  }
0x2a1: {  	v12 =	vadd.f32 v3, v12;
	v2 =	vld [tilespmem:s16+$0x10700];
	v13 =	vadd.f32 v5, v13  }
0x2a2: {  	v6 =	vadd.f32 v14, v6;
	v7 =	vadd.f32 v15, v7;
	v4 =	vld [tilespmem:s16+$0x10710]  }
0x2a3: {  	v8 =	vadd.f32 v16, v8;
	v3 =	vld [tilespmem:s16+$0x10720];
	v9 =	vadd.f32 v18, v9  }
0x2a4: {  	v6 =	vadd.f32 v0, v6;
	v7 =	vadd.f32 v1, v7;
	v5 =	vld [tilespmem:s16+$0x10730]  }
0x2a5: {  	v8 =	vadd.f32 v17, v8;
	v0 =	vld [tilespmem:s16+$0x10740];
	v9 =	vadd.f32 v19, v9  }
0x2a6: {  	v1 =	vld [tilespmem:s16+$0x10750]  }
0x2a7: {  	v18 =	vld [tilespmem:s16+$0x10680]  }
0x2a8: {  	v20 =	vld [tilespmem:s16+$0x10690]  }
.Ltmp10:
0x2a9: {  	v17 =	vld [tilespmem:s16+$0x106A0];
	(pc) =	sbr.rel @p0 .LBB2_23-.Ltmp10, $4  }
0x2aa: {  	v19 =	vld [tilespmem:s16+$0x106B0]  }
0x2ab: {  	v14 =	vld [tilespmem:s16+$0x106C0]  }
0x2ac: {  	v15 =	vld [tilespmem:s16+$0x106D0]  }
0x2ad: {  	s17 =	sadd.s32 $0x400, s17;
	v16 =	vld [tilespmem:s16+$0x106E0]  }
0x2ae: {  	v10 =	vadd.f32 v18, v10;
	v11 =	vadd.f32 v20, v11  }
0x2af: {  	v18 =	vld [tilespmem:s16+$0x106F0];
	v12 =	vadd.f32 v17, v12;
	v13 =	vadd.f32 v19, v13  }
0x2b0: {  	v2 =	vadd.f32 v2, v10;
	v4 =	vadd.f32 v4, v11  }
0x2b1: {  	v10 =	vld [tilespmem:s16+$0x10760];
	v3 =	vadd.f32 v3, v12;
	v6 =	vadd.f32 v14, v6  }
0x2b2: {  	v11 =	vld [tilespmem:s16+$0x10770];
	v5 =	vadd.f32 v5, v13;
	v7 =	vadd.f32 v15, v7  }
0x2b3: {  	v8 =	vadd.f32 v16, v8;
	v0 =	vadd.f32 v0, v6  }
0x2b4: {  	v2 =	vadd.f32 v3, v2;
	v9 =	vadd.f32 v18, v9  }
0x2b5: {  	v1 =	vadd.f32 v1, v7;
	v3 =	vadd.f32 v5, v4  }
0x2b6: {  	v0 =	vadd.f32 v0, v2;
	v4 =	vadd.f32 v10, v8  }
0x2b7: {  	v2 =	vadd.f32 v11, v9;
	v1 =	vadd.f32 v1, v3  }
0x2b8: {  	v0 =	vadd.f32 v4, v0  }
0x2b9: {  	v1 =	vadd.f32 v2, v1  }
0x2ba: {  	[tilespmem:s15+$0x19CC0] =	vst v0  }
0x2bb: {  	s16 =	simm.s32 $0x0;
	[tilespmem:s15+$0x19CD0] =	vst v1  }
0x2bc: {  	v2 =	vld [tilespmem:s16+$0x12000]  }
0x2bd: {  	v4 =	vld [tilespmem:s16+$0x12010]  }
0x2be: {  	v3 =	vld [tilespmem:s16+$0x12020]  }
0x2bf: {  	v5 =	vld [tilespmem:s16+$0x12030]  }
0x2c0: {  	v0 =	vld [tilespmem:s16+$0x12040]  }
0x2c1: {  	v1 =	vld [tilespmem:s16+$0x12050]  }
0x2c2: {  	v18 =	vld [tilespmem:s16+$0x11F80]  }
0x2c3: {  	v20 =	vld [tilespmem:s16+$0x11F90]  }
0x2c4: {  	v17 =	vld [tilespmem:s16+$0x11FA0]  }
0x2c5: {  	v19 =	vld [tilespmem:s16+$0x11FB0]  }
0x2c6: {  	v12 =	vimm.f32 $0.0e+00;
	v13 =	vimm.f32 $0.0e+00;
	v14 =	vld [tilespmem:s16+$0x11FC0]  }
0x2c7: {  	v6 =	vimm.f32 $0.0e+00;
	v7 =	vimm.f32 $0.0e+00;
	v10 =	vimm.f32 $0.0e+00;
	v15 =	vld [tilespmem:s16+$0x11FD0]  }
0x2c8: {  	s17 =	simm.s32 $0x400;
	v11 =	vimm.f32 $0.0e+00;
	v8 =	vimm.f32 $0.0e+00;
	v9 =	vimm.f32 $0.0e+00;
	v16 =	vld [tilespmem:s16+$0x11FE0]  }
.LBB2_25:
0x2c9: {  	p0 =	sne.s32 s17, $0x6000;
	v10 =	vadd.f32 v18, v10;
	v11 =	vadd.f32 v20, v11;
	v18 =	vld [tilespmem:s16+$0x11FF0]  }
0x2ca: {  	v12 =	vadd.f32 v17, v12;
	v13 =	vadd.f32 v19, v13;
	v17 =	vld [tilespmem:s16+$0x12060]  }
0x2cb: {  	v10 =	vadd.f32 v2, v10;
	v11 =	vadd.f32 v4, v11;
	v19 =	vld [tilespmem:s16+$0x12070];
	s16 =	sshra.s32 s17, $0x2  }
0x2cc: {  	v12 =	vadd.f32 v3, v12;
	v2 =	vld [tilespmem:s16+$0x12000];
	v13 =	vadd.f32 v5, v13  }
0x2cd: {  	v6 =	vadd.f32 v14, v6;
	v7 =	vadd.f32 v15, v7;
	v4 =	vld [tilespmem:s16+$0x12010]  }
0x2ce: {  	v8 =	vadd.f32 v16, v8;
	v3 =	vld [tilespmem:s16+$0x12020];
	v9 =	vadd.f32 v18, v9  }
0x2cf: {  	v6 =	vadd.f32 v0, v6;
	v7 =	vadd.f32 v1, v7;
	v5 =	vld [tilespmem:s16+$0x12030]  }
0x2d0: {  	v8 =	vadd.f32 v17, v8;
	v0 =	vld [tilespmem:s16+$0x12040];
	v9 =	vadd.f32 v19, v9  }
0x2d1: {  	v1 =	vld [tilespmem:s16+$0x12050]  }
0x2d2: {  	v18 =	vld [tilespmem:s16+$0x11F80]  }
0x2d3: {  	v20 =	vld [tilespmem:s16+$0x11F90]  }
.Ltmp11:
0x2d4: {  	v17 =	vld [tilespmem:s16+$0x11FA0];
	(pc) =	sbr.rel @p0 .LBB2_25-.Ltmp11, $4  }
0x2d5: {  	v19 =	vld [tilespmem:s16+$0x11FB0]  }
0x2d6: {  	v14 =	vld [tilespmem:s16+$0x11FC0]  }
0x2d7: {  	v15 =	vld [tilespmem:s16+$0x11FD0]  }
0x2d8: {  	s17 =	sadd.s32 $0x400, s17;
	v16 =	vld [tilespmem:s16+$0x11FE0]  }
0x2d9: {  	v10 =	vadd.f32 v18, v10;
	v11 =	vadd.f32 v20, v11  }
0x2da: {  	v18 =	vld [tilespmem:s16+$0x11FF0];
	v12 =	vadd.f32 v17, v12;
	v13 =	vadd.f32 v19, v13  }
0x2db: {  	v2 =	vadd.f32 v2, v10;
	v4 =	vadd.f32 v4, v11  }
0x2dc: {  	v10 =	vld [tilespmem:s16+$0x12060];
	v3 =	vadd.f32 v3, v12;
	v6 =	vadd.f32 v14, v6  }
0x2dd: {  	v11 =	vld [tilespmem:s16+$0x12070];
	v5 =	vadd.f32 v5, v13;
	v7 =	vadd.f32 v15, v7  }
0x2de: {  	v8 =	vadd.f32 v16, v8;
	v0 =	vadd.f32 v0, v6  }
0x2df: {  	v2 =	vadd.f32 v3, v2;
	v9 =	vadd.f32 v18, v9  }
0x2e0: {  	v1 =	vadd.f32 v1, v7;
	v3 =	vadd.f32 v5, v4  }
0x2e1: {  	v0 =	vadd.f32 v0, v2;
	v4 =	vadd.f32 v10, v8  }
0x2e2: {  	v2 =	vadd.f32 v11, v9;
	v1 =	vadd.f32 v1, v3  }
0x2e3: {  	v0 =	vadd.f32 v4, v0  }
0x2e4: {  	v1 =	vadd.f32 v2, v1  }
0x2e5: {  	[tilespmem:s15+$0x19CE0] =	vst v0  }
0x2e6: {  	s16 =	simm.s32 $0x0;
	[tilespmem:s15+$0x19CF0] =	vst v1  }
0x2e7: {  	v2 =	vld [tilespmem:s16+$0x13900]  }
0x2e8: {  	v4 =	vld [tilespmem:s16+$0x13910]  }
0x2e9: {  	v3 =	vld [tilespmem:s16+$0x13920]  }
0x2ea: {  	v5 =	vld [tilespmem:s16+$0x13930]  }
0x2eb: {  	v0 =	vld [tilespmem:s16+$0x13940]  }
0x2ec: {  	v1 =	vld [tilespmem:s16+$0x13950]  }
0x2ed: {  	v18 =	vld [tilespmem:s16+$0x13880]  }
0x2ee: {  	v20 =	vld [tilespmem:s16+$0x13890]  }
0x2ef: {  	v17 =	vld [tilespmem:s16+$0x138A0]  }
0x2f0: {  	v19 =	vld [tilespmem:s16+$0x138B0]  }
0x2f1: {  	v12 =	vimm.f32 $0.0e+00;
	v13 =	vimm.f32 $0.0e+00;
	v14 =	vld [tilespmem:s16+$0x138C0]  }
0x2f2: {  	v6 =	vimm.f32 $0.0e+00;
	v7 =	vimm.f32 $0.0e+00;
	v10 =	vimm.f32 $0.0e+00;
	v15 =	vld [tilespmem:s16+$0x138D0]  }
0x2f3: {  	s17 =	simm.s32 $0x400;
	v11 =	vimm.f32 $0.0e+00;
	v8 =	vimm.f32 $0.0e+00;
	v9 =	vimm.f32 $0.0e+00;
	v16 =	vld [tilespmem:s16+$0x138E0]  }
.LBB2_27:
0x2f4: {  	p0 =	sne.s32 s17, $0x6000;
	v10 =	vadd.f32 v18, v10;
	v11 =	vadd.f32 v20, v11;
	v18 =	vld [tilespmem:s16+$0x138F0]  }
0x2f5: {  	v12 =	vadd.f32 v17, v12;
	v13 =	vadd.f32 v19, v13;
	v17 =	vld [tilespmem:s16+$0x13960]  }
0x2f6: {  	v10 =	vadd.f32 v2, v10;
	v11 =	vadd.f32 v4, v11;
	v19 =	vld [tilespmem:s16+$0x13970];
	s16 =	sshra.s32 s17, $0x2  }
0x2f7: {  	v12 =	vadd.f32 v3, v12;
	v2 =	vld [tilespmem:s16+$0x13900];
	v13 =	vadd.f32 v5, v13  }
0x2f8: {  	v6 =	vadd.f32 v14, v6;
	v7 =	vadd.f32 v15, v7;
	v4 =	vld [tilespmem:s16+$0x13910]  }
0x2f9: {  	v8 =	vadd.f32 v16, v8;
	v3 =	vld [tilespmem:s16+$0x13920];
	v9 =	vadd.f32 v18, v9  }
0x2fa: {  	v6 =	vadd.f32 v0, v6;
	v7 =	vadd.f32 v1, v7;
	v5 =	vld [tilespmem:s16+$0x13930]  }
0x2fb: {  	v8 =	vadd.f32 v17, v8;
	v0 =	vld [tilespmem:s16+$0x13940];
	v9 =	vadd.f32 v19, v9  }
0x2fc: {  	v1 =	vld [tilespmem:s16+$0x13950]  }
0x2fd: {  	v18 =	vld [tilespmem:s16+$0x13880]  }
0x2fe: {  	v20 =	vld [tilespmem:s16+$0x13890]  }
.Ltmp12:
0x2ff: {  	v17 =	vld [tilespmem:s16+$0x138A0];
	(pc) =	sbr.rel @p0 .LBB2_27-.Ltmp12, $4  }
0x300: {  	v19 =	vld [tilespmem:s16+$0x138B0]  }
0x301: {  	v14 =	vld [tilespmem:s16+$0x138C0]  }
0x302: {  	v15 =	vld [tilespmem:s16+$0x138D0]  }
0x303: {  	s17 =	sadd.s32 $0x400, s17;
	v16 =	vld [tilespmem:s16+$0x138E0]  }
0x304: {  	v10 =	vadd.f32 v18, v10;
	v11 =	vadd.f32 v20, v11  }
0x305: {  	v18 =	vld [tilespmem:s16+$0x138F0];
	v12 =	vadd.f32 v17, v12;
	v13 =	vadd.f32 v19, v13  }
0x306: {  	v2 =	vadd.f32 v2, v10;
	v4 =	vadd.f32 v4, v11  }
0x307: {  	v10 =	vld [tilespmem:s16+$0x13960];
	v3 =	vadd.f32 v3, v12;
	v6 =	vadd.f32 v14, v6  }
0x308: {  	v11 =	vld [tilespmem:s16+$0x13970];
	v5 =	vadd.f32 v5, v13;
	v7 =	vadd.f32 v15, v7  }
0x309: {  	v8 =	vadd.f32 v16, v8;
	v0 =	vadd.f32 v0, v6  }
0x30a: {  	v2 =	vadd.f32 v3, v2;
	v9 =	vadd.f32 v18, v9  }
0x30b: {  	v1 =	vadd.f32 v1, v7;
	v3 =	vadd.f32 v5, v4  }
0x30c: {  	v0 =	vadd.f32 v0, v2;
	v4 =	vadd.f32 v10, v8  }
0x30d: {  	v2 =	vadd.f32 v11, v9;
	v1 =	vadd.f32 v1, v3  }
0x30e: {  	v0 =	vadd.f32 v4, v0  }
0x30f: {  	v1 =	vadd.f32 v2, v1  }
0x310: {  	[tilespmem:s15+$0x19D00] =	vst v0  }
0x311: {  	s16 =	simm.s32 $0x0;
	[tilespmem:s15+$0x19D10] =	vst v1  }
0x312: {  	v2 =	vld [tilespmem:s16+$0x15200]  }
0x313: {  	v4 =	vld [tilespmem:s16+$0x15210]  }
0x314: {  	v3 =	vld [tilespmem:s16+$0x15220]  }
0x315: {  	v5 =	vld [tilespmem:s16+$0x15230]  }
0x316: {  	v0 =	vld [tilespmem:s16+$0x15240]  }
0x317: {  	v1 =	vld [tilespmem:s16+$0x15250]  }
0x318: {  	v18 =	vld [tilespmem:s16+$0x15180]  }
0x319: {  	v20 =	vld [tilespmem:s16+$0x15190]  }
0x31a: {  	v17 =	vld [tilespmem:s16+$0x151A0]  }
0x31b: {  	v19 =	vld [tilespmem:s16+$0x151B0]  }
0x31c: {  	v12 =	vimm.f32 $0.0e+00;
	v13 =	vimm.f32 $0.0e+00;
	v14 =	vld [tilespmem:s16+$0x151C0]  }
0x31d: {  	v6 =	vimm.f32 $0.0e+00;
	v7 =	vimm.f32 $0.0e+00;
	v10 =	vimm.f32 $0.0e+00;
	v15 =	vld [tilespmem:s16+$0x151D0]  }
0x31e: {  	s17 =	simm.s32 $0x400;
	v11 =	vimm.f32 $0.0e+00;
	v8 =	vimm.f32 $0.0e+00;
	v9 =	vimm.f32 $0.0e+00;
	v16 =	vld [tilespmem:s16+$0x151E0]  }
.LBB2_29:
0x31f: {  	p0 =	sne.s32 s17, $0x6000;
	v10 =	vadd.f32 v18, v10;
	v11 =	vadd.f32 v20, v11;
	v18 =	vld [tilespmem:s16+$0x151F0]  }
0x320: {  	v12 =	vadd.f32 v17, v12;
	v13 =	vadd.f32 v19, v13;
	v17 =	vld [tilespmem:s16+$0x15260]  }
0x321: {  	v10 =	vadd.f32 v2, v10;
	v11 =	vadd.f32 v4, v11;
	v19 =	vld [tilespmem:s16+$0x15270];
	s16 =	sshra.s32 s17, $0x2  }
0x322: {  	v12 =	vadd.f32 v3, v12;
	v2 =	vld [tilespmem:s16+$0x15200];
	v13 =	vadd.f32 v5, v13  }
0x323: {  	v6 =	vadd.f32 v14, v6;
	v7 =	vadd.f32 v15, v7;
	v4 =	vld [tilespmem:s16+$0x15210]  }
0x324: {  	v8 =	vadd.f32 v16, v8;
	v3 =	vld [tilespmem:s16+$0x15220];
	v9 =	vadd.f32 v18, v9  }
0x325: {  	v6 =	vadd.f32 v0, v6;
	v7 =	vadd.f32 v1, v7;
	v5 =	vld [tilespmem:s16+$0x15230]  }
0x326: {  	v8 =	vadd.f32 v17, v8;
	v0 =	vld [tilespmem:s16+$0x15240];
	v9 =	vadd.f32 v19, v9  }
0x327: {  	v1 =	vld [tilespmem:s16+$0x15250]  }
0x328: {  	v18 =	vld [tilespmem:s16+$0x15180]  }
0x329: {  	v20 =	vld [tilespmem:s16+$0x15190]  }
.Ltmp13:
0x32a: {  	v17 =	vld [tilespmem:s16+$0x151A0];
	(pc) =	sbr.rel @p0 .LBB2_29-.Ltmp13, $4  }
0x32b: {  	v19 =	vld [tilespmem:s16+$0x151B0]  }
0x32c: {  	v14 =	vld [tilespmem:s16+$0x151C0]  }
0x32d: {  	v15 =	vld [tilespmem:s16+$0x151D0]  }
0x32e: {  	s17 =	sadd.s32 $0x400, s17;
	v16 =	vld [tilespmem:s16+$0x151E0]  }
0x32f: {  	v10 =	vadd.f32 v18, v10;
	v11 =	vadd.f32 v20, v11  }
0x330: {  	v18 =	vld [tilespmem:s16+$0x151F0];
	v12 =	vadd.f32 v17, v12;
	v13 =	vadd.f32 v19, v13  }
0x331: {  	v2 =	vadd.f32 v2, v10;
	v4 =	vadd.f32 v4, v11  }
0x332: {  	v10 =	vld [tilespmem:s16+$0x15260];
	v3 =	vadd.f32 v3, v12;
	v6 =	vadd.f32 v14, v6  }
0x333: {  	v11 =	vld [tilespmem:s16+$0x15270];
	v5 =	vadd.f32 v5, v13;
	v7 =	vadd.f32 v15, v7  }
0x334: {  	v8 =	vadd.f32 v16, v8;
	v0 =	vadd.f32 v0, v6  }
0x335: {  	v2 =	vadd.f32 v3, v2;
	v9 =	vadd.f32 v18, v9  }
0x336: {  	v1 =	vadd.f32 v1, v7;
	v3 =	vadd.f32 v5, v4  }
0x337: {  	v0 =	vadd.f32 v0, v2;
	v4 =	vadd.f32 v10, v8  }
0x338: {  	v2 =	vadd.f32 v11, v9;
	v1 =	vadd.f32 v1, v3  }
0x339: {  	v0 =	vadd.f32 v4, v0  }
0x33a: {  	v1 =	vadd.f32 v2, v1  }
0x33b: {  	[tilespmem:s15+$0x19D20] =	vst v0  }
0x33c: {  	s16 =	simm.s32 $0x0;
	[tilespmem:s15+$0x19D30] =	vst v1  }
0x33d: {  	v2 =	vld [tilespmem:s16+$0x16B00]  }
0x33e: {  	v4 =	vld [tilespmem:s16+$0x16B10]  }
0x33f: {  	v3 =	vld [tilespmem:s16+$0x16B20]  }
0x340: {  	v5 =	vld [tilespmem:s16+$0x16B30]  }
0x341: {  	v0 =	vld [tilespmem:s16+$0x16B40]  }
0x342: {  	v1 =	vld [tilespmem:s16+$0x16B50]  }
0x343: {  	v18 =	vld [tilespmem:s16+$0x16A80]  }
0x344: {  	v20 =	vld [tilespmem:s16+$0x16A90]  }
0x345: {  	v17 =	vld [tilespmem:s16+$0x16AA0]  }
0x346: {  	v19 =	vld [tilespmem:s16+$0x16AB0]  }
0x347: {  	v12 =	vimm.f32 $0.0e+00;
	v13 =	vimm.f32 $0.0e+00;
	v14 =	vld [tilespmem:s16+$0x16AC0]  }
0x348: {  	v6 =	vimm.f32 $0.0e+00;
	v7 =	vimm.f32 $0.0e+00;
	v10 =	vimm.f32 $0.0e+00;
	v15 =	vld [tilespmem:s16+$0x16AD0]  }
0x349: {  	s17 =	simm.s32 $0x400;
	v11 =	vimm.f32 $0.0e+00;
	v8 =	vimm.f32 $0.0e+00;
	v9 =	vimm.f32 $0.0e+00;
	v16 =	vld [tilespmem:s16+$0x16AE0]  }
.LBB2_31:
0x34a: {  	p0 =	sne.s32 s17, $0x6000;
	v10 =	vadd.f32 v18, v10;
	v11 =	vadd.f32 v20, v11;
	v18 =	vld [tilespmem:s16+$0x16AF0]  }
0x34b: {  	v12 =	vadd.f32 v17, v12;
	v13 =	vadd.f32 v19, v13;
	v17 =	vld [tilespmem:s16+$0x16B60]  }
0x34c: {  	v10 =	vadd.f32 v2, v10;
	v11 =	vadd.f32 v4, v11;
	v19 =	vld [tilespmem:s16+$0x16B70];
	s16 =	sshra.s32 s17, $0x2  }
0x34d: {  	v12 =	vadd.f32 v3, v12;
	v2 =	vld [tilespmem:s16+$0x16B00];
	v13 =	vadd.f32 v5, v13  }
0x34e: {  	v6 =	vadd.f32 v14, v6;
	v7 =	vadd.f32 v15, v7;
	v4 =	vld [tilespmem:s16+$0x16B10]  }
0x34f: {  	v8 =	vadd.f32 v16, v8;
	v3 =	vld [tilespmem:s16+$0x16B20];
	v9 =	vadd.f32 v18, v9  }
0x350: {  	v6 =	vadd.f32 v0, v6;
	v7 =	vadd.f32 v1, v7;
	v5 =	vld [tilespmem:s16+$0x16B30]  }
0x351: {  	v8 =	vadd.f32 v17, v8;
	v0 =	vld [tilespmem:s16+$0x16B40];
	v9 =	vadd.f32 v19, v9  }
0x352: {  	v1 =	vld [tilespmem:s16+$0x16B50]  }
0x353: {  	v18 =	vld [tilespmem:s16+$0x16A80]  }
0x354: {  	v20 =	vld [tilespmem:s16+$0x16A90]  }
.Ltmp14:
0x355: {  	v17 =	vld [tilespmem:s16+$0x16AA0];
	(pc) =	sbr.rel @p0 .LBB2_31-.Ltmp14, $4  }
0x356: {  	v19 =	vld [tilespmem:s16+$0x16AB0]  }
0x357: {  	v14 =	vld [tilespmem:s16+$0x16AC0]  }
0x358: {  	v15 =	vld [tilespmem:s16+$0x16AD0]  }
0x359: {  	s17 =	sadd.s32 $0x400, s17;
	v16 =	vld [tilespmem:s16+$0x16AE0]  }
0x35a: {  	v10 =	vadd.f32 v18, v10;
	v11 =	vadd.f32 v20, v11  }
0x35b: {  	v18 =	vld [tilespmem:s16+$0x16AF0];
	v12 =	vadd.f32 v17, v12;
	v13 =	vadd.f32 v19, v13  }
0x35c: {  	v2 =	vadd.f32 v2, v10;
	v4 =	vadd.f32 v4, v11  }
0x35d: {  	v10 =	vld [tilespmem:s16+$0x16B60];
	v3 =	vadd.f32 v3, v12;
	v6 =	vadd.f32 v14, v6  }
0x35e: {  	v11 =	vld [tilespmem:s16+$0x16B70];
	v5 =	vadd.f32 v5, v13;
	v7 =	vadd.f32 v15, v7  }
0x35f: {  	v8 =	vadd.f32 v16, v8;
	v0 =	vadd.f32 v0, v6  }
0x360: {  	v2 =	vadd.f32 v3, v2;
	v9 =	vadd.f32 v18, v9  }
0x361: {  	v1 =	vadd.f32 v1, v7;
	v3 =	vadd.f32 v5, v4  }
0x362: {  	v0 =	vadd.f32 v0, v2;
	v4 =	vadd.f32 v10, v8  }
0x363: {  	v2 =	vadd.f32 v11, v9;
	v1 =	vadd.f32 v1, v3  }
0x364: {  	v0 =	vadd.f32 v4, v0  }
0x365: {  	v1 =	vadd.f32 v2, v1  }
0x366: {  	[tilespmem:s15+$0x19D40] =	vst v0  }
0x367: {  	s16 =	simm.s32 $0x0;
	[tilespmem:s15+$0x19D50] =	vst v1  }
0x368: {  	v2 =	vld [tilespmem:s16+$0x18400]  }
0x369: {  	v4 =	vld [tilespmem:s16+$0x18410]  }
0x36a: {  	v3 =	vld [tilespmem:s16+$0x18420]  }
0x36b: {  	v5 =	vld [tilespmem:s16+$0x18430]  }
0x36c: {  	v0 =	vld [tilespmem:s16+$0x18440]  }
0x36d: {  	v1 =	vld [tilespmem:s16+$0x18450]  }
0x36e: {  	v18 =	vld [tilespmem:s16+$0x18380]  }
0x36f: {  	v20 =	vld [tilespmem:s16+$0x18390]  }
0x370: {  	v17 =	vld [tilespmem:s16+$0x183A0]  }
0x371: {  	v19 =	vld [tilespmem:s16+$0x183B0]  }
0x372: {  	v12 =	vimm.f32 $0.0e+00;
	v13 =	vimm.f32 $0.0e+00;
	v14 =	vld [tilespmem:s16+$0x183C0]  }
0x373: {  	v6 =	vimm.f32 $0.0e+00;
	v7 =	vimm.f32 $0.0e+00;
	v10 =	vimm.f32 $0.0e+00;
	v15 =	vld [tilespmem:s16+$0x183D0]  }
0x374: {  	s17 =	simm.s32 $0x400;
	v11 =	vimm.f32 $0.0e+00;
	v8 =	vimm.f32 $0.0e+00;
	v9 =	vimm.f32 $0.0e+00;
	v16 =	vld [tilespmem:s16+$0x183E0]  }
.LBB2_33:
0x375: {  	p0 =	sne.s32 s17, $0x6000;
	v10 =	vadd.f32 v18, v10;
	v11 =	vadd.f32 v20, v11;
	v18 =	vld [tilespmem:s16+$0x183F0]  }
0x376: {  	v12 =	vadd.f32 v17, v12;
	v13 =	vadd.f32 v19, v13;
	v17 =	vld [tilespmem:s16+$0x18460]  }
0x377: {  	v10 =	vadd.f32 v2, v10;
	v11 =	vadd.f32 v4, v11;
	v19 =	vld [tilespmem:s16+$0x18470];
	s16 =	sshra.s32 s17, $0x2  }
0x378: {  	v12 =	vadd.f32 v3, v12;
	v2 =	vld [tilespmem:s16+$0x18400];
	v13 =	vadd.f32 v5, v13  }
0x379: {  	v6 =	vadd.f32 v14, v6;
	v7 =	vadd.f32 v15, v7;
	v4 =	vld [tilespmem:s16+$0x18410]  }
0x37a: {  	v8 =	vadd.f32 v16, v8;
	v3 =	vld [tilespmem:s16+$0x18420];
	v9 =	vadd.f32 v18, v9  }
0x37b: {  	v6 =	vadd.f32 v0, v6;
	v7 =	vadd.f32 v1, v7;
	v5 =	vld [tilespmem:s16+$0x18430]  }
0x37c: {  	v8 =	vadd.f32 v17, v8;
	v0 =	vld [tilespmem:s16+$0x18440];
	v9 =	vadd.f32 v19, v9  }
0x37d: {  	v1 =	vld [tilespmem:s16+$0x18450]  }
0x37e: {  	v18 =	vld [tilespmem:s16+$0x18380]  }
0x37f: {  	v20 =	vld [tilespmem:s16+$0x18390]  }
.Ltmp15:
0x380: {  	v17 =	vld [tilespmem:s16+$0x183A0];
	(pc) =	sbr.rel @p0 .LBB2_33-.Ltmp15, $4  }
0x381: {  	v19 =	vld [tilespmem:s16+$0x183B0]  }
0x382: {  	v14 =	vld [tilespmem:s16+$0x183C0]  }
0x383: {  	v15 =	vld [tilespmem:s16+$0x183D0]  }
0x384: {  	s17 =	sadd.s32 $0x400, s17;
	v16 =	vld [tilespmem:s16+$0x183E0]  }
0x385: {  	v10 =	vadd.f32 v18, v10;
	v11 =	vadd.f32 v20, v11  }
0x386: {  	v58 =	vld [tilespmem:s16+$0x183F0];
	v12 =	vadd.f32 v17, v12;
	v13 =	vadd.f32 v19, v13  }
0x387: {  	v2 =	vadd.f32 v2, v10;
	v4 =	vadd.f32 v4, v11  }
0x388: {  	v59 =	vld [tilespmem:s16+$0x18460];
	v3 =	vadd.f32 v3, v12;
	v6 =	vadd.f32 v14, v6  }
0x389: {  	v60 =	vld [tilespmem:s16+$0x18470];
	v5 =	vadd.f32 v5, v13;
	v7 =	vadd.f32 v15, v7  }
0x38a: {  	v8 =	vadd.f32 v16, v8;
	v0 =	vadd.f32 v0, v6  }
0x38b: {  	v2 =	vadd.f32 v3, v2;
	v9 =	vadd.f32 v58, v9  }
0x38c: {  	s14 =	sadd.s32 $0x1, s14;
	v1 =	vadd.f32 v1, v7;
	v61 =	vadd.f32 v5, v4  }
0x38d: {  	p0 =	sne.s32 s14, $0x20;
	v62 =	vadd.f32 v59, v8;
	v0 =	vadd.f32 v0, v2  }
.Ltmp16:
0x38e: {  	v63 =	vadd.f32 v60, v9;
	v1 =	vadd.f32 v1, v61;
	(pc) =	sbr.rel @p0 .LBB2_2-.Ltmp16, $4  }
0x38f: {  	v0 =	vadd.f32 v62, v0  }
0x390: {  	v1 =	vadd.f32 v63, v1  }
0x391: {  	[tilespmem:s15+$0x19D60] =	vst v0  }
0x392: {  	[tilespmem:s15+$0x19D70] =	vst v1  }
0x393: {  	s14 =	simm.s32 $0x0;
	s15 =	rddreg [dreg:$0x4];
	s16 =	simm.s32 $0x19C80  }
0x394: {  	[hbm4b:s15+s14] =	stream.linear.scatter [tilespmem:s16], [sflag:$0x3], $0x4000, $0x38;
	[tilespmem:$0x1DC80] =	vst v63  }
0x395: {  	_ =	swait.ge [sflag:s10], $0x4000  }
0x396: {  	s18 =	rddreg [dreg:$0x6]  }
0x397: {  	s19 =	rddreg [dreg:$0x5];
	s16 =	sadd.s32 $0x1, s18  }
0x398: {  	p0 =	sne.s32 s16, s19  }
.Ltmp17:
0x399: {  	_ = 	snop;
	(pc) =	sbr.rel @p0 .LBB2_1-.Ltmp17, $3  }
0x39a: {  	_ =	sdelay $0x1  }
0x39b: {  	[sflag:s10] =	ssyncset.done $0x0  }
0x39c: {  	[sflag:s10] =	ssyncadd.s32 $0xFFFFC000  }
0x39d: {  	_ =	sfence.sel $0x180000  }
0x39e: {  	[bflag:$0x0] =	sbarrier.arrive $0xFFFF  }
0x39f: {  	_ =	strace $0x90000047  }
0x3a0: {  	s0 =	stileid.u32;
	[bflag:$0x2] =	sbarrier.arrive $0xFFFF  }
0x3a1: {  	p0 =	sne.s32 s0, $0x0;
	s0 =	rddreg [dreg:$0x2]  }
0x3a2: {  	s0 =	sadd.s32 @!p0 $0x100000, s0  }
0x3a3: {  	[sflag:s0] =	ssyncadd.tile.s32 @!p0 $0x1;
	_ =	shalt  }
.Lfunc_end2:
_tile_overlayer_lowered:
.L_overlay_start_2:
0x3a4: {  	(tag) =	ssettag $0x2  }
0x3a5: {  	s0 =	rddreg [dreg:$0x0];
	s2 =	stileid.u32  }
0x3a6: {  	s1 =	rddreg [dreg:$0x1];
	p0 =	sne.s32 s2, $0x0  }
0x3a7: {  	s3 =	rddreg [dreg:$0x2];
	[bflag:$0x3] =	sbarrier.arrive $0xFFFF;
	s2 =	simm.s32 @!p0 $0x1C03  }
0x3a8: {  	[timem:s3], [sflag:s2] =	dma.local @!p0 [hbm:s0], s1  }
0x3a9: {  	s0 =	simm.s32 @!p0 $0x3  }
0x3aa: {  	_ =	swait.ge @!p0 [sflag:s0], s1  }
0x3ab: {  	s1 =	ssub.s32 @!p0 $0x0, s1;
	[sflag:s0] =	ssyncset.done @!p0 $0x0  }
0x3ac: {  	[sflag:s0] =	ssyncadd.s32 @!p0 s1  }
0x3ad: {  	[bflag:$0x3] =	sbarrier.arrive $0xFFFF  }
0x3ae: {  	_ =	shalt  }

</sc_bundles>
